<compile_context>
chip_gen: v7x
topology: tpu7x:2x2x1
jax: 0.10.2.dev20260603
libtpu: 0.0.44.dev20260713+nightly
codegen_flags: <defaults>
</compile_context>

<pallas_src>
import functools

import jax
import jax.numpy as jnp
from jax import lax
from jax.experimental import pallas as pl
from jax.experimental.pallas import tpu as pltpu
from jax.experimental.pallas import tpu_sc as plsc

NUM_USERS = 1000000
NUM_ITEMS = 100000
EMB = 64
SHW = 32
B = 16384

NC = 2
NS = 16
NW = NC * NS
PW = B // NW
L = 16
NG = PW // L
CHB = 128
NCHB = PW // CHB


def _dot_body(u2d_r, i2d_r, ush_r, ish_r, ue_r, ie_r, su_r, si_r, out_r,
              uidx, iidx, ue_v, ie_v, su_v, si_v, ush_v, ish_v, outb, sem):
    wid = lax.axis_index("s") * NC + lax.axis_index("c")
    base = wid * PW

    pltpu.sync_copy(u2d_r.at[pl.ds(wid * 4, 4)], uidx)
    pltpu.sync_copy(i2d_r.at[pl.ds(wid * 4, 4)], iidx)
    iota = lax.iota(jnp.int32, L)

    def group(g, carry):
        uv = uidx[g // 8, pl.ds((g % 8) * L, L)]
        iv = iidx[g // 8, pl.ds((g % 8) * L, L)]
        usl = lax.shift_right_logical(uv, 3)
        isl = lax.shift_right_logical(iv, 3)
        ru_v = uv & 7
        ri_v = iv & 7
        cps = [
            pltpu.async_copy(ush_r.at[pl.ds(base + g * L, L)], ush_v, sem),
            pltpu.async_copy(ish_r.at[pl.ds(base + g * L, L)], ish_v, sem),
        ]
        for k in range(L):
            uo = pl.multiple_of(usl[k] * 8, 8)
            io = pl.multiple_of(isl[k] * 8, 8)
            cps.append(pltpu.async_copy(
                ue_r.at[pl.ds(uo, 8), :], ue_v.at[k], sem))
            cps.append(pltpu.async_copy(
                ie_r.at[pl.ds(io, 8), :], ie_v.at[k], sem))
            cps.append(pltpu.async_copy(
                su_r.at[pl.ds(uo, 8), :], su_v.at[k], sem))
            cps.append(pltpu.async_copy(
                si_r.at[pl.ds(io, 8), :], si_v.at[k], sem))
        for cp in cps:
            cp.wait()

        res = jnp.zeros((L,), jnp.float32)
        for k in range(L):
            ru = ru_v[k]
            ri = ri_v[k]
            acc = ue_v[k, ru, pl.ds(0, L)] * ie_v[k, ri, pl.ds(0, L)]
            for t in range(1, EMB // L):
                acc += (ue_v[k, ru, pl.ds(t * L, L)]
                        * ie_v[k, ri, pl.ds(t * L, L)])
            for t in range(SHW // L):
                acc += ush_v[k, pl.ds(t * L, L)] * si_v[k, ri, pl.ds(t * L, L)]
                acc += ish_v[k, pl.ds(t * L, L)] * su_v[k, ru, pl.ds(t * L, L)]
            res += jnp.where(iota == k, jnp.sum(acc), 0.0)
        outb[pl.ds(g * L, L)] = res
        return carry

    lax.fori_loop(0, NG, group, 0)
    pltpu.sync_copy(outb, out_r.at[pl.ds(base, PW)])


def _bias_body(u2d_r, i2d_r, part_r, ub_r, ib_r, mean_r, out_r,
               uidx, iidx, bu_v, bi_v, partb, mean_v, sem):
    wid = lax.axis_index("s") * NC + lax.axis_index("c")
    base = wid * PW

    pltpu.sync_copy(u2d_r.at[pl.ds(wid * 4, 4)], uidx)
    pltpu.sync_copy(i2d_r.at[pl.ds(wid * 4, 4)], iidx)
    pltpu.sync_copy(part_r.at[pl.ds(base, PW)], partb)
    pltpu.sync_copy(mean_r, mean_v)
    mv = mean_v[...]

    for j in range(NCHB):
        cps = [
            pltpu.async_copy(ub_r.at[uidx.at[j]], bu_v, sem),
            pltpu.async_copy(ib_r.at[iidx.at[j]], bi_v, sem),
        ]
        for cp in cps:
            cp.wait()

        def grp(g, carry, j=j):
            o = j * CHB + g * L
            out_v = (partb[pl.ds(o, L)] + bu_v[pl.ds(g * L, L)]
                     + bi_v[pl.ds(g * L, L)] + mv)
            partb[pl.ds(o, L)] = out_v
            return carry

        lax.fori_loop(0, CHB // L, grp, 0)

    pltpu.sync_copy(partb, out_r.at[pl.ds(base, PW)])


@functools.partial(jax.jit, static_argnames=())
def kernel(u_id, i_id, UserShadow, ItemShadow, user_emb_w, user_bias_w,
           item_emb_w, item_bias_w, shadow_u_w, shadow_i_w, mean):
    u2d = u_id.astype(jnp.int32).reshape(B // 128, 128)
    i2d = i_id.astype(jnp.int32).reshape(B // 128, 128)
    mean16 = jnp.broadcast_to(mean.astype(jnp.float32), (L,))
    ub1 = user_bias_w.reshape(NUM_USERS)
    ib1 = item_bias_w.reshape(NUM_ITEMS)

    f32 = jnp.float32
    mesh = plsc.VectorSubcoreMesh(core_axis_name="c", subcore_axis_name="s")
    dots = pl.kernel(
        _dot_body,
        out_type=jax.ShapeDtypeStruct((B,), f32),
        mesh=mesh,
        compiler_params=pltpu.CompilerParams(needs_layout_passes=False),
        scratch_types=[
            pltpu.VMEM((4, 128), jnp.int32),
            pltpu.VMEM((4, 128), jnp.int32),
            pltpu.VMEM((L, 8, EMB), f32),
            pltpu.VMEM((L, 8, EMB), f32),
            pltpu.VMEM((L, 8, SHW), f32),
            pltpu.VMEM((L, 8, SHW), f32),
            pltpu.VMEM((L, SHW), f32),
            pltpu.VMEM((L, SHW), f32),
            pltpu.VMEM((PW,), f32),
            pltpu.SemaphoreType.DMA,
        ],
    )
    partial_out = dots(u2d, i2d, UserShadow, ItemShadow,
                       user_emb_w, item_emb_w, shadow_u_w, shadow_i_w)

    biases = pl.kernel(
        _bias_body,
        out_type=jax.ShapeDtypeStruct((B,), f32),
        mesh=mesh,
        compiler_params=pltpu.CompilerParams(
            needs_layout_passes=False, use_tc_tiling_on_sc=False),
        scratch_types=[
            pltpu.VMEM((4, 128), jnp.int32),
            pltpu.VMEM((4, 128), jnp.int32),
            pltpu.VMEM((CHB,), f32),
            pltpu.VMEM((CHB,), f32),
            pltpu.VMEM((PW,), f32),
            pltpu.VMEM((L,), f32),
            pltpu.SemaphoreType.DMA,
        ],
    )
    return biases(u2d, i2d, partial_out, ub1, ib1, mean16)

# --- scband reference (transcript-rebuilt; emitter-appended) ---
"""Pipeline reference for scband-shadow-mf-18116172054748 (READ-ONLY COPY).

The authoritative reference and input builder live on the scoring server;
editing this copy changes nothing except your own understanding.
"""

import jax, jax.numpy as jnp
import numpy as np

NUM_USERS = 1000000
NUM_ITEMS = 100000
EMB = 64
I_SHADOW = 32
U_SHADOW = 32
B = 16384


def setup_inputs(seed: int = 0) -> dict:
    key = jax.random.key(seed)
    ks = jax.random.split(key, 12)
    u_id = jax.random.randint(ks[0], (B,), 0, NUM_USERS)
    i_id = jax.random.randint(ks[1], (B,), 0, NUM_ITEMS)
    UserShadow = jax.random.normal(ks[2], (B, U_SHADOW), dtype=jnp.float32)
    ItemShadow = jax.random.normal(ks[3], (B, I_SHADOW), dtype=jnp.float32)
    # learned parameters, init uniform(-0.01, 0.01) like the torch module
    user_emb_w = jax.random.uniform(ks[4], (NUM_USERS, EMB), minval=-0.01, maxval=0.01, dtype=jnp.float32)
    user_bias_w = jax.random.uniform(ks[5], (NUM_USERS, 1), minval=-0.01, maxval=0.01, dtype=jnp.float32)
    item_emb_w = jax.random.uniform(ks[6], (NUM_ITEMS, EMB), minval=-0.01, maxval=0.01, dtype=jnp.float32)
    item_bias_w = jax.random.uniform(ks[7], (NUM_ITEMS, 1), minval=-0.01, maxval=0.01, dtype=jnp.float32)
    shadow_u_w = jax.random.uniform(ks[8], (NUM_USERS, I_SHADOW), minval=-0.01, maxval=0.01, dtype=jnp.float32)
    shadow_i_w = jax.random.uniform(ks[9], (NUM_ITEMS, U_SHADOW), minval=-0.01, maxval=0.01, dtype=jnp.float32)
    mean = jnp.zeros((1,), dtype=jnp.float32)
    return {
        'u_id': u_id,
        'i_id': i_id,
        'UserShadow': UserShadow,
        'ItemShadow': ItemShadow,
        'user_emb_w': user_emb_w,
        'user_bias_w': user_bias_w,
        'item_emb_w': item_emb_w,
        'item_bias_w': item_bias_w,
        'shadow_u_w': shadow_u_w,
        'shadow_i_w': shadow_i_w,
        'mean': mean,
    }


def reference(u_id, i_id, UserShadow, ItemShadow, user_emb_w, user_bias_w,
              item_emb_w, item_bias_w, shadow_u_w, shadow_i_w, mean):
    U = jnp.take(user_emb_w, u_id, axis=0)
    b_u = jnp.take(user_bias_w, u_id, axis=0).squeeze(-1)
    I = jnp.take(item_emb_w, i_id, axis=0)
    b_i = jnp.take(item_bias_w, i_id, axis=0).squeeze(-1)
    UShadows = (UserShadow * jnp.take(shadow_i_w, i_id, axis=0)).sum(axis=1)
    IShadows = (ItemShadow * jnp.take(shadow_u_w, u_id, axis=0)).sum(axis=1)
    Shadows_Feature = UShadows + IShadows
    return (U * I).sum(axis=1) + Shadows_Feature + b_u + b_i + mean

if __name__ == "__main__":
    import jax
    _d = setup_inputs()
    print(jax.jit(kernel)(*tuple(_d.values())))

</pallas_src>

<mosaic_0001>
#map = affine_map<(d0, d1) -> (0, 0)>
#map1 = affine_map<(d0, d1) -> (0)>
module attributes {stable_mosaic.version = 14 : i64} {
  func.func @_dot_body(%arg0: i32, %arg1: i32, %arg2: memref<128x128xi32, #tpu.memory_space<hbm>>, %arg3: memref<128x128xi32, #tpu.memory_space<hbm>>, %arg4: memref<16384x32xf32, #tpu.memory_space<hbm>>, %arg5: memref<16384x32xf32, #tpu.memory_space<hbm>>, %arg6: memref<1000000x64xf32, #tpu.memory_space<hbm>>, %arg7: memref<100000x64xf32, #tpu.memory_space<hbm>>, %arg8: memref<1000000x32xf32, #tpu.memory_space<hbm>>, %arg9: memref<100000x32xf32, #tpu.memory_space<hbm>>, %arg10: memref<16384xf32, #tpu.memory_space<hbm>>, %arg11: memref<4x128xi32, #tpu.memory_space<vmem>>, %arg12: memref<4x128xi32, #tpu.memory_space<vmem>>, %arg13: memref<16x8x64xf32, #tpu.memory_space<vmem>>, %arg14: memref<16x8x64xf32, #tpu.memory_space<vmem>>, %arg15: memref<16x8x32xf32, #tpu.memory_space<vmem>>, %arg16: memref<16x8x32xf32, #tpu.memory_space<vmem>>, %arg17: memref<16x32xf32, #tpu.memory_space<vmem>>, %arg18: memref<16x32xf32, #tpu.memory_space<vmem>>, %arg19: memref<512xf32, #tpu.memory_space<vmem>>, %arg20: memref<!tpu.dma_semaphore, #tpu.memory_space<semaphore_mem>>) attributes {dimension_semantics = [#tpu.dimension_semantics<core_parallel>, #tpu.dimension_semantics<subcore_parallel>], iteration_bounds = array<i64: 2, 16>, scalar_prefetch = 0 : i64, scratch_operands = 10 : i64, tpu.core_type = #tpu.core_type<sc_vector_subcore>, window_params = [{transform_indices = #map}, {transform_indices = #map}, {transform_indices = #map}, {transform_indices = #map}, {transform_indices = #map}, {transform_indices = #map}, {transform_indices = #map}, {transform_indices = #map}, {transform_indices = #map1}]} {
    %mul3A = arith.constant 2 : i32
    %mul3A_0 = arith.muli %arg1, %mul3A : i32
    %add3A = arith.addi %mul3A_0, %arg0 : i32
    %mul3A_1 = arith.constant 512 : i32
    %mul3A_2 = arith.muli %add3A, %mul3A_1 : i32
    %mul3A_3 = arith.constant 4 : i32
    %mul3A_4 = arith.muli %add3A, %mul3A_3 : i32
    "tpu.region"() ({
      %run_scoped3A = tpu.sem_alloc : memref<!tpu.dma_semaphore, #tpu.memory_space<semaphore_mem>>
      %dma_start3A = arith.constant 0 : i32
      %dma_start3A_12 = tpu.memref_slice %arg2[%mul3A_4, %dma_start3A] : memref<128x128xi32, #tpu.memory_space<hbm>> -> memref<4x128xi32, #tpu.memory_space<hbm>>
      %dma_start3A_13 = arith.constant 0 : i32
      %dma_start3A_14 = tpu.memref_slice %arg2[%mul3A_4, %dma_start3A_13] : memref<128x128xi32, #tpu.memory_space<hbm>> -> memref<4x128xi32, #tpu.memory_space<hbm>>
      tpu.enqueue_dma source(%dma_start3A_14 : memref<4x128xi32, #tpu.memory_space<hbm>>) target(%arg11 : memref<4x128xi32, #tpu.memory_space<vmem>>) target_semaphore(%run_scoped3A : memref<!tpu.dma_semaphore, #tpu.memory_space<semaphore_mem>>)
      %dma_wait3A = arith.constant 0 : i32
      %dma_wait3A_15 = tpu.memref_slice %arg2[%mul3A_4, %dma_wait3A] : memref<128x128xi32, #tpu.memory_space<hbm>> -> memref<4x128xi32, #tpu.memory_space<hbm>>
      %dma_wait3A_16 = arith.constant 0 : i32
      %dma_wait3A_17 = tpu.memref_slice %arg2[%mul3A_4, %dma_wait3A_16] : memref<128x128xi32, #tpu.memory_space<hbm>> -> memref<4x128xi32, #tpu.memory_space<hbm>>
      tpu.wait_dma2 semaphore(%run_scoped3A : memref<!tpu.dma_semaphore, #tpu.memory_space<semaphore_mem>>) src(%dma_wait3A_17 : memref<4x128xi32, #tpu.memory_space<hbm>>) dst(%arg11 : memref<4x128xi32, #tpu.memory_space<vmem>>)
      tpu.yield
    }) : () -> ()
    %mul3A_5 = arith.constant 4 : i32
    %mul3A_6 = arith.muli %add3A, %mul3A_5 : i32
    "tpu.region"() ({
      %run_scoped3A = tpu.sem_alloc : memref<!tpu.dma_semaphore, #tpu.memory_space<semaphore_mem>>
      %dma_start3A = arith.constant 0 : i32
      %dma_start3A_12 = tpu.memref_slice %arg3[%mul3A_6, %dma_start3A] : memref<128x128xi32, #tpu.memory_space<hbm>> -> memref<4x128xi32, #tpu.memory_space<hbm>>
      %dma_start3A_13 = arith.constant 0 : i32
      %dma_start3A_14 = tpu.memref_slice %arg3[%mul3A_6, %dma_start3A_13] : memref<128x128xi32, #tpu.memory_space<hbm>> -> memref<4x128xi32, #tpu.memory_space<hbm>>
      tpu.enqueue_dma source(%dma_start3A_14 : memref<4x128xi32, #tpu.memory_space<hbm>>) target(%arg12 : memref<4x128xi32, #tpu.memory_space<vmem>>) target_semaphore(%run_scoped3A : memref<!tpu.dma_semaphore, #tpu.memory_space<semaphore_mem>>)
      %dma_wait3A = arith.constant 0 : i32
      %dma_wait3A_15 = tpu.memref_slice %arg3[%mul3A_6, %dma_wait3A] : memref<128x128xi32, #tpu.memory_space<hbm>> -> memref<4x128xi32, #tpu.memory_space<hbm>>
      %dma_wait3A_16 = arith.constant 0 : i32
      %dma_wait3A_17 = tpu.memref_slice %arg3[%mul3A_6, %dma_wait3A_16] : memref<128x128xi32, #tpu.memory_space<hbm>> -> memref<4x128xi32, #tpu.memory_space<hbm>>
      tpu.wait_dma2 semaphore(%run_scoped3A : memref<!tpu.dma_semaphore, #tpu.memory_space<semaphore_mem>>) src(%dma_wait3A_17 : memref<4x128xi32, #tpu.memory_space<hbm>>) dst(%arg12 : memref<4x128xi32, #tpu.memory_space<vmem>>)
      tpu.yield
    }) : () -> ()
    %iota3A = tpu.iota {dimensions = array<i32: 0>} : vector<16xi32>
    %scan3A = arith.constant 0 : i32
    %scan3A_7 = arith.constant 0 : i32
    %scan3A_8 = arith.constant 32 : i32
    %scan3A_9 = arith.addi %scan3A_7, %scan3A_8 : i32
    %scan3A_10 = arith.constant 1 : i32
    scf.for %scan3A_12 = %scan3A_7 to %scan3A_9 step %scan3A_10  : i32 {
      %jit3A = arith.constant 8 : i32
      %div3A = arith.divsi %scan3A_12, %jit3A : i32
      %sign3A = arith.constant 0 : i32
      %sign3A_13 = arith.cmpi sgt, %scan3A_12, %sign3A : i32
      %sign3A_14 = arith.extui %sign3A_13 : i1 to i32
      %sign3A_15 = arith.constant 0 : i32
      %sign3A_16 = arith.cmpi slt, %scan3A_12, %sign3A_15 : i32
      %sign3A_17 = arith.extui %sign3A_16 : i1 to i32
      %sign3A_18 = arith.subi %sign3A_14, %sign3A_17 : i32
      %sign3A_19 = arith.constant 0 : i32
      %sign3A_20 = arith.cmpi sgt, %jit3A, %sign3A_19 : i32
      %sign3A_21 = arith.extui %sign3A_20 : i1 to i32
      %sign3A_22 = arith.constant 0 : i32
      %sign3A_23 = arith.cmpi slt, %jit3A, %sign3A_22 : i32
      %sign3A_24 = arith.extui %sign3A_23 : i1 to i32
      %sign3A_25 = arith.subi %sign3A_21, %sign3A_24 : i32
      %ne3A = arith.cmpi ne, %sign3A_18, %sign3A_25 : i32
      %rem3A = arith.remsi %scan3A_12, %jit3A : i32
      %ne3A_26 = arith.constant 0 : i32
      %ne3A_27 = arith.cmpi ne, %rem3A, %ne3A_26 : i32
      %and3A = arith.andi %ne3A, %ne3A_27 : i1
      %sub3A = arith.constant 1 : i32
      %sub3A_28 = arith.subi %div3A, %sub3A : i32
      %select_n3A = arith.select %and3A, %sub3A_28, %div3A : i32
      %jit3A_29 = arith.constant 8 : i32
      %eq3A = arith.constant 0 : i32
      %eq3A_30 = arith.cmpi eq, %jit3A_29, %eq3A : i32
      %jit3A_31 = arith.constant 1 : i32
      %select_n3A_32 = arith.select %eq3A_30, %jit3A_31, %jit3A_29 : i32
      %rem3A_33 = arith.remsi %scan3A_12, %select_n3A_32 : i32
      %ne3A_34 = arith.constant 0 : i32
      %ne3A_35 = arith.cmpi ne, %rem3A_33, %ne3A_34 : i32
      %lt3A = arith.constant 0 : i32
      %lt3A_36 = arith.cmpi slt, %rem3A_33, %lt3A : i32
      %lt3A_37 = arith.constant 0 : i32
      %lt3A_38 = arith.cmpi slt, %select_n3A_32, %lt3A_37 : i32
      %ne3A_39 = arith.xori %lt3A_36, %lt3A_38 : i1
      %and3A_40 = arith.andi %ne3A_39, %ne3A_35 : i1
      %add3A_41 = arith.addi %rem3A_33, %select_n3A_32 : i32
      %select_n3A_42 = arith.select %and3A_40, %add3A_41, %rem3A_33 : i32
      %mul3A_43 = arith.constant 16 : i32
      %mul3A_44 = arith.muli %select_n3A_42, %mul3A_43 : i32
      %get3A = arith.index_cast %select_n3A : i32 to index
      %get3A_45 = arith.index_cast %mul3A_44 : i32 to index
      %get3A_46 = tpu.vector_load %arg11[%get3A, %get3A_45] {strides = array<i32>} : memref<4x128xi32, #tpu.memory_space<vmem>>, vector<16xi32>,
      %jit3A_47 = arith.constant 8 : i32
      %div3A_48 = arith.divsi %scan3A_12, %jit3A_47 : i32
      %sign3A_49 = arith.constant 0 : i32
      %sign3A_50 = arith.cmpi sgt, %scan3A_12, %sign3A_49 : i32
      %sign3A_51 = arith.extui %sign3A_50 : i1 to i32
      %sign3A_52 = arith.constant 0 : i32
      %sign3A_53 = arith.cmpi slt, %scan3A_12, %sign3A_52 : i32
      %sign3A_54 = arith.extui %sign3A_53 : i1 to i32
      %sign3A_55 = arith.subi %sign3A_51, %sign3A_54 : i32
      %sign3A_56 = arith.constant 0 : i32
      %sign3A_57 = arith.cmpi sgt, %jit3A_47, %sign3A_56 : i32
      %sign3A_58 = arith.extui %sign3A_57 : i1 to i32
      %sign3A_59 = arith.constant 0 : i32
      %sign3A_60 = arith.cmpi slt, %jit3A_47, %sign3A_59 : i32
      %sign3A_61 = arith.extui %sign3A_60 : i1 to i32
      %sign3A_62 = arith.subi %sign3A_58, %sign3A_61 : i32
      %ne3A_63 = arith.cmpi ne, %sign3A_55, %sign3A_62 : i32
      %rem3A_64 = arith.remsi %scan3A_12, %jit3A_47 : i32
      %ne3A_65 = arith.constant 0 : i32
      %ne3A_66 = arith.cmpi ne, %rem3A_64, %ne3A_65 : i32
      %and3A_67 = arith.andi %ne3A_63, %ne3A_66 : i1
      %sub3A_68 = arith.constant 1 : i32
      %sub3A_69 = arith.subi %div3A_48, %sub3A_68 : i32
      %select_n3A_70 = arith.select %and3A_67, %sub3A_69, %div3A_48 : i32
      %jit3A_71 = arith.constant 8 : i32
      %eq3A_72 = arith.constant 0 : i32
      %eq3A_73 = arith.cmpi eq, %jit3A_71, %eq3A_72 : i32
      %jit3A_74 = arith.constant 1 : i32
      %select_n3A_75 = arith.select %eq3A_73, %jit3A_74, %jit3A_71 : i32
      %rem3A_76 = arith.remsi %scan3A_12, %select_n3A_75 : i32
      %ne3A_77 = arith.constant 0 : i32
      %ne3A_78 = arith.cmpi ne, %rem3A_76, %ne3A_77 : i32
      %lt3A_79 = arith.constant 0 : i32
      %lt3A_80 = arith.cmpi slt, %rem3A_76, %lt3A_79 : i32
      %lt3A_81 = arith.constant 0 : i32
      %lt3A_82 = arith.cmpi slt, %select_n3A_75, %lt3A_81 : i32
      %ne3A_83 = arith.xori %lt3A_80, %lt3A_82 : i1
      %and3A_84 = arith.andi %ne3A_83, %ne3A_78 : i1
      %add3A_85 = arith.addi %rem3A_76, %select_n3A_75 : i32
      %select_n3A_86 = arith.select %and3A_84, %add3A_85, %rem3A_76 : i32
      %mul3A_87 = arith.constant 16 : i32
      %mul3A_88 = arith.muli %select_n3A_86, %mul3A_87 : i32
      %get3A_89 = arith.index_cast %select_n3A_70 : i32 to index
      %get3A_90 = arith.index_cast %mul3A_88 : i32 to index
      %get3A_91 = tpu.vector_load %arg12[%get3A_89, %get3A_90] {strides = array<i32>} : memref<4x128xi32, #tpu.memory_space<vmem>>, vector<16xi32>,
      %shift_right_logical3A = arith.constant 3 : i32
      %shift_right_logical3A_92 = vector.broadcast %shift_right_logical3A : i32 to vector<16xi32>
      %shift_right_logical3A_93 = arith.shrui %get3A_46, %shift_right_logical3A_92 : vector<16xi32>
      %shift_right_logical3A_94 = arith.constant 3 : i32
      %shift_right_logical3A_95 = vector.broadcast %shift_right_logical3A_94 : i32 to vector<16xi32>
      %shift_right_logical3A_96 = arith.shrui %get3A_91, %shift_right_logical3A_95 : vector<16xi32>
      %and3A_97 = arith.constant 7 : i32
      %and3A_98 = vector.broadcast %and3A_97 : i32 to vector<16xi32>
      %and3A_99 = arith.andi %get3A_46, %and3A_98 : vector<16xi32>
      %and3A_100 = arith.constant 7 : i32
      %and3A_101 = vector.broadcast %and3A_100 : i32 to vector<16xi32>
      %and3A_102 = arith.andi %get3A_91, %and3A_101 : vector<16xi32>
      %mul3A_103 = arith.constant 16 : i32
      %mul3A_104 = arith.muli %scan3A_12, %mul3A_103 : i32
      %add3A_105 = arith.addi %mul3A_2, %mul3A_104 : i32
      %dma_start3A = arith.constant 0 : i32
      %dma_start3A_106 = tpu.memref_slice %arg4[%add3A_105, %dma_start3A] : memref<16384x32xf32, #tpu.memory_space<hbm>> -> memref<16x32xf32, #tpu.memory_space<hbm>>
      %dma_start3A_107 = arith.constant 0 : i32
      %dma_start3A_108 = tpu.memref_slice %arg4[%add3A_105, %dma_start3A_107] : memref<16384x32xf32, #tpu.memory_space<hbm>> -> memref<16x32xf32, #tpu.memory_space<hbm>>
      tpu.enqueue_dma source(%dma_start3A_108 : memref<16x32xf32, #tpu.memory_space<hbm>>) target(%arg17 : memref<16x32xf32, #tpu.memory_space<vmem>>) target_semaphore(%arg20 : memref<!tpu.dma_semaphore, #tpu.memory_space<semaphore_mem>>)
      %mul3A_109 = arith.constant 16 : i32
      %mul3A_110 = arith.muli %scan3A_12, %mul3A_109 : i32
      %add3A_111 = arith.addi %mul3A_2, %mul3A_110 : i32
      %dma_start3A_112 = arith.constant 0 : i32
      %dma_start3A_113 = tpu.memref_slice %arg5[%add3A_111, %dma_start3A_112] : memref<16384x32xf32, #tpu.memory_space<hbm>> -> memref<16x32xf32, #tpu.memory_space<hbm>>
      %dma_start3A_114 = arith.constant 0 : i32
      %dma_start3A_115 = tpu.memref_slice %arg5[%add3A_111, %dma_start3A_114] : memref<16384x32xf32, #tpu.memory_space<hbm>> -> memref<16x32xf32, #tpu.memory_space<hbm>>
      tpu.enqueue_dma source(%dma_start3A_115 : memref<16x32xf32, #tpu.memory_space<hbm>>) target(%arg18 : memref<16x32xf32, #tpu.memory_space<vmem>>) target_semaphore(%arg20 : memref<!tpu.dma_semaphore, #tpu.memory_space<semaphore_mem>>)
      %slice3A = vector.extract_strided_slice %shift_right_logical3A_93 {offsets = [0], sizes = [1], strides = [1]} : vector<16xi32> to vector<1xi32>
      %squeeze3A = vector.extract %slice3A[0] : i32 from vector<1xi32>
      %mul3A_116 = arith.constant 8 : i32
      %mul3A_117 = arith.muli %squeeze3A, %mul3A_116 : i32
      %multiple_of3A = tpu.assume_multiple %mul3A_117, 8 : i32
      %slice3A_118 = vector.extract_strided_slice %shift_right_logical3A_96 {offsets = [0], sizes = [1], strides = [1]} : vector<16xi32> to vector<1xi32>
      %squeeze3A_119 = vector.extract %slice3A_118[0] : i32 from vector<1xi32>
      %mul3A_120 = arith.constant 8 : i32
      %mul3A_121 = arith.muli %squeeze3A_119, %mul3A_120 : i32
      %multiple_of3A_122 = tpu.assume_multiple %mul3A_121, 8 : i32
      %dma_start3A_123 = arith.constant 0 : i32
      %dma_start3A_124 = arith.constant 0 : i32
      %dma_start3A_125 = arith.constant 0 : i32
      %dma_start3A_126 = tpu.memref_slice %arg13[%dma_start3A_123, %dma_start3A_124, %dma_start3A_125] : memref<16x8x64xf32, #tpu.memory_space<vmem>> -> memref<1x8x64xf32, #tpu.memory_space<vmem>>
      %dma_start3A_127 = tpu.memref_squeeze %dma_start3A_126 : memref<1x8x64xf32, #tpu.memory_space<vmem>> -> memref<8x64xf32, #tpu.memory_space<vmem>>
      %dma_start3A_128 = arith.constant 0 : i32
      %dma_start3A_129 = tpu.memref_slice %arg6[%multiple_of3A, %dma_start3A_128] : memref<1000000x64xf32, #tpu.memory_space<hbm>> -> memref<8x64xf32, #tpu.memory_space<hbm>>
      %dma_start3A_130 = arith.constant 0 : i32
      %dma_start3A_131 = arith.constant 0 : i32
      %dma_start3A_132 = tpu.memref_slice %arg13[%dma_start3A_123, %dma_start3A_130, %dma_start3A_131] : memref<16x8x64xf32, #tpu.memory_space<vmem>> -> memref<1x8x64xf32, #tpu.memory_space<vmem>>
      %dma_start3A_133 = tpu.memref_squeeze %dma_start3A_132 : memref<1x8x64xf32, #tpu.memory_space<vmem>> -> memref<8x64xf32, #tpu.memory_space<vmem>>
      %dma_start3A_134 = arith.constant 0 : i32
      %dma_start3A_135 = tpu.memref_slice %arg6[%multiple_of3A, %dma_start3A_134] : memref<1000000x64xf32, #tpu.memory_space<hbm>> -> memref<8x64xf32, #tpu.memory_space<hbm>>
      tpu.enqueue_dma source(%dma_start3A_135 : memref<8x64xf32, #tpu.memory_space<hbm>>) target(%dma_start3A_133 : memref<8x64xf32, #tpu.memory_space<vmem>>) target_semaphore(%arg20 : memref<!tpu.dma_semaphore, #tpu.memory_space<semaphore_mem>>)
      %dma_start3A_136 = arith.constant 0 : i32
      %dma_start3A_137 = arith.constant 0 : i32
      %dma_start3A_138 = arith.constant 0 : i32
      %dma_start3A_139 = tpu.memref_slice %arg14[%dma_start3A_136, %dma_start3A_137, %dma_start3A_138] : memref<16x8x64xf32, #tpu.memory_space<vmem>> -> memref<1x8x64xf32, #tpu.memory_space<vmem>>
      %dma_start3A_140 = tpu.memref_squeeze %dma_start3A_139 : memref<1x8x64xf32, #tpu.memory_space<vmem>> -> memref<8x64xf32, #tpu.memory_space<vmem>>
      %dma_start3A_141 = arith.constant 0 : i32
      %dma_start3A_142 = tpu.memref_slice %arg7[%multiple_of3A_122, %dma_start3A_141] : memref<100000x64xf32, #tpu.memory_space<hbm>> -> memref<8x64xf32, #tpu.memory_space<hbm>>
      %dma_start3A_143 = arith.constant 0 : i32
      %dma_start3A_144 = arith.constant 0 : i32
      %dma_start3A_145 = tpu.memref_slice %arg14[%dma_start3A_136, %dma_start3A_143, %dma_start3A_144] : memref<16x8x64xf32, #tpu.memory_space<vmem>> -> memref<1x8x64xf32, #tpu.memory_space<vmem>>
      %dma_start3A_146 = tpu.memref_squeeze %dma_start3A_145 : memref<1x8x64xf32, #tpu.memory_space<vmem>> -> memref<8x64xf32, #tpu.memory_space<vmem>>
      %dma_start3A_147 = arith.constant 0 : i32
      %dma_start3A_148 = tpu.memref_slice %arg7[%multiple_of3A_122, %dma_start3A_147] : memref<100000x64xf32, #tpu.memory_space<hbm>> -> memref<8x64xf32, #tpu.memory_space<hbm>>
      tpu.enqueue_dma source(%dma_start3A_148 : memref<8x64xf32, #tpu.memory_space<hbm>>) target(%dma_start3A_146 : memref<8x64xf32, #tpu.memory_space<vmem>>) target_semaphore(%arg20 : memref<!tpu.dma_semaphore, #tpu.memory_space<semaphore_mem>>)
      %dma_start3A_149 = arith.constant 0 : i32
      %dma_start3A_150 = arith.constant 0 : i32
      %dma_start3A_151 = arith.constant 0 : i32
      %dma_start3A_152 = tpu.memref_slice %arg15[%dma_start3A_149, %dma_start3A_150, %dma_start3A_151] : memref<16x8x32xf32, #tpu.memory_space<vmem>> -> memref<1x8x32xf32, #tpu.memory_space<vmem>>
      %dma_start3A_153 = tpu.memref_squeeze %dma_start3A_152 : memref<1x8x32xf32, #tpu.memory_space<vmem>> -> memref<8x32xf32, #tpu.memory_space<vmem>>
      %dma_start3A_154 = arith.constant 0 : i32
      %dma_start3A_155 = tpu.memref_slice %arg8[%multiple_of3A, %dma_start3A_154] : memref<1000000x32xf32, #tpu.memory_space<hbm>> -> memref<8x32xf32, #tpu.memory_space<hbm>>
      %dma_start3A_156 = arith.constant 0 : i32
      %dma_start3A_157 = arith.constant 0 : i32
      %dma_start3A_158 = tpu.memref_slice %arg15[%dma_start3A_149, %dma_start3A_156, %dma_start3A_157] : memref<16x8x32xf32, #tpu.memory_space<vmem>> -> memref<1x8x32xf32, #tpu.memory_space<vmem>>
      %dma_start3A_159 = tpu.memref_squeeze %dma_start3A_158 : memref<1x8x32xf32, #tpu.memory_space<vmem>> -> memref<8x32xf32, #tpu.memory_space<vmem>>
      %dma_start3A_160 = arith.constant 0 : i32
      %dma_start3A_161 = tpu.memref_slice %arg8[%multiple_of3A, %dma_start3A_160] : memref<1000000x32xf32, #tpu.memory_space<hbm>> -> memref<8x32xf32, #tpu.memory_space<hbm>>
      tpu.enqueue_dma source(%dma_start3A_161 : memref<8x32xf32, #tpu.memory_space<hbm>>) target(%dma_start3A_159 : memref<8x32xf32, #tpu.memory_space<vmem>>) target_semaphore(%arg20 : memref<!tpu.dma_semaphore, #tpu.memory_space<semaphore_mem>>)
      %dma_start3A_162 = arith.constant 0 : i32
      %dma_start3A_163 = arith.constant 0 : i32
      %dma_start3A_164 = arith.constant 0 : i32
      %dma_start3A_165 = tpu.memref_slice %arg16[%dma_start3A_162, %dma_start3A_163, %dma_start3A_164] : memref<16x8x32xf32, #tpu.memory_space<vmem>> -> memref<1x8x32xf32, #tpu.memory_space<vmem>>
      %dma_start3A_166 = tpu.memref_squeeze %dma_start3A_165 : memref<1x8x32xf32, #tpu.memory_space<vmem>> -> memref<8x32xf32, #tpu.memory_space<vmem>>
      %dma_start3A_167 = arith.constant 0 : i32
      %dma_start3A_168 = tpu.memref_slice %arg9[%multiple_of3A_122, %dma_start3A_167] : memref<100000x32xf32, #tpu.memory_space<hbm>> -> memref<8x32xf32, #tpu.memory_space<hbm>>
      %dma_start3A_169 = arith.constant 0 : i32
      %dma_start3A_170 = arith.constant 0 : i32
      %dma_start3A_171 = tpu.memref_slice %arg16[%dma_start3A_162, %dma_start3A_169, %dma_start3A_170] : memref<16x8x32xf32, #tpu.memory_space<vmem>> -> memref<1x8x32xf32, #tpu.memory_space<vmem>>
      %dma_start3A_172 = tpu.memref_squeeze %dma_start3A_171 : memref<1x8x32xf32, #tpu.memory_space<vmem>> -> memref<8x32xf32, #tpu.memory_space<vmem>>
      %dma_start3A_173 = arith.constant 0 : i32
      %dma_start3A_174 = tpu.memref_slice %arg9[%multiple_of3A_122, %dma_start3A_173] : memref<100000x32xf32, #tpu.memory_space<hbm>> -> memref<8x32xf32, #tpu.memory_space<hbm>>
      tpu.enqueue_dma source(%dma_start3A_174 : memref<8x32xf32, #tpu.memory_space<hbm>>) target(%dma_start3A_172 : memref<8x32xf32, #tpu.memory_space<vmem>>) target_semaphore(%arg20 : memref<!tpu.dma_semaphore, #tpu.memory_space<semaphore_mem>>)
      %slice3A_175 = vector.extract_strided_slice %shift_right_logical3A_93 {offsets = [1], sizes = [1], strides = [1]} : vector<16xi32> to vector<1xi32>
      %squeeze3A_176 = vector.extract %slice3A_175[0] : i32 from vector<1xi32>
      %mul3A_177 = arith.constant 8 : i32
      %mul3A_178 = arith.muli %squeeze3A_176, %mul3A_177 : i32
      %multiple_of3A_179 = tpu.assume_multiple %mul3A_178, 8 : i32
      %slice3A_180 = vector.extract_strided_slice %shift_right_logical3A_96 {offsets = [1], sizes = [1], strides = [1]} : vector<16xi32> to vector<1xi32>
      %squeeze3A_181 = vector.extract %slice3A_180[0] : i32 from vector<1xi32>
      %mul3A_182 = arith.constant 8 : i32
      %mul3A_183 = arith.muli %squeeze3A_181, %mul3A_182 : i32
      %multiple_of3A_184 = tpu.assume_multiple %mul3A_183, 8 : i32
      %dma_start3A_185 = arith.constant 1 : i32
      %dma_start3A_186 = arith.constant 0 : i32
      %dma_start3A_187 = arith.constant 0 : i32
      %dma_start3A_188 = tpu.memref_slice %arg13[%dma_start3A_185, %dma_start3A_186, %dma_start3A_187] : memref<16x8x64xf32, #tpu.memory_space<vmem>> -> memref<1x8x64xf32, #tpu.memory_space<vmem>>
      %dma_start3A_189 = tpu.memref_squeeze %dma_start3A_188 : memref<1x8x64xf32, #tpu.memory_space<vmem>> -> memref<8x64xf32, #tpu.memory_space<vmem>>
      %dma_start3A_190 = arith.constant 0 : i32
      %dma_start3A_191 = tpu.memref_slice %arg6[%multiple_of3A_179, %dma_start3A_190] : memref<1000000x64xf32, #tpu.memory_space<hbm>> -> memref<8x64xf32, #tpu.memory_space<hbm>>
      %dma_start3A_192 = arith.constant 0 : i32
      %dma_start3A_193 = arith.constant 0 : i32
      %dma_start3A_194 = tpu.memref_slice %arg13[%dma_start3A_185, %dma_start3A_192, %dma_start3A_193] : memref<16x8x64xf32, #tpu.memory_space<vmem>> -> memref<1x8x64xf32, #tpu.memory_space<vmem>>
      %dma_start3A_195 = tpu.memref_squeeze %dma_start3A_194 : memref<1x8x64xf32, #tpu.memory_space<vmem>> -> memref<8x64xf32, #tpu.memory_space<vmem>>
      %dma_start3A_196 = arith.constant 0 : i32
      %dma_start3A_197 = tpu.memref_slice %arg6[%multiple_of3A_179, %dma_start3A_196] : memref<1000000x64xf32, #tpu.memory_space<hbm>> -> memref<8x64xf32, #tpu.memory_space<hbm>>
      tpu.enqueue_dma source(%dma_start3A_197 : memref<8x64xf32, #tpu.memory_space<hbm>>) target(%dma_start3A_195 : memref<8x64xf32, #tpu.memory_space<vmem>>) target_semaphore(%arg20 : memref<!tpu.dma_semaphore, #tpu.memory_space<semaphore_mem>>)
      %dma_start3A_198 = arith.constant 1 : i32
      %dma_start3A_199 = arith.constant 0 : i32
      %dma_start3A_200 = arith.constant 0 : i32
      %dma_start3A_201 = tpu.memref_slice %arg14[%dma_start3A_198, %dma_start3A_199, %dma_start3A_200] : memref<16x8x64xf32, #tpu.memory_space<vmem>> -> memref<1x8x64xf32, #tpu.memory_space<vmem>>
      %dma_start3A_202 = tpu.memref_squeeze %dma_start3A_201 : memref<1x8x64xf32, #tpu.memory_space<vmem>> -> memref<8x64xf32, #tpu.memory_space<vmem>>
      %dma_start3A_203 = arith.constant 0 : i32
      %dma_start3A_204 = tpu.memref_slice %arg7[%multiple_of3A_184, %dma_start3A_203] : memref<100000x64xf32, #tpu.memory_space<hbm>> -> memref<8x64xf32, #tpu.memory_space<hbm>>
      %dma_start3A_205 = arith.constant 0 : i32
      %dma_start3A_206 = arith.constant 0 : i32
      %dma_start3A_207 = tpu.memref_slice %arg14[%dma_start3A_198, %dma_start3A_205, %dma_start3A_206] : memref<16x8x64xf32, #tpu.memory_space<vmem>> -> memref<1x8x64xf32, #tpu.memory_space<vmem>>
      %dma_start3A_208 = tpu.memref_squeeze %dma_start3A_207 : memref<1x8x64xf32, #tpu.memory_space<vmem>> -> memref<8x64xf32, #tpu.memory_space<vmem>>
      %dma_start3A_209 = arith.constant 0 : i32
      %dma_start3A_210 = tpu.memref_slice %arg7[%multiple_of3A_184, %dma_start3A_209] : memref<100000x64xf32, #tpu.memory_space<hbm>> -> memref<8x64xf32, #tpu.memory_space<hbm>>
      tpu.enqueue_dma source(%dma_start3A_210 : memref<8x64xf32, #tpu.memory_space<hbm>>) target(%dma_start3A_208 : memref<8x64xf32, #tpu.memory_space<vmem>>) target_semaphore(%arg20 : memref<!tpu.dma_semaphore, #tpu.memory_space<semaphore_mem>>)
      %dma_start3A_211 = arith.constant 1 : i32
      %dma_start3A_212 = arith.constant 0 : i32
      %dma_start3A_213 = arith.constant 0 : i32
      %dma_start3A_214 = tpu.memref_slice %arg15[%dma_start3A_211, %dma_start3A_212, %dma_start3A_213] : memref<16x8x32xf32, #tpu.memory_space<vmem>> -> memref<1x8x32xf32, #tpu.memory_space<vmem>>
      %dma_start3A_215 = tpu.memref_squeeze %dma_start3A_214 : memref<1x8x32xf32, #tpu.memory_space<vmem>> -> memref<8x32xf32, #tpu.memory_space<vmem>>
      %dma_start3A_216 = arith.constant 0 : i32
      %dma_start3A_217 = tpu.memref_slice %arg8[%multiple_of3A_179, %dma_start3A_216] : memref<1000000x32xf32, #tpu.memory_space<hbm>> -> memref<8x32xf32, #tpu.memory_space<hbm>>
      %dma_start3A_218 = arith.constant 0 : i32
      %dma_start3A_219 = arith.constant 0 : i32
      %dma_start3A_220 = tpu.memref_slice %arg15[%dma_start3A_211, %dma_start3A_218, %dma_start3A_219] : memref<16x8x32xf32, #tpu.memory_space<vmem>> -> memref<1x8x32xf32, #tpu.memory_space<vmem>>
      %dma_start3A_221 = tpu.memref_squeeze %dma_start3A_220 : memref<1x8x32xf32, #tpu.memory_space<vmem>> -> memref<8x32xf32, #tpu.memory_space<vmem>>
      %dma_start3A_222 = arith.constant 0 : i32
      %dma_start3A_223 = tpu.memref_slice %arg8[%multiple_of3A_179, %dma_start3A_222] : memref<1000000x32xf32, #tpu.memory_space<hbm>> -> memref<8x32xf32, #tpu.memory_space<hbm>>
      tpu.enqueue_dma source(%dma_start3A_223 : memref<8x32xf32, #tpu.memory_space<hbm>>) target(%dma_start3A_221 : memref<8x32xf32, #tpu.memory_space<vmem>>) target_semaphore(%arg20 : memref<!tpu.dma_semaphore, #tpu.memory_space<semaphore_mem>>)
      %dma_start3A_224 = arith.constant 1 : i32
      %dma_start3A_225 = arith.constant 0 : i32
      %dma_start3A_226 = arith.constant 0 : i32
      %dma_start3A_227 = tpu.memref_slice %arg16[%dma_start3A_224, %dma_start3A_225, %dma_start3A_226] : memref<16x8x32xf32, #tpu.memory_space<vmem>> -> memref<1x8x32xf32, #tpu.memory_space<vmem>>
      %dma_start3A_228 = tpu.memref_squeeze %dma_start3A_227 : memref<1x8x32xf32, #tpu.memory_space<vmem>> -> memref<8x32xf32, #tpu.memory_space<vmem>>
      %dma_start3A_229 = arith.constant 0 : i32
      %dma_start3A_230 = tpu.memref_slice %arg9[%multiple_of3A_184, %dma_start3A_229] : memref<100000x32xf32, #tpu.memory_space<hbm>> -> memref<8x32xf32, #tpu.memory_space<hbm>>
      %dma_start3A_231 = arith.constant 0 : i32
      %dma_start3A_232 = arith.constant 0 : i32
      %dma_start3A_233 = tpu.memref_slice %arg16[%dma_start3A_224, %dma_start3A_231, %dma_start3A_232] : memref<16x8x32xf32, #tpu.memory_space<vmem>> -> memref<1x8x32xf32, #tpu.memory_space<vmem>>
      %dma_start3A_234 = tpu.memref_squeeze %dma_start3A_233 : memref<1x8x32xf32, #tpu.memory_space<vmem>> -> memref<8x32xf32, #tpu.memory_space<vmem>>
      %dma_start3A_235 = arith.constant 0 : i32
      %dma_start3A_236 = tpu.memref_slice %arg9[%multiple_of3A_184, %dma_start3A_235] : memref<100000x32xf32, #tpu.memory_space<hbm>> -> memref<8x32xf32, #tpu.memory_space<hbm>>
      tpu.enqueue_dma source(%dma_start3A_236 : memref<8x32xf32, #tpu.memory_space<hbm>>) target(%dma_start3A_234 : memref<8x32xf32, #tpu.memory_space<vmem>>) target_semaphore(%arg20 : memref<!tpu.dma_semaphore, #tpu.memory_space<semaphore_mem>>)
      %slice3A_237 = vector.extract_strided_slice %shift_right_logical3A_93 {offsets = [2], sizes = [1], strides = [1]} : vector<16xi32> to vector<1xi32>
      %squeeze3A_238 = vector.extract %slice3A_237[0] : i32 from vector<1xi32>
      %mul3A_239 = arith.constant 8 : i32
      %mul3A_240 = arith.muli %squeeze3A_238, %mul3A_239 : i32
      %multiple_of3A_241 = tpu.assume_multiple %mul3A_240, 8 : i32
      %slice3A_242 = vector.extract_strided_slice %shift_right_logical3A_96 {offsets = [2], sizes = [1], strides = [1]} : vector<16xi32> to vector<1xi32>
      %squeeze3A_243 = vector.extract %slice3A_242[0] : i32 from vector<1xi32>
      %mul3A_244 = arith.constant 8 : i32
      %mul3A_245 = arith.muli %squeeze3A_243, %mul3A_244 : i32
      %multiple_of3A_246 = tpu.assume_multiple %mul3A_245, 8 : i32
      %dma_start3A_247 = arith.constant 2 : i32
      %dma_start3A_248 = arith.constant 0 : i32
      %dma_start3A_249 = arith.constant 0 : i32
      %dma_start3A_250 = tpu.memref_slice %arg13[%dma_start3A_247, %dma_start3A_248, %dma_start3A_249] : memref<16x8x64xf32, #tpu.memory_space<vmem>> -> memref<1x8x64xf32, #tpu.memory_space<vmem>>
      %dma_start3A_251 = tpu.memref_squeeze %dma_start3A_250 : memref<1x8x64xf32, #tpu.memory_space<vmem>> -> memref<8x64xf32, #tpu.memory_space<vmem>>
      %dma_start3A_252 = arith.constant 0 : i32
      %dma_start3A_253 = tpu.memref_slice %arg6[%multiple_of3A_241, %dma_start3A_252] : memref<1000000x64xf32, #tpu.memory_space<hbm>> -> memref<8x64xf32, #tpu.memory_space<hbm>>
      %dma_start3A_254 = arith.constant 0 : i32
      %dma_start3A_255 = arith.constant 0 : i32
      %dma_start3A_256 = tpu.memref_slice %arg13[%dma_start3A_247, %dma_start3A_254, %dma_start3A_255] : memref<16x8x64xf32, #tpu.memory_space<vmem>> -> memref<1x8x64xf32, #tpu.memory_space<vmem>>
      %dma_start3A_257 = tpu.memref_squeeze %dma_start3A_256 : memref<1x8x64xf32, #tpu.memory_space<vmem>> -> memref<8x64xf32, #tpu.memory_space<vmem>>
      %dma_start3A_258 = arith.constant 0 : i32
      %dma_start3A_259 = tpu.memref_slice %arg6[%multiple_of3A_241, %dma_start3A_258] : memref<1000000x64xf32, #tpu.memory_space<hbm>> -> memref<8x64xf32, #tpu.memory_space<hbm>>
      tpu.enqueue_dma source(%dma_start3A_259 : memref<8x64xf32, #tpu.memory_space<hbm>>) target(%dma_start3A_257 : memref<8x64xf32, #tpu.memory_space<vmem>>) target_semaphore(%arg20 : memref<!tpu.dma_semaphore, #tpu.memory_space<semaphore_mem>>)
      %dma_start3A_260 = arith.constant 2 : i32
      %dma_start3A_261 = arith.constant 0 : i32
      %dma_start3A_262 = arith.constant 0 : i32
      %dma_start3A_263 = tpu.memref_slice %arg14[%dma_start3A_260, %dma_start3A_261, %dma_start3A_262] : memref<16x8x64xf32, #tpu.memory_space<vmem>> -> memref<1x8x64xf32, #tpu.memory_space<vmem>>
      %dma_start3A_264 = tpu.memref_squeeze %dma_start3A_263 : memref<1x8x64xf32, #tpu.memory_space<vmem>> -> memref<8x64xf32, #tpu.memory_space<vmem>>
      %dma_start3A_265 = arith.constant 0 : i32
      %dma_start3A_266 = tpu.memref_slice %arg7[%multiple_of3A_246, %dma_start3A_265] : memref<100000x64xf32, #tpu.memory_space<hbm>> -> memref<8x64xf32, #tpu.memory_space<hbm>>
      %dma_start3A_267 = arith.constant 0 : i32
      %dma_start3A_268 = arith.constant 0 : i32
      %dma_start3A_269 = tpu.memref_slice %arg14[%dma_start3A_260, %dma_start3A_267, %dma_start3A_268] : memref<16x8x64xf32, #tpu.memory_space<vmem>> -> memref<1x8x64xf32, #tpu.memory_space<vmem>>
      %dma_start3A_270 = tpu.memref_squeeze %dma_start3A_269 : memref<1x8x64xf32, #tpu.memory_space<vmem>> -> memref<8x64xf32, #tpu.memory_space<vmem>>
      %dma_start3A_271 = arith.constant 0 : i32
      %dma_start3A_272 = tpu.memref_slice %arg7[%multiple_of3A_246, %dma_start3A_271] : memref<100000x64xf32, #tpu.memory_space<hbm>> -> memref<8x64xf32, #tpu.memory_space<hbm>>
      tpu.enqueue_dma source(%dma_start3A_272 : memref<8x64xf32, #tpu.memory_space<hbm>>) target(%dma_start3A_270 : memref<8x64xf32, #tpu.memory_space<vmem>>) target_semaphore(%arg20 : memref<!tpu.dma_semaphore, #tpu.memory_space<semaphore_mem>>)
      %dma_start3A_273 = arith.constant 2 : i32
      %dma_start3A_274 = arith.constant 0 : i32
      %dma_start3A_275 = arith.constant 0 : i32
      %dma_start3A_276 = tpu.memref_slice %arg15[%dma_start3A_273, %dma_start3A_274, %dma_start3A_275] : memref<16x8x32xf32, #tpu.memory_space<vmem>> -> memref<1x8x32xf32, #tpu.memory_space<vmem>>
      %dma_start3A_277 = tpu.memref_squeeze %dma_start3A_276 : memref<1x8x32xf32, #tpu.memory_space<vmem>> -> memref<8x32xf32, #tpu.memory_space<vmem>>
      %dma_start3A_278 = arith.constant 0 : i32
      %dma_start3A_279 = tpu.memref_slice %arg8[%multiple_of3A_241, %dma_start3A_278] : memref<1000000x32xf32, #tpu.memory_space<hbm>> -> memref<8x32xf32, #tpu.memory_space<hbm>>
      %dma_start3A_280 = arith.constant 0 : i32
      %dma_start3A_281 = arith.constant 0 : i32
      %dma_start3A_282 = tpu.memref_slice %arg15[%dma_start3A_273, %dma_start3A_280, %dma_start3A_281] : memref<16x8x32xf32, #tpu.memory_space<vmem>> -> memref<1x8x32xf32, #tpu.memory_space<vmem>>
      %dma_start3A_283 = tpu.memref_squeeze %dma_start3A_282 : memref<1x8x32xf32, #tpu.memory_space<vmem>> -> memref<8x32xf32, #tpu.memory_space<vmem>>
      %dma_start3A_284 = arith.constant 0 : i32
      %dma_start3A_285 = tpu.memref_slice %arg8[%multiple_of3A_241, %dma_start3A_284] : memref<1000000x32xf32, #tpu.memory_space<hbm>> -> memref<8x32xf32, #tpu.memory_space<hbm>>
      tpu.enqueue_dma source(%dma_start3A_285 : memref<8x32xf32, #tpu.memory_space<hbm>>) target(%dma_start3A_283 : memref<8x32xf32, #tpu.memory_space<vmem>>) target_semaphore(%arg20 : memref<!tpu.dma_semaphore, #tpu.memory_space<semaphore_mem>>)
      %dma_start3A_286 = arith.constant 2 : i32
      %dma_start3A_287 = arith.constant 0 : i32
      %dma_start3A_288 = arith.constant 0 : i32
      %dma_start3A_289 = tpu.memref_slice %arg16[%dma_start3A_286, %dma_start3A_287, %dma_start3A_288] : memref<16x8x32xf32, #tpu.memory_space<vmem>> -> memref<1x8x32xf32, #tpu.memory_space<vmem>>
      %dma_start3A_290 = tpu.memref_squeeze %dma_start3A_289 : memref<1x8x32xf32, #tpu.memory_space<vmem>> -> memref<8x32xf32, #tpu.memory_space<vmem>>
      %dma_start3A_291 = arith.constant 0 : i32
      %dma_start3A_292 = tpu.memref_slice %arg9[%multiple_of3A_246, %dma_start3A_291] : memref<100000x32xf32, #tpu.memory_space<hbm>> -> memref<8x32xf32, #tpu.memory_space<hbm>>
      %dma_start3A_293 = arith.constant 0 : i32
      %dma_start3A_294 = arith.constant 0 : i32
      %dma_start3A_295 = tpu.memref_slice %arg16[%dma_start3A_286, %dma_start3A_293, %dma_start3A_294] : memref<16x8x32xf32, #tpu.memory_space<vmem>> -> memref<1x8x32xf32, #tpu.memory_space<vmem>>
      %dma_start3A_296 = tpu.memref_squeeze %dma_start3A_295 : memref<1x8x32xf32, #tpu.memory_space<vmem>> -> memref<8x32xf32, #tpu.memory_space<vmem>>
      %dma_start3A_297 = arith.constant 0 : i32
      %dma_start3A_298 = tpu.memref_slice %arg9[%multiple_of3A_246, %dma_start3A_297] : memref<100000x32xf32, #tpu.memory_space<hbm>> -> memref<8x32xf32, #tpu.memory_space<hbm>>
      tpu.enqueue_dma source(%dma_start3A_298 : memref<8x32xf32, #tpu.memory_space<hbm>>) target(%dma_start3A_296 : memref<8x32xf32, #tpu.memory_space<vmem>>) target_semaphore(%arg20 : memref<!tpu.dma_semaphore, #tpu.memory_space<semaphore_mem>>)
      %slice3A_299 = vector.extract_strided_slice %shift_right_logical3A_93 {offsets = [3], sizes = [1], strides = [1]} : vector<16xi32> to vector<1xi32>
      %squeeze3A_300 = vector.extract %slice3A_299[0] : i32 from vector<1xi32>
      %mul3A_301 = arith.constant 8 : i32
      %mul3A_302 = arith.muli %squeeze3A_300, %mul3A_301 : i32
      %multiple_of3A_303 = tpu.assume_multiple %mul3A_302, 8 : i32
      %slice3A_304 = vector.extract_strided_slice %shift_right_logical3A_96 {offsets = [3], sizes = [1], strides = [1]} : vector<16xi32> to vector<1xi32>
      %squeeze3A_305 = vector.extract %slice3A_304[0] : i32 from vector<1xi32>
      %mul3A_306 = arith.constant 8 : i32
      %mul3A_307 = arith.muli %squeeze3A_305, %mul3A_306 : i32
      %multiple_of3A_308 = tpu.assume_multiple %mul3A_307, 8 : i32
      %dma_start3A_309 = arith.constant 3 : i32
      %dma_start3A_310 = arith.constant 0 : i32
      %dma_start3A_311 = arith.constant 0 : i32
      %dma_start3A_312 = tpu.memref_slice %arg13[%dma_start3A_309, %dma_start3A_310, %dma_start3A_311] : memref<16x8x64xf32, #tpu.memory_space<vmem>> -> memref<1x8x64xf32, #tpu.memory_space<vmem>>
      %dma_start3A_313 = tpu.memref_squeeze %dma_start3A_312 : memref<1x8x64xf32, #tpu.memory_space<vmem>> -> memref<8x64xf32, #tpu.memory_space<vmem>>
      %dma_start3A_314 = arith.constant 0 : i32
      %dma_start3A_315 = tpu.memref_slice %arg6[%multiple_of3A_303, %dma_start3A_314] : memref<1000000x64xf32, #tpu.memory_space<hbm>> -> memref<8x64xf32, #tpu.memory_space<hbm>>
      %dma_start3A_316 = arith.constant 0 : i32
      %dma_start3A_317 = arith.constant 0 : i32
      %dma_start3A_318 = tpu.memref_slice %arg13[%dma_start3A_309, %dma_start3A_316, %dma_start3A_317] : memref<16x8x64xf32, #tpu.memory_space<vmem>> -> memref<1x8x64xf32, #tpu.memory_space<vmem>>
      %dma_start3A_319 = tpu.memref_squeeze %dma_start3A_318 : memref<1x8x64xf32, #tpu.memory_space<vmem>> -> memref<8x64xf32, #tpu.memory_space<vmem>>
      %dma_start3A_320 = arith.constant 0 : i32
      %dma_start3A_321 = tpu.memref_slice %arg6[%multiple_of3A_303, %dma_start3A_320] : memref<1000000x64xf32, #tpu.memory_space<hbm>> -> memref<8x64xf32, #tpu.memory_space<hbm>>
      tpu.enqueue_dma source(%dma_start3A_321 : memref<8x64xf32, #tpu.memory_space<hbm>>) target(%dma_start3A_319 : memref<8x64xf32, #tpu.memory_space<vmem>>) target_semaphore(%arg20 : memref<!tpu.dma_semaphore, #tpu.memory_space<semaphore_mem>>)
      %dma_start3A_322 = arith.constant 3 : i32
      %dma_start3A_323 = arith.constant 0 : i32
      %dma_start3A_324 = arith.constant 0 : i32
      %dma_start3A_325 = tpu.memref_slice %arg14[%dma_start3A_322, %dma_start3A_323, %dma_start3A_324] : memref<16x8x64xf32, #tpu.memory_space<vmem>> -> memref<1x8x64xf32, #tpu.memory_space<vmem>>
      %dma_start3A_326 = tpu.memref_squeeze %dma_start3A_325 : memref<1x8x64xf32, #tpu.memory_space<vmem>> -> memref<8x64xf32, #tpu.memory_space<vmem>>
      %dma_start3A_327 = arith.constant 0 : i32
      %dma_start3A_328 = tpu.memref_slice %arg7[%multiple_of3A_308, %dma_start3A_327] : memref<100000x64xf32, #tpu.memory_space<hbm>> -> memref<8x64xf32, #tpu.memory_space<hbm>>
      %dma_start3A_329 = arith.constant 0 : i32
      %dma_start3A_330 = arith.constant 0 : i32
      %dma_start3A_331 = tpu.memref_slice %arg14[%dma_start3A_322, %dma_start3A_329, %dma_start3A_330] : memref<16x8x64xf32, #tpu.memory_space<vmem>> -> memref<1x8x64xf32, #tpu.memory_space<vmem>>
      %dma_start3A_332 = tpu.memref_squeeze %dma_start3A_331 : memref<1x8x64xf32, #tpu.memory_space<vmem>> -> memref<8x64xf32, #tpu.memory_space<vmem>>
      %dma_start3A_333 = arith.constant 0 : i32
      %dma_start3A_334 = tpu.memref_slice %arg7[%multiple_of3A_308, %dma_start3A_333] : memref<100000x64xf32, #tpu.memory_space<hbm>> -> memref<8x64xf32, #tpu.memory_space<hbm>>
      tpu.enqueue_dma source(%dma_start3A_334 : memref<8x64xf32, #tpu.memory_space<hbm>>) target(%dma_start3A_332 : memref<8x64xf32, #tpu.memory_space<vmem>>) target_semaphore(%arg20 : memref<!tpu.dma_semaphore, #tpu.memory_space<semaphore_mem>>)
      %dma_start3A_335 = arith.constant 3 : i32
      %dma_start3A_336 = arith.constant 0 : i32
      %dma_start3A_337 = arith.constant 0 : i32
      %dma_start3A_338 = tpu.memref_slice %arg15[%dma_start3A_335, %dma_start3A_336, %dma_start3A_337] : memref<16x8x32xf32, #tpu.memory_space<vmem>> -> memref<1x8x32xf32, #tpu.memory_space<vmem>>
      %dma_start3A_339 = tpu.memref_squeeze %dma_start3A_338 : memref<1x8x32xf32, #tpu.memory_space<vmem>> -> memref<8x32xf32, #tpu.memory_space<vmem>>
      %dma_start3A_340 = arith.constant 0 : i32
      %dma_start3A_341 = tpu.memref_slice %arg8[%multiple_of3A_303, %dma_start3A_340] : memref<1000000x32xf32, #tpu.memory_space<hbm>> -> memref<8x32xf32, #tpu.memory_space<hbm>>
      %dma_start3A_342 = arith.constant 0 : i32
      %dma_start3A_343 = arith.constant 0 : i32
      %dma_start3A_344 = tpu.memref_slice %arg15[%dma_start3A_335, %dma_start3A_342, %dma_start3A_343] : memref<16x8x32xf32, #tpu.memory_space<vmem>> -> memref<1x8x32xf32, #tpu.memory_space<vmem>>
      %dma_start3A_345 = tpu.memref_squeeze %dma_start3A_344 : memref<1x8x32xf32, #tpu.memory_space<vmem>> -> memref<8x32xf32, #tpu.memory_space<vmem>>
      %dma_start3A_346 = arith.constant 0 : i32
      %dma_start3A_347 = tpu.memref_slice %arg8[%multiple_of3A_303, %dma_start3A_346] : memref<1000000x32xf32, #tpu.memory_space<hbm>> -> memref<8x32xf32, #tpu.memory_space<hbm>>
      tpu.enqueue_dma source(%dma_start3A_347 : memref<8x32xf32, #tpu.memory_space<hbm>>) target(%dma_start3A_345 : memref<8x32xf32, #tpu.memory_space<vmem>>) target_semaphore(%arg20 : memref<!tpu.dma_semaphore, #tpu.memory_space<semaphore_mem>>)
      %dma_start3A_348 = arith.constant 3 : i32
      %dma_start3A_349 = arith.constant 0 : i32
      %dma_start3A_350 = arith.constant 0 : i32
      %dma_start3A_351 = tpu.memref_slice %arg16[%dma_start3A_348, %dma_start3A_349, %dma_start3A_350] : memref<16x8x32xf32, #tpu.memory_space<vmem>> -> memref<1x8x32xf32, #tpu.memory_space<vmem>>
      %dma_start3A_352 = tpu.memref_squeeze %dma_start3A_351 : memref<1x8x32xf32, #tpu.memory_space<vmem>> -> memref<8x32xf32, #tpu.memory_space<vmem>>
      %dma_start3A_353 = arith.constant 0 : i32
      %dma_start3A_354 = tpu.memref_slice %arg9[%multiple_of3A_308, %dma_start3A_353] : memref<100000x32xf32, #tpu.memory_space<hbm>> -> memref<8x32xf32, #tpu.memory_space<hbm>>
      %dma_start3A_355 = arith.constant 0 : i32
      %dma_start3A_356 = arith.constant 0 : i32
      %dma_start3A_357 = tpu.memref_slice %arg16[%dma_start3A_348, %dma_start3A_355, %dma_start3A_356] : memref<16x8x32xf32, #tpu.memory_space<vmem>> -> memref<1x8x32xf32, #tpu.memory_space<vmem>>
      %dma_start3A_358 = tpu.memref_squeeze %dma_start3A_357 : memref<1x8x32xf32, #tpu.memory_space<vmem>> -> memref<8x32xf32, #tpu.memory_space<vmem>>
      %dma_start3A_359 = arith.constant 0 : i32
      %dma_start3A_360 = tpu.memref_slice %arg9[%multiple_of3A_308, %dma_start3A_359] : memref<100000x32xf32, #tpu.memory_space<hbm>> -> memref<8x32xf32, #tpu.memory_space<hbm>>
      tpu.enqueue_dma source(%dma_start3A_360 : memref<8x32xf32, #tpu.memory_space<hbm>>) target(%dma_start3A_358 : memref<8x32xf32, #tpu.memory_space<vmem>>) target_semaphore(%arg20 : memref<!tpu.dma_semaphore, #tpu.memory_space<semaphore_mem>>)
      %slice3A_361 = vector.extract_strided_slice %shift_right_logical3A_93 {offsets = [4], sizes = [1], strides = [1]} : vector<16xi32> to vector<1xi32>
      %squeeze3A_362 = vector.extract %slice3A_361[0] : i32 from vector<1xi32>
      %mul3A_363 = arith.constant 8 : i32
      %mul3A_364 = arith.muli %squeeze3A_362, %mul3A_363 : i32
      %multiple_of3A_365 = tpu.assume_multiple %mul3A_364, 8 : i32
      %slice3A_366 = vector.extract_strided_slice %shift_right_logical3A_96 {offsets = [4], sizes = [1], strides = [1]} : vector<16xi32> to vector<1xi32>
      %squeeze3A_367 = vector.extract %slice3A_366[0] : i32 from vector<1xi32>
      %mul3A_368 = arith.constant 8 : i32
      %mul3A_369 = arith.muli %squeeze3A_367, %mul3A_368 : i32
      %multiple_of3A_370 = tpu.assume_multiple %mul3A_369, 8 : i32
      %dma_start3A_371 = arith.constant 4 : i32
      %dma_start3A_372 = arith.constant 0 : i32
      %dma_start3A_373 = arith.constant 0 : i32
      %dma_start3A_374 = tpu.memref_slice %arg13[%dma_start3A_371, %dma_start3A_372, %dma_start3A_373] : memref<16x8x64xf32, #tpu.memory_space<vmem>> -> memref<1x8x64xf32, #tpu.memory_space<vmem>>
      %dma_start3A_375 = tpu.memref_squeeze %dma_start3A_374 : memref<1x8x64xf32, #tpu.memory_space<vmem>> -> memref<8x64xf32, #tpu.memory_space<vmem>>
      %dma_start3A_376 = arith.constant 0 : i32
      %dma_start3A_377 = tpu.memref_slice %arg6[%multiple_of3A_365, %dma_start3A_376] : memref<1000000x64xf32, #tpu.memory_space<hbm>> -> memref<8x64xf32, #tpu.memory_space<hbm>>
      %dma_start3A_378 = arith.constant 0 : i32
      %dma_start3A_379 = arith.constant 0 : i32
      %dma_start3A_380 = tpu.memref_slice %arg13[%dma_start3A_371, %dma_start3A_378, %dma_start3A_379] : memref<16x8x64xf32, #tpu.memory_space<vmem>> -> memref<1x8x64xf32, #tpu.memory_space<vmem>>
      %dma_start3A_381 = tpu.memref_squeeze %dma_start3A_380 : memref<1x8x64xf32, #tpu.memory_space<vmem>> -> memref<8x64xf32, #tpu.memory_space<vmem>>
      %dma_start3A_382 = arith.constant 0 : i32
      %dma_start3A_383 = tpu.memref_slice %arg6[%multiple_of3A_365, %dma_start3A_382] : memref<1000000x64xf32, #tpu.memory_space<hbm>> -> memref<8x64xf32, #tpu.memory_space<hbm>>
      tpu.enqueue_dma source(%dma_start3A_383 : memref<8x64xf32, #tpu.memory_space<hbm>>) target(%dma_start3A_381 : memref<8x64xf32, #tpu.memory_space<vmem>>) target_semaphore(%arg20 : memref<!tpu.dma_semaphore, #tpu.memory_space<semaphore_mem>>)
      %dma_start3A_384 = arith.constant 4 : i32
      %dma_start3A_385 = arith.constant 0 : i32
      %dma_start3A_386 = arith.constant 0 : i32
      %dma_start3A_387 = tpu.memref_slice %arg14[%dma_start3A_384, %dma_start3A_385, %dma_start3A_386] : memref<16x8x64xf32, #tpu.memory_space<vmem>> -> memref<1x8x64xf32, #tpu.memory_space<vmem>>
      %dma_start3A_388 = tpu.memref_squeeze %dma_start3A_387 : memref<1x8x64xf32, #tpu.memory_space<vmem>> -> memref<8x64xf32, #tpu.memory_space<vmem>>
      %dma_start3A_389 = arith.constant 0 : i32
      %dma_start3A_390 = tpu.memref_slice %arg7[%multiple_of3A_370, %dma_start3A_389] : memref<100000x64xf32, #tpu.memory_space<hbm>> -> memref<8x64xf32, #tpu.memory_space<hbm>>
      %dma_start3A_391 = arith.constant 0 : i32
      %dma_start3A_392 = arith.constant 0 : i32
      %dma_start3A_393 = tpu.memref_slice %arg14[%dma_start3A_384, %dma_start3A_391, %dma_start3A_392] : memref<16x8x64xf32, #tpu.memory_space<vmem>> -> memref<1x8x64xf32, #tpu.memory_space<vmem>>
      %dma_start3A_394 = tpu.memref_squeeze %dma_start3A_393 : memref<1x8x64xf32, #tpu.memory_space<vmem>> -> memref<8x64xf32, #tpu.memory_space<vmem>>
      %dma_start3A_395 = arith.constant 0 : i32
      %dma_start3A_396 = tpu.memref_slice %arg7[%multiple_of3A_370, %dma_start3A_395] : memref<100000x64xf32, #tpu.memory_space<hbm>> -> memref<8x64xf32, #tpu.memory_space<hbm>>
      tpu.enqueue_dma source(%dma_start3A_396 : memref<8x64xf32, #tpu.memory_space<hbm>>) target(%dma_start3A_394 : memref<8x64xf32, #tpu.memory_space<vmem>>) target_semaphore(%arg20 : memref<!tpu.dma_semaphore, #tpu.memory_space<semaphore_mem>>)
      %dma_start3A_397 = arith.constant 4 : i32
      %dma_start3A_398 = arith.constant 0 : i32
      %dma_start3A_399 = arith.constant 0 : i32
      %dma_start3A_400 = tpu.memref_slice %arg15[%dma_start3A_397, %dma_start3A_398, %dma_start3A_399] : memref<16x8x32xf32, #tpu.memory_space<vmem>> -> memref<1x8x32xf32, #tpu.memory_space<vmem>>
      %dma_start3A_401 = tpu.memref_squeeze %dma_start3A_400 : memref<1x8x32xf32, #tpu.memory_space<vmem>> -> memref<8x32xf32, #tpu.memory_space<vmem>>
      %dma_start3A_402 = arith.constant 0 : i32
      %dma_start3A_403 = tpu.memref_slice %arg8[%multiple_of3A_365, %dma_start3A_402] : memref<1000000x32xf32, #tpu.memory_space<hbm>> -> memref<8x32xf32, #tpu.memory_space<hbm>>
      %dma_start3A_404 = arith.constant 0 : i32
      %dma_start3A_405 = arith.constant 0 : i32
      %dma_start3A_406 = tpu.memref_slice %arg15[%dma_start3A_397, %dma_start3A_404, %dma_start3A_405] : memref<16x8x32xf32, #tpu.memory_space<vmem>> -> memref<1x8x32xf32, #tpu.memory_space<vmem>>
      %dma_start3A_407 = tpu.memref_squeeze %dma_start3A_406 : memref<1x8x32xf32, #tpu.memory_space<vmem>> -> memref<8x32xf32, #tpu.memory_space<vmem>>
      %dma_start3A_408 = arith.constant 0 : i32
      %dma_start3A_409 = tpu.memref_slice %arg8[%multiple_of3A_365, %dma_start3A_408] : memref<1000000x32xf32, #tpu.memory_space<hbm>> -> memref<8x32xf32, #tpu.memory_space<hbm>>
      tpu.enqueue_dma source(%dma_start3A_409 : memref<8x32xf32, #tpu.memory_space<hbm>>) target(%dma_start3A_407 : memref<8x32xf32, #tpu.memory_space<vmem>>) target_semaphore(%arg20 : memref<!tpu.dma_semaphore, #tpu.memory_space<semaphore_mem>>)
      %dma_start3A_410 = arith.constant 4 : i32
      %dma_start3A_411 = arith.constant 0 : i32
      %dma_start3A_412 = arith.constant 0 : i32
      %dma_start3A_413 = tpu.memref_slice %arg16[%dma_start3A_410, %dma_start3A_411, %dma_start3A_412] : memref<16x8x32xf32, #tpu.memory_space<vmem>> -> memref<1x8x32xf32, #tpu.memory_space<vmem>>
      %dma_start3A_414 = tpu.memref_squeeze %dma_start3A_413 : memref<1x8x32xf32, #tpu.memory_space<vmem>> -> memref<8x32xf32, #tpu.memory_space<vmem>>
      %dma_start3A_415 = arith.constant 0 : i32
      %dma_start3A_416 = tpu.memref_slice %arg9[%multiple_of3A_370, %dma_start3A_415] : memref<100000x32xf32, #tpu.memory_space<hbm>> -> memref<8x32xf32, #tpu.memory_space<hbm>>
      %dma_start3A_417 = arith.constant 0 : i32
      %dma_start3A_418 = arith.constant 0 : i32
      %dma_start3A_419 = tpu.memref_slice %arg16[%dma_start3A_410, %dma_start3A_417, %dma_start3A_418] : memref<16x8x32xf32, #tpu.memory_space<vmem>> -> memref<1x8x32xf32, #tpu.memory_space<vmem>>
      %dma_start3A_420 = tpu.memref_squeeze %dma_start3A_419 : memref<1x8x32xf32, #tpu.memory_space<vmem>> -> memref<8x32xf32, #tpu.memory_space<vmem>>
      %dma_start3A_421 = arith.constant 0 : i32
      %dma_start3A_422 = tpu.memref_slice %arg9[%multiple_of3A_370, %dma_start3A_421] : memref<100000x32xf32, #tpu.memory_space<hbm>> -> memref<8x32xf32, #tpu.memory_space<hbm>>
      tpu.enqueue_dma source(%dma_start3A_422 : memref<8x32xf32, #tpu.memory_space<hbm>>) target(%dma_start3A_420 : memref<8x32xf32, #tpu.memory_space<vmem>>) target_semaphore(%arg20 : memref<!tpu.dma_semaphore, #tpu.memory_space<semaphore_mem>>)
      %slice3A_423 = vector.extract_strided_slice %shift_right_logical3A_93 {offsets = [5], sizes = [1], strides = [1]} : vector<16xi32> to vector<1xi32>
      %squeeze3A_424 = vector.extract %slice3A_423[0] : i32 from vector<1xi32>
      %mul3A_425 = arith.constant 8 : i32
      %mul3A_426 = arith.muli %squeeze3A_424, %mul3A_425 : i32
      %multiple_of3A_427 = tpu.assume_multiple %mul3A_426, 8 : i32
      %slice3A_428 = vector.extract_strided_slice %shift_right_logical3A_96 {offsets = [5], sizes = [1], strides = [1]} : vector<16xi32> to vector<1xi32>
      %squeeze3A_429 = vector.extract %slice3A_428[0] : i32 from vector<1xi32>
      %mul3A_430 = arith.constant 8 : i32
      %mul3A_431 = arith.muli %squeeze3A_429, %mul3A_430 : i32
      %multiple_of3A_432 = tpu.assume_multiple %mul3A_431, 8 : i32
      %dma_start3A_433 = arith.constant 5 : i32
      %dma_start3A_434 = arith.constant 0 : i32
      %dma_start3A_435 = arith.constant 0 : i32
      %dma_start3A_436 = tpu.memref_slice %arg13[%dma_start3A_433, %dma_start3A_434, %dma_start3A_435] : memref<16x8x64xf32, #tpu.memory_space<vmem>> -> memref<1x8x64xf32, #tpu.memory_space<vmem>>
      %dma_start3A_437 = tpu.memref_squeeze %dma_start3A_436 : memref<1x8x64xf32, #tpu.memory_space<vmem>> -> memref<8x64xf32, #tpu.memory_space<vmem>>
      %dma_start3A_438 = arith.constant 0 : i32
      %dma_start3A_439 = tpu.memref_slice %arg6[%multiple_of3A_427, %dma_start3A_438] : memref<1000000x64xf32, #tpu.memory_space<hbm>> -> memref<8x64xf32, #tpu.memory_space<hbm>>
      %dma_start3A_440 = arith.constant 0 : i32
      %dma_start3A_441 = arith.constant 0 : i32
      %dma_start3A_442 = tpu.memref_slice %arg13[%dma_start3A_433, %dma_start3A_440, %dma_start3A_441] : memref<16x8x64xf32, #tpu.memory_space<vmem>> -> memref<1x8x64xf32, #tpu.memory_space<vmem>>
      %dma_start3A_443 = tpu.memref_squeeze %dma_start3A_442 : memref<1x8x64xf32, #tpu.memory_space<vmem>> -> memref<8x64xf32, #tpu.memory_space<vmem>>
      %dma_start3A_444 = arith.constant 0 : i32
      %dma_start3A_445 = tpu.memref_slice %arg6[%multiple_of3A_427, %dma_start3A_444] : memref<1000000x64xf32, #tpu.memory_space<hbm>> -> memref<8x64xf32, #tpu.memory_space<hbm>>
      tpu.enqueue_dma source(%dma_start3A_445 : memref<8x64xf32, #tpu.memory_space<hbm>>) target(%dma_start3A_443 : memref<8x64xf32, #tpu.memory_space<vmem>>) target_semaphore(%arg20 : memref<!tpu.dma_semaphore, #tpu.memory_space<semaphore_mem>>)
      %dma_start3A_446 = arith.constant 5 : i32
      %dma_start3A_447 = arith.constant 0 : i32
      %dma_start3A_448 = arith.constant 0 : i32
      %dma_start3A_449 = tpu.memref_slice %arg14[%dma_start3A_446, %dma_start3A_447, %dma_start3A_448] : memref<16x8x64xf32, #tpu.memory_space<vmem>> -> memref<1x8x64xf32, #tpu.memory_space<vmem>>
      %dma_start3A_450 = tpu.memref_squeeze %dma_start3A_449 : memref<1x8x64xf32, #tpu.memory_space<vmem>> -> memref<8x64xf32, #tpu.memory_space<vmem>>
      %dma_start3A_451 = arith.constant 0 : i32
      %dma_start3A_452 = tpu.memref_slice %arg7[%multiple_of3A_432, %dma_start3A_451] : memref<100000x64xf32, #tpu.memory_space<hbm>> -> memref<8x64xf32, #tpu.memory_space<hbm>>
      %dma_start3A_453 = arith.constant 0 : i32
      %dma_start3A_454 = arith.constant 0 : i32
      %dma_start3A_455 = tpu.memref_slice %arg14[%dma_start3A_446, %dma_start3A_453, %dma_start3A_454] : memref<16x8x64xf32, #tpu.memory_space<vmem>> -> memref<1x8x64xf32, #tpu.memory_space<vmem>>
      %dma_start3A_456 = tpu.memref_squeeze %dma_start3A_455 : memref<1x8x64xf32, #tpu.memory_space<vmem>> -> memref<8x64xf32, #tpu.memory_space<vmem>>
      %dma_start3A_457 = arith.constant 0 : i32
      %dma_start3A_458 = tpu.memref_slice %arg7[%multiple_of3A_432, %dma_start3A_457] : memref<100000x64xf32, #tpu.memory_space<hbm>> -> memref<8x64xf32, #tpu.memory_space<hbm>>
      tpu.enqueue_dma source(%dma_start3A_458 : memref<8x64xf32, #tpu.memory_space<hbm>>) target(%dma_start3A_456 : memref<8x64xf32, #tpu.memory_space<vmem>>) target_semaphore(%arg20 : memref<!tpu.dma_semaphore, #tpu.memory_space<semaphore_mem>>)
      %dma_start3A_459 = arith.constant 5 : i32
      %dma_start3A_460 = arith.constant 0 : i32
      %dma_start3A_461 = arith.constant 0 : i32
      %dma_start3A_462 = tpu.memref_slice %arg15[%dma_start3A_459, %dma_start3A_460, %dma_start3A_461] : memref<16x8x32xf32, #tpu.memory_space<vmem>> -> memref<1x8x32xf32, #tpu.memory_space<vmem>>
      %dma_start3A_463 = tpu.memref_squeeze %dma_start3A_462 : memref<1x8x32xf32, #tpu.memory_space<vmem>> -> memref<8x32xf32, #tpu.memory_space<vmem>>
      %dma_start3A_464 = arith.constant 0 : i32
      %dma_start3A_465 = tpu.memref_slice %arg8[%multiple_of3A_427, %dma_start3A_464] : memref<1000000x32xf32, #tpu.memory_space<hbm>> -> memref<8x32xf32, #tpu.memory_space<hbm>>
      %dma_start3A_466 = arith.constant 0 : i32
      %dma_start3A_467 = arith.constant 0 : i32
      %dma_start3A_468 = tpu.memref_slice %arg15[%dma_start3A_459, %dma_start3A_466, %dma_start3A_467] : memref<16x8x32xf32, #tpu.memory_space<vmem>> -> memref<1x8x32xf32, #tpu.memory_space<vmem>>
      %dma_start3A_469 = tpu.memref_squeeze %dma_start3A_468 : memref<1x8x32xf32, #tpu.memory_space<vmem>> -> memref<8x32xf32, #tpu.memory_space<vmem>>
      %dma_start3A_470 = arith.constant 0 : i32
      %dma_start3A_471 = tpu.memref_slice %arg8[%multiple_of3A_427, %dma_start3A_470] : memref<1000000x32xf32, #tpu.memory_space<hbm>> -> memref<8x32xf32, #tpu.memory_space<hbm>>
      tpu.enqueue_dma source(%dma_start3A_471 : memref<8x32xf32, #tpu.memory_space<hbm>>) target(%dma_start3A_469 : memref<8x32xf32, #tpu.memory_space<vmem>>) target_semaphore(%arg20 : memref<!tpu.dma_semaphore, #tpu.memory_space<semaphore_mem>>)
      %dma_start3A_472 = arith.constant 5 : i32
      %dma_start3A_473 = arith.constant 0 : i32
      %dma_start3A_474 = arith.constant 0 : i32
      %dma_start3A_475 = tpu.memref_slice %arg16[%dma_start3A_472, %dma_start3A_473, %dma_start3A_474] : memref<16x8x32xf32, #tpu.memory_space<vmem>> -> memref<1x8x32xf32, #tpu.memory_space<vmem>>
      %dma_start3A_476 = tpu.memref_squeeze %dma_start3A_475 : memref<1x8x32xf32, #tpu.memory_space<vmem>> -> memref<8x32xf32, #tpu.memory_space<vmem>>
      %dma_start3A_477 = arith.constant 0 : i32
      %dma_start3A_478 = tpu.memref_slice %arg9[%multiple_of3A_432, %dma_start3A_477] : memref<100000x32xf32, #tpu.memory_space<hbm>> -> memref<8x32xf32, #tpu.memory_space<hbm>>
      %dma_start3A_479 = arith.constant 0 : i32
      %dma_start3A_480 = arith.constant 0 : i32
      %dma_start3A_481 = tpu.memref_slice %arg16[%dma_start3A_472, %dma_start3A_479, %dma_start3A_480] : memref<16x8x32xf32, #tpu.memory_space<vmem>> -> memref<1x8x32xf32, #tpu.memory_space<vmem>>
      %dma_start3A_482 = tpu.memref_squeeze %dma_start3A_481 : memref<1x8x32xf32, #tpu.memory_space<vmem>> -> memref<8x32xf32, #tpu.memory_space<vmem>>
      %dma_start3A_483 = arith.constant 0 : i32
      %dma_start3A_484 = tpu.memref_slice %arg9[%multiple_of3A_432, %dma_start3A_483] : memref<100000x32xf32, #tpu.memory_space<hbm>> -> memref<8x32xf32, #tpu.memory_space<hbm>>
      tpu.enqueue_dma source(%dma_start3A_484 : memref<8x32xf32, #tpu.memory_space<hbm>>) target(%dma_start3A_482 : memref<8x32xf32, #tpu.memory_space<vmem>>) target_semaphore(%arg20 : memref<!tpu.dma_semaphore, #tpu.memory_space<semaphore_mem>>)
      %slice3A_485 = vector.extract_strided_slice %shift_right_logical3A_93 {offsets = [6], sizes = [1], strides = [1]} : vector<16xi32> to vector<1xi32>
      %squeeze3A_486 = vector.extract %slice3A_485[0] : i32 from vector<1xi32>
      %mul3A_487 = arith.constant 8 : i32
      %mul3A_488 = arith.muli %squeeze3A_486, %mul3A_487 : i32
      %multiple_of3A_489 = tpu.assume_multiple %mul3A_488, 8 : i32
      %slice3A_490 = vector.extract_strided_slice %shift_right_logical3A_96 {offsets = [6], sizes = [1], strides = [1]} : vector<16xi32> to vector<1xi32>
      %squeeze3A_491 = vector.extract %slice3A_490[0] : i32 from vector<1xi32>
      %mul3A_492 = arith.constant 8 : i32
      %mul3A_493 = arith.muli %squeeze3A_491, %mul3A_492 : i32
      %multiple_of3A_494 = tpu.assume_multiple %mul3A_493, 8 : i32
      %dma_start3A_495 = arith.constant 6 : i32
      %dma_start3A_496 = arith.constant 0 : i32
      %dma_start3A_497 = arith.constant 0 : i32
      %dma_start3A_498 = tpu.memref_slice %arg13[%dma_start3A_495, %dma_start3A_496, %dma_start3A_497] : memref<16x8x64xf32, #tpu.memory_space<vmem>> -> memref<1x8x64xf32, #tpu.memory_space<vmem>>
      %dma_start3A_499 = tpu.memref_squeeze %dma_start3A_498 : memref<1x8x64xf32, #tpu.memory_space<vmem>> -> memref<8x64xf32, #tpu.memory_space<vmem>>
      %dma_start3A_500 = arith.constant 0 : i32
      %dma_start3A_501 = tpu.memref_slice %arg6[%multiple_of3A_489, %dma_start3A_500] : memref<1000000x64xf32, #tpu.memory_space<hbm>> -> memref<8x64xf32, #tpu.memory_space<hbm>>
      %dma_start3A_502 = arith.constant 0 : i32
      %dma_start3A_503 = arith.constant 0 : i32
      %dma_start3A_504 = tpu.memref_slice %arg13[%dma_start3A_495, %dma_start3A_502, %dma_start3A_503] : memref<16x8x64xf32, #tpu.memory_space<vmem>> -> memref<1x8x64xf32, #tpu.memory_space<vmem>>
      %dma_start3A_505 = tpu.memref_squeeze %dma_start3A_504 : memref<1x8x64xf32, #tpu.memory_space<vmem>> -> memref<8x64xf32, #tpu.memory_space<vmem>>
      %dma_start3A_506 = arith.constant 0 : i32
      %dma_start3A_507 = tpu.memref_slice %arg6[%multiple_of3A_489, %dma_start3A_506] : memref<1000000x64xf32, #tpu.memory_space<hbm>> -> memref<8x64xf32, #tpu.memory_space<hbm>>
      tpu.enqueue_dma source(%dma_start3A_507 : memref<8x64xf32, #tpu.memory_space<hbm>>) target(%dma_start3A_505 : memref<8x64xf32, #tpu.memory_space<vmem>>) target_semaphore(%arg20 : memref<!tpu.dma_semaphore, #tpu.memory_space<semaphore_mem>>)
      %dma_start3A_508 = arith.constant 6 : i32
      %dma_start3A_509 = arith.constant 0 : i32
      %dma_start3A_510 = arith.constant 0 : i32
      %dma_start3A_511 = tpu.memref_slice %arg14[%dma_start3A_508, %dma_start3A_509, %dma_start3A_510] : memref<16x8x64xf32, #tpu.memory_space<vmem>> -> memref<1x8x64xf32, #tpu.memory_space<vmem>>
      %dma_start3A_512 = tpu.memref_squeeze %dma_start3A_511 : memref<1x8x64xf32, #tpu.memory_space<vmem>> -> memref<8x64xf32, #tpu.memory_space<vmem>>
      %dma_start3A_513 = arith.constant 0 : i32
      %dma_start3A_514 = tpu.memref_slice %arg7[%multiple_of3A_494, %dma_start3A_513] : memref<100000x64xf32, #tpu.memory_space<hbm>> -> memref<8x64xf32, #tpu.memory_space<hbm>>
      %dma_start3A_515 = arith.constant 0 : i32
      %dma_start3A_516 = arith.constant 0 : i32
      %dma_start3A_517 = tpu.memref_slice %arg14[%dma_start3A_508, %dma_start3A_515, %dma_start3A_516] : memref<16x8x64xf32, #tpu.memory_space<vmem>> -> memref<1x8x64xf32, #tpu.memory_space<vmem>>
      %dma_start3A_518 = tpu.memref_squeeze %dma_start3A_517 : memref<1x8x64xf32, #tpu.memory_space<vmem>> -> memref<8x64xf32, #tpu.memory_space<vmem>>
      %dma_start3A_519 = arith.constant 0 : i32
      %dma_start3A_520 = tpu.memref_slice %arg7[%multiple_of3A_494, %dma_start3A_519] : memref<100000x64xf32, #tpu.memory_space<hbm>> -> memref<8x64xf32, #tpu.memory_space<hbm>>
      tpu.enqueue_dma source(%dma_start3A_520 : memref<8x64xf32, #tpu.memory_space<hbm>>) target(%dma_start3A_518 : memref<8x64xf32, #tpu.memory_space<vmem>>) target_semaphore(%arg20 : memref<!tpu.dma_semaphore, #tpu.memory_space<semaphore_mem>>)
      %dma_start3A_521 = arith.constant 6 : i32
      %dma_start3A_522 = arith.constant 0 : i32
      %dma_start3A_523 = arith.constant 0 : i32
      %dma_start3A_524 = tpu.memref_slice %arg15[%dma_start3A_521, %dma_start3A_522, %dma_start3A_523] : memref<16x8x32xf32, #tpu.memory_space<vmem>> -> memref<1x8x32xf32, #tpu.memory_space<vmem>>
      %dma_start3A_525 = tpu.memref_squeeze %dma_start3A_524 : memref<1x8x32xf32, #tpu.memory_space<vmem>> -> memref<8x32xf32, #tpu.memory_space<vmem>>
      %dma_start3A_526 = arith.constant 0 : i32
      %dma_start3A_527 = tpu.memref_slice %arg8[%multiple_of3A_489, %dma_start3A_526] : memref<1000000x32xf32, #tpu.memory_space<hbm>> -> memref<8x32xf32, #tpu.memory_space<hbm>>
      %dma_start3A_528 = arith.constant 0 : i32
      %dma_start3A_529 = arith.constant 0 : i32
      %dma_start3A_530 = tpu.memref_slice %arg15[%dma_start3A_521, %dma_start3A_528, %dma_start3A_529] : memref<16x8x32xf32, #tpu.memory_space<vmem>> -> memref<1x8x32xf32, #tpu.memory_space<vmem>>
      %dma_start3A_531 = tpu.memref_squeeze %dma_start3A_530 : memref<1x8x32xf32, #tpu.memory_space<vmem>> -> memref<8x32xf32, #tpu.memory_space<vmem>>
      %dma_start3A_532 = arith.constant 0 : i32
      %dma_start3A_533 = tpu.memref_slice %arg8[%multiple_of3A_489, %dma_start3A_532] : memref<1000000x32xf32, #tpu.memory_space<hbm>> -> memref<8x32xf32, #tpu.memory_space<hbm>>
      tpu.enqueue_dma source(%dma_start3A_533 : memref<8x32xf32, #tpu.memory_space<hbm>>) target(%dma_start3A_531 : memref<8x32xf32, #tpu.memory_space<vmem>>) target_semaphore(%arg20 : memref<!tpu.dma_semaphore, #tpu.memory_space<semaphore_mem>>)
      %dma_start3A_534 = arith.constant 6 : i32
      %dma_start3A_535 = arith.constant 0 : i32
      %dma_start3A_536 = arith.constant 0 : i32
      %dma_start3A_537 = tpu.memref_slice %arg16[%dma_start3A_534, %dma_start3A_535, %dma_start3A_536] : memref<16x8x32xf32, #tpu.memory_space<vmem>> -> memref<1x8x32xf32, #tpu.memory_space<vmem>>
      %dma_start3A_538 = tpu.memref_squeeze %dma_start3A_537 : memref<1x8x32xf32, #tpu.memory_space<vmem>> -> memref<8x32xf32, #tpu.memory_space<vmem>>
      %dma_start3A_539 = arith.constant 0 : i32
      %dma_start3A_540 = tpu.memref_slice %arg9[%multiple_of3A_494, %dma_start3A_539] : memref<100000x32xf32, #tpu.memory_space<hbm>> -> memref<8x32xf32, #tpu.memory_space<hbm>>
      %dma_start3A_541 = arith.constant 0 : i32
      %dma_start3A_542 = arith.constant 0 : i32
      %dma_start3A_543 = tpu.memref_slice %arg16[%dma_start3A_534, %dma_start3A_541, %dma_start3A_542] : memref<16x8x32xf32, #tpu.memory_space<vmem>> -> memref<1x8x32xf32, #tpu.memory_space<vmem>>
      %dma_start3A_544 = tpu.memref_squeeze %dma_start3A_543 : memref<1x8x32xf32, #tpu.memory_space<vmem>> -> memref<8x32xf32, #tpu.memory_space<vmem>>
      %dma_start3A_545 = arith.constant 0 : i32
      %dma_start3A_546 = tpu.memref_slice %arg9[%multiple_of3A_494, %dma_start3A_545] : memref<100000x32xf32, #tpu.memory_space<hbm>> -> memref<8x32xf32, #tpu.memory_space<hbm>>
      tpu.enqueue_dma source(%dma_start3A_546 : memref<8x32xf32, #tpu.memory_space<hbm>>) target(%dma_start3A_544 : memref<8x32xf32, #tpu.memory_space<vmem>>) target_semaphore(%arg20 : memref<!tpu.dma_semaphore, #tpu.memory_space<semaphore_mem>>)
      %slice3A_547 = vector.extract_strided_slice %shift_right_logical3A_93 {offsets = [7], sizes = [1], strides = [1]} : vector<16xi32> to vector<1xi32>
      %squeeze3A_548 = vector.extract %slice3A_547[0] : i32 from vector<1xi32>
      %mul3A_549 = arith.constant 8 : i32
      %mul3A_550 = arith.muli %squeeze3A_548, %mul3A_549 : i32
      %multiple_of3A_551 = tpu.assume_multiple %mul3A_550, 8 : i32
      %slice3A_552 = vector.extract_strided_slice %shift_right_logical3A_96 {offsets = [7], sizes = [1], strides = [1]} : vector<16xi32> to vector<1xi32>
      %squeeze3A_553 = vector.extract %slice3A_552[0] : i32 from vector<1xi32>
      %mul3A_554 = arith.constant 8 : i32
      %mul3A_555 = arith.muli %squeeze3A_553, %mul3A_554 : i32
      %multiple_of3A_556 = tpu.assume_multiple %mul3A_555, 8 : i32
      %dma_start3A_557 = arith.constant 7 : i32
      %dma_start3A_558 = arith.constant 0 : i32
      %dma_start3A_559 = arith.constant 0 : i32
      %dma_start3A_560 = tpu.memref_slice %arg13[%dma_start3A_557, %dma_start3A_558, %dma_start3A_559] : memref<16x8x64xf32, #tpu.memory_space<vmem>> -> memref<1x8x64xf32, #tpu.memory_space<vmem>>
      %dma_start3A_561 = tpu.memref_squeeze %dma_start3A_560 : memref<1x8x64xf32, #tpu.memory_space<vmem>> -> memref<8x64xf32, #tpu.memory_space<vmem>>
      %dma_start3A_562 = arith.constant 0 : i32
      %dma_start3A_563 = tpu.memref_slice %arg6[%multiple_of3A_551, %dma_start3A_562] : memref<1000000x64xf32, #tpu.memory_space<hbm>> -> memref<8x64xf32, #tpu.memory_space<hbm>>
      %dma_start3A_564 = arith.constant 0 : i32
      %dma_start3A_565 = arith.constant 0 : i32
      %dma_start3A_566 = tpu.memref_slice %arg13[%dma_start3A_557, %dma_start3A_564, %dma_start3A_565] : memref<16x8x64xf32, #tpu.memory_space<vmem>> -> memref<1x8x64xf32, #tpu.memory_space<vmem>>
      %dma_start3A_567 = tpu.memref_squeeze %dma_start3A_566 : memref<1x8x64xf32, #tpu.memory_space<vmem>> -> memref<8x64xf32, #tpu.memory_space<vmem>>
      %dma_start3A_568 = arith.constant 0 : i32
      %dma_start3A_569 = tpu.memref_slice %arg6[%multiple_of3A_551, %dma_start3A_568] : memref<1000000x64xf32, #tpu.memory_space<hbm>> -> memref<8x64xf32, #tpu.memory_space<hbm>>
      tpu.enqueue_dma source(%dma_start3A_569 : memref<8x64xf32, #tpu.memory_space<hbm>>) target(%dma_start3A_567 : memref<8x64xf32, #tpu.memory_space<vmem>>) target_semaphore(%arg20 : memref<!tpu.dma_semaphore, #tpu.memory_space<semaphore_mem>>)
      %dma_start3A_570 = arith.constant 7 : i32
      %dma_start3A_571 = arith.constant 0 : i32
      %dma_start3A_572 = arith.constant 0 : i32
      %dma_start3A_573 = tpu.memref_slice %arg14[%dma_start3A_570, %dma_start3A_571, %dma_start3A_572] : memref<16x8x64xf32, #tpu.memory_space<vmem>> -> memref<1x8x64xf32, #tpu.memory_space<vmem>>
      %dma_start3A_574 = tpu.memref_squeeze %dma_start3A_573 : memref<1x8x64xf32, #tpu.memory_space<vmem>> -> memref<8x64xf32, #tpu.memory_space<vmem>>
      %dma_start3A_575 = arith.constant 0 : i32
      %dma_start3A_576 = tpu.memref_slice %arg7[%multiple_of3A_556, %dma_start3A_575] : memref<100000x64xf32, #tpu.memory_space<hbm>> -> memref<8x64xf32, #tpu.memory_space<hbm>>
      %dma_start3A_577 = arith.constant 0 : i32
      %dma_start3A_578 = arith.constant 0 : i32
      %dma_start3A_579 = tpu.memref_slice %arg14[%dma_start3A_570, %dma_start3A_577, %dma_start3A_578] : memref<16x8x64xf32, #tpu.memory_space<vmem>> -> memref<1x8x64xf32, #tpu.memory_space<vmem>>
      %dma_start3A_580 = tpu.memref_squeeze %dma_start3A_579 : memref<1x8x64xf32, #tpu.memory_space<vmem>> -> memref<8x64xf32, #tpu.memory_space<vmem>>
      %dma_start3A_581 = arith.constant 0 : i32
      %dma_start3A_582 = tpu.memref_slice %arg7[%multiple_of3A_556, %dma_start3A_581] : memref<100000x64xf32, #tpu.memory_space<hbm>> -> memref<8x64xf32, #tpu.memory_space<hbm>>
      tpu.enqueue_dma source(%dma_start3A_582 : memref<8x64xf32, #tpu.memory_space<hbm>>) target(%dma_start3A_580 : memref<8x64xf32, #tpu.memory_space<vmem>>) target_semaphore(%arg20 : memref<!tpu.dma_semaphore, #tpu.memory_space<semaphore_mem>>)
      %dma_start3A_583 = arith.constant 7 : i32
      %dma_start3A_584 = arith.constant 0 : i32
      %dma_start3A_585 = arith.constant 0 : i32
      %dma_start3A_586 = tpu.memref_slice %arg15[%dma_start3A_583, %dma_start3A_584, %dma_start3A_585] : memref<16x8x32xf32, #tpu.memory_space<vmem>> -> memref<1x8x32xf32, #tpu.memory_space<vmem>>
      %dma_start3A_587 = tpu.memref_squeeze %dma_start3A_586 : memref<1x8x32xf32, #tpu.memory_space<vmem>> -> memref<8x32xf32, #tpu.memory_space<vmem>>
      %dma_start3A_588 = arith.constant 0 : i32
      %dma_start3A_589 = tpu.memref_slice %arg8[%multiple_of3A_551, %dma_start3A_588] : memref<1000000x32xf32, #tpu.memory_space<hbm>> -> memref<8x32xf32, #tpu.memory_space<hbm>>
      %dma_start3A_590 = arith.constant 0 : i32
      %dma_start3A_591 = arith.constant 0 : i32
      %dma_start3A_592 = tpu.memref_slice %arg15[%dma_start3A_583, %dma_start3A_590, %dma_start3A_591] : memref<16x8x32xf32, #tpu.memory_space<vmem>> -> memref<1x8x32xf32, #tpu.memory_space<vmem>>
      %dma_start3A_593 = tpu.memref_squeeze %dma_start3A_592 : memref<1x8x32xf32, #tpu.memory_space<vmem>> -> memref<8x32xf32, #tpu.memory_space<vmem>>
      %dma_start3A_594 = arith.constant 0 : i32
      %dma_start3A_595 = tpu.memref_slice %arg8[%multiple_of3A_551, %dma_start3A_594] : memref<1000000x32xf32, #tpu.memory_space<hbm>> -> memref<8x32xf32, #tpu.memory_space<hbm>>
      tpu.enqueue_dma source(%dma_start3A_595 : memref<8x32xf32, #tpu.memory_space<hbm>>) target(%dma_start3A_593 : memref<8x32xf32, #tpu.memory_space<vmem>>) target_semaphore(%arg20 : memref<!tpu.dma_semaphore, #tpu.memory_space<semaphore_mem>>)
      %dma_start3A_596 = arith.constant 7 : i32
      %dma_start3A_597 = arith.constant 0 : i32
      %dma_start3A_598 = arith.constant 0 : i32
      %dma_start3A_599 = tpu.memref_slice %arg16[%dma_start3A_596, %dma_start3A_597, %dma_start3A_598] : memref<16x8x32xf32, #tpu.memory_space<vmem>> -> memref<1x8x32xf32, #tpu.memory_space<vmem>>
      %dma_start3A_600 = tpu.memref_squeeze %dma_start3A_599 : memref<1x8x32xf32, #tpu.memory_space<vmem>> -> memref<8x32xf32, #tpu.memory_space<vmem>>
      %dma_start3A_601 = arith.constant 0 : i32
      %dma_start3A_602 = tpu.memref_slice %arg9[%multiple_of3A_556, %dma_start3A_601] : memref<100000x32xf32, #tpu.memory_space<hbm>> -> memref<8x32xf32, #tpu.memory_space<hbm>>
      %dma_start3A_603 = arith.constant 0 : i32
      %dma_start3A_604 = arith.constant 0 : i32
      %dma_start3A_605 = tpu.memref_slice %arg16[%dma_start3A_596, %dma_start3A_603, %dma_start3A_604] : memref<16x8x32xf32, #tpu.memory_space<vmem>> -> memref<1x8x32xf32, #tpu.memory_space<vmem>>
      %dma_start3A_606 = tpu.memref_squeeze %dma_start3A_605 : memref<1x8x32xf32, #tpu.memory_space<vmem>> -> memref<8x32xf32, #tpu.memory_space<vmem>>
      %dma_start3A_607 = arith.constant 0 : i32
      %dma_start3A_608 = tpu.memref_slice %arg9[%multiple_of3A_556, %dma_start3A_607] : memref<100000x32xf32, #tpu.memory_space<hbm>> -> memref<8x32xf32, #tpu.memory_space<hbm>>
      tpu.enqueue_dma source(%dma_start3A_608 : memref<8x32xf32, #tpu.memory_space<hbm>>) target(%dma_start3A_606 : memref<8x32xf32, #tpu.memory_space<vmem>>) target_semaphore(%arg20 : memref<!tpu.dma_semaphore, #tpu.memory_space<semaphore_mem>>)
      %slice3A_609 = vector.extract_strided_slice %shift_right_logical3A_93 {offsets = [8], sizes = [1], strides = [1]} : vector<16xi32> to vector<1xi32>
      %squeeze3A_610 = vector.extract %slice3A_609[0] : i32 from vector<1xi32>
      %mul3A_611 = arith.constant 8 : i32
      %mul3A_612 = arith.muli %squeeze3A_610, %mul3A_611 : i32
      %multiple_of3A_613 = tpu.assume_multiple %mul3A_612, 8 : i32
      %slice3A_614 = vector.extract_strided_slice %shift_right_logical3A_96 {offsets = [8], sizes = [1], strides = [1]} : vector<16xi32> to vector<1xi32>
      %squeeze3A_615 = vector.extract %slice3A_614[0] : i32 from vector<1xi32>
      %mul3A_616 = arith.constant 8 : i32
      %mul3A_617 = arith.muli %squeeze3A_615, %mul3A_616 : i32
      %multiple_of3A_618 = tpu.assume_multiple %mul3A_617, 8 : i32
      %dma_start3A_619 = arith.constant 8 : i32
      %dma_start3A_620 = arith.constant 0 : i32
      %dma_start3A_621 = arith.constant 0 : i32
      %dma_start3A_622 = tpu.memref_slice %arg13[%dma_start3A_619, %dma_start3A_620, %dma_start3A_621] : memref<16x8x64xf32, #tpu.memory_space<vmem>> -> memref<1x8x64xf32, #tpu.memory_space<vmem>>
      %dma_start3A_623 = tpu.memref_squeeze %dma_start3A_622 : memref<1x8x64xf32, #tpu.memory_space<vmem>> -> memref<8x64xf32, #tpu.memory_space<vmem>>
      %dma_start3A_624 = arith.constant 0 : i32
      %dma_start3A_625 = tpu.memref_slice %arg6[%multiple_of3A_613, %dma_start3A_624] : memref<1000000x64xf32, #tpu.memory_space<hbm>> -> memref<8x64xf32, #tpu.memory_space<hbm>>
      %dma_start3A_626 = arith.constant 0 : i32
      %dma_start3A_627 = arith.constant 0 : i32
      %dma_start3A_628 = tpu.memref_slice %arg13[%dma_start3A_619, %dma_start3A_626, %dma_start3A_627] : memref<16x8x64xf32, #tpu.memory_space<vmem>> -> memref<1x8x64xf32, #tpu.memory_space<vmem>>
      %dma_start3A_629 = tpu.memref_squeeze %dma_start3A_628 : memref<1x8x64xf32, #tpu.memory_space<vmem>> -> memref<8x64xf32, #tpu.memory_space<vmem>>
      %dma_start3A_630 = arith.constant 0 : i32
      %dma_start3A_631 = tpu.memref_slice %arg6[%multiple_of3A_613, %dma_start3A_630] : memref<1000000x64xf32, #tpu.memory_space<hbm>> -> memref<8x64xf32, #tpu.memory_space<hbm>>
      tpu.enqueue_dma source(%dma_start3A_631 : memref<8x64xf32, #tpu.memory_space<hbm>>) target(%dma_start3A_629 : memref<8x64xf32, #tpu.memory_space<vmem>>) target_semaphore(%arg20 : memref<!tpu.dma_semaphore, #tpu.memory_space<semaphore_mem>>)
      %dma_start3A_632 = arith.constant 8 : i32
      %dma_start3A_633 = arith.constant 0 : i32
      %dma_start3A_634 = arith.constant 0 : i32
      %dma_start3A_635 = tpu.memref_slice %arg14[%dma_start3A_632, %dma_start3A_633, %dma_start3A_634] : memref<16x8x64xf32, #tpu.memory_space<vmem>> -> memref<1x8x64xf32, #tpu.memory_space<vmem>>
      %dma_start3A_636 = tpu.memref_squeeze %dma_start3A_635 : memref<1x8x64xf32, #tpu.memory_space<vmem>> -> memref<8x64xf32, #tpu.memory_space<vmem>>
      %dma_start3A_637 = arith.constant 0 : i32
      %dma_start3A_638 = tpu.memref_slice %arg7[%multiple_of3A_618, %dma_start3A_637] : memref<100000x64xf32, #tpu.memory_space<hbm>> -> memref<8x64xf32, #tpu.memory_space<hbm>>
      %dma_start3A_639 = arith.constant 0 : i32
      %dma_start3A_640 = arith.constant 0 : i32
      %dma_start3A_641 = tpu.memref_slice %arg14[%dma_start3A_632, %dma_start3A_639, %dma_start3A_640] : memref<16x8x64xf32, #tpu.memory_space<vmem>> -> memref<1x8x64xf32, #tpu.memory_space<vmem>>
      %dma_start3A_642 = tpu.memref_squeeze %dma_start3A_641 : memref<1x8x64xf32, #tpu.memory_space<vmem>> -> memref<8x64xf32, #tpu.memory_space<vmem>>
      %dma_start3A_643 = arith.constant 0 : i32
      %dma_start3A_644 = tpu.memref_slice %arg7[%multiple_of3A_618, %dma_start3A_643] : memref<100000x64xf32, #tpu.memory_space<hbm>> -> memref<8x64xf32, #tpu.memory_space<hbm>>
      tpu.enqueue_dma source(%dma_start3A_644 : memref<8x64xf32, #tpu.memory_space<hbm>>) target(%dma_start3A_642 : memref<8x64xf32, #tpu.memory_space<vmem>>) target_semaphore(%arg20 : memref<!tpu.dma_semaphore, #tpu.memory_space<semaphore_mem>>)
      %dma_start3A_645 = arith.constant 8 : i32
      %dma_start3A_646 = arith.constant 0 : i32
      %dma_start3A_647 = arith.constant 0 : i32
      %dma_start3A_648 = tpu.memref_slice %arg15[%dma_start3A_645, %dma_start3A_646, %dma_start3A_647] : memref<16x8x32xf32, #tpu.memory_space<vmem>> -> memref<1x8x32xf32, #tpu.memory_space<vmem>>
      %dma_start3A_649 = tpu.memref_squeeze %dma_start3A_648 : memref<1x8x32xf32, #tpu.memory_space<vmem>> -> memref<8x32xf32, #tpu.memory_space<vmem>>
      %dma_start3A_650 = arith.constant 0 : i32
      %dma_start3A_651 = tpu.memref_slice %arg8[%multiple_of3A_613, %dma_start3A_650] : memref<1000000x32xf32, #tpu.memory_space<hbm>> -> memref<8x32xf32, #tpu.memory_space<hbm>>
      %dma_start3A_652 = arith.constant 0 : i32
      %dma_start3A_653 = arith.constant 0 : i32
      %dma_start3A_654 = tpu.memref_slice %arg15[%dma_start3A_645, %dma_start3A_652, %dma_start3A_653] : memref<16x8x32xf32, #tpu.memory_space<vmem>> -> memref<1x8x32xf32, #tpu.memory_space<vmem>>
      %dma_start3A_655 = tpu.memref_squeeze %dma_start3A_654 : memref<1x8x32xf32, #tpu.memory_space<vmem>> -> memref<8x32xf32, #tpu.memory_space<vmem>>
      %dma_start3A_656 = arith.constant 0 : i32
      %dma_start3A_657 = tpu.memref_slice %arg8[%multiple_of3A_613, %dma_start3A_656] : memref<1000000x32xf32, #tpu.memory_space<hbm>> -> memref<8x32xf32, #tpu.memory_space<hbm>>
      tpu.enqueue_dma source(%dma_start3A_657 : memref<8x32xf32, #tpu.memory_space<hbm>>) target(%dma_start3A_655 : memref<8x32xf32, #tpu.memory_space<vmem>>) target_semaphore(%arg20 : memref<!tpu.dma_semaphore, #tpu.memory_space<semaphore_mem>>)
      %dma_start3A_658 = arith.constant 8 : i32
      %dma_start3A_659 = arith.constant 0 : i32
      %dma_start3A_660 = arith.constant 0 : i32
      %dma_start3A_661 = tpu.memref_slice %arg16[%dma_start3A_658, %dma_start3A_659, %dma_start3A_660] : memref<16x8x32xf32, #tpu.memory_space<vmem>> -> memref<1x8x32xf32, #tpu.memory_space<vmem>>
      %dma_start3A_662 = tpu.memref_squeeze %dma_start3A_661 : memref<1x8x32xf32, #tpu.memory_space<vmem>> -> memref<8x32xf32, #tpu.memory_space<vmem>>
      %dma_start3A_663 = arith.constant 0 : i32
      %dma_start3A_664 = tpu.memref_slice %arg9[%multiple_of3A_618, %dma_start3A_663] : memref<100000x32xf32, #tpu.memory_space<hbm>> -> memref<8x32xf32, #tpu.memory_space<hbm>>
      %dma_start3A_665 = arith.constant 0 : i32
      %dma_start3A_666 = arith.constant 0 : i32
      %dma_start3A_667 = tpu.memref_slice %arg16[%dma_start3A_658, %dma_start3A_665, %dma_start3A_666] : memref<16x8x32xf32, #tpu.memory_space<vmem>> -> memref<1x8x32xf32, #tpu.memory_space<vmem>>
      %dma_start3A_668 = tpu.memref_squeeze %dma_start3A_667 : memref<1x8x32xf32, #tpu.memory_space<vmem>> -> memref<8x32xf32, #tpu.memory_space<vmem>>
      %dma_start3A_669 = arith.constant 0 : i32
      %dma_start3A_670 = tpu.memref_slice %arg9[%multiple_of3A_618, %dma_start3A_669] : memref<100000x32xf32, #tpu.memory_space<hbm>> -> memref<8x32xf32, #tpu.memory_space<hbm>>
      tpu.enqueue_dma source(%dma_start3A_670 : memref<8x32xf32, #tpu.memory_space<hbm>>) target(%dma_start3A_668 : memref<8x32xf32, #tpu.memory_space<vmem>>) target_semaphore(%arg20 : memref<!tpu.dma_semaphore, #tpu.memory_space<semaphore_mem>>)
      %slice3A_671 = vector.extract_strided_slice %shift_right_logical3A_93 {offsets = [9], sizes = [1], strides = [1]} : vector<16xi32> to vector<1xi32>
      %squeeze3A_672 = vector.extract %slice3A_671[0] : i32 from vector<1xi32>
      %mul3A_673 = arith.constant 8 : i32
      %mul3A_674 = arith.muli %squeeze3A_672, %mul3A_673 : i32
      %multiple_of3A_675 = tpu.assume_multiple %mul3A_674, 8 : i32
      %slice3A_676 = vector.extract_strided_slice %shift_right_logical3A_96 {offsets = [9], sizes = [1], strides = [1]} : vector<16xi32> to vector<1xi32>
      %squeeze3A_677 = vector.extract %slice3A_676[0] : i32 from vector<1xi32>
      %mul3A_678 = arith.constant 8 : i32
      %mul3A_679 = arith.muli %squeeze3A_677, %mul3A_678 : i32
      %multiple_of3A_680 = tpu.assume_multiple %mul3A_679, 8 : i32
      %dma_start3A_681 = arith.constant 9 : i32
      %dma_start3A_682 = arith.constant 0 : i32
      %dma_start3A_683 = arith.constant 0 : i32
      %dma_start3A_684 = tpu.memref_slice %arg13[%dma_start3A_681, %dma_start3A_682, %dma_start3A_683] : memref<16x8x64xf32, #tpu.memory_space<vmem>> -> memref<1x8x64xf32, #tpu.memory_space<vmem>>
      %dma_start3A_685 = tpu.memref_squeeze %dma_start3A_684 : memref<1x8x64xf32, #tpu.memory_space<vmem>> -> memref<8x64xf32, #tpu.memory_space<vmem>>
      %dma_start3A_686 = arith.constant 0 : i32
      %dma_start3A_687 = tpu.memref_slice %arg6[%multiple_of3A_675, %dma_start3A_686] : memref<1000000x64xf32, #tpu.memory_space<hbm>> -> memref<8x64xf32, #tpu.memory_space<hbm>>
      %dma_start3A_688 = arith.constant 0 : i32
      %dma_start3A_689 = arith.constant 0 : i32
      %dma_start3A_690 = tpu.memref_slice %arg13[%dma_start3A_681, %dma_start3A_688, %dma_start3A_689] : memref<16x8x64xf32, #tpu.memory_space<vmem>> -> memref<1x8x64xf32, #tpu.memory_space<vmem>>
      %dma_start3A_691 = tpu.memref_squeeze %dma_start3A_690 : memref<1x8x64xf32, #tpu.memory_space<vmem>> -> memref<8x64xf32, #tpu.memory_space<vmem>>
      %dma_start3A_692 = arith.constant 0 : i32
      %dma_start3A_693 = tpu.memref_slice %arg6[%multiple_of3A_675, %dma_start3A_692] : memref<1000000x64xf32, #tpu.memory_space<hbm>> -> memref<8x64xf32, #tpu.memory_space<hbm>>
      tpu.enqueue_dma source(%dma_start3A_693 : memref<8x64xf32, #tpu.memory_space<hbm>>) target(%dma_start3A_691 : memref<8x64xf32, #tpu.memory_space<vmem>>) target_semaphore(%arg20 : memref<!tpu.dma_semaphore, #tpu.memory_space<semaphore_mem>>)
      %dma_start3A_694 = arith.constant 9 : i32
      %dma_start3A_695 = arith.constant 0 : i32
      %dma_start3A_696 = arith.constant 0 : i32
      %dma_start3A_697 = tpu.memref_slice %arg14[%dma_start3A_694, %dma_start3A_695, %dma_start3A_696] : memref<16x8x64xf32, #tpu.memory_space<vmem>> -> memref<1x8x64xf32, #tpu.memory_space<vmem>>
      %dma_start3A_698 = tpu.memref_squeeze %dma_start3A_697 : memref<1x8x64xf32, #tpu.memory_space<vmem>> -> memref<8x64xf32, #tpu.memory_space<vmem>>
      %dma_start3A_699 = arith.constant 0 : i32
      %dma_start3A_700 = tpu.memref_slice %arg7[%multiple_of3A_680, %dma_start3A_699] : memref<100000x64xf32, #tpu.memory_space<hbm>> -> memref<8x64xf32, #tpu.memory_space<hbm>>
      %dma_start3A_701 = arith.constant 0 : i32
      %dma_start3A_702 = arith.constant 0 : i32
      %dma_start3A_703 = tpu.memref_slice %arg14[%dma_start3A_694, %dma_start3A_701, %dma_start3A_702] : memref<16x8x64xf32, #tpu.memory_space<vmem>> -> memref<1x8x64xf32, #tpu.memory_space<vmem>>
      %dma_start3A_704 = tpu.memref_squeeze %dma_start3A_703 : memref<1x8x64xf32, #tpu.memory_space<vmem>> -> memref<8x64xf32, #tpu.memory_space<vmem>>
      %dma_start3A_705 = arith.constant 0 : i32
      %dma_start3A_706 = tpu.memref_slice %arg7[%multiple_of3A_680, %dma_start3A_705] : memref<100000x64xf32, #tpu.memory_space<hbm>> -> memref<8x64xf32, #tpu.memory_space<hbm>>
      tpu.enqueue_dma source(%dma_start3A_706 : memref<8x64xf32, #tpu.memory_space<hbm>>) target(%dma_start3A_704 : memref<8x64xf32, #tpu.memory_space<vmem>>) target_semaphore(%arg20 : memref<!tpu.dma_semaphore, #tpu.memory_space<semaphore_mem>>)
      %dma_start3A_707 = arith.constant 9 : i32
      %dma_start3A_708 = arith.constant 0 : i32
      %dma_start3A_709 = arith.constant 0 : i32
      %dma_start3A_710 = tpu.memref_slice %arg15[%dma_start3A_707, %dma_start3A_708, %dma_start3A_709] : memref<16x8x32xf32, #tpu.memory_space<vmem>> -> memref<1x8x32xf32, #tpu.memory_space<vmem>>
      %dma_start3A_711 = tpu.memref_squeeze %dma_start3A_710 : memref<1x8x32xf32, #tpu.memory_space<vmem>> -> memref<8x32xf32, #tpu.memory_space<vmem>>
      %dma_start3A_712 = arith.constant 0 : i32
      %dma_start3A_713 = tpu.memref_slice %arg8[%multiple_of3A_675, %dma_start3A_712] : memref<1000000x32xf32, #tpu.memory_space<hbm>> -> memref<8x32xf32, #tpu.memory_space<hbm>>
      %dma_start3A_714 = arith.constant 0 : i32
      %dma_start3A_715 = arith.constant 0 : i32
      %dma_start3A_716 = tpu.memref_slice %arg15[%dma_start3A_707, %dma_start3A_714, %dma_start3A_715] : memref<16x8x32xf32, #tpu.memory_space<vmem>> -> memref<1x8x32xf32, #tpu.memory_space<vmem>>
      %dma_start3A_717 = tpu.memref_squeeze %dma_start3A_716 : memref<1x8x32xf32, #tpu.memory_space<vmem>> -> memref<8x32xf32, #tpu.memory_space<vmem>>
      %dma_start3A_718 = arith.constant 0 : i32
      %dma_start3A_719 = tpu.memref_slice %arg8[%multiple_of3A_675, %dma_start3A_718] : memref<1000000x32xf32, #tpu.memory_space<hbm>> -> memref<8x32xf32, #tpu.memory_space<hbm>>
      tpu.enqueue_dma source(%dma_start3A_719 : memref<8x32xf32, #tpu.memory_space<hbm>>) target(%dma_start3A_717 : memref<8x32xf32, #tpu.memory_space<vmem>>) target_semaphore(%arg20 : memref<!tpu.dma_semaphore, #tpu.memory_space<semaphore_mem>>)
      %dma_start3A_720 = arith.constant 9 : i32
      %dma_start3A_721 = arith.constant 0 : i32
      %dma_start3A_722 = arith.constant 0 : i32
      %dma_start3A_723 = tpu.memref_slice %arg16[%dma_start3A_720, %dma_start3A_721, %dma_start3A_722] : memref<16x8x32xf32, #tpu.memory_space<vmem>> -> memref<1x8x32xf32, #tpu.memory_space<vmem>>
      %dma_start3A_724 = tpu.memref_squeeze %dma_start3A_723 : memref<1x8x32xf32, #tpu.memory_space<vmem>> -> memref<8x32xf32, #tpu.memory_space<vmem>>
      %dma_start3A_725 = arith.constant 0 : i32
      %dma_start3A_726 = tpu.memref_slice %arg9[%multiple_of3A_680, %dma_start3A_725] : memref<100000x32xf32, #tpu.memory_space<hbm>> -> memref<8x32xf32, #tpu.memory_space<hbm>>
      %dma_start3A_727 = arith.constant 0 : i32
      %dma_start3A_728 = arith.constant 0 : i32
      %dma_start3A_729 = tpu.memref_slice %arg16[%dma_start3A_720, %dma_start3A_727, %dma_start3A_728] : memref<16x8x32xf32, #tpu.memory_space<vmem>> -> memref<1x8x32xf32, #tpu.memory_space<vmem>>
      %dma_start3A_730 = tpu.memref_squeeze %dma_start3A_729 : memref<1x8x32xf32, #tpu.memory_space<vmem>> -> memref<8x32xf32, #tpu.memory_space<vmem>>
      %dma_start3A_731 = arith.constant 0 : i32
      %dma_start3A_732 = tpu.memref_slice %arg9[%multiple_of3A_680, %dma_start3A_731] : memref<100000x32xf32, #tpu.memory_space<hbm>> -> memref<8x32xf32, #tpu.memory_space<hbm>>
      tpu.enqueue_dma source(%dma_start3A_732 : memref<8x32xf32, #tpu.memory_space<hbm>>) target(%dma_start3A_730 : memref<8x32xf32, #tpu.memory_space<vmem>>) target_semaphore(%arg20 : memref<!tpu.dma_semaphore, #tpu.memory_space<semaphore_mem>>)
      %slice3A_733 = vector.extract_strided_slice %shift_right_logical3A_93 {offsets = [10], sizes = [1], strides = [1]} : vector<16xi32> to vector<1xi32>
      %squeeze3A_734 = vector.extract %slice3A_733[0] : i32 from vector<1xi32>
      %mul3A_735 = arith.constant 8 : i32
      %mul3A_736 = arith.muli %squeeze3A_734, %mul3A_735 : i32
      %multiple_of3A_737 = tpu.assume_multiple %mul3A_736, 8 : i32
      %slice3A_738 = vector.extract_strided_slice %shift_right_logical3A_96 {offsets = [10], sizes = [1], strides = [1]} : vector<16xi32> to vector<1xi32>
      %squeeze3A_739 = vector.extract %slice3A_738[0] : i32 from vector<1xi32>
      %mul3A_740 = arith.constant 8 : i32
      %mul3A_741 = arith.muli %squeeze3A_739, %mul3A_740 : i32
      %multiple_of3A_742 = tpu.assume_multiple %mul3A_741, 8 : i32
      %dma_start3A_743 = arith.constant 10 : i32
      %dma_start3A_744 = arith.constant 0 : i32
      %dma_start3A_745 = arith.constant 0 : i32
      %dma_start3A_746 = tpu.memref_slice %arg13[%dma_start3A_743, %dma_start3A_744, %dma_start3A_745] : memref<16x8x64xf32, #tpu.memory_space<vmem>> -> memref<1x8x64xf32, #tpu.memory_space<vmem>>
      %dma_start3A_747 = tpu.memref_squeeze %dma_start3A_746 : memref<1x8x64xf32, #tpu.memory_space<vmem>> -> memref<8x64xf32, #tpu.memory_space<vmem>>
      %dma_start3A_748 = arith.constant 0 : i32
      %dma_start3A_749 = tpu.memref_slice %arg6[%multiple_of3A_737, %dma_start3A_748] : memref<1000000x64xf32, #tpu.memory_space<hbm>> -> memref<8x64xf32, #tpu.memory_space<hbm>>
      %dma_start3A_750 = arith.constant 0 : i32
      %dma_start3A_751 = arith.constant 0 : i32
      %dma_start3A_752 = tpu.memref_slice %arg13[%dma_start3A_743, %dma_start3A_750, %dma_start3A_751] : memref<16x8x64xf32, #tpu.memory_space<vmem>> -> memref<1x8x64xf32, #tpu.memory_space<vmem>>
      %dma_start3A_753 = tpu.memref_squeeze %dma_start3A_752 : memref<1x8x64xf32, #tpu.memory_space<vmem>> -> memref<8x64xf32, #tpu.memory_space<vmem>>
      %dma_start3A_754 = arith.constant 0 : i32
      %dma_start3A_755 = tpu.memref_slice %arg6[%multiple_of3A_737, %dma_start3A_754] : memref<1000000x64xf32, #tpu.memory_space<hbm>> -> memref<8x64xf32, #tpu.memory_space<hbm>>
      tpu.enqueue_dma source(%dma_start3A_755 : memref<8x64xf32, #tpu.memory_space<hbm>>) target(%dma_start3A_753 : memref<8x64xf32, #tpu.memory_space<vmem>>) target_semaphore(%arg20 : memref<!tpu.dma_semaphore, #tpu.memory_space<semaphore_mem>>)
      %dma_start3A_756 = arith.constant 10 : i32
      %dma_start3A_757 = arith.constant 0 : i32
      %dma_start3A_758 = arith.constant 0 : i32
      %dma_start3A_759 = tpu.memref_slice %arg14[%dma_start3A_756, %dma_start3A_757, %dma_start3A_758] : memref<16x8x64xf32, #tpu.memory_space<vmem>> -> memref<1x8x64xf32, #tpu.memory_space<vmem>>
      %dma_start3A_760 = tpu.memref_squeeze %dma_start3A_759 : memref<1x8x64xf32, #tpu.memory_space<vmem>> -> memref<8x64xf32, #tpu.memory_space<vmem>>
      %dma_start3A_761 = arith.constant 0 : i32
      %dma_start3A_762 = tpu.memref_slice %arg7[%multiple_of3A_742, %dma_start3A_761] : memref<100000x64xf32, #tpu.memory_space<hbm>> -> memref<8x64xf32, #tpu.memory_space<hbm>>
      %dma_start3A_763 = arith.constant 0 : i32
      %dma_start3A_764 = arith.constant 0 : i32
      %dma_start3A_765 = tpu.memref_slice %arg14[%dma_start3A_756, %dma_start3A_763, %dma_start3A_764] : memref<16x8x64xf32, #tpu.memory_space<vmem>> -> memref<1x8x64xf32, #tpu.memory_space<vmem>>
      %dma_start3A_766 = tpu.memref_squeeze %dma_start3A_765 : memref<1x8x64xf32, #tpu.memory_space<vmem>> -> memref<8x64xf32, #tpu.memory_space<vmem>>
      %dma_start3A_767 = arith.constant 0 : i32
      %dma_start3A_768 = tpu.memref_slice %arg7[%multiple_of3A_742, %dma_start3A_767] : memref<100000x64xf32, #tpu.memory_space<hbm>> -> memref<8x64xf32, #tpu.memory_space<hbm>>
      tpu.enqueue_dma source(%dma_start3A_768 : memref<8x64xf32, #tpu.memory_space<hbm>>) target(%dma_start3A_766 : memref<8x64xf32, #tpu.memory_space<vmem>>) target_semaphore(%arg20 : memref<!tpu.dma_semaphore, #tpu.memory_space<semaphore_mem>>)
      %dma_start3A_769 = arith.constant 10 : i32
      %dma_start3A_770 = arith.constant 0 : i32
      %dma_start3A_771 = arith.constant 0 : i32
      %dma_start3A_772 = tpu.memref_slice %arg15[%dma_start3A_769, %dma_start3A_770, %dma_start3A_771] : memref<16x8x32xf32, #tpu.memory_space<vmem>> -> memref<1x8x32xf32, #tpu.memory_space<vmem>>
      %dma_start3A_773 = tpu.memref_squeeze %dma_start3A_772 : memref<1x8x32xf32, #tpu.memory_space<vmem>> -> memref<8x32xf32, #tpu.memory_space<vmem>>
      %dma_start3A_774 = arith.constant 0 : i32
      %dma_start3A_775 = tpu.memref_slice %arg8[%multiple_of3A_737, %dma_start3A_774] : memref<1000000x32xf32, #tpu.memory_space<hbm>> -> memref<8x32xf32, #tpu.memory_space<hbm>>
      %dma_start3A_776 = arith.constant 0 : i32
      %dma_start3A_777 = arith.constant 0 : i32
      %dma_start3A_778 = tpu.memref_slice %arg15[%dma_start3A_769, %dma_start3A_776, %dma_start3A_777] : memref<16x8x32xf32, #tpu.memory_space<vmem>> -> memref<1x8x32xf32, #tpu.memory_space<vmem>>
      %dma_start3A_779 = tpu.memref_squeeze %dma_start3A_778 : memref<1x8x32xf32, #tpu.memory_space<vmem>> -> memref<8x32xf32, #tpu.memory_space<vmem>>
      %dma_start3A_780 = arith.constant 0 : i32
      %dma_start3A_781 = tpu.memref_slice %arg8[%multiple_of3A_737, %dma_start3A_780] : memref<1000000x32xf32, #tpu.memory_space<hbm>> -> memref<8x32xf32, #tpu.memory_space<hbm>>
      tpu.enqueue_dma source(%dma_start3A_781 : memref<8x32xf32, #tpu.memory_space<hbm>>) target(%dma_start3A_779 : memref<8x32xf32, #tpu.memory_space<vmem>>) target_semaphore(%arg20 : memref<!tpu.dma_semaphore, #tpu.memory_space<semaphore_mem>>)
      %dma_start3A_782 = arith.constant 10 : i32
      %dma_start3A_783 = arith.constant 0 : i32
      %dma_start3A_784 = arith.constant 0 : i32
      %dma_start3A_785 = tpu.memref_slice %arg16[%dma_start3A_782, %dma_start3A_783, %dma_start3A_784] : memref<16x8x32xf32, #tpu.memory_space<vmem>> -> memref<1x8x32xf32, #tpu.memory_space<vmem>>
      %dma_start3A_786 = tpu.memref_squeeze %dma_start3A_785 : memref<1x8x32xf32, #tpu.memory_space<vmem>> -> memref<8x32xf32, #tpu.memory_space<vmem>>
      %dma_start3A_787 = arith.constant 0 : i32
      %dma_start3A_788 = tpu.memref_slice %arg9[%multiple_of3A_742, %dma_start3A_787] : memref<100000x32xf32, #tpu.memory_space<hbm>> -> memref<8x32xf32, #tpu.memory_space<hbm>>
      %dma_start3A_789 = arith.constant 0 : i32
      %dma_start3A_790 = arith.constant 0 : i32
      %dma_start3A_791 = tpu.memref_slice %arg16[%dma_start3A_782, %dma_start3A_789, %dma_start3A_790] : memref<16x8x32xf32, #tpu.memory_space<vmem>> -> memref<1x8x32xf32, #tpu.memory_space<vmem>>
      %dma_start3A_792 = tpu.memref_squeeze %dma_start3A_791 : memref<1x8x32xf32, #tpu.memory_space<vmem>> -> memref<8x32xf32, #tpu.memory_space<vmem>>
      %dma_start3A_793 = arith.constant 0 : i32
      %dma_start3A_794 = tpu.memref_slice %arg9[%multiple_of3A_742, %dma_start3A_793] : memref<100000x32xf32, #tpu.memory_space<hbm>> -> memref<8x32xf32, #tpu.memory_space<hbm>>
      tpu.enqueue_dma source(%dma_start3A_794 : memref<8x32xf32, #tpu.memory_space<hbm>>) target(%dma_start3A_792 : memref<8x32xf32, #tpu.memory_space<vmem>>) target_semaphore(%arg20 : memref<!tpu.dma_semaphore, #tpu.memory_space<semaphore_mem>>)
      %slice3A_795 = vector.extract_strided_slice %shift_right_logical3A_93 {offsets = [11], sizes = [1], strides = [1]} : vector<16xi32> to vector<1xi32>
      %squeeze3A_796 = vector.extract %slice3A_795[0] : i32 from vector<1xi32>
      %mul3A_797 = arith.constant 8 : i32
      %mul3A_798 = arith.muli %squeeze3A_796, %mul3A_797 : i32
      %multiple_of3A_799 = tpu.assume_multiple %mul3A_798, 8 : i32
      %slice3A_800 = vector.extract_strided_slice %shift_right_logical3A_96 {offsets = [11], sizes = [1], strides = [1]} : vector<16xi32> to vector<1xi32>
      %squeeze3A_801 = vector.extract %slice3A_800[0] : i32 from vector<1xi32>
      %mul3A_802 = arith.constant 8 : i32
      %mul3A_803 = arith.muli %squeeze3A_801, %mul3A_802 : i32
      %multiple_of3A_804 = tpu.assume_multiple %mul3A_803, 8 : i32
      %dma_start3A_805 = arith.constant 11 : i32
      %dma_start3A_806 = arith.constant 0 : i32
      %dma_start3A_807 = arith.constant 0 : i32
      %dma_start3A_808 = tpu.memref_slice %arg13[%dma_start3A_805, %dma_start3A_806, %dma_start3A_807] : memref<16x8x64xf32, #tpu.memory_space<vmem>> -> memref<1x8x64xf32, #tpu.memory_space<vmem>>
      %dma_start3A_809 = tpu.memref_squeeze %dma_start3A_808 : memref<1x8x64xf32, #tpu.memory_space<vmem>> -> memref<8x64xf32, #tpu.memory_space<vmem>>
      %dma_start3A_810 = arith.constant 0 : i32
      %dma_start3A_811 = tpu.memref_slice %arg6[%multiple_of3A_799, %dma_start3A_810] : memref<1000000x64xf32, #tpu.memory_space<hbm>> -> memref<8x64xf32, #tpu.memory_space<hbm>>
      %dma_start3A_812 = arith.constant 0 : i32
      %dma_start3A_813 = arith.constant 0 : i32
      %dma_start3A_814 = tpu.memref_slice %arg13[%dma_start3A_805, %dma_start3A_812, %dma_start3A_813] : memref<16x8x64xf32, #tpu.memory_space<vmem>> -> memref<1x8x64xf32, #tpu.memory_space<vmem>>
      %dma_start3A_815 = tpu.memref_squeeze %dma_start3A_814 : memref<1x8x64xf32, #tpu.memory_space<vmem>> -> memref<8x64xf32, #tpu.memory_space<vmem>>
      %dma_start3A_816 = arith.constant 0 : i32
      %dma_start3A_817 = tpu.memref_slice %arg6[%multiple_of3A_799, %dma_start3A_816] : memref<1000000x64xf32, #tpu.memory_space<hbm>> -> memref<8x64xf32, #tpu.memory_space<hbm>>
      tpu.enqueue_dma source(%dma_start3A_817 : memref<8x64xf32, #tpu.memory_space<hbm>>) target(%dma_start3A_815 : memref<8x64xf32, #tpu.memory_space<vmem>>) target_semaphore(%arg20 : memref<!tpu.dma_semaphore, #tpu.memory_space<semaphore_mem>>)
      %dma_start3A_818 = arith.constant 11 : i32
      %dma_start3A_819 = arith.constant 0 : i32
      %dma_start3A_820 = arith.constant 0 : i32
      %dma_start3A_821 = tpu.memref_slice %arg14[%dma_start3A_818, %dma_start3A_819, %dma_start3A_820] : memref<16x8x64xf32, #tpu.memory_space<vmem>> -> memref<1x8x64xf32, #tpu.memory_space<vmem>>
      %dma_start3A_822 = tpu.memref_squeeze %dma_start3A_821 : memref<1x8x64xf32, #tpu.memory_space<vmem>> -> memref<8x64xf32, #tpu.memory_space<vmem>>
      %dma_start3A_823 = arith.constant 0 : i32
      %dma_start3A_824 = tpu.memref_slice %arg7[%multiple_of3A_804, %dma_start3A_823] : memref<100000x64xf32, #tpu.memory_space<hbm>> -> memref<8x64xf32, #tpu.memory_space<hbm>>
      %dma_start3A_825 = arith.constant 0 : i32
      %dma_start3A_826 = arith.constant 0 : i32
      %dma_start3A_827 = tpu.memref_slice %arg14[%dma_start3A_818, %dma_start3A_825, %dma_start3A_826] : memref<16x8x64xf32, #tpu.memory_space<vmem>> -> memref<1x8x64xf32, #tpu.memory_space<vmem>>
      %dma_start3A_828 = tpu.memref_squeeze %dma_start3A_827 : memref<1x8x64xf32, #tpu.memory_space<vmem>> -> memref<8x64xf32, #tpu.memory_space<vmem>>
      %dma_start3A_829 = arith.constant 0 : i32
      %dma_start3A_830 = tpu.memref_slice %arg7[%multiple_of3A_804, %dma_start3A_829] : memref<100000x64xf32, #tpu.memory_space<hbm>> -> memref<8x64xf32, #tpu.memory_space<hbm>>
      tpu.enqueue_dma source(%dma_start3A_830 : memref<8x64xf32, #tpu.memory_space<hbm>>) target(%dma_start3A_828 : memref<8x64xf32, #tpu.memory_space<vmem>>) target_semaphore(%arg20 : memref<!tpu.dma_semaphore, #tpu.memory_space<semaphore_mem>>)
      %dma_start3A_831 = arith.constant 11 : i32
      %dma_start3A_832 = arith.constant 0 : i32
      %dma_start3A_833 = arith.constant 0 : i32
      %dma_start3A_834 = tpu.memref_slice %arg15[%dma_start3A_831, %dma_start3A_832, %dma_start3A_833] : memref<16x8x32xf32, #tpu.memory_space<vmem>> -> memref<1x8x32xf32, #tpu.memory_space<vmem>>
      %dma_start3A_835 = tpu.memref_squeeze %dma_start3A_834 : memref<1x8x32xf32, #tpu.memory_space<vmem>> -> memref<8x32xf32, #tpu.memory_space<vmem>>
      %dma_start3A_836 = arith.constant 0 : i32
      %dma_start3A_837 = tpu.memref_slice %arg8[%multiple_of3A_799, %dma_start3A_836] : memref<1000000x32xf32, #tpu.memory_space<hbm>> -> memref<8x32xf32, #tpu.memory_space<hbm>>
      %dma_start3A_838 = arith.constant 0 : i32
      %dma_start3A_839 = arith.constant 0 : i32
      %dma_start3A_840 = tpu.memref_slice %arg15[%dma_start3A_831, %dma_start3A_838, %dma_start3A_839] : memref<16x8x32xf32, #tpu.memory_space<vmem>> -> memref<1x8x32xf32, #tpu.memory_space<vmem>>
      %dma_start3A_841 = tpu.memref_squeeze %dma_start3A_840 : memref<1x8x32xf32, #tpu.memory_space<vmem>> -> memref<8x32xf32, #tpu.memory_space<vmem>>
      %dma_start3A_842 = arith.constant 0 : i32
      %dma_start3A_843 = tpu.memref_slice %arg8[%multiple_of3A_799, %dma_start3A_842] : memref<1000000x32xf32, #tpu.memory_space<hbm>> -> memref<8x32xf32, #tpu.memory_space<hbm>>
      tpu.enqueue_dma source(%dma_start3A_843 : memref<8x32xf32, #tpu.memory_space<hbm>>) target(%dma_start3A_841 : memref<8x32xf32, #tpu.memory_space<vmem>>) target_semaphore(%arg20 : memref<!tpu.dma_semaphore, #tpu.memory_space<semaphore_mem>>)
      %dma_start3A_844 = arith.constant 11 : i32
      %dma_start3A_845 = arith.constant 0 : i32
      %dma_start3A_846 = arith.constant 0 : i32
      %dma_start3A_847 = tpu.memref_slice %arg16[%dma_start3A_844, %dma_start3A_845, %dma_start3A_846] : memref<16x8x32xf32, #tpu.memory_space<vmem>> -> memref<1x8x32xf32, #tpu.memory_space<vmem>>
      %dma_start3A_848 = tpu.memref_squeeze %dma_start3A_847 : memref<1x8x32xf32, #tpu.memory_space<vmem>> -> memref<8x32xf32, #tpu.memory_space<vmem>>
      %dma_start3A_849 = arith.constant 0 : i32
      %dma_start3A_850 = tpu.memref_slice %arg9[%multiple_of3A_804, %dma_start3A_849] : memref<100000x32xf32, #tpu.memory_space<hbm>> -> memref<8x32xf32, #tpu.memory_space<hbm>>
      %dma_start3A_851 = arith.constant 0 : i32
      %dma_start3A_852 = arith.constant 0 : i32
      %dma_start3A_853 = tpu.memref_slice %arg16[%dma_start3A_844, %dma_start3A_851, %dma_start3A_852] : memref<16x8x32xf32, #tpu.memory_space<vmem>> -> memref<1x8x32xf32, #tpu.memory_space<vmem>>
      %dma_start3A_854 = tpu.memref_squeeze %dma_start3A_853 : memref<1x8x32xf32, #tpu.memory_space<vmem>> -> memref<8x32xf32, #tpu.memory_space<vmem>>
      %dma_start3A_855 = arith.constant 0 : i32
      %dma_start3A_856 = tpu.memref_slice %arg9[%multiple_of3A_804, %dma_start3A_855] : memref<100000x32xf32, #tpu.memory_space<hbm>> -> memref<8x32xf32, #tpu.memory_space<hbm>>
      tpu.enqueue_dma source(%dma_start3A_856 : memref<8x32xf32, #tpu.memory_space<hbm>>) target(%dma_start3A_854 : memref<8x32xf32, #tpu.memory_space<vmem>>) target_semaphore(%arg20 : memref<!tpu.dma_semaphore, #tpu.memory_space<semaphore_mem>>)
      %slice3A_857 = vector.extract_strided_slice %shift_right_logical3A_93 {offsets = [12], sizes = [1], strides = [1]} : vector<16xi32> to vector<1xi32>
      %squeeze3A_858 = vector.extract %slice3A_857[0] : i32 from vector<1xi32>
      %mul3A_859 = arith.constant 8 : i32
      %mul3A_860 = arith.muli %squeeze3A_858, %mul3A_859 : i32
      %multiple_of3A_861 = tpu.assume_multiple %mul3A_860, 8 : i32
      %slice3A_862 = vector.extract_strided_slice %shift_right_logical3A_96 {offsets = [12], sizes = [1], strides = [1]} : vector<16xi32> to vector<1xi32>
      %squeeze3A_863 = vector.extract %slice3A_862[0] : i32 from vector<1xi32>
      %mul3A_864 = arith.constant 8 : i32
      %mul3A_865 = arith.muli %squeeze3A_863, %mul3A_864 : i32
      %multiple_of3A_866 = tpu.assume_multiple %mul3A_865, 8 : i32
      %dma_start3A_867 = arith.constant 12 : i32
      %dma_start3A_868 = arith.constant 0 : i32
      %dma_start3A_869 = arith.constant 0 : i32
      %dma_start3A_870 = tpu.memref_slice %arg13[%dma_start3A_867, %dma_start3A_868, %dma_start3A_869] : memref<16x8x64xf32, #tpu.memory_space<vmem>> -> memref<1x8x64xf32, #tpu.memory_space<vmem>>
      %dma_start3A_871 = tpu.memref_squeeze %dma_start3A_870 : memref<1x8x64xf32, #tpu.memory_space<vmem>> -> memref<8x64xf32, #tpu.memory_space<vmem>>
      %dma_start3A_872 = arith.constant 0 : i32
      %dma_start3A_873 = tpu.memref_slice %arg6[%multiple_of3A_861, %dma_start3A_872] : memref<1000000x64xf32, #tpu.memory_space<hbm>> -> memref<8x64xf32, #tpu.memory_space<hbm>>
      %dma_start3A_874 = arith.constant 0 : i32
      %dma_start3A_875 = arith.constant 0 : i32
      %dma_start3A_876 = tpu.memref_slice %arg13[%dma_start3A_867, %dma_start3A_874, %dma_start3A_875] : memref<16x8x64xf32, #tpu.memory_space<vmem>> -> memref<1x8x64xf32, #tpu.memory_space<vmem>>
      %dma_start3A_877 = tpu.memref_squeeze %dma_start3A_876 : memref<1x8x64xf32, #tpu.memory_space<vmem>> -> memref<8x64xf32, #tpu.memory_space<vmem>>
      %dma_start3A_878 = arith.constant 0 : i32
      %dma_start3A_879 = tpu.memref_slice %arg6[%multiple_of3A_861, %dma_start3A_878] : memref<1000000x64xf32, #tpu.memory_space<hbm>> -> memref<8x64xf32, #tpu.memory_space<hbm>>
      tpu.enqueue_dma source(%dma_start3A_879 : memref<8x64xf32, #tpu.memory_space<hbm>>) target(%dma_start3A_877 : memref<8x64xf32, #tpu.memory_space<vmem>>) target_semaphore(%arg20 : memref<!tpu.dma_semaphore, #tpu.memory_space<semaphore_mem>>)
      %dma_start3A_880 = arith.constant 12 : i32
      %dma_start3A_881 = arith.constant 0 : i32
      %dma_start3A_882 = arith.constant 0 : i32
      %dma_start3A_883 = tpu.memref_slice %arg14[%dma_start3A_880, %dma_start3A_881, %dma_start3A_882] : memref<16x8x64xf32, #tpu.memory_space<vmem>> -> memref<1x8x64xf32, #tpu.memory_space<vmem>>
      %dma_start3A_884 = tpu.memref_squeeze %dma_start3A_883 : memref<1x8x64xf32, #tpu.memory_space<vmem>> -> memref<8x64xf32, #tpu.memory_space<vmem>>
      %dma_start3A_885 = arith.constant 0 : i32
      %dma_start3A_886 = tpu.memref_slice %arg7[%multiple_of3A_866, %dma_start3A_885] : memref<100000x64xf32, #tpu.memory_space<hbm>> -> memref<8x64xf32, #tpu.memory_space<hbm>>
      %dma_start3A_887 = arith.constant 0 : i32
      %dma_start3A_888 = arith.constant 0 : i32
      %dma_start3A_889 = tpu.memref_slice %arg14[%dma_start3A_880, %dma_start3A_887, %dma_start3A_888] : memref<16x8x64xf32, #tpu.memory_space<vmem>> -> memref<1x8x64xf32, #tpu.memory_space<vmem>>
      %dma_start3A_890 = tpu.memref_squeeze %dma_start3A_889 : memref<1x8x64xf32, #tpu.memory_space<vmem>> -> memref<8x64xf32, #tpu.memory_space<vmem>>
      %dma_start3A_891 = arith.constant 0 : i32
      %dma_start3A_892 = tpu.memref_slice %arg7[%multiple_of3A_866, %dma_start3A_891] : memref<100000x64xf32, #tpu.memory_space<hbm>> -> memref<8x64xf32, #tpu.memory_space<hbm>>
      tpu.enqueue_dma source(%dma_start3A_892 : memref<8x64xf32, #tpu.memory_space<hbm>>) target(%dma_start3A_890 : memref<8x64xf32, #tpu.memory_space<vmem>>) target_semaphore(%arg20 : memref<!tpu.dma_semaphore, #tpu.memory_space<semaphore_mem>>)
      %dma_start3A_893 = arith.constant 12 : i32
      %dma_start3A_894 = arith.constant 0 : i32
      %dma_start3A_895 = arith.constant 0 : i32
      %dma_start3A_896 = tpu.memref_slice %arg15[%dma_start3A_893, %dma_start3A_894, %dma_start3A_895] : memref<16x8x32xf32, #tpu.memory_space<vmem>> -> memref<1x8x32xf32, #tpu.memory_space<vmem>>
      %dma_start3A_897 = tpu.memref_squeeze %dma_start3A_896 : memref<1x8x32xf32, #tpu.memory_space<vmem>> -> memref<8x32xf32, #tpu.memory_space<vmem>>
      %dma_start3A_898 = arith.constant 0 : i32
      %dma_start3A_899 = tpu.memref_slice %arg8[%multiple_of3A_861, %dma_start3A_898] : memref<1000000x32xf32, #tpu.memory_space<hbm>> -> memref<8x32xf32, #tpu.memory_space<hbm>>
      %dma_start3A_900 = arith.constant 0 : i32
      %dma_start3A_901 = arith.constant 0 : i32
      %dma_start3A_902 = tpu.memref_slice %arg15[%dma_start3A_893, %dma_start3A_900, %dma_start3A_901] : memref<16x8x32xf32, #tpu.memory_space<vmem>> -> memref<1x8x32xf32, #tpu.memory_space<vmem>>
      %dma_start3A_903 = tpu.memref_squeeze %dma_start3A_902 : memref<1x8x32xf32, #tpu.memory_space<vmem>> -> memref<8x32xf32, #tpu.memory_space<vmem>>
      %dma_start3A_904 = arith.constant 0 : i32
      %dma_start3A_905 = tpu.memref_slice %arg8[%multiple_of3A_861, %dma_start3A_904] : memref<1000000x32xf32, #tpu.memory_space<hbm>> -> memref<8x32xf32, #tpu.memory_space<hbm>>
      tpu.enqueue_dma source(%dma_start3A_905 : memref<8x32xf32, #tpu.memory_space<hbm>>) target(%dma_start3A_903 : memref<8x32xf32, #tpu.memory_space<vmem>>) target_semaphore(%arg20 : memref<!tpu.dma_semaphore, #tpu.memory_space<semaphore_mem>>)
      %dma_start3A_906 = arith.constant 12 : i32
      %dma_start3A_907 = arith.constant 0 : i32
      %dma_start3A_908 = arith.constant 0 : i32
      %dma_start3A_909 = tpu.memref_slice %arg16[%dma_start3A_906, %dma_start3A_907, %dma_start3A_908] : memref<16x8x32xf32, #tpu.memory_space<vmem>> -> memref<1x8x32xf32, #tpu.memory_space<vmem>>
      %dma_start3A_910 = tpu.memref_squeeze %dma_start3A_909 : memref<1x8x32xf32, #tpu.memory_space<vmem>> -> memref<8x32xf32, #tpu.memory_space<vmem>>
      %dma_start3A_911 = arith.constant 0 : i32
      %dma_start3A_912 = tpu.memref_slice %arg9[%multiple_of3A_866, %dma_start3A_911] : memref<100000x32xf32, #tpu.memory_space<hbm>> -> memref<8x32xf32, #tpu.memory_space<hbm>>
      %dma_start3A_913 = arith.constant 0 : i32
      %dma_start3A_914 = arith.constant 0 : i32
      %dma_start3A_915 = tpu.memref_slice %arg16[%dma_start3A_906, %dma_start3A_913, %dma_start3A_914] : memref<16x8x32xf32, #tpu.memory_space<vmem>> -> memref<1x8x32xf32, #tpu.memory_space<vmem>>
      %dma_start3A_916 = tpu.memref_squeeze %dma_start3A_915 : memref<1x8x32xf32, #tpu.memory_space<vmem>> -> memref<8x32xf32, #tpu.memory_space<vmem>>
      %dma_start3A_917 = arith.constant 0 : i32
      %dma_start3A_918 = tpu.memref_slice %arg9[%multiple_of3A_866, %dma_start3A_917] : memref<100000x32xf32, #tpu.memory_space<hbm>> -> memref<8x32xf32, #tpu.memory_space<hbm>>
      tpu.enqueue_dma source(%dma_start3A_918 : memref<8x32xf32, #tpu.memory_space<hbm>>) target(%dma_start3A_916 : memref<8x32xf32, #tpu.memory_space<vmem>>) target_semaphore(%arg20 : memref<!tpu.dma_semaphore, #tpu.memory_space<semaphore_mem>>)
      %slice3A_919 = vector.extract_strided_slice %shift_right_logical3A_93 {offsets = [13], sizes = [1], strides = [1]} : vector<16xi32> to vector<1xi32>
      %squeeze3A_920 = vector.extract %slice3A_919[0] : i32 from vector<1xi32>
      %mul3A_921 = arith.constant 8 : i32
      %mul3A_922 = arith.muli %squeeze3A_920, %mul3A_921 : i32
      %multiple_of3A_923 = tpu.assume_multiple %mul3A_922, 8 : i32
      %slice3A_924 = vector.extract_strided_slice %shift_right_logical3A_96 {offsets = [13], sizes = [1], strides = [1]} : vector<16xi32> to vector<1xi32>
      %squeeze3A_925 = vector.extract %slice3A_924[0] : i32 from vector<1xi32>
      %mul3A_926 = arith.constant 8 : i32
      %mul3A_927 = arith.muli %squeeze3A_925, %mul3A_926 : i32
      %multiple_of3A_928 = tpu.assume_multiple %mul3A_927, 8 : i32
      %dma_start3A_929 = arith.constant 13 : i32
      %dma_start3A_930 = arith.constant 0 : i32
      %dma_start3A_931 = arith.constant 0 : i32
      %dma_start3A_932 = tpu.memref_slice %arg13[%dma_start3A_929, %dma_start3A_930, %dma_start3A_931] : memref<16x8x64xf32, #tpu.memory_space<vmem>> -> memref<1x8x64xf32, #tpu.memory_space<vmem>>
      %dma_start3A_933 = tpu.memref_squeeze %dma_start3A_932 : memref<1x8x64xf32, #tpu.memory_space<vmem>> -> memref<8x64xf32, #tpu.memory_space<vmem>>
      %dma_start3A_934 = arith.constant 0 : i32
      %dma_start3A_935 = tpu.memref_slice %arg6[%multiple_of3A_923, %dma_start3A_934] : memref<1000000x64xf32, #tpu.memory_space<hbm>> -> memref<8x64xf32, #tpu.memory_space<hbm>>
      %dma_start3A_936 = arith.constant 0 : i32
      %dma_start3A_937 = arith.constant 0 : i32
      %dma_start3A_938 = tpu.memref_slice %arg13[%dma_start3A_929, %dma_start3A_936, %dma_start3A_937] : memref<16x8x64xf32, #tpu.memory_space<vmem>> -> memref<1x8x64xf32, #tpu.memory_space<vmem>>
      %dma_start3A_939 = tpu.memref_squeeze %dma_start3A_938 : memref<1x8x64xf32, #tpu.memory_space<vmem>> -> memref<8x64xf32, #tpu.memory_space<vmem>>
      %dma_start3A_940 = arith.constant 0 : i32
      %dma_start3A_941 = tpu.memref_slice %arg6[%multiple_of3A_923, %dma_start3A_940] : memref<1000000x64xf32, #tpu.memory_space<hbm>> -> memref<8x64xf32, #tpu.memory_space<hbm>>
      tpu.enqueue_dma source(%dma_start3A_941 : memref<8x64xf32, #tpu.memory_space<hbm>>) target(%dma_start3A_939 : memref<8x64xf32, #tpu.memory_space<vmem>>) target_semaphore(%arg20 : memref<!tpu.dma_semaphore, #tpu.memory_space<semaphore_mem>>)
      %dma_start3A_942 = arith.constant 13 : i32
      %dma_start3A_943 = arith.constant 0 : i32
      %dma_start3A_944 = arith.constant 0 : i32
      %dma_start3A_945 = tpu.memref_slice %arg14[%dma_start3A_942, %dma_start3A_943, %dma_start3A_944] : memref<16x8x64xf32, #tpu.memory_space<vmem>> -> memref<1x8x64xf32, #tpu.memory_space<vmem>>
      %dma_start3A_946 = tpu.memref_squeeze %dma_start3A_945 : memref<1x8x64xf32, #tpu.memory_space<vmem>> -> memref<8x64xf32, #tpu.memory_space<vmem>>
      %dma_start3A_947 = arith.constant 0 : i32
      %dma_start3A_948 = tpu.memref_slice %arg7[%multiple_of3A_928, %dma_start3A_947] : memref<100000x64xf32, #tpu.memory_space<hbm>> -> memref<8x64xf32, #tpu.memory_space<hbm>>
      %dma_start3A_949 = arith.constant 0 : i32
      %dma_start3A_950 = arith.constant 0 : i32
      %dma_start3A_951 = tpu.memref_slice %arg14[%dma_start3A_942, %dma_start3A_949, %dma_start3A_950] : memref<16x8x64xf32, #tpu.memory_space<vmem>> -> memref<1x8x64xf32, #tpu.memory_space<vmem>>
      %dma_start3A_952 = tpu.memref_squeeze %dma_start3A_951 : memref<1x8x64xf32, #tpu.memory_space<vmem>> -> memref<8x64xf32, #tpu.memory_space<vmem>>
      %dma_start3A_953 = arith.constant 0 : i32
      %dma_start3A_954 = tpu.memref_slice %arg7[%multiple_of3A_928, %dma_start3A_953] : memref<100000x64xf32, #tpu.memory_space<hbm>> -> memref<8x64xf32, #tpu.memory_space<hbm>>
      tpu.enqueue_dma source(%dma_start3A_954 : memref<8x64xf32, #tpu.memory_space<hbm>>) target(%dma_start3A_952 : memref<8x64xf32, #tpu.memory_space<vmem>>) target_semaphore(%arg20 : memref<!tpu.dma_semaphore, #tpu.memory_space<semaphore_mem>>)
      %dma_start3A_955 = arith.constant 13 : i32
      %dma_start3A_956 = arith.constant 0 : i32
      %dma_start3A_957 = arith.constant 0 : i32
      %dma_start3A_958 = tpu.memref_slice %arg15[%dma_start3A_955, %dma_start3A_956, %dma_start3A_957] : memref<16x8x32xf32, #tpu.memory_space<vmem>> -> memref<1x8x32xf32, #tpu.memory_space<vmem>>
      %dma_start3A_959 = tpu.memref_squeeze %dma_start3A_958 : memref<1x8x32xf32, #tpu.memory_space<vmem>> -> memref<8x32xf32, #tpu.memory_space<vmem>>
      %dma_start3A_960 = arith.constant 0 : i32
      %dma_start3A_961 = tpu.memref_slice %arg8[%multiple_of3A_923, %dma_start3A_960] : memref<1000000x32xf32, #tpu.memory_space<hbm>> -> memref<8x32xf32, #tpu.memory_space<hbm>>
      %dma_start3A_962 = arith.constant 0 : i32
      %dma_start3A_963 = arith.constant 0 : i32
      %dma_start3A_964 = tpu.memref_slice %arg15[%dma_start3A_955, %dma_start3A_962, %dma_start3A_963] : memref<16x8x32xf32, #tpu.memory_space<vmem>> -> memref<1x8x32xf32, #tpu.memory_space<vmem>>
      %dma_start3A_965 = tpu.memref_squeeze %dma_start3A_964 : memref<1x8x32xf32, #tpu.memory_space<vmem>> -> memref<8x32xf32, #tpu.memory_space<vmem>>
      %dma_start3A_966 = arith.constant 0 : i32
      %dma_start3A_967 = tpu.memref_slice %arg8[%multiple_of3A_923, %dma_start3A_966] : memref<1000000x32xf32, #tpu.memory_space<hbm>> -> memref<8x32xf32, #tpu.memory_space<hbm>>
      tpu.enqueue_dma source(%dma_start3A_967 : memref<8x32xf32, #tpu.memory_space<hbm>>) target(%dma_start3A_965 : memref<8x32xf32, #tpu.memory_space<vmem>>) target_semaphore(%arg20 : memref<!tpu.dma_semaphore, #tpu.memory_space<semaphore_mem>>)
      %dma_start3A_968 = arith.constant 13 : i32
      %dma_start3A_969 = arith.constant 0 : i32
      %dma_start3A_970 = arith.constant 0 : i32
      %dma_start3A_971 = tpu.memref_slice %arg16[%dma_start3A_968, %dma_start3A_969, %dma_start3A_970] : memref<16x8x32xf32, #tpu.memory_space<vmem>> -> memref<1x8x32xf32, #tpu.memory_space<vmem>>
      %dma_start3A_972 = tpu.memref_squeeze %dma_start3A_971 : memref<1x8x32xf32, #tpu.memory_space<vmem>> -> memref<8x32xf32, #tpu.memory_space<vmem>>
      %dma_start3A_973 = arith.constant 0 : i32
      %dma_start3A_974 = tpu.memref_slice %arg9[%multiple_of3A_928, %dma_start3A_973] : memref<100000x32xf32, #tpu.memory_space<hbm>> -> memref<8x32xf32, #tpu.memory_space<hbm>>
      %dma_start3A_975 = arith.constant 0 : i32
      %dma_start3A_976 = arith.constant 0 : i32
      %dma_start3A_977 = tpu.memref_slice %arg16[%dma_start3A_968, %dma_start3A_975, %dma_start3A_976] : memref<16x8x32xf32, #tpu.memory_space<vmem>> -> memref<1x8x32xf32, #tpu.memory_space<vmem>>
      %dma_start3A_978 = tpu.memref_squeeze %dma_start3A_977 : memref<1x8x32xf32, #tpu.memory_space<vmem>> -> memref<8x32xf32, #tpu.memory_space<vmem>>
      %dma_start3A_979 = arith.constant 0 : i32
      %dma_start3A_980 = tpu.memref_slice %arg9[%multiple_of3A_928, %dma_start3A_979] : memref<100000x32xf32, #tpu.memory_space<hbm>> -> memref<8x32xf32, #tpu.memory_space<hbm>>
      tpu.enqueue_dma source(%dma_start3A_980 : memref<8x32xf32, #tpu.memory_space<hbm>>) target(%dma_start3A_978 : memref<8x32xf32, #tpu.memory_space<vmem>>) target_semaphore(%arg20 : memref<!tpu.dma_semaphore, #tpu.memory_space<semaphore_mem>>)
      %slice3A_981 = vector.extract_strided_slice %shift_right_logical3A_93 {offsets = [14], sizes = [1], strides = [1]} : vector<16xi32> to vector<1xi32>
      %squeeze3A_982 = vector.extract %slice3A_981[0] : i32 from vector<1xi32>
      %mul3A_983 = arith.constant 8 : i32
      %mul3A_984 = arith.muli %squeeze3A_982, %mul3A_983 : i32
      %multiple_of3A_985 = tpu.assume_multiple %mul3A_984, 8 : i32
      %slice3A_986 = vector.extract_strided_slice %shift_right_logical3A_96 {offsets = [14], sizes = [1], strides = [1]} : vector<16xi32> to vector<1xi32>
      %squeeze3A_987 = vector.extract %slice3A_986[0] : i32 from vector<1xi32>
      %mul3A_988 = arith.constant 8 : i32
      %mul3A_989 = arith.muli %squeeze3A_987, %mul3A_988 : i32
      %multiple_of3A_990 = tpu.assume_multiple %mul3A_989, 8 : i32
      %dma_start3A_991 = arith.constant 14 : i32
      %dma_start3A_992 = arith.constant 0 : i32
      %dma_start3A_993 = arith.constant 0 : i32
      %dma_start3A_994 = tpu.memref_slice %arg13[%dma_start3A_991, %dma_start3A_992, %dma_start3A_993] : memref<16x8x64xf32, #tpu.memory_space<vmem>> -> memref<1x8x64xf32, #tpu.memory_space<vmem>>
      %dma_start3A_995 = tpu.memref_squeeze %dma_start3A_994 : memref<1x8x64xf32, #tpu.memory_space<vmem>> -> memref<8x64xf32, #tpu.memory_space<vmem>>
      %dma_start3A_996 = arith.constant 0 : i32
      %dma_start3A_997 = tpu.memref_slice %arg6[%multiple_of3A_985, %dma_start3A_996] : memref<1000000x64xf32, #tpu.memory_space<hbm>> -> memref<8x64xf32, #tpu.memory_space<hbm>>
      %dma_start3A_998 = arith.constant 0 : i32
      %dma_start3A_999 = arith.constant 0 : i32
      %dma_start3A_1000 = tpu.memref_slice %arg13[%dma_start3A_991, %dma_start3A_998, %dma_start3A_999] : memref<16x8x64xf32, #tpu.memory_space<vmem>> -> memref<1x8x64xf32, #tpu.memory_space<vmem>>
      %dma_start3A_1001 = tpu.memref_squeeze %dma_start3A_1000 : memref<1x8x64xf32, #tpu.memory_space<vmem>> -> memref<8x64xf32, #tpu.memory_space<vmem>>
      %dma_start3A_1002 = arith.constant 0 : i32
      %dma_start3A_1003 = tpu.memref_slice %arg6[%multiple_of3A_985, %dma_start3A_1002] : memref<1000000x64xf32, #tpu.memory_space<hbm>> -> memref<8x64xf32, #tpu.memory_space<hbm>>
      tpu.enqueue_dma source(%dma_start3A_1003 : memref<8x64xf32, #tpu.memory_space<hbm>>) target(%dma_start3A_1001 : memref<8x64xf32, #tpu.memory_space<vmem>>) target_semaphore(%arg20 : memref<!tpu.dma_semaphore, #tpu.memory_space<semaphore_mem>>)
      %dma_start3A_1004 = arith.constant 14 : i32
      %dma_start3A_1005 = arith.constant 0 : i32
      %dma_start3A_1006 = arith.constant 0 : i32
      %dma_start3A_1007 = tpu.memref_slice %arg14[%dma_start3A_1004, %dma_start3A_1005, %dma_start3A_1006] : memref<16x8x64xf32, #tpu.memory_space<vmem>> -> memref<1x8x64xf32, #tpu.memory_space<vmem>>
      %dma_start3A_1008 = tpu.memref_squeeze %dma_start3A_1007 : memref<1x8x64xf32, #tpu.memory_space<vmem>> -> memref<8x64xf32, #tpu.memory_space<vmem>>
      %dma_start3A_1009 = arith.constant 0 : i32
      %dma_start3A_1010 = tpu.memref_slice %arg7[%multiple_of3A_990, %dma_start3A_1009] : memref<100000x64xf32, #tpu.memory_space<hbm>> -> memref<8x64xf32, #tpu.memory_space<hbm>>
      %dma_start3A_1011 = arith.constant 0 : i32
      %dma_start3A_1012 = arith.constant 0 : i32
      %dma_start3A_1013 = tpu.memref_slice %arg14[%dma_start3A_1004, %dma_start3A_1011, %dma_start3A_1012] : memref<16x8x64xf32, #tpu.memory_space<vmem>> -> memref<1x8x64xf32, #tpu.memory_space<vmem>>
      %dma_start3A_1014 = tpu.memref_squeeze %dma_start3A_1013 : memref<1x8x64xf32, #tpu.memory_space<vmem>> -> memref<8x64xf32, #tpu.memory_space<vmem>>
      %dma_start3A_1015 = arith.constant 0 : i32
      %dma_start3A_1016 = tpu.memref_slice %arg7[%multiple_of3A_990, %dma_start3A_1015] : memref<100000x64xf32, #tpu.memory_space<hbm>> -> memref<8x64xf32, #tpu.memory_space<hbm>>
      tpu.enqueue_dma source(%dma_start3A_1016 : memref<8x64xf32, #tpu.memory_space<hbm>>) target(%dma_start3A_1014 : memref<8x64xf32, #tpu.memory_space<vmem>>) target_semaphore(%arg20 : memref<!tpu.dma_semaphore, #tpu.memory_space<semaphore_mem>>)
      %dma_start3A_1017 = arith.constant 14 : i32
      %dma_start3A_1018 = arith.constant 0 : i32
      %dma_start3A_1019 = arith.constant 0 : i32
      %dma_start3A_1020 = tpu.memref_slice %arg15[%dma_start3A_1017, %dma_start3A_1018, %dma_start3A_1019] : memref<16x8x32xf32, #tpu.memory_space<vmem>> -> memref<1x8x32xf32, #tpu.memory_space<vmem>>
      %dma_start3A_1021 = tpu.memref_squeeze %dma_start3A_1020 : memref<1x8x32xf32, #tpu.memory_space<vmem>> -> memref<8x32xf32, #tpu.memory_space<vmem>>
      %dma_start3A_1022 = arith.constant 0 : i32
      %dma_start3A_1023 = tpu.memref_slice %arg8[%multiple_of3A_985, %dma_start3A_1022] : memref<1000000x32xf32, #tpu.memory_space<hbm>> -> memref<8x32xf32, #tpu.memory_space<hbm>>
      %dma_start3A_1024 = arith.constant 0 : i32
      %dma_start3A_1025 = arith.constant 0 : i32
      %dma_start3A_1026 = tpu.memref_slice %arg15[%dma_start3A_1017, %dma_start3A_1024, %dma_start3A_1025] : memref<16x8x32xf32, #tpu.memory_space<vmem>> -> memref<1x8x32xf32, #tpu.memory_space<vmem>>
      %dma_start3A_1027 = tpu.memref_squeeze %dma_start3A_1026 : memref<1x8x32xf32, #tpu.memory_space<vmem>> -> memref<8x32xf32, #tpu.memory_space<vmem>>
      %dma_start3A_1028 = arith.constant 0 : i32
      %dma_start3A_1029 = tpu.memref_slice %arg8[%multiple_of3A_985, %dma_start3A_1028] : memref<1000000x32xf32, #tpu.memory_space<hbm>> -> memref<8x32xf32, #tpu.memory_space<hbm>>
      tpu.enqueue_dma source(%dma_start3A_1029 : memref<8x32xf32, #tpu.memory_space<hbm>>) target(%dma_start3A_1027 : memref<8x32xf32, #tpu.memory_space<vmem>>) target_semaphore(%arg20 : memref<!tpu.dma_semaphore, #tpu.memory_space<semaphore_mem>>)
      %dma_start3A_1030 = arith.constant 14 : i32
      %dma_start3A_1031 = arith.constant 0 : i32
      %dma_start3A_1032 = arith.constant 0 : i32
      %dma_start3A_1033 = tpu.memref_slice %arg16[%dma_start3A_1030, %dma_start3A_1031, %dma_start3A_1032] : memref<16x8x32xf32, #tpu.memory_space<vmem>> -> memref<1x8x32xf32, #tpu.memory_space<vmem>>
      %dma_start3A_1034 = tpu.memref_squeeze %dma_start3A_1033 : memref<1x8x32xf32, #tpu.memory_space<vmem>> -> memref<8x32xf32, #tpu.memory_space<vmem>>
      %dma_start3A_1035 = arith.constant 0 : i32
      %dma_start3A_1036 = tpu.memref_slice %arg9[%multiple_of3A_990, %dma_start3A_1035] : memref<100000x32xf32, #tpu.memory_space<hbm>> -> memref<8x32xf32, #tpu.memory_space<hbm>>
      %dma_start3A_1037 = arith.constant 0 : i32
      %dma_start3A_1038 = arith.constant 0 : i32
      %dma_start3A_1039 = tpu.memref_slice %arg16[%dma_start3A_1030, %dma_start3A_1037, %dma_start3A_1038] : memref<16x8x32xf32, #tpu.memory_space<vmem>> -> memref<1x8x32xf32, #tpu.memory_space<vmem>>
      %dma_start3A_1040 = tpu.memref_squeeze %dma_start3A_1039 : memref<1x8x32xf32, #tpu.memory_space<vmem>> -> memref<8x32xf32, #tpu.memory_space<vmem>>
      %dma_start3A_1041 = arith.constant 0 : i32
      %dma_start3A_1042 = tpu.memref_slice %arg9[%multiple_of3A_990, %dma_start3A_1041] : memref<100000x32xf32, #tpu.memory_space<hbm>> -> memref<8x32xf32, #tpu.memory_space<hbm>>
      tpu.enqueue_dma source(%dma_start3A_1042 : memref<8x32xf32, #tpu.memory_space<hbm>>) target(%dma_start3A_1040 : memref<8x32xf32, #tpu.memory_space<vmem>>) target_semaphore(%arg20 : memref<!tpu.dma_semaphore, #tpu.memory_space<semaphore_mem>>)
      %slice3A_1043 = vector.extract_strided_slice %shift_right_logical3A_93 {offsets = [15], sizes = [1], strides = [1]} : vector<16xi32> to vector<1xi32>
      %squeeze3A_1044 = vector.extract %slice3A_1043[0] : i32 from vector<1xi32>
      %mul3A_1045 = arith.constant 8 : i32
      %mul3A_1046 = arith.muli %squeeze3A_1044, %mul3A_1045 : i32
      %multiple_of3A_1047 = tpu.assume_multiple %mul3A_1046, 8 : i32
      %slice3A_1048 = vector.extract_strided_slice %shift_right_logical3A_96 {offsets = [15], sizes = [1], strides = [1]} : vector<16xi32> to vector<1xi32>
      %squeeze3A_1049 = vector.extract %slice3A_1048[0] : i32 from vector<1xi32>
      %mul3A_1050 = arith.constant 8 : i32
      %mul3A_1051 = arith.muli %squeeze3A_1049, %mul3A_1050 : i32
      %multiple_of3A_1052 = tpu.assume_multiple %mul3A_1051, 8 : i32
      %dma_start3A_1053 = arith.constant 15 : i32
      %dma_start3A_1054 = arith.constant 0 : i32
      %dma_start3A_1055 = arith.constant 0 : i32
      %dma_start3A_1056 = tpu.memref_slice %arg13[%dma_start3A_1053, %dma_start3A_1054, %dma_start3A_1055] : memref<16x8x64xf32, #tpu.memory_space<vmem>> -> memref<1x8x64xf32, #tpu.memory_space<vmem>>
      %dma_start3A_1057 = tpu.memref_squeeze %dma_start3A_1056 : memref<1x8x64xf32, #tpu.memory_space<vmem>> -> memref<8x64xf32, #tpu.memory_space<vmem>>
      %dma_start3A_1058 = arith.constant 0 : i32
      %dma_start3A_1059 = tpu.memref_slice %arg6[%multiple_of3A_1047, %dma_start3A_1058] : memref<1000000x64xf32, #tpu.memory_space<hbm>> -> memref<8x64xf32, #tpu.memory_space<hbm>>
      %dma_start3A_1060 = arith.constant 0 : i32
      %dma_start3A_1061 = arith.constant 0 : i32
      %dma_start3A_1062 = tpu.memref_slice %arg13[%dma_start3A_1053, %dma_start3A_1060, %dma_start3A_1061] : memref<16x8x64xf32, #tpu.memory_space<vmem>> -> memref<1x8x64xf32, #tpu.memory_space<vmem>>
      %dma_start3A_1063 = tpu.memref_squeeze %dma_start3A_1062 : memref<1x8x64xf32, #tpu.memory_space<vmem>> -> memref<8x64xf32, #tpu.memory_space<vmem>>
      %dma_start3A_1064 = arith.constant 0 : i32
      %dma_start3A_1065 = tpu.memref_slice %arg6[%multiple_of3A_1047, %dma_start3A_1064] : memref<1000000x64xf32, #tpu.memory_space<hbm>> -> memref<8x64xf32, #tpu.memory_space<hbm>>
      tpu.enqueue_dma source(%dma_start3A_1065 : memref<8x64xf32, #tpu.memory_space<hbm>>) target(%dma_start3A_1063 : memref<8x64xf32, #tpu.memory_space<vmem>>) target_semaphore(%arg20 : memref<!tpu.dma_semaphore, #tpu.memory_space<semaphore_mem>>)
      %dma_start3A_1066 = arith.constant 15 : i32
      %dma_start3A_1067 = arith.constant 0 : i32
      %dma_start3A_1068 = arith.constant 0 : i32
      %dma_start3A_1069 = tpu.memref_slice %arg14[%dma_start3A_1066, %dma_start3A_1067, %dma_start3A_1068] : memref<16x8x64xf32, #tpu.memory_space<vmem>> -> memref<1x8x64xf32, #tpu.memory_space<vmem>>
      %dma_start3A_1070 = tpu.memref_squeeze %dma_start3A_1069 : memref<1x8x64xf32, #tpu.memory_space<vmem>> -> memref<8x64xf32, #tpu.memory_space<vmem>>
      %dma_start3A_1071 = arith.constant 0 : i32
      %dma_start3A_1072 = tpu.memref_slice %arg7[%multiple_of3A_1052, %dma_start3A_1071] : memref<100000x64xf32, #tpu.memory_space<hbm>> -> memref<8x64xf32, #tpu.memory_space<hbm>>
      %dma_start3A_1073 = arith.constant 0 : i32
      %dma_start3A_1074 = arith.constant 0 : i32
      %dma_start3A_1075 = tpu.memref_slice %arg14[%dma_start3A_1066, %dma_start3A_1073, %dma_start3A_1074] : memref<16x8x64xf32, #tpu.memory_space<vmem>> -> memref<1x8x64xf32, #tpu.memory_space<vmem>>
      %dma_start3A_1076 = tpu.memref_squeeze %dma_start3A_1075 : memref<1x8x64xf32, #tpu.memory_space<vmem>> -> memref<8x64xf32, #tpu.memory_space<vmem>>
      %dma_start3A_1077 = arith.constant 0 : i32
      %dma_start3A_1078 = tpu.memref_slice %arg7[%multiple_of3A_1052, %dma_start3A_1077] : memref<100000x64xf32, #tpu.memory_space<hbm>> -> memref<8x64xf32, #tpu.memory_space<hbm>>
      tpu.enqueue_dma source(%dma_start3A_1078 : memref<8x64xf32, #tpu.memory_space<hbm>>) target(%dma_start3A_1076 : memref<8x64xf32, #tpu.memory_space<vmem>>) target_semaphore(%arg20 : memref<!tpu.dma_semaphore, #tpu.memory_space<semaphore_mem>>)
      %dma_start3A_1079 = arith.constant 15 : i32
      %dma_start3A_1080 = arith.constant 0 : i32
      %dma_start3A_1081 = arith.constant 0 : i32
      %dma_start3A_1082 = tpu.memref_slice %arg15[%dma_start3A_1079, %dma_start3A_1080, %dma_start3A_1081] : memref<16x8x32xf32, #tpu.memory_space<vmem>> -> memref<1x8x32xf32, #tpu.memory_space<vmem>>
      %dma_start3A_1083 = tpu.memref_squeeze %dma_start3A_1082 : memref<1x8x32xf32, #tpu.memory_space<vmem>> -> memref<8x32xf32, #tpu.memory_space<vmem>>
      %dma_start3A_1084 = arith.constant 0 : i32
      %dma_start3A_1085 = tpu.memref_slice %arg8[%multiple_of3A_1047, %dma_start3A_1084] : memref<1000000x32xf32, #tpu.memory_space<hbm>> -> memref<8x32xf32, #tpu.memory_space<hbm>>
      %dma_start3A_1086 = arith.constant 0 : i32
      %dma_start3A_1087 = arith.constant 0 : i32
      %dma_start3A_1088 = tpu.memref_slice %arg15[%dma_start3A_1079, %dma_start3A_1086, %dma_start3A_1087] : memref<16x8x32xf32, #tpu.memory_space<vmem>> -> memref<1x8x32xf32, #tpu.memory_space<vmem>>
      %dma_start3A_1089 = tpu.memref_squeeze %dma_start3A_1088 : memref<1x8x32xf32, #tpu.memory_space<vmem>> -> memref<8x32xf32, #tpu.memory_space<vmem>>
      %dma_start3A_1090 = arith.constant 0 : i32
      %dma_start3A_1091 = tpu.memref_slice %arg8[%multiple_of3A_1047, %dma_start3A_1090] : memref<1000000x32xf32, #tpu.memory_space<hbm>> -> memref<8x32xf32, #tpu.memory_space<hbm>>
      tpu.enqueue_dma source(%dma_start3A_1091 : memref<8x32xf32, #tpu.memory_space<hbm>>) target(%dma_start3A_1089 : memref<8x32xf32, #tpu.memory_space<vmem>>) target_semaphore(%arg20 : memref<!tpu.dma_semaphore, #tpu.memory_space<semaphore_mem>>)
      %dma_start3A_1092 = arith.constant 15 : i32
      %dma_start3A_1093 = arith.constant 0 : i32
      %dma_start3A_1094 = arith.constant 0 : i32
      %dma_start3A_1095 = tpu.memref_slice %arg16[%dma_start3A_1092, %dma_start3A_1093, %dma_start3A_1094] : memref<16x8x32xf32, #tpu.memory_space<vmem>> -> memref<1x8x32xf32, #tpu.memory_space<vmem>>
      %dma_start3A_1096 = tpu.memref_squeeze %dma_start3A_1095 : memref<1x8x32xf32, #tpu.memory_space<vmem>> -> memref<8x32xf32, #tpu.memory_space<vmem>>
      %dma_start3A_1097 = arith.constant 0 : i32
      %dma_start3A_1098 = tpu.memref_slice %arg9[%multiple_of3A_1052, %dma_start3A_1097] : memref<100000x32xf32, #tpu.memory_space<hbm>> -> memref<8x32xf32, #tpu.memory_space<hbm>>
      %dma_start3A_1099 = arith.constant 0 : i32
      %dma_start3A_1100 = arith.constant 0 : i32
      %dma_start3A_1101 = tpu.memref_slice %arg16[%dma_start3A_1092, %dma_start3A_1099, %dma_start3A_1100] : memref<16x8x32xf32, #tpu.memory_space<vmem>> -> memref<1x8x32xf32, #tpu.memory_space<vmem>>
      %dma_start3A_1102 = tpu.memref_squeeze %dma_start3A_1101 : memref<1x8x32xf32, #tpu.memory_space<vmem>> -> memref<8x32xf32, #tpu.memory_space<vmem>>
      %dma_start3A_1103 = arith.constant 0 : i32
      %dma_start3A_1104 = tpu.memref_slice %arg9[%multiple_of3A_1052, %dma_start3A_1103] : memref<100000x32xf32, #tpu.memory_space<hbm>> -> memref<8x32xf32, #tpu.memory_space<hbm>>
      tpu.enqueue_dma source(%dma_start3A_1104 : memref<8x32xf32, #tpu.memory_space<hbm>>) target(%dma_start3A_1102 : memref<8x32xf32, #tpu.memory_space<vmem>>) target_semaphore(%arg20 : memref<!tpu.dma_semaphore, #tpu.memory_space<semaphore_mem>>)
      %dma_wait3A = arith.constant 0 : i32
      %dma_wait3A_1105 = tpu.memref_slice %arg4[%add3A_105, %dma_wait3A] : memref<16384x32xf32, #tpu.memory_space<hbm>> -> memref<16x32xf32, #tpu.memory_space<hbm>>
      %dma_wait3A_1106 = arith.constant 0 : i32
      %dma_wait3A_1107 = tpu.memref_slice %arg4[%add3A_105, %dma_wait3A_1106] : memref<16384x32xf32, #tpu.memory_space<hbm>> -> memref<16x32xf32, #tpu.memory_space<hbm>>
      tpu.wait_dma2 semaphore(%arg20 : memref<!tpu.dma_semaphore, #tpu.memory_space<semaphore_mem>>) src(%dma_wait3A_1107 : memref<16x32xf32, #tpu.memory_space<hbm>>) dst(%arg17 : memref<16x32xf32, #tpu.memory_space<vmem>>)
      %dma_wait3A_1108 = arith.constant 0 : i32
      %dma_wait3A_1109 = tpu.memref_slice %arg5[%add3A_111, %dma_wait3A_1108] : memref<16384x32xf32, #tpu.memory_space<hbm>> -> memref<16x32xf32, #tpu.memory_space<hbm>>
      %dma_wait3A_1110 = arith.constant 0 : i32
      %dma_wait3A_1111 = tpu.memref_slice %arg5[%add3A_111, %dma_wait3A_1110] : memref<16384x32xf32, #tpu.memory_space<hbm>> -> memref<16x32xf32, #tpu.memory_space<hbm>>
      tpu.wait_dma2 semaphore(%arg20 : memref<!tpu.dma_semaphore, #tpu.memory_space<semaphore_mem>>) src(%dma_wait3A_1111 : memref<16x32xf32, #tpu.memory_space<hbm>>) dst(%arg18 : memref<16x32xf32, #tpu.memory_space<vmem>>)
      %dma_wait3A_1112 = arith.constant 0 : i32
      %dma_wait3A_1113 = arith.constant 0 : i32
      %dma_wait3A_1114 = arith.constant 0 : i32
      %dma_wait3A_1115 = tpu.memref_slice %arg13[%dma_wait3A_1112, %dma_wait3A_1113, %dma_wait3A_1114] : memref<16x8x64xf32, #tpu.memory_space<vmem>> -> memref<1x8x64xf32, #tpu.memory_space<vmem>>
      %dma_wait3A_1116 = tpu.memref_squeeze %dma_wait3A_1115 : memref<1x8x64xf32, #tpu.memory_space<vmem>> -> memref<8x64xf32, #tpu.memory_space<vmem>>
      %dma_wait3A_1117 = arith.constant 0 : i32
      %dma_wait3A_1118 = tpu.memref_slice %arg6[%multiple_of3A, %dma_wait3A_1117] : memref<1000000x64xf32, #tpu.memory_space<hbm>> -> memref<8x64xf32, #tpu.memory_space<hbm>>
      %dma_wait3A_1119 = arith.constant 0 : i32
      %dma_wait3A_1120 = arith.constant 0 : i32
      %dma_wait3A_1121 = tpu.memref_slice %arg13[%dma_wait3A_1112, %dma_wait3A_1119, %dma_wait3A_1120] : memref<16x8x64xf32, #tpu.memory_space<vmem>> -> memref<1x8x64xf32, #tpu.memory_space<vmem>>
      %dma_wait3A_1122 = tpu.memref_squeeze %dma_wait3A_1121 : memref<1x8x64xf32, #tpu.memory_space<vmem>> -> memref<8x64xf32, #tpu.memory_space<vmem>>
      %dma_wait3A_1123 = arith.constant 0 : i32
      %dma_wait3A_1124 = tpu.memref_slice %arg6[%multiple_of3A, %dma_wait3A_1123] : memref<1000000x64xf32, #tpu.memory_space<hbm>> -> memref<8x64xf32, #tpu.memory_space<hbm>>
      tpu.wait_dma2 semaphore(%arg20 : memref<!tpu.dma_semaphore, #tpu.memory_space<semaphore_mem>>) src(%dma_wait3A_1124 : memref<8x64xf32, #tpu.memory_space<hbm>>) dst(%dma_wait3A_1122 : memref<8x64xf32, #tpu.memory_space<vmem>>)
      %dma_wait3A_1125 = arith.constant 0 : i32
      %dma_wait3A_1126 = arith.constant 0 : i32
      %dma_wait3A_1127 = arith.constant 0 : i32
      %dma_wait3A_1128 = tpu.memref_slice %arg14[%dma_wait3A_1125, %dma_wait3A_1126, %dma_wait3A_1127] : memref<16x8x64xf32, #tpu.memory_space<vmem>> -> memref<1x8x64xf32, #tpu.memory_space<vmem>>
      %dma_wait3A_1129 = tpu.memref_squeeze %dma_wait3A_1128 : memref<1x8x64xf32, #tpu.memory_space<vmem>> -> memref<8x64xf32, #tpu.memory_space<vmem>>
      %dma_wait3A_1130 = arith.constant 0 : i32
      %dma_wait3A_1131 = tpu.memref_slice %arg7[%multiple_of3A_122, %dma_wait3A_1130] : memref<100000x64xf32, #tpu.memory_space<hbm>> -> memref<8x64xf32, #tpu.memory_space<hbm>>
      %dma_wait3A_1132 = arith.constant 0 : i32
      %dma_wait3A_1133 = arith.constant 0 : i32
      %dma_wait3A_1134 = tpu.memref_slice %arg14[%dma_wait3A_1125, %dma_wait3A_1132, %dma_wait3A_1133] : memref<16x8x64xf32, #tpu.memory_space<vmem>> -> memref<1x8x64xf32, #tpu.memory_space<vmem>>
      %dma_wait3A_1135 = tpu.memref_squeeze %dma_wait3A_1134 : memref<1x8x64xf32, #tpu.memory_space<vmem>> -> memref<8x64xf32, #tpu.memory_space<vmem>>
      %dma_wait3A_1136 = arith.constant 0 : i32
      %dma_wait3A_1137 = tpu.memref_slice %arg7[%multiple_of3A_122, %dma_wait3A_1136] : memref<100000x64xf32, #tpu.memory_space<hbm>> -> memref<8x64xf32, #tpu.memory_space<hbm>>
      tpu.wait_dma2 semaphore(%arg20 : memref<!tpu.dma_semaphore, #tpu.memory_space<semaphore_mem>>) src(%dma_wait3A_1137 : memref<8x64xf32, #tpu.memory_space<hbm>>) dst(%dma_wait3A_1135 : memref<8x64xf32, #tpu.memory_space<vmem>>)
      %dma_wait3A_1138 = arith.constant 0 : i32
      %dma_wait3A_1139 = arith.constant 0 : i32
      %dma_wait3A_1140 = arith.constant 0 : i32
      %dma_wait3A_1141 = tpu.memref_slice %arg15[%dma_wait3A_1138, %dma_wait3A_1139, %dma_wait3A_1140] : memref<16x8x32xf32, #tpu.memory_space<vmem>> -> memref<1x8x32xf32, #tpu.memory_space<vmem>>
      %dma_wait3A_1142 = tpu.memref_squeeze %dma_wait3A_1141 : memref<1x8x32xf32, #tpu.memory_space<vmem>> -> memref<8x32xf32, #tpu.memory_space<vmem>>
      %dma_wait3A_1143 = arith.constant 0 : i32
      %dma_wait3A_1144 = tpu.memref_slice %arg8[%multiple_of3A, %dma_wait3A_1143] : memref<1000000x32xf32, #tpu.memory_space<hbm>> -> memref<8x32xf32, #tpu.memory_space<hbm>>
      %dma_wait3A_1145 = arith.constant 0 : i32
      %dma_wait3A_1146 = arith.constant 0 : i32
      %dma_wait3A_1147 = tpu.memref_slice %arg15[%dma_wait3A_1138, %dma_wait3A_1145, %dma_wait3A_1146] : memref<16x8x32xf32, #tpu.memory_space<vmem>> -> memref<1x8x32xf32, #tpu.memory_space<vmem>>
      %dma_wait3A_1148 = tpu.memref_squeeze %dma_wait3A_1147 : memref<1x8x32xf32, #tpu.memory_space<vmem>> -> memref<8x32xf32, #tpu.memory_space<vmem>>
      %dma_wait3A_1149 = arith.constant 0 : i32
      %dma_wait3A_1150 = tpu.memref_slice %arg8[%multiple_of3A, %dma_wait3A_1149] : memref<1000000x32xf32, #tpu.memory_space<hbm>> -> memref<8x32xf32, #tpu.memory_space<hbm>>
      tpu.wait_dma2 semaphore(%arg20 : memref<!tpu.dma_semaphore, #tpu.memory_space<semaphore_mem>>) src(%dma_wait3A_1150 : memref<8x32xf32, #tpu.memory_space<hbm>>) dst(%dma_wait3A_1148 : memref<8x32xf32, #tpu.memory_space<vmem>>)
      %dma_wait3A_1151 = arith.constant 0 : i32
      %dma_wait3A_1152 = arith.constant 0 : i32
      %dma_wait3A_1153 = arith.constant 0 : i32
      %dma_wait3A_1154 = tpu.memref_slice %arg16[%dma_wait3A_1151, %dma_wait3A_1152, %dma_wait3A_1153] : memref<16x8x32xf32, #tpu.memory_space<vmem>> -> memref<1x8x32xf32, #tpu.memory_space<vmem>>
      %dma_wait3A_1155 = tpu.memref_squeeze %dma_wait3A_1154 : memref<1x8x32xf32, #tpu.memory_space<vmem>> -> memref<8x32xf32, #tpu.memory_space<vmem>>
      %dma_wait3A_1156 = arith.constant 0 : i32
      %dma_wait3A_1157 = tpu.memref_slice %arg9[%multiple_of3A_122, %dma_wait3A_1156] : memref<100000x32xf32, #tpu.memory_space<hbm>> -> memref<8x32xf32, #tpu.memory_space<hbm>>
      %dma_wait3A_1158 = arith.constant 0 : i32
      %dma_wait3A_1159 = arith.constant 0 : i32
      %dma_wait3A_1160 = tpu.memref_slice %arg16[%dma_wait3A_1151, %dma_wait3A_1158, %dma_wait3A_1159] : memref<16x8x32xf32, #tpu.memory_space<vmem>> -> memref<1x8x32xf32, #tpu.memory_space<vmem>>
      %dma_wait3A_1161 = tpu.memref_squeeze %dma_wait3A_1160 : memref<1x8x32xf32, #tpu.memory_space<vmem>> -> memref<8x32xf32, #tpu.memory_space<vmem>>
      %dma_wait3A_1162 = arith.constant 0 : i32
      %dma_wait3A_1163 = tpu.memref_slice %arg9[%multiple_of3A_122, %dma_wait3A_1162] : memref<100000x32xf32, #tpu.memory_space<hbm>> -> memref<8x32xf32, #tpu.memory_space<hbm>>
      tpu.wait_dma2 semaphore(%arg20 : memref<!tpu.dma_semaphore, #tpu.memory_space<semaphore_mem>>) src(%dma_wait3A_1163 : memref<8x32xf32, #tpu.memory_space<hbm>>) dst(%dma_wait3A_1161 : memref<8x32xf32, #tpu.memory_space<vmem>>)
      %dma_wait3A_1164 = arith.constant 1 : i32
      %dma_wait3A_1165 = arith.constant 0 : i32
      %dma_wait3A_1166 = arith.constant 0 : i32
      %dma_wait3A_1167 = tpu.memref_slice %arg13[%dma_wait3A_1164, %dma_wait3A_1165, %dma_wait3A_1166] : memref<16x8x64xf32, #tpu.memory_space<vmem>> -> memref<1x8x64xf32, #tpu.memory_space<vmem>>
      %dma_wait3A_1168 = tpu.memref_squeeze %dma_wait3A_1167 : memref<1x8x64xf32, #tpu.memory_space<vmem>> -> memref<8x64xf32, #tpu.memory_space<vmem>>
      %dma_wait3A_1169 = arith.constant 0 : i32
      %dma_wait3A_1170 = tpu.memref_slice %arg6[%multiple_of3A_179, %dma_wait3A_1169] : memref<1000000x64xf32, #tpu.memory_space<hbm>> -> memref<8x64xf32, #tpu.memory_space<hbm>>
      %dma_wait3A_1171 = arith.constant 0 : i32
      %dma_wait3A_1172 = arith.constant 0 : i32
      %dma_wait3A_1173 = tpu.memref_slice %arg13[%dma_wait3A_1164, %dma_wait3A_1171, %dma_wait3A_1172] : memref<16x8x64xf32, #tpu.memory_space<vmem>> -> memref<1x8x64xf32, #tpu.memory_space<vmem>>
      %dma_wait3A_1174 = tpu.memref_squeeze %dma_wait3A_1173 : memref<1x8x64xf32, #tpu.memory_space<vmem>> -> memref<8x64xf32, #tpu.memory_space<vmem>>
      %dma_wait3A_1175 = arith.constant 0 : i32
      %dma_wait3A_1176 = tpu.memref_slice %arg6[%multiple_of3A_179, %dma_wait3A_1175] : memref<1000000x64xf32, #tpu.memory_space<hbm>> -> memref<8x64xf32, #tpu.memory_space<hbm>>
      tpu.wait_dma2 semaphore(%arg20 : memref<!tpu.dma_semaphore, #tpu.memory_space<semaphore_mem>>) src(%dma_wait3A_1176 : memref<8x64xf32, #tpu.memory_space<hbm>>) dst(%dma_wait3A_1174 : memref<8x64xf32, #tpu.memory_space<vmem>>)
      %dma_wait3A_1177 = arith.constant 1 : i32
      %dma_wait3A_1178 = arith.constant 0 : i32
      %dma_wait3A_1179 = arith.constant 0 : i32
      %dma_wait3A_1180 = tpu.memref_slice %arg14[%dma_wait3A_1177, %dma_wait3A_1178, %dma_wait3A_1179] : memref<16x8x64xf32, #tpu.memory_space<vmem>> -> memref<1x8x64xf32, #tpu.memory_space<vmem>>
      %dma_wait3A_1181 = tpu.memref_squeeze %dma_wait3A_1180 : memref<1x8x64xf32, #tpu.memory_space<vmem>> -> memref<8x64xf32, #tpu.memory_space<vmem>>
      %dma_wait3A_1182 = arith.constant 0 : i32
      %dma_wait3A_1183 = tpu.memref_slice %arg7[%multiple_of3A_184, %dma_wait3A_1182] : memref<100000x64xf32, #tpu.memory_space<hbm>> -> memref<8x64xf32, #tpu.memory_space<hbm>>
      %dma_wait3A_1184 = arith.constant 0 : i32
      %dma_wait3A_1185 = arith.constant 0 : i32
      %dma_wait3A_1186 = tpu.memref_slice %arg14[%dma_wait3A_1177, %dma_wait3A_1184, %dma_wait3A_1185] : memref<16x8x64xf32, #tpu.memory_space<vmem>> -> memref<1x8x64xf32, #tpu.memory_space<vmem>>
      %dma_wait3A_1187 = tpu.memref_squeeze %dma_wait3A_1186 : memref<1x8x64xf32, #tpu.memory_space<vmem>> -> memref<8x64xf32, #tpu.memory_space<vmem>>
      %dma_wait3A_1188 = arith.constant 0 : i32
      %dma_wait3A_1189 = tpu.memref_slice %arg7[%multiple_of3A_184, %dma_wait3A_1188] : memref<100000x64xf32, #tpu.memory_space<hbm>> -> memref<8x64xf32, #tpu.memory_space<hbm>>
      tpu.wait_dma2 semaphore(%arg20 : memref<!tpu.dma_semaphore, #tpu.memory_space<semaphore_mem>>) src(%dma_wait3A_1189 : memref<8x64xf32, #tpu.memory_space<hbm>>) dst(%dma_wait3A_1187 : memref<8x64xf32, #tpu.memory_space<vmem>>)
      %dma_wait3A_1190 = arith.constant 1 : i32
      %dma_wait3A_1191 = arith.constant 0 : i32
      %dma_wait3A_1192 = arith.constant 0 : i32
      %dma_wait3A_1193 = tpu.memref_slice %arg15[%dma_wait3A_1190, %dma_wait3A_1191, %dma_wait3A_1192] : memref<16x8x32xf32, #tpu.memory_space<vmem>> -> memref<1x8x32xf32, #tpu.memory_space<vmem>>
      %dma_wait3A_1194 = tpu.memref_squeeze %dma_wait3A_1193 : memref<1x8x32xf32, #tpu.memory_space<vmem>> -> memref<8x32xf32, #tpu.memory_space<vmem>>
      %dma_wait3A_1195 = arith.constant 0 : i32
      %dma_wait3A_1196 = tpu.memref_slice %arg8[%multiple_of3A_179, %dma_wait3A_1195] : memref<1000000x32xf32, #tpu.memory_space<hbm>> -> memref<8x32xf32, #tpu.memory_space<hbm>>
      %dma_wait3A_1197 = arith.constant 0 : i32
      %dma_wait3A_1198 = arith.constant 0 : i32
      %dma_wait3A_1199 = tpu.memref_slice %arg15[%dma_wait3A_1190, %dma_wait3A_1197, %dma_wait3A_1198] : memref<16x8x32xf32, #tpu.memory_space<vmem>> -> memref<1x8x32xf32, #tpu.memory_space<vmem>>
      %dma_wait3A_1200 = tpu.memref_squeeze %dma_wait3A_1199 : memref<1x8x32xf32, #tpu.memory_space<vmem>> -> memref<8x32xf32, #tpu.memory_space<vmem>>
      %dma_wait3A_1201 = arith.constant 0 : i32
      %dma_wait3A_1202 = tpu.memref_slice %arg8[%multiple_of3A_179, %dma_wait3A_1201] : memref<1000000x32xf32, #tpu.memory_space<hbm>> -> memref<8x32xf32, #tpu.memory_space<hbm>>
      tpu.wait_dma2 semaphore(%arg20 : memref<!tpu.dma_semaphore, #tpu.memory_space<semaphore_mem>>) src(%dma_wait3A_1202 : memref<8x32xf32, #tpu.memory_space<hbm>>) dst(%dma_wait3A_1200 : memref<8x32xf32, #tpu.memory_space<vmem>>)
      %dma_wait3A_1203 = arith.constant 1 : i32
      %dma_wait3A_1204 = arith.constant 0 : i32
      %dma_wait3A_1205 = arith.constant 0 : i32
      %dma_wait3A_1206 = tpu.memref_slice %arg16[%dma_wait3A_1203, %dma_wait3A_1204, %dma_wait3A_1205] : memref<16x8x32xf32, #tpu.memory_space<vmem>> -> memref<1x8x32xf32, #tpu.memory_space<vmem>>
      %dma_wait3A_1207 = tpu.memref_squeeze %dma_wait3A_1206 : memref<1x8x32xf32, #tpu.memory_space<vmem>> -> memref<8x32xf32, #tpu.memory_space<vmem>>
      %dma_wait3A_1208 = arith.constant 0 : i32
      %dma_wait3A_1209 = tpu.memref_slice %arg9[%multiple_of3A_184, %dma_wait3A_1208] : memref<100000x32xf32, #tpu.memory_space<hbm>> -> memref<8x32xf32, #tpu.memory_space<hbm>>
      %dma_wait3A_1210 = arith.constant 0 : i32
      %dma_wait3A_1211 = arith.constant 0 : i32
      %dma_wait3A_1212 = tpu.memref_slice %arg16[%dma_wait3A_1203, %dma_wait3A_1210, %dma_wait3A_1211] : memref<16x8x32xf32, #tpu.memory_space<vmem>> -> memref<1x8x32xf32, #tpu.memory_space<vmem>>
      %dma_wait3A_1213 = tpu.memref_squeeze %dma_wait3A_1212 : memref<1x8x32xf32, #tpu.memory_space<vmem>> -> memref<8x32xf32, #tpu.memory_space<vmem>>
      %dma_wait3A_1214 = arith.constant 0 : i32
      %dma_wait3A_1215 = tpu.memref_slice %arg9[%multiple_of3A_184, %dma_wait3A_1214] : memref<100000x32xf32, #tpu.memory_space<hbm>> -> memref<8x32xf32, #tpu.memory_space<hbm>>
      tpu.wait_dma2 semaphore(%arg20 : memref<!tpu.dma_semaphore, #tpu.memory_space<semaphore_mem>>) src(%dma_wait3A_1215 : memref<8x32xf32, #tpu.memory_space<hbm>>) dst(%dma_wait3A_1213 : memref<8x32xf32, #tpu.memory_space<vmem>>)
      %dma_wait3A_1216 = arith.constant 2 : i32
      %dma_wait3A_1217 = arith.constant 0 : i32
      %dma_wait3A_1218 = arith.constant 0 : i32
      %dma_wait3A_1219 = tpu.memref_slice %arg13[%dma_wait3A_1216, %dma_wait3A_1217, %dma_wait3A_1218] : memref<16x8x64xf32, #tpu.memory_space<vmem>> -> memref<1x8x64xf32, #tpu.memory_space<vmem>>
      %dma_wait3A_1220 = tpu.memref_squeeze %dma_wait3A_1219 : memref<1x8x64xf32, #tpu.memory_space<vmem>> -> memref<8x64xf32, #tpu.memory_space<vmem>>
      %dma_wait3A_1221 = arith.constant 0 : i32
      %dma_wait3A_1222 = tpu.memref_slice %arg6[%multiple_of3A_241, %dma_wait3A_1221] : memref<1000000x64xf32, #tpu.memory_space<hbm>> -> memref<8x64xf32, #tpu.memory_space<hbm>>
      %dma_wait3A_1223 = arith.constant 0 : i32
      %dma_wait3A_1224 = arith.constant 0 : i32
      %dma_wait3A_1225 = tpu.memref_slice %arg13[%dma_wait3A_1216, %dma_wait3A_1223, %dma_wait3A_1224] : memref<16x8x64xf32, #tpu.memory_space<vmem>> -> memref<1x8x64xf32, #tpu.memory_space<vmem>>
      %dma_wait3A_1226 = tpu.memref_squeeze %dma_wait3A_1225 : memref<1x8x64xf32, #tpu.memory_space<vmem>> -> memref<8x64xf32, #tpu.memory_space<vmem>>
      %dma_wait3A_1227 = arith.constant 0 : i32
      %dma_wait3A_1228 = tpu.memref_slice %arg6[%multiple_of3A_241, %dma_wait3A_1227] : memref<1000000x64xf32, #tpu.memory_space<hbm>> -> memref<8x64xf32, #tpu.memory_space<hbm>>
      tpu.wait_dma2 semaphore(%arg20 : memref<!tpu.dma_semaphore, #tpu.memory_space<semaphore_mem>>) src(%dma_wait3A_1228 : memref<8x64xf32, #tpu.memory_space<hbm>>) dst(%dma_wait3A_1226 : memref<8x64xf32, #tpu.memory_space<vmem>>)
      %dma_wait3A_1229 = arith.constant 2 : i32
      %dma_wait3A_1230 = arith.constant 0 : i32
      %dma_wait3A_1231 = arith.constant 0 : i32
      %dma_wait3A_1232 = tpu.memref_slice %arg14[%dma_wait3A_1229, %dma_wait3A_1230, %dma_wait3A_1231] : memref<16x8x64xf32, #tpu.memory_space<vmem>> -> memref<1x8x64xf32, #tpu.memory_space<vmem>>
      %dma_wait3A_1233 = tpu.memref_squeeze %dma_wait3A_1232 : memref<1x8x64xf32, #tpu.memory_space<vmem>> -> memref<8x64xf32, #tpu.memory_space<vmem>>
      %dma_wait3A_1234 = arith.constant 0 : i32
      %dma_wait3A_1235 = tpu.memref_slice %arg7[%multiple_of3A_246, %dma_wait3A_1234] : memref<100000x64xf32, #tpu.memory_space<hbm>> -> memref<8x64xf32, #tpu.memory_space<hbm>>
      %dma_wait3A_1236 = arith.constant 0 : i32
      %dma_wait3A_1237 = arith.constant 0 : i32
      %dma_wait3A_1238 = tpu.memref_slice %arg14[%dma_wait3A_1229, %dma_wait3A_1236, %dma_wait3A_1237] : memref<16x8x64xf32, #tpu.memory_space<vmem>> -> memref<1x8x64xf32, #tpu.memory_space<vmem>>
      %dma_wait3A_1239 = tpu.memref_squeeze %dma_wait3A_1238 : memref<1x8x64xf32, #tpu.memory_space<vmem>> -> memref<8x64xf32, #tpu.memory_space<vmem>>
      %dma_wait3A_1240 = arith.constant 0 : i32
      %dma_wait3A_1241 = tpu.memref_slice %arg7[%multiple_of3A_246, %dma_wait3A_1240] : memref<100000x64xf32, #tpu.memory_space<hbm>> -> memref<8x64xf32, #tpu.memory_space<hbm>>
      tpu.wait_dma2 semaphore(%arg20 : memref<!tpu.dma_semaphore, #tpu.memory_space<semaphore_mem>>) src(%dma_wait3A_1241 : memref<8x64xf32, #tpu.memory_space<hbm>>) dst(%dma_wait3A_1239 : memref<8x64xf32, #tpu.memory_space<vmem>>)
      %dma_wait3A_1242 = arith.constant 2 : i32
      %dma_wait3A_1243 = arith.constant 0 : i32
      %dma_wait3A_1244 = arith.constant 0 : i32
      %dma_wait3A_1245 = tpu.memref_slice %arg15[%dma_wait3A_1242, %dma_wait3A_1243, %dma_wait3A_1244] : memref<16x8x32xf32, #tpu.memory_space<vmem>> -> memref<1x8x32xf32, #tpu.memory_space<vmem>>
      %dma_wait3A_1246 = tpu.memref_squeeze %dma_wait3A_1245 : memref<1x8x32xf32, #tpu.memory_space<vmem>> -> memref<8x32xf32, #tpu.memory_space<vmem>>
      %dma_wait3A_1247 = arith.constant 0 : i32
      %dma_wait3A_1248 = tpu.memref_slice %arg8[%multiple_of3A_241, %dma_wait3A_1247] : memref<1000000x32xf32, #tpu.memory_space<hbm>> -> memref<8x32xf32, #tpu.memory_space<hbm>>
      %dma_wait3A_1249 = arith.constant 0 : i32
      %dma_wait3A_1250 = arith.constant 0 : i32
      %dma_wait3A_1251 = tpu.memref_slice %arg15[%dma_wait3A_1242, %dma_wait3A_1249, %dma_wait3A_1250] : memref<16x8x32xf32, #tpu.memory_space<vmem>> -> memref<1x8x32xf32, #tpu.memory_space<vmem>>
      %dma_wait3A_1252 = tpu.memref_squeeze %dma_wait3A_1251 : memref<1x8x32xf32, #tpu.memory_space<vmem>> -> memref<8x32xf32, #tpu.memory_space<vmem>>
      %dma_wait3A_1253 = arith.constant 0 : i32
      %dma_wait3A_1254 = tpu.memref_slice %arg8[%multiple_of3A_241, %dma_wait3A_1253] : memref<1000000x32xf32, #tpu.memory_space<hbm>> -> memref<8x32xf32, #tpu.memory_space<hbm>>
      tpu.wait_dma2 semaphore(%arg20 : memref<!tpu.dma_semaphore, #tpu.memory_space<semaphore_mem>>) src(%dma_wait3A_1254 : memref<8x32xf32, #tpu.memory_space<hbm>>) dst(%dma_wait3A_1252 : memref<8x32xf32, #tpu.memory_space<vmem>>)
      %dma_wait3A_1255 = arith.constant 2 : i32
      %dma_wait3A_1256 = arith.constant 0 : i32
      %dma_wait3A_1257 = arith.constant 0 : i32
      %dma_wait3A_1258 = tpu.memref_slice %arg16[%dma_wait3A_1255, %dma_wait3A_1256, %dma_wait3A_1257] : memref<16x8x32xf32, #tpu.memory_space<vmem>> -> memref<1x8x32xf32, #tpu.memory_space<vmem>>
      %dma_wait3A_1259 = tpu.memref_squeeze %dma_wait3A_1258 : memref<1x8x32xf32, #tpu.memory_space<vmem>> -> memref<8x32xf32, #tpu.memory_space<vmem>>
      %dma_wait3A_1260 = arith.constant 0 : i32
      %dma_wait3A_1261 = tpu.memref_slice %arg9[%multiple_of3A_246, %dma_wait3A_1260] : memref<100000x32xf32, #tpu.memory_space<hbm>> -> memref<8x32xf32, #tpu.memory_space<hbm>>
      %dma_wait3A_1262 = arith.constant 0 : i32
      %dma_wait3A_1263 = arith.constant 0 : i32
      %dma_wait3A_1264 = tpu.memref_slice %arg16[%dma_wait3A_1255, %dma_wait3A_1262, %dma_wait3A_1263] : memref<16x8x32xf32, #tpu.memory_space<vmem>> -> memref<1x8x32xf32, #tpu.memory_space<vmem>>
      %dma_wait3A_1265 = tpu.memref_squeeze %dma_wait3A_1264 : memref<1x8x32xf32, #tpu.memory_space<vmem>> -> memref<8x32xf32, #tpu.memory_space<vmem>>
      %dma_wait3A_1266 = arith.constant 0 : i32
      %dma_wait3A_1267 = tpu.memref_slice %arg9[%multiple_of3A_246, %dma_wait3A_1266] : memref<100000x32xf32, #tpu.memory_space<hbm>> -> memref<8x32xf32, #tpu.memory_space<hbm>>
      tpu.wait_dma2 semaphore(%arg20 : memref<!tpu.dma_semaphore, #tpu.memory_space<semaphore_mem>>) src(%dma_wait3A_1267 : memref<8x32xf32, #tpu.memory_space<hbm>>) dst(%dma_wait3A_1265 : memref<8x32xf32, #tpu.memory_space<vmem>>)
      %dma_wait3A_1268 = arith.constant 3 : i32
      %dma_wait3A_1269 = arith.constant 0 : i32
      %dma_wait3A_1270 = arith.constant 0 : i32
      %dma_wait3A_1271 = tpu.memref_slice %arg13[%dma_wait3A_1268, %dma_wait3A_1269, %dma_wait3A_1270] : memref<16x8x64xf32, #tpu.memory_space<vmem>> -> memref<1x8x64xf32, #tpu.memory_space<vmem>>
      %dma_wait3A_1272 = tpu.memref_squeeze %dma_wait3A_1271 : memref<1x8x64xf32, #tpu.memory_space<vmem>> -> memref<8x64xf32, #tpu.memory_space<vmem>>
      %dma_wait3A_1273 = arith.constant 0 : i32
      %dma_wait3A_1274 = tpu.memref_slice %arg6[%multiple_of3A_303, %dma_wait3A_1273] : memref<1000000x64xf32, #tpu.memory_space<hbm>> -> memref<8x64xf32, #tpu.memory_space<hbm>>
      %dma_wait3A_1275 = arith.constant 0 : i32
      %dma_wait3A_1276 = arith.constant 0 : i32
      %dma_wait3A_1277 = tpu.memref_slice %arg13[%dma_wait3A_1268, %dma_wait3A_1275, %dma_wait3A_1276] : memref<16x8x64xf32, #tpu.memory_space<vmem>> -> memref<1x8x64xf32, #tpu.memory_space<vmem>>
      %dma_wait3A_1278 = tpu.memref_squeeze %dma_wait3A_1277 : memref<1x8x64xf32, #tpu.memory_space<vmem>> -> memref<8x64xf32, #tpu.memory_space<vmem>>
      %dma_wait3A_1279 = arith.constant 0 : i32
      %dma_wait3A_1280 = tpu.memref_slice %arg6[%multiple_of3A_303, %dma_wait3A_1279] : memref<1000000x64xf32, #tpu.memory_space<hbm>> -> memref<8x64xf32, #tpu.memory_space<hbm>>
      tpu.wait_dma2 semaphore(%arg20 : memref<!tpu.dma_semaphore, #tpu.memory_space<semaphore_mem>>) src(%dma_wait3A_1280 : memref<8x64xf32, #tpu.memory_space<hbm>>) dst(%dma_wait3A_1278 : memref<8x64xf32, #tpu.memory_space<vmem>>)
      %dma_wait3A_1281 = arith.constant 3 : i32
      %dma_wait3A_1282 = arith.constant 0 : i32
      %dma_wait3A_1283 = arith.constant 0 : i32
      %dma_wait3A_1284 = tpu.memref_slice %arg14[%dma_wait3A_1281, %dma_wait3A_1282, %dma_wait3A_1283] : memref<16x8x64xf32, #tpu.memory_space<vmem>> -> memref<1x8x64xf32, #tpu.memory_space<vmem>>
      %dma_wait3A_1285 = tpu.memref_squeeze %dma_wait3A_1284 : memref<1x8x64xf32, #tpu.memory_space<vmem>> -> memref<8x64xf32, #tpu.memory_space<vmem>>
      %dma_wait3A_1286 = arith.constant 0 : i32
      %dma_wait3A_1287 = tpu.memref_slice %arg7[%multiple_of3A_308, %dma_wait3A_1286] : memref<100000x64xf32, #tpu.memory_space<hbm>> -> memref<8x64xf32, #tpu.memory_space<hbm>>
      %dma_wait3A_1288 = arith.constant 0 : i32
      %dma_wait3A_1289 = arith.constant 0 : i32
      %dma_wait3A_1290 = tpu.memref_slice %arg14[%dma_wait3A_1281, %dma_wait3A_1288, %dma_wait3A_1289] : memref<16x8x64xf32, #tpu.memory_space<vmem>> -> memref<1x8x64xf32, #tpu.memory_space<vmem>>
      %dma_wait3A_1291 = tpu.memref_squeeze %dma_wait3A_1290 : memref<1x8x64xf32, #tpu.memory_space<vmem>> -> memref<8x64xf32, #tpu.memory_space<vmem>>
      %dma_wait3A_1292 = arith.constant 0 : i32
      %dma_wait3A_1293 = tpu.memref_slice %arg7[%multiple_of3A_308, %dma_wait3A_1292] : memref<100000x64xf32, #tpu.memory_space<hbm>> -> memref<8x64xf32, #tpu.memory_space<hbm>>
      tpu.wait_dma2 semaphore(%arg20 : memref<!tpu.dma_semaphore, #tpu.memory_space<semaphore_mem>>) src(%dma_wait3A_1293 : memref<8x64xf32, #tpu.memory_space<hbm>>) dst(%dma_wait3A_1291 : memref<8x64xf32, #tpu.memory_space<vmem>>)
      %dma_wait3A_1294 = arith.constant 3 : i32
      %dma_wait3A_1295 = arith.constant 0 : i32
      %dma_wait3A_1296 = arith.constant 0 : i32
      %dma_wait3A_1297 = tpu.memref_slice %arg15[%dma_wait3A_1294, %dma_wait3A_1295, %dma_wait3A_1296] : memref<16x8x32xf32, #tpu.memory_space<vmem>> -> memref<1x8x32xf32, #tpu.memory_space<vmem>>
      %dma_wait3A_1298 = tpu.memref_squeeze %dma_wait3A_1297 : memref<1x8x32xf32, #tpu.memory_space<vmem>> -> memref<8x32xf32, #tpu.memory_space<vmem>>
      %dma_wait3A_1299 = arith.constant 0 : i32
      %dma_wait3A_1300 = tpu.memref_slice %arg8[%multiple_of3A_303, %dma_wait3A_1299] : memref<1000000x32xf32, #tpu.memory_space<hbm>> -> memref<8x32xf32, #tpu.memory_space<hbm>>
      %dma_wait3A_1301 = arith.constant 0 : i32
      %dma_wait3A_1302 = arith.constant 0 : i32
      %dma_wait3A_1303 = tpu.memref_slice %arg15[%dma_wait3A_1294, %dma_wait3A_1301, %dma_wait3A_1302] : memref<16x8x32xf32, #tpu.memory_space<vmem>> -> memref<1x8x32xf32, #tpu.memory_space<vmem>>
      %dma_wait3A_1304 = tpu.memref_squeeze %dma_wait3A_1303 : memref<1x8x32xf32, #tpu.memory_space<vmem>> -> memref<8x32xf32, #tpu.memory_space<vmem>>
      %dma_wait3A_1305 = arith.constant 0 : i32
      %dma_wait3A_1306 = tpu.memref_slice %arg8[%multiple_of3A_303, %dma_wait3A_1305] : memref<1000000x32xf32, #tpu.memory_space<hbm>> -> memref<8x32xf32, #tpu.memory_space<hbm>>
      tpu.wait_dma2 semaphore(%arg20 : memref<!tpu.dma_semaphore, #tpu.memory_space<semaphore_mem>>) src(%dma_wait3A_1306 : memref<8x32xf32, #tpu.memory_space<hbm>>) dst(%dma_wait3A_1304 : memref<8x32xf32, #tpu.memory_space<vmem>>)
      %dma_wait3A_1307 = arith.constant 3 : i32
      %dma_wait3A_1308 = arith.constant 0 : i32
      %dma_wait3A_1309 = arith.constant 0 : i32
      %dma_wait3A_1310 = tpu.memref_slice %arg16[%dma_wait3A_1307, %dma_wait3A_1308, %dma_wait3A_1309] : memref<16x8x32xf32, #tpu.memory_space<vmem>> -> memref<1x8x32xf32, #tpu.memory_space<vmem>>
      %dma_wait3A_1311 = tpu.memref_squeeze %dma_wait3A_1310 : memref<1x8x32xf32, #tpu.memory_space<vmem>> -> memref<8x32xf32, #tpu.memory_space<vmem>>
      %dma_wait3A_1312 = arith.constant 0 : i32
      %dma_wait3A_1313 = tpu.memref_slice %arg9[%multiple_of3A_308, %dma_wait3A_1312] : memref<100000x32xf32, #tpu.memory_space<hbm>> -> memref<8x32xf32, #tpu.memory_space<hbm>>
      %dma_wait3A_1314 = arith.constant 0 : i32
      %dma_wait3A_1315 = arith.constant 0 : i32
      %dma_wait3A_1316 = tpu.memref_slice %arg16[%dma_wait3A_1307, %dma_wait3A_1314, %dma_wait3A_1315] : memref<16x8x32xf32, #tpu.memory_space<vmem>> -> memref<1x8x32xf32, #tpu.memory_space<vmem>>
      %dma_wait3A_1317 = tpu.memref_squeeze %dma_wait3A_1316 : memref<1x8x32xf32, #tpu.memory_space<vmem>> -> memref<8x32xf32, #tpu.memory_space<vmem>>
      %dma_wait3A_1318 = arith.constant 0 : i32
      %dma_wait3A_1319 = tpu.memref_slice %arg9[%multiple_of3A_308, %dma_wait3A_1318] : memref<100000x32xf32, #tpu.memory_space<hbm>> -> memref<8x32xf32, #tpu.memory_space<hbm>>
      tpu.wait_dma2 semaphore(%arg20 : memref<!tpu.dma_semaphore, #tpu.memory_space<semaphore_mem>>) src(%dma_wait3A_1319 : memref<8x32xf32, #tpu.memory_space<hbm>>) dst(%dma_wait3A_1317 : memref<8x32xf32, #tpu.memory_space<vmem>>)
      %dma_wait3A_1320 = arith.constant 4 : i32
      %dma_wait3A_1321 = arith.constant 0 : i32
      %dma_wait3A_1322 = arith.constant 0 : i32
      %dma_wait3A_1323 = tpu.memref_slice %arg13[%dma_wait3A_1320, %dma_wait3A_1321, %dma_wait3A_1322] : memref<16x8x64xf32, #tpu.memory_space<vmem>> -> memref<1x8x64xf32, #tpu.memory_space<vmem>>
      %dma_wait3A_1324 = tpu.memref_squeeze %dma_wait3A_1323 : memref<1x8x64xf32, #tpu.memory_space<vmem>> -> memref<8x64xf32, #tpu.memory_space<vmem>>
      %dma_wait3A_1325 = arith.constant 0 : i32
      %dma_wait3A_1326 = tpu.memref_slice %arg6[%multiple_of3A_365, %dma_wait3A_1325] : memref<1000000x64xf32, #tpu.memory_space<hbm>> -> memref<8x64xf32, #tpu.memory_space<hbm>>
      %dma_wait3A_1327 = arith.constant 0 : i32
      %dma_wait3A_1328 = arith.constant 0 : i32
      %dma_wait3A_1329 = tpu.memref_slice %arg13[%dma_wait3A_1320, %dma_wait3A_1327, %dma_wait3A_1328] : memref<16x8x64xf32, #tpu.memory_space<vmem>> -> memref<1x8x64xf32, #tpu.memory_space<vmem>>
      %dma_wait3A_1330 = tpu.memref_squeeze %dma_wait3A_1329 : memref<1x8x64xf32, #tpu.memory_space<vmem>> -> memref<8x64xf32, #tpu.memory_space<vmem>>
      %dma_wait3A_1331 = arith.constant 0 : i32
      %dma_wait3A_1332 = tpu.memref_slice %arg6[%multiple_of3A_365, %dma_wait3A_1331] : memref<1000000x64xf32, #tpu.memory_space<hbm>> -> memref<8x64xf32, #tpu.memory_space<hbm>>
      tpu.wait_dma2 semaphore(%arg20 : memref<!tpu.dma_semaphore, #tpu.memory_space<semaphore_mem>>) src(%dma_wait3A_1332 : memref<8x64xf32, #tpu.memory_space<hbm>>) dst(%dma_wait3A_1330 : memref<8x64xf32, #tpu.memory_space<vmem>>)
      %dma_wait3A_1333 = arith.constant 4 : i32
      %dma_wait3A_1334 = arith.constant 0 : i32
      %dma_wait3A_1335 = arith.constant 0 : i32
      %dma_wait3A_1336 = tpu.memref_slice %arg14[%dma_wait3A_1333, %dma_wait3A_1334, %dma_wait3A_1335] : memref<16x8x64xf32, #tpu.memory_space<vmem>> -> memref<1x8x64xf32, #tpu.memory_space<vmem>>
      %dma_wait3A_1337 = tpu.memref_squeeze %dma_wait3A_1336 : memref<1x8x64xf32, #tpu.memory_space<vmem>> -> memref<8x64xf32, #tpu.memory_space<vmem>>
      %dma_wait3A_1338 = arith.constant 0 : i32
      %dma_wait3A_1339 = tpu.memref_slice %arg7[%multiple_of3A_370, %dma_wait3A_1338] : memref<100000x64xf32, #tpu.memory_space<hbm>> -> memref<8x64xf32, #tpu.memory_space<hbm>>
      %dma_wait3A_1340 = arith.constant 0 : i32
      %dma_wait3A_1341 = arith.constant 0 : i32
      %dma_wait3A_1342 = tpu.memref_slice %arg14[%dma_wait3A_1333, %dma_wait3A_1340, %dma_wait3A_1341] : memref<16x8x64xf32, #tpu.memory_space<vmem>> -> memref<1x8x64xf32, #tpu.memory_space<vmem>>
      %dma_wait3A_1343 = tpu.memref_squeeze %dma_wait3A_1342 : memref<1x8x64xf32, #tpu.memory_space<vmem>> -> memref<8x64xf32, #tpu.memory_space<vmem>>
      %dma_wait3A_1344 = arith.constant 0 : i32
      %dma_wait3A_1345 = tpu.memref_slice %arg7[%multiple_of3A_370, %dma_wait3A_1344] : memref<100000x64xf32, #tpu.memory_space<hbm>> -> memref<8x64xf32, #tpu.memory_space<hbm>>
      tpu.wait_dma2 semaphore(%arg20 : memref<!tpu.dma_semaphore, #tpu.memory_space<semaphore_mem>>) src(%dma_wait3A_1345 : memref<8x64xf32, #tpu.memory_space<hbm>>) dst(%dma_wait3A_1343 : memref<8x64xf32, #tpu.memory_space<vmem>>)
      %dma_wait3A_1346 = arith.constant 4 : i32
      %dma_wait3A_1347 = arith.constant 0 : i32
      %dma_wait3A_1348 = arith.constant 0 : i32
      %dma_wait3A_1349 = tpu.memref_slice %arg15[%dma_wait3A_1346, %dma_wait3A_1347, %dma_wait3A_1348] : memref<16x8x32xf32, #tpu.memory_space<vmem>> -> memref<1x8x32xf32, #tpu.memory_space<vmem>>
      %dma_wait3A_1350 = tpu.memref_squeeze %dma_wait3A_1349 : memref<1x8x32xf32, #tpu.memory_space<vmem>> -> memref<8x32xf32, #tpu.memory_space<vmem>>
      %dma_wait3A_1351 = arith.constant 0 : i32
      %dma_wait3A_1352 = tpu.memref_slice %arg8[%multiple_of3A_365, %dma_wait3A_1351] : memref<1000000x32xf32, #tpu.memory_space<hbm>> -> memref<8x32xf32, #tpu.memory_space<hbm>>
      %dma_wait3A_1353 = arith.constant 0 : i32
      %dma_wait3A_1354 = arith.constant 0 : i32
      %dma_wait3A_1355 = tpu.memref_slice %arg15[%dma_wait3A_1346, %dma_wait3A_1353, %dma_wait3A_1354] : memref<16x8x32xf32, #tpu.memory_space<vmem>> -> memref<1x8x32xf32, #tpu.memory_space<vmem>>
      %dma_wait3A_1356 = tpu.memref_squeeze %dma_wait3A_1355 : memref<1x8x32xf32, #tpu.memory_space<vmem>> -> memref<8x32xf32, #tpu.memory_space<vmem>>
      %dma_wait3A_1357 = arith.constant 0 : i32
      %dma_wait3A_1358 = tpu.memref_slice %arg8[%multiple_of3A_365, %dma_wait3A_1357] : memref<1000000x32xf32, #tpu.memory_space<hbm>> -> memref<8x32xf32, #tpu.memory_space<hbm>>
      tpu.wait_dma2 semaphore(%arg20 : memref<!tpu.dma_semaphore, #tpu.memory_space<semaphore_mem>>) src(%dma_wait3A_1358 : memref<8x32xf32, #tpu.memory_space<hbm>>) dst(%dma_wait3A_1356 : memref<8x32xf32, #tpu.memory_space<vmem>>)
      %dma_wait3A_1359 = arith.constant 4 : i32
      %dma_wait3A_1360 = arith.constant 0 : i32
      %dma_wait3A_1361 = arith.constant 0 : i32
      %dma_wait3A_1362 = tpu.memref_slice %arg16[%dma_wait3A_1359, %dma_wait3A_1360, %dma_wait3A_1361] : memref<16x8x32xf32, #tpu.memory_space<vmem>> -> memref<1x8x32xf32, #tpu.memory_space<vmem>>
      %dma_wait3A_1363 = tpu.memref_squeeze %dma_wait3A_1362 : memref<1x8x32xf32, #tpu.memory_space<vmem>> -> memref<8x32xf32, #tpu.memory_space<vmem>>
      %dma_wait3A_1364 = arith.constant 0 : i32
      %dma_wait3A_1365 = tpu.memref_slice %arg9[%multiple_of3A_370, %dma_wait3A_1364] : memref<100000x32xf32, #tpu.memory_space<hbm>> -> memref<8x32xf32, #tpu.memory_space<hbm>>
      %dma_wait3A_1366 = arith.constant 0 : i32
      %dma_wait3A_1367 = arith.constant 0 : i32
      %dma_wait3A_1368 = tpu.memref_slice %arg16[%dma_wait3A_1359, %dma_wait3A_1366, %dma_wait3A_1367] : memref<16x8x32xf32, #tpu.memory_space<vmem>> -> memref<1x8x32xf32, #tpu.memory_space<vmem>>
      %dma_wait3A_1369 = tpu.memref_squeeze %dma_wait3A_1368 : memref<1x8x32xf32, #tpu.memory_space<vmem>> -> memref<8x32xf32, #tpu.memory_space<vmem>>
      %dma_wait3A_1370 = arith.constant 0 : i32
      %dma_wait3A_1371 = tpu.memref_slice %arg9[%multiple_of3A_370, %dma_wait3A_1370] : memref<100000x32xf32, #tpu.memory_space<hbm>> -> memref<8x32xf32, #tpu.memory_space<hbm>>
      tpu.wait_dma2 semaphore(%arg20 : memref<!tpu.dma_semaphore, #tpu.memory_space<semaphore_mem>>) src(%dma_wait3A_1371 : memref<8x32xf32, #tpu.memory_space<hbm>>) dst(%dma_wait3A_1369 : memref<8x32xf32, #tpu.memory_space<vmem>>)
      %dma_wait3A_1372 = arith.constant 5 : i32
      %dma_wait3A_1373 = arith.constant 0 : i32
      %dma_wait3A_1374 = arith.constant 0 : i32
      %dma_wait3A_1375 = tpu.memref_slice %arg13[%dma_wait3A_1372, %dma_wait3A_1373, %dma_wait3A_1374] : memref<16x8x64xf32, #tpu.memory_space<vmem>> -> memref<1x8x64xf32, #tpu.memory_space<vmem>>
      %dma_wait3A_1376 = tpu.memref_squeeze %dma_wait3A_1375 : memref<1x8x64xf32, #tpu.memory_space<vmem>> -> memref<8x64xf32, #tpu.memory_space<vmem>>
      %dma_wait3A_1377 = arith.constant 0 : i32
      %dma_wait3A_1378 = tpu.memref_slice %arg6[%multiple_of3A_427, %dma_wait3A_1377] : memref<1000000x64xf32, #tpu.memory_space<hbm>> -> memref<8x64xf32, #tpu.memory_space<hbm>>
      %dma_wait3A_1379 = arith.constant 0 : i32
      %dma_wait3A_1380 = arith.constant 0 : i32
      %dma_wait3A_1381 = tpu.memref_slice %arg13[%dma_wait3A_1372, %dma_wait3A_1379, %dma_wait3A_1380] : memref<16x8x64xf32, #tpu.memory_space<vmem>> -> memref<1x8x64xf32, #tpu.memory_space<vmem>>
      %dma_wait3A_1382 = tpu.memref_squeeze %dma_wait3A_1381 : memref<1x8x64xf32, #tpu.memory_space<vmem>> -> memref<8x64xf32, #tpu.memory_space<vmem>>
      %dma_wait3A_1383 = arith.constant 0 : i32
      %dma_wait3A_1384 = tpu.memref_slice %arg6[%multiple_of3A_427, %dma_wait3A_1383] : memref<1000000x64xf32, #tpu.memory_space<hbm>> -> memref<8x64xf32, #tpu.memory_space<hbm>>
      tpu.wait_dma2 semaphore(%arg20 : memref<!tpu.dma_semaphore, #tpu.memory_space<semaphore_mem>>) src(%dma_wait3A_1384 : memref<8x64xf32, #tpu.memory_space<hbm>>) dst(%dma_wait3A_1382 : memref<8x64xf32, #tpu.memory_space<vmem>>)
      %dma_wait3A_1385 = arith.constant 5 : i32
      %dma_wait3A_1386 = arith.constant 0 : i32
      %dma_wait3A_1387 = arith.constant 0 : i32
      %dma_wait3A_1388 = tpu.memref_slice %arg14[%dma_wait3A_1385, %dma_wait3A_1386, %dma_wait3A_1387] : memref<16x8x64xf32, #tpu.memory_space<vmem>> -> memref<1x8x64xf32, #tpu.memory_space<vmem>>
      %dma_wait3A_1389 = tpu.memref_squeeze %dma_wait3A_1388 : memref<1x8x64xf32, #tpu.memory_space<vmem>> -> memref<8x64xf32, #tpu.memory_space<vmem>>
      %dma_wait3A_1390 = arith.constant 0 : i32
      %dma_wait3A_1391 = tpu.memref_slice %arg7[%multiple_of3A_432, %dma_wait3A_1390] : memref<100000x64xf32, #tpu.memory_space<hbm>> -> memref<8x64xf32, #tpu.memory_space<hbm>>
      %dma_wait3A_1392 = arith.constant 0 : i32
      %dma_wait3A_1393 = arith.constant 0 : i32
      %dma_wait3A_1394 = tpu.memref_slice %arg14[%dma_wait3A_1385, %dma_wait3A_1392, %dma_wait3A_1393] : memref<16x8x64xf32, #tpu.memory_space<vmem>> -> memref<1x8x64xf32, #tpu.memory_space<vmem>>
      %dma_wait3A_1395 = tpu.memref_squeeze %dma_wait3A_1394 : memref<1x8x64xf32, #tpu.memory_space<vmem>> -> memref<8x64xf32, #tpu.memory_space<vmem>>
      %dma_wait3A_1396 = arith.constant 0 : i32
      %dma_wait3A_1397 = tpu.memref_slice %arg7[%multiple_of3A_432, %dma_wait3A_1396] : memref<100000x64xf32, #tpu.memory_space<hbm>> -> memref<8x64xf32, #tpu.memory_space<hbm>>
      tpu.wait_dma2 semaphore(%arg20 : memref<!tpu.dma_semaphore, #tpu.memory_space<semaphore_mem>>) src(%dma_wait3A_1397 : memref<8x64xf32, #tpu.memory_space<hbm>>) dst(%dma_wait3A_1395 : memref<8x64xf32, #tpu.memory_space<vmem>>)
      %dma_wait3A_1398 = arith.constant 5 : i32
      %dma_wait3A_1399 = arith.constant 0 : i32
      %dma_wait3A_1400 = arith.constant 0 : i32
      %dma_wait3A_1401 = tpu.memref_slice %arg15[%dma_wait3A_1398, %dma_wait3A_1399, %dma_wait3A_1400] : memref<16x8x32xf32, #tpu.memory_space<vmem>> -> memref<1x8x32xf32, #tpu.memory_space<vmem>>
      %dma_wait3A_1402 = tpu.memref_squeeze %dma_wait3A_1401 : memref<1x8x32xf32, #tpu.memory_space<vmem>> -> memref<8x32xf32, #tpu.memory_space<vmem>>
      %dma_wait3A_1403 = arith.constant 0 : i32
      %dma_wait3A_1404 = tpu.memref_slice %arg8[%multiple_of3A_427, %dma_wait3A_1403] : memref<1000000x32xf32, #tpu.memory_space<hbm>> -> memref<8x32xf32, #tpu.memory_space<hbm>>
      %dma_wait3A_1405 = arith.constant 0 : i32
      %dma_wait3A_1406 = arith.constant 0 : i32
      %dma_wait3A_1407 = tpu.memref_slice %arg15[%dma_wait3A_1398, %dma_wait3A_1405, %dma_wait3A_1406] : memref<16x8x32xf32, #tpu.memory_space<vmem>> -> memref<1x8x32xf32, #tpu.memory_space<vmem>>
      %dma_wait3A_1408 = tpu.memref_squeeze %dma_wait3A_1407 : memref<1x8x32xf32, #tpu.memory_space<vmem>> -> memref<8x32xf32, #tpu.memory_space<vmem>>
      %dma_wait3A_1409 = arith.constant 0 : i32
      %dma_wait3A_1410 = tpu.memref_slice %arg8[%multiple_of3A_427, %dma_wait3A_1409] : memref<1000000x32xf32, #tpu.memory_space<hbm>> -> memref<8x32xf32, #tpu.memory_space<hbm>>
      tpu.wait_dma2 semaphore(%arg20 : memref<!tpu.dma_semaphore, #tpu.memory_space<semaphore_mem>>) src(%dma_wait3A_1410 : memref<8x32xf32, #tpu.memory_space<hbm>>) dst(%dma_wait3A_1408 : memref<8x32xf32, #tpu.memory_space<vmem>>)
      %dma_wait3A_1411 = arith.constant 5 : i32
      %dma_wait3A_1412 = arith.constant 0 : i32
      %dma_wait3A_1413 = arith.constant 0 : i32
      %dma_wait3A_1414 = tpu.memref_slice %arg16[%dma_wait3A_1411, %dma_wait3A_1412, %dma_wait3A_1413] : memref<16x8x32xf32, #tpu.memory_space<vmem>> -> memref<1x8x32xf32, #tpu.memory_space<vmem>>
      %dma_wait3A_1415 = tpu.memref_squeeze %dma_wait3A_1414 : memref<1x8x32xf32, #tpu.memory_space<vmem>> -> memref<8x32xf32, #tpu.memory_space<vmem>>
      %dma_wait3A_1416 = arith.constant 0 : i32
      %dma_wait3A_1417 = tpu.memref_slice %arg9[%multiple_of3A_432, %dma_wait3A_1416] : memref<100000x32xf32, #tpu.memory_space<hbm>> -> memref<8x32xf32, #tpu.memory_space<hbm>>
      %dma_wait3A_1418 = arith.constant 0 : i32
      %dma_wait3A_1419 = arith.constant 0 : i32
      %dma_wait3A_1420 = tpu.memref_slice %arg16[%dma_wait3A_1411, %dma_wait3A_1418, %dma_wait3A_1419] : memref<16x8x32xf32, #tpu.memory_space<vmem>> -> memref<1x8x32xf32, #tpu.memory_space<vmem>>
      %dma_wait3A_1421 = tpu.memref_squeeze %dma_wait3A_1420 : memref<1x8x32xf32, #tpu.memory_space<vmem>> -> memref<8x32xf32, #tpu.memory_space<vmem>>
      %dma_wait3A_1422 = arith.constant 0 : i32
      %dma_wait3A_1423 = tpu.memref_slice %arg9[%multiple_of3A_432, %dma_wait3A_1422] : memref<100000x32xf32, #tpu.memory_space<hbm>> -> memref<8x32xf32, #tpu.memory_space<hbm>>
      tpu.wait_dma2 semaphore(%arg20 : memref<!tpu.dma_semaphore, #tpu.memory_space<semaphore_mem>>) src(%dma_wait3A_1423 : memref<8x32xf32, #tpu.memory_space<hbm>>) dst(%dma_wait3A_1421 : memref<8x32xf32, #tpu.memory_space<vmem>>)
      %dma_wait3A_1424 = arith.constant 6 : i32
      %dma_wait3A_1425 = arith.constant 0 : i32
      %dma_wait3A_1426 = arith.constant 0 : i32
      %dma_wait3A_1427 = tpu.memref_slice %arg13[%dma_wait3A_1424, %dma_wait3A_1425, %dma_wait3A_1426] : memref<16x8x64xf32, #tpu.memory_space<vmem>> -> memref<1x8x64xf32, #tpu.memory_space<vmem>>
      %dma_wait3A_1428 = tpu.memref_squeeze %dma_wait3A_1427 : memref<1x8x64xf32, #tpu.memory_space<vmem>> -> memref<8x64xf32, #tpu.memory_space<vmem>>
      %dma_wait3A_1429 = arith.constant 0 : i32
      %dma_wait3A_1430 = tpu.memref_slice %arg6[%multiple_of3A_489, %dma_wait3A_1429] : memref<1000000x64xf32, #tpu.memory_space<hbm>> -> memref<8x64xf32, #tpu.memory_space<hbm>>
      %dma_wait3A_1431 = arith.constant 0 : i32
      %dma_wait3A_1432 = arith.constant 0 : i32
      %dma_wait3A_1433 = tpu.memref_slice %arg13[%dma_wait3A_1424, %dma_wait3A_1431, %dma_wait3A_1432] : memref<16x8x64xf32, #tpu.memory_space<vmem>> -> memref<1x8x64xf32, #tpu.memory_space<vmem>>
      %dma_wait3A_1434 = tpu.memref_squeeze %dma_wait3A_1433 : memref<1x8x64xf32, #tpu.memory_space<vmem>> -> memref<8x64xf32, #tpu.memory_space<vmem>>
      %dma_wait3A_1435 = arith.constant 0 : i32
      %dma_wait3A_1436 = tpu.memref_slice %arg6[%multiple_of3A_489, %dma_wait3A_1435] : memref<1000000x64xf32, #tpu.memory_space<hbm>> -> memref<8x64xf32, #tpu.memory_space<hbm>>
      tpu.wait_dma2 semaphore(%arg20 : memref<!tpu.dma_semaphore, #tpu.memory_space<semaphore_mem>>) src(%dma_wait3A_1436 : memref<8x64xf32, #tpu.memory_space<hbm>>) dst(%dma_wait3A_1434 : memref<8x64xf32, #tpu.memory_space<vmem>>)
      %dma_wait3A_1437 = arith.constant 6 : i32
      %dma_wait3A_1438 = arith.constant 0 : i32
      %dma_wait3A_1439 = arith.constant 0 : i32
      %dma_wait3A_1440 = tpu.memref_slice %arg14[%dma_wait3A_1437, %dma_wait3A_1438, %dma_wait3A_1439] : memref<16x8x64xf32, #tpu.memory_space<vmem>> -> memref<1x8x64xf32, #tpu.memory_space<vmem>>
      %dma_wait3A_1441 = tpu.memref_squeeze %dma_wait3A_1440 : memref<1x8x64xf32, #tpu.memory_space<vmem>> -> memref<8x64xf32, #tpu.memory_space<vmem>>
      %dma_wait3A_1442 = arith.constant 0 : i32
      %dma_wait3A_1443 = tpu.memref_slice %arg7[%multiple_of3A_494, %dma_wait3A_1442] : memref<100000x64xf32, #tpu.memory_space<hbm>> -> memref<8x64xf32, #tpu.memory_space<hbm>>
      %dma_wait3A_1444 = arith.constant 0 : i32
      %dma_wait3A_1445 = arith.constant 0 : i32
      %dma_wait3A_1446 = tpu.memref_slice %arg14[%dma_wait3A_1437, %dma_wait3A_1444, %dma_wait3A_1445] : memref<16x8x64xf32, #tpu.memory_space<vmem>> -> memref<1x8x64xf32, #tpu.memory_space<vmem>>
      %dma_wait3A_1447 = tpu.memref_squeeze %dma_wait3A_1446 : memref<1x8x64xf32, #tpu.memory_space<vmem>> -> memref<8x64xf32, #tpu.memory_space<vmem>>
      %dma_wait3A_1448 = arith.constant 0 : i32
      %dma_wait3A_1449 = tpu.memref_slice %arg7[%multiple_of3A_494, %dma_wait3A_1448] : memref<100000x64xf32, #tpu.memory_space<hbm>> -> memref<8x64xf32, #tpu.memory_space<hbm>>
      tpu.wait_dma2 semaphore(%arg20 : memref<!tpu.dma_semaphore, #tpu.memory_space<semaphore_mem>>) src(%dma_wait3A_1449 : memref<8x64xf32, #tpu.memory_space<hbm>>) dst(%dma_wait3A_1447 : memref<8x64xf32, #tpu.memory_space<vmem>>)
      %dma_wait3A_1450 = arith.constant 6 : i32
      %dma_wait3A_1451 = arith.constant 0 : i32
      %dma_wait3A_1452 = arith.constant 0 : i32
      %dma_wait3A_1453 = tpu.memref_slice %arg15[%dma_wait3A_1450, %dma_wait3A_1451, %dma_wait3A_1452] : memref<16x8x32xf32, #tpu.memory_space<vmem>> -> memref<1x8x32xf32, #tpu.memory_space<vmem>>
      %dma_wait3A_1454 = tpu.memref_squeeze %dma_wait3A_1453 : memref<1x8x32xf32, #tpu.memory_space<vmem>> -> memref<8x32xf32, #tpu.memory_space<vmem>>
      %dma_wait3A_1455 = arith.constant 0 : i32
      %dma_wait3A_1456 = tpu.memref_slice %arg8[%multiple_of3A_489, %dma_wait3A_1455] : memref<1000000x32xf32, #tpu.memory_space<hbm>> -> memref<8x32xf32, #tpu.memory_space<hbm>>
      %dma_wait3A_1457 = arith.constant 0 : i32
      %dma_wait3A_1458 = arith.constant 0 : i32
      %dma_wait3A_1459 = tpu.memref_slice %arg15[%dma_wait3A_1450, %dma_wait3A_1457, %dma_wait3A_1458] : memref<16x8x32xf32, #tpu.memory_space<vmem>> -> memref<1x8x32xf32, #tpu.memory_space<vmem>>
      %dma_wait3A_1460 = tpu.memref_squeeze %dma_wait3A_1459 : memref<1x8x32xf32, #tpu.memory_space<vmem>> -> memref<8x32xf32, #tpu.memory_space<vmem>>
      %dma_wait3A_1461 = arith.constant 0 : i32
      %dma_wait3A_1462 = tpu.memref_slice %arg8[%multiple_of3A_489, %dma_wait3A_1461] : memref<1000000x32xf32, #tpu.memory_space<hbm>> -> memref<8x32xf32, #tpu.memory_space<hbm>>
      tpu.wait_dma2 semaphore(%arg20 : memref<!tpu.dma_semaphore, #tpu.memory_space<semaphore_mem>>) src(%dma_wait3A_1462 : memref<8x32xf32, #tpu.memory_space<hbm>>) dst(%dma_wait3A_1460 : memref<8x32xf32, #tpu.memory_space<vmem>>)
      %dma_wait3A_1463 = arith.constant 6 : i32
      %dma_wait3A_1464 = arith.constant 0 : i32
      %dma_wait3A_1465 = arith.constant 0 : i32
      %dma_wait3A_1466 = tpu.memref_slice %arg16[%dma_wait3A_1463, %dma_wait3A_1464, %dma_wait3A_1465] : memref<16x8x32xf32, #tpu.memory_space<vmem>> -> memref<1x8x32xf32, #tpu.memory_space<vmem>>
      %dma_wait3A_1467 = tpu.memref_squeeze %dma_wait3A_1466 : memref<1x8x32xf32, #tpu.memory_space<vmem>> -> memref<8x32xf32, #tpu.memory_space<vmem>>
      %dma_wait3A_1468 = arith.constant 0 : i32
      %dma_wait3A_1469 = tpu.memref_slice %arg9[%multiple_of3A_494, %dma_wait3A_1468] : memref<100000x32xf32, #tpu.memory_space<hbm>> -> memref<8x32xf32, #tpu.memory_space<hbm>>
      %dma_wait3A_1470 = arith.constant 0 : i32
      %dma_wait3A_1471 = arith.constant 0 : i32
      %dma_wait3A_1472 = tpu.memref_slice %arg16[%dma_wait3A_1463, %dma_wait3A_1470, %dma_wait3A_1471] : memref<16x8x32xf32, #tpu.memory_space<vmem>> -> memref<1x8x32xf32, #tpu.memory_space<vmem>>
      %dma_wait3A_1473 = tpu.memref_squeeze %dma_wait3A_1472 : memref<1x8x32xf32, #tpu.memory_space<vmem>> -> memref<8x32xf32, #tpu.memory_space<vmem>>
      %dma_wait3A_1474 = arith.constant 0 : i32
      %dma_wait3A_1475 = tpu.memref_slice %arg9[%multiple_of3A_494, %dma_wait3A_1474] : memref<100000x32xf32, #tpu.memory_space<hbm>> -> memref<8x32xf32, #tpu.memory_space<hbm>>
      tpu.wait_dma2 semaphore(%arg20 : memref<!tpu.dma_semaphore, #tpu.memory_space<semaphore_mem>>) src(%dma_wait3A_1475 : memref<8x32xf32, #tpu.memory_space<hbm>>) dst(%dma_wait3A_1473 : memref<8x32xf32, #tpu.memory_space<vmem>>)
      %dma_wait3A_1476 = arith.constant 7 : i32
      %dma_wait3A_1477 = arith.constant 0 : i32
      %dma_wait3A_1478 = arith.constant 0 : i32
      %dma_wait3A_1479 = tpu.memref_slice %arg13[%dma_wait3A_1476, %dma_wait3A_1477, %dma_wait3A_1478] : memref<16x8x64xf32, #tpu.memory_space<vmem>> -> memref<1x8x64xf32, #tpu.memory_space<vmem>>
      %dma_wait3A_1480 = tpu.memref_squeeze %dma_wait3A_1479 : memref<1x8x64xf32, #tpu.memory_space<vmem>> -> memref<8x64xf32, #tpu.memory_space<vmem>>
      %dma_wait3A_1481 = arith.constant 0 : i32
      %dma_wait3A_1482 = tpu.memref_slice %arg6[%multiple_of3A_551, %dma_wait3A_1481] : memref<1000000x64xf32, #tpu.memory_space<hbm>> -> memref<8x64xf32, #tpu.memory_space<hbm>>
      %dma_wait3A_1483 = arith.constant 0 : i32
      %dma_wait3A_1484 = arith.constant 0 : i32
      %dma_wait3A_1485 = tpu.memref_slice %arg13[%dma_wait3A_1476, %dma_wait3A_1483, %dma_wait3A_1484] : memref<16x8x64xf32, #tpu.memory_space<vmem>> -> memref<1x8x64xf32, #tpu.memory_space<vmem>>
      %dma_wait3A_1486 = tpu.memref_squeeze %dma_wait3A_1485 : memref<1x8x64xf32, #tpu.memory_space<vmem>> -> memref<8x64xf32, #tpu.memory_space<vmem>>
      %dma_wait3A_1487 = arith.constant 0 : i32
      %dma_wait3A_1488 = tpu.memref_slice %arg6[%multiple_of3A_551, %dma_wait3A_1487] : memref<1000000x64xf32, #tpu.memory_space<hbm>> -> memref<8x64xf32, #tpu.memory_space<hbm>>
      tpu.wait_dma2 semaphore(%arg20 : memref<!tpu.dma_semaphore, #tpu.memory_space<semaphore_mem>>) src(%dma_wait3A_1488 : memref<8x64xf32, #tpu.memory_space<hbm>>) dst(%dma_wait3A_1486 : memref<8x64xf32, #tpu.memory_space<vmem>>)
      %dma_wait3A_1489 = arith.constant 7 : i32
      %dma_wait3A_1490 = arith.constant 0 : i32
      %dma_wait3A_1491 = arith.constant 0 : i32
      %dma_wait3A_1492 = tpu.memref_slice %arg14[%dma_wait3A_1489, %dma_wait3A_1490, %dma_wait3A_1491] : memref<16x8x64xf32, #tpu.memory_space<vmem>> -> memref<1x8x64xf32, #tpu.memory_space<vmem>>
      %dma_wait3A_1493 = tpu.memref_squeeze %dma_wait3A_1492 : memref<1x8x64xf32, #tpu.memory_space<vmem>> -> memref<8x64xf32, #tpu.memory_space<vmem>>
      %dma_wait3A_1494 = arith.constant 0 : i32
      %dma_wait3A_1495 = tpu.memref_slice %arg7[%multiple_of3A_556, %dma_wait3A_1494] : memref<100000x64xf32, #tpu.memory_space<hbm>> -> memref<8x64xf32, #tpu.memory_space<hbm>>
      %dma_wait3A_1496 = arith.constant 0 : i32
      %dma_wait3A_1497 = arith.constant 0 : i32
      %dma_wait3A_1498 = tpu.memref_slice %arg14[%dma_wait3A_1489, %dma_wait3A_1496, %dma_wait3A_1497] : memref<16x8x64xf32, #tpu.memory_space<vmem>> -> memref<1x8x64xf32, #tpu.memory_space<vmem>>
      %dma_wait3A_1499 = tpu.memref_squeeze %dma_wait3A_1498 : memref<1x8x64xf32, #tpu.memory_space<vmem>> -> memref<8x64xf32, #tpu.memory_space<vmem>>
      %dma_wait3A_1500 = arith.constant 0 : i32
      %dma_wait3A_1501 = tpu.memref_slice %arg7[%multiple_of3A_556, %dma_wait3A_1500] : memref<100000x64xf32, #tpu.memory_space<hbm>> -> memref<8x64xf32, #tpu.memory_space<hbm>>
      tpu.wait_dma2 semaphore(%arg20 : memref<!tpu.dma_semaphore, #tpu.memory_space<semaphore_mem>>) src(%dma_wait3A_1501 : memref<8x64xf32, #tpu.memory_space<hbm>>) dst(%dma_wait3A_1499 : memref<8x64xf32, #tpu.memory_space<vmem>>)
      %dma_wait3A_1502 = arith.constant 7 : i32
      %dma_wait3A_1503 = arith.constant 0 : i32
      %dma_wait3A_1504 = arith.constant 0 : i32
      %dma_wait3A_1505 = tpu.memref_slice %arg15[%dma_wait3A_1502, %dma_wait3A_1503, %dma_wait3A_1504] : memref<16x8x32xf32, #tpu.memory_space<vmem>> -> memref<1x8x32xf32, #tpu.memory_space<vmem>>
      %dma_wait3A_1506 = tpu.memref_squeeze %dma_wait3A_1505 : memref<1x8x32xf32, #tpu.memory_space<vmem>> -> memref<8x32xf32, #tpu.memory_space<vmem>>
      %dma_wait3A_1507 = arith.constant 0 : i32
      %dma_wait3A_1508 = tpu.memref_slice %arg8[%multiple_of3A_551, %dma_wait3A_1507] : memref<1000000x32xf32, #tpu.memory_space<hbm>> -> memref<8x32xf32, #tpu.memory_space<hbm>>
      %dma_wait3A_1509 = arith.constant 0 : i32
      %dma_wait3A_1510 = arith.constant 0 : i32
      %dma_wait3A_1511 = tpu.memref_slice %arg15[%dma_wait3A_1502, %dma_wait3A_1509, %dma_wait3A_1510] : memref<16x8x32xf32, #tpu.memory_space<vmem>> -> memref<1x8x32xf32, #tpu.memory_space<vmem>>
      %dma_wait3A_1512 = tpu.memref_squeeze %dma_wait3A_1511 : memref<1x8x32xf32, #tpu.memory_space<vmem>> -> memref<8x32xf32, #tpu.memory_space<vmem>>
      %dma_wait3A_1513 = arith.constant 0 : i32
      %dma_wait3A_1514 = tpu.memref_slice %arg8[%multiple_of3A_551, %dma_wait3A_1513] : memref<1000000x32xf32, #tpu.memory_space<hbm>> -> memref<8x32xf32, #tpu.memory_space<hbm>>
      tpu.wait_dma2 semaphore(%arg20 : memref<!tpu.dma_semaphore, #tpu.memory_space<semaphore_mem>>) src(%dma_wait3A_1514 : memref<8x32xf32, #tpu.memory_space<hbm>>) dst(%dma_wait3A_1512 : memref<8x32xf32, #tpu.memory_space<vmem>>)
      %dma_wait3A_1515 = arith.constant 7 : i32
      %dma_wait3A_1516 = arith.constant 0 : i32
      %dma_wait3A_1517 = arith.constant 0 : i32
      %dma_wait3A_1518 = tpu.memref_slice %arg16[%dma_wait3A_1515, %dma_wait3A_1516, %dma_wait3A_1517] : memref<16x8x32xf32, #tpu.memory_space<vmem>> -> memref<1x8x32xf32, #tpu.memory_space<vmem>>
      %dma_wait3A_1519 = tpu.memref_squeeze %dma_wait3A_1518 : memref<1x8x32xf32, #tpu.memory_space<vmem>> -> memref<8x32xf32, #tpu.memory_space<vmem>>
      %dma_wait3A_1520 = arith.constant 0 : i32
      %dma_wait3A_1521 = tpu.memref_slice %arg9[%multiple_of3A_556, %dma_wait3A_1520] : memref<100000x32xf32, #tpu.memory_space<hbm>> -> memref<8x32xf32, #tpu.memory_space<hbm>>
      %dma_wait3A_1522 = arith.constant 0 : i32
      %dma_wait3A_1523 = arith.constant 0 : i32
      %dma_wait3A_1524 = tpu.memref_slice %arg16[%dma_wait3A_1515, %dma_wait3A_1522, %dma_wait3A_1523] : memref<16x8x32xf32, #tpu.memory_space<vmem>> -> memref<1x8x32xf32, #tpu.memory_space<vmem>>
      %dma_wait3A_1525 = tpu.memref_squeeze %dma_wait3A_1524 : memref<1x8x32xf32, #tpu.memory_space<vmem>> -> memref<8x32xf32, #tpu.memory_space<vmem>>
      %dma_wait3A_1526 = arith.constant 0 : i32
      %dma_wait3A_1527 = tpu.memref_slice %arg9[%multiple_of3A_556, %dma_wait3A_1526] : memref<100000x32xf32, #tpu.memory_space<hbm>> -> memref<8x32xf32, #tpu.memory_space<hbm>>
      tpu.wait_dma2 semaphore(%arg20 : memref<!tpu.dma_semaphore, #tpu.memory_space<semaphore_mem>>) src(%dma_wait3A_1527 : memref<8x32xf32, #tpu.memory_space<hbm>>) dst(%dma_wait3A_1525 : memref<8x32xf32, #tpu.memory_space<vmem>>)
      %dma_wait3A_1528 = arith.constant 8 : i32
      %dma_wait3A_1529 = arith.constant 0 : i32
      %dma_wait3A_1530 = arith.constant 0 : i32
      %dma_wait3A_1531 = tpu.memref_slice %arg13[%dma_wait3A_1528, %dma_wait3A_1529, %dma_wait3A_1530] : memref<16x8x64xf32, #tpu.memory_space<vmem>> -> memref<1x8x64xf32, #tpu.memory_space<vmem>>
      %dma_wait3A_1532 = tpu.memref_squeeze %dma_wait3A_1531 : memref<1x8x64xf32, #tpu.memory_space<vmem>> -> memref<8x64xf32, #tpu.memory_space<vmem>>
      %dma_wait3A_1533 = arith.constant 0 : i32
      %dma_wait3A_1534 = tpu.memref_slice %arg6[%multiple_of3A_613, %dma_wait3A_1533] : memref<1000000x64xf32, #tpu.memory_space<hbm>> -> memref<8x64xf32, #tpu.memory_space<hbm>>
      %dma_wait3A_1535 = arith.constant 0 : i32
      %dma_wait3A_1536 = arith.constant 0 : i32
      %dma_wait3A_1537 = tpu.memref_slice %arg13[%dma_wait3A_1528, %dma_wait3A_1535, %dma_wait3A_1536] : memref<16x8x64xf32, #tpu.memory_space<vmem>> -> memref<1x8x64xf32, #tpu.memory_space<vmem>>
      %dma_wait3A_1538 = tpu.memref_squeeze %dma_wait3A_1537 : memref<1x8x64xf32, #tpu.memory_space<vmem>> -> memref<8x64xf32, #tpu.memory_space<vmem>>
      %dma_wait3A_1539 = arith.constant 0 : i32
      %dma_wait3A_1540 = tpu.memref_slice %arg6[%multiple_of3A_613, %dma_wait3A_1539] : memref<1000000x64xf32, #tpu.memory_space<hbm>> -> memref<8x64xf32, #tpu.memory_space<hbm>>
      tpu.wait_dma2 semaphore(%arg20 : memref<!tpu.dma_semaphore, #tpu.memory_space<semaphore_mem>>) src(%dma_wait3A_1540 : memref<8x64xf32, #tpu.memory_space<hbm>>) dst(%dma_wait3A_1538 : memref<8x64xf32, #tpu.memory_space<vmem>>)
      %dma_wait3A_1541 = arith.constant 8 : i32
      %dma_wait3A_1542 = arith.constant 0 : i32
      %dma_wait3A_1543 = arith.constant 0 : i32
      %dma_wait3A_1544 = tpu.memref_slice %arg14[%dma_wait3A_1541, %dma_wait3A_1542, %dma_wait3A_1543] : memref<16x8x64xf32, #tpu.memory_space<vmem>> -> memref<1x8x64xf32, #tpu.memory_space<vmem>>
      %dma_wait3A_1545 = tpu.memref_squeeze %dma_wait3A_1544 : memref<1x8x64xf32, #tpu.memory_space<vmem>> -> memref<8x64xf32, #tpu.memory_space<vmem>>
      %dma_wait3A_1546 = arith.constant 0 : i32
      %dma_wait3A_1547 = tpu.memref_slice %arg7[%multiple_of3A_618, %dma_wait3A_1546] : memref<100000x64xf32, #tpu.memory_space<hbm>> -> memref<8x64xf32, #tpu.memory_space<hbm>>
      %dma_wait3A_1548 = arith.constant 0 : i32
      %dma_wait3A_1549 = arith.constant 0 : i32
      %dma_wait3A_1550 = tpu.memref_slice %arg14[%dma_wait3A_1541, %dma_wait3A_1548, %dma_wait3A_1549] : memref<16x8x64xf32, #tpu.memory_space<vmem>> -> memref<1x8x64xf32, #tpu.memory_space<vmem>>
      %dma_wait3A_1551 = tpu.memref_squeeze %dma_wait3A_1550 : memref<1x8x64xf32, #tpu.memory_space<vmem>> -> memref<8x64xf32, #tpu.memory_space<vmem>>
      %dma_wait3A_1552 = arith.constant 0 : i32
      %dma_wait3A_1553 = tpu.memref_slice %arg7[%multiple_of3A_618, %dma_wait3A_1552] : memref<100000x64xf32, #tpu.memory_space<hbm>> -> memref<8x64xf32, #tpu.memory_space<hbm>>
      tpu.wait_dma2 semaphore(%arg20 : memref<!tpu.dma_semaphore, #tpu.memory_space<semaphore_mem>>) src(%dma_wait3A_1553 : memref<8x64xf32, #tpu.memory_space<hbm>>) dst(%dma_wait3A_1551 : memref<8x64xf32, #tpu.memory_space<vmem>>)
      %dma_wait3A_1554 = arith.constant 8 : i32
      %dma_wait3A_1555 = arith.constant 0 : i32
      %dma_wait3A_1556 = arith.constant 0 : i32
      %dma_wait3A_1557 = tpu.memref_slice %arg15[%dma_wait3A_1554, %dma_wait3A_1555, %dma_wait3A_1556] : memref<16x8x32xf32, #tpu.memory_space<vmem>> -> memref<1x8x32xf32, #tpu.memory_space<vmem>>
      %dma_wait3A_1558 = tpu.memref_squeeze %dma_wait3A_1557 : memref<1x8x32xf32, #tpu.memory_space<vmem>> -> memref<8x32xf32, #tpu.memory_space<vmem>>
      %dma_wait3A_1559 = arith.constant 0 : i32
      %dma_wait3A_1560 = tpu.memref_slice %arg8[%multiple_of3A_613, %dma_wait3A_1559] : memref<1000000x32xf32, #tpu.memory_space<hbm>> -> memref<8x32xf32, #tpu.memory_space<hbm>>
      %dma_wait3A_1561 = arith.constant 0 : i32
      %dma_wait3A_1562 = arith.constant 0 : i32
      %dma_wait3A_1563 = tpu.memref_slice %arg15[%dma_wait3A_1554, %dma_wait3A_1561, %dma_wait3A_1562] : memref<16x8x32xf32, #tpu.memory_space<vmem>> -> memref<1x8x32xf32, #tpu.memory_space<vmem>>
      %dma_wait3A_1564 = tpu.memref_squeeze %dma_wait3A_1563 : memref<1x8x32xf32, #tpu.memory_space<vmem>> -> memref<8x32xf32, #tpu.memory_space<vmem>>
      %dma_wait3A_1565 = arith.constant 0 : i32
      %dma_wait3A_1566 = tpu.memref_slice %arg8[%multiple_of3A_613, %dma_wait3A_1565] : memref<1000000x32xf32, #tpu.memory_space<hbm>> -> memref<8x32xf32, #tpu.memory_space<hbm>>
      tpu.wait_dma2 semaphore(%arg20 : memref<!tpu.dma_semaphore, #tpu.memory_space<semaphore_mem>>) src(%dma_wait3A_1566 : memref<8x32xf32, #tpu.memory_space<hbm>>) dst(%dma_wait3A_1564 : memref<8x32xf32, #tpu.memory_space<vmem>>)
      %dma_wait3A_1567 = arith.constant 8 : i32
      %dma_wait3A_1568 = arith.constant 0 : i32
      %dma_wait3A_1569 = arith.constant 0 : i32
      %dma_wait3A_1570 = tpu.memref_slice %arg16[%dma_wait3A_1567, %dma_wait3A_1568, %dma_wait3A_1569] : memref<16x8x32xf32, #tpu.memory_space<vmem>> -> memref<1x8x32xf32, #tpu.memory_space<vmem>>
      %dma_wait3A_1571 = tpu.memref_squeeze %dma_wait3A_1570 : memref<1x8x32xf32, #tpu.memory_space<vmem>> -> memref<8x32xf32, #tpu.memory_space<vmem>>
      %dma_wait3A_1572 = arith.constant 0 : i32
      %dma_wait3A_1573 = tpu.memref_slice %arg9[%multiple_of3A_618, %dma_wait3A_1572] : memref<100000x32xf32, #tpu.memory_space<hbm>> -> memref<8x32xf32, #tpu.memory_space<hbm>>
      %dma_wait3A_1574 = arith.constant 0 : i32
      %dma_wait3A_1575 = arith.constant 0 : i32
      %dma_wait3A_1576 = tpu.memref_slice %arg16[%dma_wait3A_1567, %dma_wait3A_1574, %dma_wait3A_1575] : memref<16x8x32xf32, #tpu.memory_space<vmem>> -> memref<1x8x32xf32, #tpu.memory_space<vmem>>
      %dma_wait3A_1577 = tpu.memref_squeeze %dma_wait3A_1576 : memref<1x8x32xf32, #tpu.memory_space<vmem>> -> memref<8x32xf32, #tpu.memory_space<vmem>>
      %dma_wait3A_1578 = arith.constant 0 : i32
      %dma_wait3A_1579 = tpu.memref_slice %arg9[%multiple_of3A_618, %dma_wait3A_1578] : memref<100000x32xf32, #tpu.memory_space<hbm>> -> memref<8x32xf32, #tpu.memory_space<hbm>>
      tpu.wait_dma2 semaphore(%arg20 : memref<!tpu.dma_semaphore, #tpu.memory_space<semaphore_mem>>) src(%dma_wait3A_1579 : memref<8x32xf32, #tpu.memory_space<hbm>>) dst(%dma_wait3A_1577 : memref<8x32xf32, #tpu.memory_space<vmem>>)
      %dma_wait3A_1580 = arith.constant 9 : i32
      %dma_wait3A_1581 = arith.constant 0 : i32
      %dma_wait3A_1582 = arith.constant 0 : i32
      %dma_wait3A_1583 = tpu.memref_slice %arg13[%dma_wait3A_1580, %dma_wait3A_1581, %dma_wait3A_1582] : memref<16x8x64xf32, #tpu.memory_space<vmem>> -> memref<1x8x64xf32, #tpu.memory_space<vmem>>
      %dma_wait3A_1584 = tpu.memref_squeeze %dma_wait3A_1583 : memref<1x8x64xf32, #tpu.memory_space<vmem>> -> memref<8x64xf32, #tpu.memory_space<vmem>>
      %dma_wait3A_1585 = arith.constant 0 : i32
      %dma_wait3A_1586 = tpu.memref_slice %arg6[%multiple_of3A_675, %dma_wait3A_1585] : memref<1000000x64xf32, #tpu.memory_space<hbm>> -> memref<8x64xf32, #tpu.memory_space<hbm>>
      %dma_wait3A_1587 = arith.constant 0 : i32
      %dma_wait3A_1588 = arith.constant 0 : i32
      %dma_wait3A_1589 = tpu.memref_slice %arg13[%dma_wait3A_1580, %dma_wait3A_1587, %dma_wait3A_1588] : memref<16x8x64xf32, #tpu.memory_space<vmem>> -> memref<1x8x64xf32, #tpu.memory_space<vmem>>
      %dma_wait3A_1590 = tpu.memref_squeeze %dma_wait3A_1589 : memref<1x8x64xf32, #tpu.memory_space<vmem>> -> memref<8x64xf32, #tpu.memory_space<vmem>>
      %dma_wait3A_1591 = arith.constant 0 : i32
      %dma_wait3A_1592 = tpu.memref_slice %arg6[%multiple_of3A_675, %dma_wait3A_1591] : memref<1000000x64xf32, #tpu.memory_space<hbm>> -> memref<8x64xf32, #tpu.memory_space<hbm>>
      tpu.wait_dma2 semaphore(%arg20 : memref<!tpu.dma_semaphore, #tpu.memory_space<semaphore_mem>>) src(%dma_wait3A_1592 : memref<8x64xf32, #tpu.memory_space<hbm>>) dst(%dma_wait3A_1590 : memref<8x64xf32, #tpu.memory_space<vmem>>)
      %dma_wait3A_1593 = arith.constant 9 : i32
      %dma_wait3A_1594 = arith.constant 0 : i32
      %dma_wait3A_1595 = arith.constant 0 : i32
      %dma_wait3A_1596 = tpu.memref_slice %arg14[%dma_wait3A_1593, %dma_wait3A_1594, %dma_wait3A_1595] : memref<16x8x64xf32, #tpu.memory_space<vmem>> -> memref<1x8x64xf32, #tpu.memory_space<vmem>>
      %dma_wait3A_1597 = tpu.memref_squeeze %dma_wait3A_1596 : memref<1x8x64xf32, #tpu.memory_space<vmem>> -> memref<8x64xf32, #tpu.memory_space<vmem>>
      %dma_wait3A_1598 = arith.constant 0 : i32
      %dma_wait3A_1599 = tpu.memref_slice %arg7[%multiple_of3A_680, %dma_wait3A_1598] : memref<100000x64xf32, #tpu.memory_space<hbm>> -> memref<8x64xf32, #tpu.memory_space<hbm>>
      %dma_wait3A_1600 = arith.constant 0 : i32
      %dma_wait3A_1601 = arith.constant 0 : i32
      %dma_wait3A_1602 = tpu.memref_slice %arg14[%dma_wait3A_1593, %dma_wait3A_1600, %dma_wait3A_1601] : memref<16x8x64xf32, #tpu.memory_space<vmem>> -> memref<1x8x64xf32, #tpu.memory_space<vmem>>
      %dma_wait3A_1603 = tpu.memref_squeeze %dma_wait3A_1602 : memref<1x8x64xf32, #tpu.memory_space<vmem>> -> memref<8x64xf32, #tpu.memory_space<vmem>>
      %dma_wait3A_1604 = arith.constant 0 : i32
      %dma_wait3A_1605 = tpu.memref_slice %arg7[%multiple_of3A_680, %dma_wait3A_1604] : memref<100000x64xf32, #tpu.memory_space<hbm>> -> memref<8x64xf32, #tpu.memory_space<hbm>>
      tpu.wait_dma2 semaphore(%arg20 : memref<!tpu.dma_semaphore, #tpu.memory_space<semaphore_mem>>) src(%dma_wait3A_1605 : memref<8x64xf32, #tpu.memory_space<hbm>>) dst(%dma_wait3A_1603 : memref<8x64xf32, #tpu.memory_space<vmem>>)
      %dma_wait3A_1606 = arith.constant 9 : i32
      %dma_wait3A_1607 = arith.constant 0 : i32
      %dma_wait3A_1608 = arith.constant 0 : i32
      %dma_wait3A_1609 = tpu.memref_slice %arg15[%dma_wait3A_1606, %dma_wait3A_1607, %dma_wait3A_1608] : memref<16x8x32xf32, #tpu.memory_space<vmem>> -> memref<1x8x32xf32, #tpu.memory_space<vmem>>
      %dma_wait3A_1610 = tpu.memref_squeeze %dma_wait3A_1609 : memref<1x8x32xf32, #tpu.memory_space<vmem>> -> memref<8x32xf32, #tpu.memory_space<vmem>>
      %dma_wait3A_1611 = arith.constant 0 : i32
      %dma_wait3A_1612 = tpu.memref_slice %arg8[%multiple_of3A_675, %dma_wait3A_1611] : memref<1000000x32xf32, #tpu.memory_space<hbm>> -> memref<8x32xf32, #tpu.memory_space<hbm>>
      %dma_wait3A_1613 = arith.constant 0 : i32
      %dma_wait3A_1614 = arith.constant 0 : i32
      %dma_wait3A_1615 = tpu.memref_slice %arg15[%dma_wait3A_1606, %dma_wait3A_1613, %dma_wait3A_1614] : memref<16x8x32xf32, #tpu.memory_space<vmem>> -> memref<1x8x32xf32, #tpu.memory_space<vmem>>
      %dma_wait3A_1616 = tpu.memref_squeeze %dma_wait3A_1615 : memref<1x8x32xf32, #tpu.memory_space<vmem>> -> memref<8x32xf32, #tpu.memory_space<vmem>>
      %dma_wait3A_1617 = arith.constant 0 : i32
      %dma_wait3A_1618 = tpu.memref_slice %arg8[%multiple_of3A_675, %dma_wait3A_1617] : memref<1000000x32xf32, #tpu.memory_space<hbm>> -> memref<8x32xf32, #tpu.memory_space<hbm>>
      tpu.wait_dma2 semaphore(%arg20 : memref<!tpu.dma_semaphore, #tpu.memory_space<semaphore_mem>>) src(%dma_wait3A_1618 : memref<8x32xf32, #tpu.memory_space<hbm>>) dst(%dma_wait3A_1616 : memref<8x32xf32, #tpu.memory_space<vmem>>)
      %dma_wait3A_1619 = arith.constant 9 : i32
      %dma_wait3A_1620 = arith.constant 0 : i32
      %dma_wait3A_1621 = arith.constant 0 : i32
      %dma_wait3A_1622 = tpu.memref_slice %arg16[%dma_wait3A_1619, %dma_wait3A_1620, %dma_wait3A_1621] : memref<16x8x32xf32, #tpu.memory_space<vmem>> -> memref<1x8x32xf32, #tpu.memory_space<vmem>>
      %dma_wait3A_1623 = tpu.memref_squeeze %dma_wait3A_1622 : memref<1x8x32xf32, #tpu.memory_space<vmem>> -> memref<8x32xf32, #tpu.memory_space<vmem>>
      %dma_wait3A_1624 = arith.constant 0 : i32
      %dma_wait3A_1625 = tpu.memref_slice %arg9[%multiple_of3A_680, %dma_wait3A_1624] : memref<100000x32xf32, #tpu.memory_space<hbm>> -> memref<8x32xf32, #tpu.memory_space<hbm>>
      %dma_wait3A_1626 = arith.constant 0 : i32
      %dma_wait3A_1627 = arith.constant 0 : i32
      %dma_wait3A_1628 = tpu.memref_slice %arg16[%dma_wait3A_1619, %dma_wait3A_1626, %dma_wait3A_1627] : memref<16x8x32xf32, #tpu.memory_space<vmem>> -> memref<1x8x32xf32, #tpu.memory_space<vmem>>
      %dma_wait3A_1629 = tpu.memref_squeeze %dma_wait3A_1628 : memref<1x8x32xf32, #tpu.memory_space<vmem>> -> memref<8x32xf32, #tpu.memory_space<vmem>>
      %dma_wait3A_1630 = arith.constant 0 : i32
      %dma_wait3A_1631 = tpu.memref_slice %arg9[%multiple_of3A_680, %dma_wait3A_1630] : memref<100000x32xf32, #tpu.memory_space<hbm>> -> memref<8x32xf32, #tpu.memory_space<hbm>>
      tpu.wait_dma2 semaphore(%arg20 : memref<!tpu.dma_semaphore, #tpu.memory_space<semaphore_mem>>) src(%dma_wait3A_1631 : memref<8x32xf32, #tpu.memory_space<hbm>>) dst(%dma_wait3A_1629 : memref<8x32xf32, #tpu.memory_space<vmem>>)
      %dma_wait3A_1632 = arith.constant 10 : i32
      %dma_wait3A_1633 = arith.constant 0 : i32
      %dma_wait3A_1634 = arith.constant 0 : i32
      %dma_wait3A_1635 = tpu.memref_slice %arg13[%dma_wait3A_1632, %dma_wait3A_1633, %dma_wait3A_1634] : memref<16x8x64xf32, #tpu.memory_space<vmem>> -> memref<1x8x64xf32, #tpu.memory_space<vmem>>
      %dma_wait3A_1636 = tpu.memref_squeeze %dma_wait3A_1635 : memref<1x8x64xf32, #tpu.memory_space<vmem>> -> memref<8x64xf32, #tpu.memory_space<vmem>>
      %dma_wait3A_1637 = arith.constant 0 : i32
      %dma_wait3A_1638 = tpu.memref_slice %arg6[%multiple_of3A_737, %dma_wait3A_1637] : memref<1000000x64xf32, #tpu.memory_space<hbm>> -> memref<8x64xf32, #tpu.memory_space<hbm>>
      %dma_wait3A_1639 = arith.constant 0 : i32
      %dma_wait3A_1640 = arith.constant 0 : i32
      %dma_wait3A_1641 = tpu.memref_slice %arg13[%dma_wait3A_1632, %dma_wait3A_1639, %dma_wait3A_1640] : memref<16x8x64xf32, #tpu.memory_space<vmem>> -> memref<1x8x64xf32, #tpu.memory_space<vmem>>
      %dma_wait3A_1642 = tpu.memref_squeeze %dma_wait3A_1641 : memref<1x8x64xf32, #tpu.memory_space<vmem>> -> memref<8x64xf32, #tpu.memory_space<vmem>>
      %dma_wait3A_1643 = arith.constant 0 : i32
      %dma_wait3A_1644 = tpu.memref_slice %arg6[%multiple_of3A_737, %dma_wait3A_1643] : memref<1000000x64xf32, #tpu.memory_space<hbm>> -> memref<8x64xf32, #tpu.memory_space<hbm>>
      tpu.wait_dma2 semaphore(%arg20 : memref<!tpu.dma_semaphore, #tpu.memory_space<semaphore_mem>>) src(%dma_wait3A_1644 : memref<8x64xf32, #tpu.memory_space<hbm>>) dst(%dma_wait3A_1642 : memref<8x64xf32, #tpu.memory_space<vmem>>)
      %dma_wait3A_1645 = arith.constant 10 : i32
      %dma_wait3A_1646 = arith.constant 0 : i32
      %dma_wait3A_1647 = arith.constant 0 : i32
      %dma_wait3A_1648 = tpu.memref_slice %arg14[%dma_wait3A_1645, %dma_wait3A_1646, %dma_wait3A_1647] : memref<16x8x64xf32, #tpu.memory_space<vmem>> -> memref<1x8x64xf32, #tpu.memory_space<vmem>>
      %dma_wait3A_1649 = tpu.memref_squeeze %dma_wait3A_1648 : memref<1x8x64xf32, #tpu.memory_space<vmem>> -> memref<8x64xf32, #tpu.memory_space<vmem>>
      %dma_wait3A_1650 = arith.constant 0 : i32
      %dma_wait3A_1651 = tpu.memref_slice %arg7[%multiple_of3A_742, %dma_wait3A_1650] : memref<100000x64xf32, #tpu.memory_space<hbm>> -> memref<8x64xf32, #tpu.memory_space<hbm>>
      %dma_wait3A_1652 = arith.constant 0 : i32
      %dma_wait3A_1653 = arith.constant 0 : i32
      %dma_wait3A_1654 = tpu.memref_slice %arg14[%dma_wait3A_1645, %dma_wait3A_1652, %dma_wait3A_1653] : memref<16x8x64xf32, #tpu.memory_space<vmem>> -> memref<1x8x64xf32, #tpu.memory_space<vmem>>
      %dma_wait3A_1655 = tpu.memref_squeeze %dma_wait3A_1654 : memref<1x8x64xf32, #tpu.memory_space<vmem>> -> memref<8x64xf32, #tpu.memory_space<vmem>>
      %dma_wait3A_1656 = arith.constant 0 : i32
      %dma_wait3A_1657 = tpu.memref_slice %arg7[%multiple_of3A_742, %dma_wait3A_1656] : memref<100000x64xf32, #tpu.memory_space<hbm>> -> memref<8x64xf32, #tpu.memory_space<hbm>>
      tpu.wait_dma2 semaphore(%arg20 : memref<!tpu.dma_semaphore, #tpu.memory_space<semaphore_mem>>) src(%dma_wait3A_1657 : memref<8x64xf32, #tpu.memory_space<hbm>>) dst(%dma_wait3A_1655 : memref<8x64xf32, #tpu.memory_space<vmem>>)
      %dma_wait3A_1658 = arith.constant 10 : i32
      %dma_wait3A_1659 = arith.constant 0 : i32
      %dma_wait3A_1660 = arith.constant 0 : i32
      %dma_wait3A_1661 = tpu.memref_slice %arg15[%dma_wait3A_1658, %dma_wait3A_1659, %dma_wait3A_1660] : memref<16x8x32xf32, #tpu.memory_space<vmem>> -> memref<1x8x32xf32, #tpu.memory_space<vmem>>
      %dma_wait3A_1662 = tpu.memref_squeeze %dma_wait3A_1661 : memref<1x8x32xf32, #tpu.memory_space<vmem>> -> memref<8x32xf32, #tpu.memory_space<vmem>>
      %dma_wait3A_1663 = arith.constant 0 : i32
      %dma_wait3A_1664 = tpu.memref_slice %arg8[%multiple_of3A_737, %dma_wait3A_1663] : memref<1000000x32xf32, #tpu.memory_space<hbm>> -> memref<8x32xf32, #tpu.memory_space<hbm>>
      %dma_wait3A_1665 = arith.constant 0 : i32
      %dma_wait3A_1666 = arith.constant 0 : i32
      %dma_wait3A_1667 = tpu.memref_slice %arg15[%dma_wait3A_1658, %dma_wait3A_1665, %dma_wait3A_1666] : memref<16x8x32xf32, #tpu.memory_space<vmem>> -> memref<1x8x32xf32, #tpu.memory_space<vmem>>
      %dma_wait3A_1668 = tpu.memref_squeeze %dma_wait3A_1667 : memref<1x8x32xf32, #tpu.memory_space<vmem>> -> memref<8x32xf32, #tpu.memory_space<vmem>>
      %dma_wait3A_1669 = arith.constant 0 : i32
      %dma_wait3A_1670 = tpu.memref_slice %arg8[%multiple_of3A_737, %dma_wait3A_1669] : memref<1000000x32xf32, #tpu.memory_space<hbm>> -> memref<8x32xf32, #tpu.memory_space<hbm>>
      tpu.wait_dma2 semaphore(%arg20 : memref<!tpu.dma_semaphore, #tpu.memory_space<semaphore_mem>>) src(%dma_wait3A_1670 : memref<8x32xf32, #tpu.memory_space<hbm>>) dst(%dma_wait3A_1668 : memref<8x32xf32, #tpu.memory_space<vmem>>)
      %dma_wait3A_1671 = arith.constant 10 : i32
      %dma_wait3A_1672 = arith.constant 0 : i32
      %dma_wait3A_1673 = arith.constant 0 : i32
      %dma_wait3A_1674 = tpu.memref_slice %arg16[%dma_wait3A_1671, %dma_wait3A_1672, %dma_wait3A_1673] : memref<16x8x32xf32, #tpu.memory_space<vmem>> -> memref<1x8x32xf32, #tpu.memory_space<vmem>>
      %dma_wait3A_1675 = tpu.memref_squeeze %dma_wait3A_1674 : memref<1x8x32xf32, #tpu.memory_space<vmem>> -> memref<8x32xf32, #tpu.memory_space<vmem>>
      %dma_wait3A_1676 = arith.constant 0 : i32
      %dma_wait3A_1677 = tpu.memref_slice %arg9[%multiple_of3A_742, %dma_wait3A_1676] : memref<100000x32xf32, #tpu.memory_space<hbm>> -> memref<8x32xf32, #tpu.memory_space<hbm>>
      %dma_wait3A_1678 = arith.constant 0 : i32
      %dma_wait3A_1679 = arith.constant 0 : i32
      %dma_wait3A_1680 = tpu.memref_slice %arg16[%dma_wait3A_1671, %dma_wait3A_1678, %dma_wait3A_1679] : memref<16x8x32xf32, #tpu.memory_space<vmem>> -> memref<1x8x32xf32, #tpu.memory_space<vmem>>
      %dma_wait3A_1681 = tpu.memref_squeeze %dma_wait3A_1680 : memref<1x8x32xf32, #tpu.memory_space<vmem>> -> memref<8x32xf32, #tpu.memory_space<vmem>>
      %dma_wait3A_1682 = arith.constant 0 : i32
      %dma_wait3A_1683 = tpu.memref_slice %arg9[%multiple_of3A_742, %dma_wait3A_1682] : memref<100000x32xf32, #tpu.memory_space<hbm>> -> memref<8x32xf32, #tpu.memory_space<hbm>>
      tpu.wait_dma2 semaphore(%arg20 : memref<!tpu.dma_semaphore, #tpu.memory_space<semaphore_mem>>) src(%dma_wait3A_1683 : memref<8x32xf32, #tpu.memory_space<hbm>>) dst(%dma_wait3A_1681 : memref<8x32xf32, #tpu.memory_space<vmem>>)
      %dma_wait3A_1684 = arith.constant 11 : i32
      %dma_wait3A_1685 = arith.constant 0 : i32
      %dma_wait3A_1686 = arith.constant 0 : i32
      %dma_wait3A_1687 = tpu.memref_slice %arg13[%dma_wait3A_1684, %dma_wait3A_1685, %dma_wait3A_1686] : memref<16x8x64xf32, #tpu.memory_space<vmem>> -> memref<1x8x64xf32, #tpu.memory_space<vmem>>
      %dma_wait3A_1688 = tpu.memref_squeeze %dma_wait3A_1687 : memref<1x8x64xf32, #tpu.memory_space<vmem>> -> memref<8x64xf32, #tpu.memory_space<vmem>>
      %dma_wait3A_1689 = arith.constant 0 : i32
      %dma_wait3A_1690 = tpu.memref_slice %arg6[%multiple_of3A_799, %dma_wait3A_1689] : memref<1000000x64xf32, #tpu.memory_space<hbm>> -> memref<8x64xf32, #tpu.memory_space<hbm>>
      %dma_wait3A_1691 = arith.constant 0 : i32
      %dma_wait3A_1692 = arith.constant 0 : i32
      %dma_wait3A_1693 = tpu.memref_slice %arg13[%dma_wait3A_1684, %dma_wait3A_1691, %dma_wait3A_1692] : memref<16x8x64xf32, #tpu.memory_space<vmem>> -> memref<1x8x64xf32, #tpu.memory_space<vmem>>
      %dma_wait3A_1694 = tpu.memref_squeeze %dma_wait3A_1693 : memref<1x8x64xf32, #tpu.memory_space<vmem>> -> memref<8x64xf32, #tpu.memory_space<vmem>>
      %dma_wait3A_1695 = arith.constant 0 : i32
      %dma_wait3A_1696 = tpu.memref_slice %arg6[%multiple_of3A_799, %dma_wait3A_1695] : memref<1000000x64xf32, #tpu.memory_space<hbm>> -> memref<8x64xf32, #tpu.memory_space<hbm>>
      tpu.wait_dma2 semaphore(%arg20 : memref<!tpu.dma_semaphore, #tpu.memory_space<semaphore_mem>>) src(%dma_wait3A_1696 : memref<8x64xf32, #tpu.memory_space<hbm>>) dst(%dma_wait3A_1694 : memref<8x64xf32, #tpu.memory_space<vmem>>)
      %dma_wait3A_1697 = arith.constant 11 : i32
      %dma_wait3A_1698 = arith.constant 0 : i32
      %dma_wait3A_1699 = arith.constant 0 : i32
      %dma_wait3A_1700 = tpu.memref_slice %arg14[%dma_wait3A_1697, %dma_wait3A_1698, %dma_wait3A_1699] : memref<16x8x64xf32, #tpu.memory_space<vmem>> -> memref<1x8x64xf32, #tpu.memory_space<vmem>>
      %dma_wait3A_1701 = tpu.memref_squeeze %dma_wait3A_1700 : memref<1x8x64xf32, #tpu.memory_space<vmem>> -> memref<8x64xf32, #tpu.memory_space<vmem>>
      %dma_wait3A_1702 = arith.constant 0 : i32
      %dma_wait3A_1703 = tpu.memref_slice %arg7[%multiple_of3A_804, %dma_wait3A_1702] : memref<100000x64xf32, #tpu.memory_space<hbm>> -> memref<8x64xf32, #tpu.memory_space<hbm>>
      %dma_wait3A_1704 = arith.constant 0 : i32
      %dma_wait3A_1705 = arith.constant 0 : i32
      %dma_wait3A_1706 = tpu.memref_slice %arg14[%dma_wait3A_1697, %dma_wait3A_1704, %dma_wait3A_1705] : memref<16x8x64xf32, #tpu.memory_space<vmem>> -> memref<1x8x64xf32, #tpu.memory_space<vmem>>
      %dma_wait3A_1707 = tpu.memref_squeeze %dma_wait3A_1706 : memref<1x8x64xf32, #tpu.memory_space<vmem>> -> memref<8x64xf32, #tpu.memory_space<vmem>>
      %dma_wait3A_1708 = arith.constant 0 : i32
      %dma_wait3A_1709 = tpu.memref_slice %arg7[%multiple_of3A_804, %dma_wait3A_1708] : memref<100000x64xf32, #tpu.memory_space<hbm>> -> memref<8x64xf32, #tpu.memory_space<hbm>>
      tpu.wait_dma2 semaphore(%arg20 : memref<!tpu.dma_semaphore, #tpu.memory_space<semaphore_mem>>) src(%dma_wait3A_1709 : memref<8x64xf32, #tpu.memory_space<hbm>>) dst(%dma_wait3A_1707 : memref<8x64xf32, #tpu.memory_space<vmem>>)
      %dma_wait3A_1710 = arith.constant 11 : i32
      %dma_wait3A_1711 = arith.constant 0 : i32
      %dma_wait3A_1712 = arith.constant 0 : i32
      %dma_wait3A_1713 = tpu.memref_slice %arg15[%dma_wait3A_1710, %dma_wait3A_1711, %dma_wait3A_1712] : memref<16x8x32xf32, #tpu.memory_space<vmem>> -> memref<1x8x32xf32, #tpu.memory_space<vmem>>
      %dma_wait3A_1714 = tpu.memref_squeeze %dma_wait3A_1713 : memref<1x8x32xf32, #tpu.memory_space<vmem>> -> memref<8x32xf32, #tpu.memory_space<vmem>>
      %dma_wait3A_1715 = arith.constant 0 : i32
      %dma_wait3A_1716 = tpu.memref_slice %arg8[%multiple_of3A_799, %dma_wait3A_1715] : memref<1000000x32xf32, #tpu.memory_space<hbm>> -> memref<8x32xf32, #tpu.memory_space<hbm>>
      %dma_wait3A_1717 = arith.constant 0 : i32
      %dma_wait3A_1718 = arith.constant 0 : i32
      %dma_wait3A_1719 = tpu.memref_slice %arg15[%dma_wait3A_1710, %dma_wait3A_1717, %dma_wait3A_1718] : memref<16x8x32xf32, #tpu.memory_space<vmem>> -> memref<1x8x32xf32, #tpu.memory_space<vmem>>
      %dma_wait3A_1720 = tpu.memref_squeeze %dma_wait3A_1719 : memref<1x8x32xf32, #tpu.memory_space<vmem>> -> memref<8x32xf32, #tpu.memory_space<vmem>>
      %dma_wait3A_1721 = arith.constant 0 : i32
      %dma_wait3A_1722 = tpu.memref_slice %arg8[%multiple_of3A_799, %dma_wait3A_1721] : memref<1000000x32xf32, #tpu.memory_space<hbm>> -> memref<8x32xf32, #tpu.memory_space<hbm>>
      tpu.wait_dma2 semaphore(%arg20 : memref<!tpu.dma_semaphore, #tpu.memory_space<semaphore_mem>>) src(%dma_wait3A_1722 : memref<8x32xf32, #tpu.memory_space<hbm>>) dst(%dma_wait3A_1720 : memref<8x32xf32, #tpu.memory_space<vmem>>)
      %dma_wait3A_1723 = arith.constant 11 : i32
      %dma_wait3A_1724 = arith.constant 0 : i32
      %dma_wait3A_1725 = arith.constant 0 : i32
      %dma_wait3A_1726 = tpu.memref_slice %arg16[%dma_wait3A_1723, %dma_wait3A_1724, %dma_wait3A_1725] : memref<16x8x32xf32, #tpu.memory_space<vmem>> -> memref<1x8x32xf32, #tpu.memory_space<vmem>>
      %dma_wait3A_1727 = tpu.memref_squeeze %dma_wait3A_1726 : memref<1x8x32xf32, #tpu.memory_space<vmem>> -> memref<8x32xf32, #tpu.memory_space<vmem>>
      %dma_wait3A_1728 = arith.constant 0 : i32
      %dma_wait3A_1729 = tpu.memref_slice %arg9[%multiple_of3A_804, %dma_wait3A_1728] : memref<100000x32xf32, #tpu.memory_space<hbm>> -> memref<8x32xf32, #tpu.memory_space<hbm>>
      %dma_wait3A_1730 = arith.constant 0 : i32
      %dma_wait3A_1731 = arith.constant 0 : i32
      %dma_wait3A_1732 = tpu.memref_slice %arg16[%dma_wait3A_1723, %dma_wait3A_1730, %dma_wait3A_1731] : memref<16x8x32xf32, #tpu.memory_space<vmem>> -> memref<1x8x32xf32, #tpu.memory_space<vmem>>
      %dma_wait3A_1733 = tpu.memref_squeeze %dma_wait3A_1732 : memref<1x8x32xf32, #tpu.memory_space<vmem>> -> memref<8x32xf32, #tpu.memory_space<vmem>>
      %dma_wait3A_1734 = arith.constant 0 : i32
      %dma_wait3A_1735 = tpu.memref_slice %arg9[%multiple_of3A_804, %dma_wait3A_1734] : memref<100000x32xf32, #tpu.memory_space<hbm>> -> memref<8x32xf32, #tpu.memory_space<hbm>>
      tpu.wait_dma2 semaphore(%arg20 : memref<!tpu.dma_semaphore, #tpu.memory_space<semaphore_mem>>) src(%dma_wait3A_1735 : memref<8x32xf32, #tpu.memory_space<hbm>>) dst(%dma_wait3A_1733 : memref<8x32xf32, #tpu.memory_space<vmem>>)
      %dma_wait3A_1736 = arith.constant 12 : i32
      %dma_wait3A_1737 = arith.constant 0 : i32
      %dma_wait3A_1738 = arith.constant 0 : i32
      %dma_wait3A_1739 = tpu.memref_slice %arg13[%dma_wait3A_1736, %dma_wait3A_1737, %dma_wait3A_1738] : memref<16x8x64xf32, #tpu.memory_space<vmem>> -> memref<1x8x64xf32, #tpu.memory_space<vmem>>
      %dma_wait3A_1740 = tpu.memref_squeeze %dma_wait3A_1739 : memref<1x8x64xf32, #tpu.memory_space<vmem>> -> memref<8x64xf32, #tpu.memory_space<vmem>>
      %dma_wait3A_1741 = arith.constant 0 : i32
      %dma_wait3A_1742 = tpu.memref_slice %arg6[%multiple_of3A_861, %dma_wait3A_1741] : memref<1000000x64xf32, #tpu.memory_space<hbm>> -> memref<8x64xf32, #tpu.memory_space<hbm>>
      %dma_wait3A_1743 = arith.constant 0 : i32
      %dma_wait3A_1744 = arith.constant 0 : i32
      %dma_wait3A_1745 = tpu.memref_slice %arg13[%dma_wait3A_1736, %dma_wait3A_1743, %dma_wait3A_1744] : memref<16x8x64xf32, #tpu.memory_space<vmem>> -> memref<1x8x64xf32, #tpu.memory_space<vmem>>
      %dma_wait3A_1746 = tpu.memref_squeeze %dma_wait3A_1745 : memref<1x8x64xf32, #tpu.memory_space<vmem>> -> memref<8x64xf32, #tpu.memory_space<vmem>>
      %dma_wait3A_1747 = arith.constant 0 : i32
      %dma_wait3A_1748 = tpu.memref_slice %arg6[%multiple_of3A_861, %dma_wait3A_1747] : memref<1000000x64xf32, #tpu.memory_space<hbm>> -> memref<8x64xf32, #tpu.memory_space<hbm>>
      tpu.wait_dma2 semaphore(%arg20 : memref<!tpu.dma_semaphore, #tpu.memory_space<semaphore_mem>>) src(%dma_wait3A_1748 : memref<8x64xf32, #tpu.memory_space<hbm>>) dst(%dma_wait3A_1746 : memref<8x64xf32, #tpu.memory_space<vmem>>)
      %dma_wait3A_1749 = arith.constant 12 : i32
      %dma_wait3A_1750 = arith.constant 0 : i32
      %dma_wait3A_1751 = arith.constant 0 : i32
      %dma_wait3A_1752 = tpu.memref_slice %arg14[%dma_wait3A_1749, %dma_wait3A_1750, %dma_wait3A_1751] : memref<16x8x64xf32, #tpu.memory_space<vmem>> -> memref<1x8x64xf32, #tpu.memory_space<vmem>>
      %dma_wait3A_1753 = tpu.memref_squeeze %dma_wait3A_1752 : memref<1x8x64xf32, #tpu.memory_space<vmem>> -> memref<8x64xf32, #tpu.memory_space<vmem>>
      %dma_wait3A_1754 = arith.constant 0 : i32
      %dma_wait3A_1755 = tpu.memref_slice %arg7[%multiple_of3A_866, %dma_wait3A_1754] : memref<100000x64xf32, #tpu.memory_space<hbm>> -> memref<8x64xf32, #tpu.memory_space<hbm>>
      %dma_wait3A_1756 = arith.constant 0 : i32
      %dma_wait3A_1757 = arith.constant 0 : i32
      %dma_wait3A_1758 = tpu.memref_slice %arg14[%dma_wait3A_1749, %dma_wait3A_1756, %dma_wait3A_1757] : memref<16x8x64xf32, #tpu.memory_space<vmem>> -> memref<1x8x64xf32, #tpu.memory_space<vmem>>
      %dma_wait3A_1759 = tpu.memref_squeeze %dma_wait3A_1758 : memref<1x8x64xf32, #tpu.memory_space<vmem>> -> memref<8x64xf32, #tpu.memory_space<vmem>>
      %dma_wait3A_1760 = arith.constant 0 : i32
      %dma_wait3A_1761 = tpu.memref_slice %arg7[%multiple_of3A_866, %dma_wait3A_1760] : memref<100000x64xf32, #tpu.memory_space<hbm>> -> memref<8x64xf32, #tpu.memory_space<hbm>>
      tpu.wait_dma2 semaphore(%arg20 : memref<!tpu.dma_semaphore, #tpu.memory_space<semaphore_mem>>) src(%dma_wait3A_1761 : memref<8x64xf32, #tpu.memory_space<hbm>>) dst(%dma_wait3A_1759 : memref<8x64xf32, #tpu.memory_space<vmem>>)
      %dma_wait3A_1762 = arith.constant 12 : i32
      %dma_wait3A_1763 = arith.constant 0 : i32
      %dma_wait3A_1764 = arith.constant 0 : i32
      %dma_wait3A_1765 = tpu.memref_slice %arg15[%dma_wait3A_1762, %dma_wait3A_1763, %dma_wait3A_1764] : memref<16x8x32xf32, #tpu.memory_space<vmem>> -> memref<1x8x32xf32, #tpu.memory_space<vmem>>
      %dma_wait3A_1766 = tpu.memref_squeeze %dma_wait3A_1765 : memref<1x8x32xf32, #tpu.memory_space<vmem>> -> memref<8x32xf32, #tpu.memory_space<vmem>>
      %dma_wait3A_1767 = arith.constant 0 : i32
      %dma_wait3A_1768 = tpu.memref_slice %arg8[%multiple_of3A_861, %dma_wait3A_1767] : memref<1000000x32xf32, #tpu.memory_space<hbm>> -> memref<8x32xf32, #tpu.memory_space<hbm>>
      %dma_wait3A_1769 = arith.constant 0 : i32
      %dma_wait3A_1770 = arith.constant 0 : i32
      %dma_wait3A_1771 = tpu.memref_slice %arg15[%dma_wait3A_1762, %dma_wait3A_1769, %dma_wait3A_1770] : memref<16x8x32xf32, #tpu.memory_space<vmem>> -> memref<1x8x32xf32, #tpu.memory_space<vmem>>
      %dma_wait3A_1772 = tpu.memref_squeeze %dma_wait3A_1771 : memref<1x8x32xf32, #tpu.memory_space<vmem>> -> memref<8x32xf32, #tpu.memory_space<vmem>>
      %dma_wait3A_1773 = arith.constant 0 : i32
      %dma_wait3A_1774 = tpu.memref_slice %arg8[%multiple_of3A_861, %dma_wait3A_1773] : memref<1000000x32xf32, #tpu.memory_space<hbm>> -> memref<8x32xf32, #tpu.memory_space<hbm>>
      tpu.wait_dma2 semaphore(%arg20 : memref<!tpu.dma_semaphore, #tpu.memory_space<semaphore_mem>>) src(%dma_wait3A_1774 : memref<8x32xf32, #tpu.memory_space<hbm>>) dst(%dma_wait3A_1772 : memref<8x32xf32, #tpu.memory_space<vmem>>)
      %dma_wait3A_1775 = arith.constant 12 : i32
      %dma_wait3A_1776 = arith.constant 0 : i32
      %dma_wait3A_1777 = arith.constant 0 : i32
      %dma_wait3A_1778 = tpu.memref_slice %arg16[%dma_wait3A_1775, %dma_wait3A_1776, %dma_wait3A_1777] : memref<16x8x32xf32, #tpu.memory_space<vmem>> -> memref<1x8x32xf32, #tpu.memory_space<vmem>>
      %dma_wait3A_1779 = tpu.memref_squeeze %dma_wait3A_1778 : memref<1x8x32xf32, #tpu.memory_space<vmem>> -> memref<8x32xf32, #tpu.memory_space<vmem>>
      %dma_wait3A_1780 = arith.constant 0 : i32
      %dma_wait3A_1781 = tpu.memref_slice %arg9[%multiple_of3A_866, %dma_wait3A_1780] : memref<100000x32xf32, #tpu.memory_space<hbm>> -> memref<8x32xf32, #tpu.memory_space<hbm>>
      %dma_wait3A_1782 = arith.constant 0 : i32
      %dma_wait3A_1783 = arith.constant 0 : i32
      %dma_wait3A_1784 = tpu.memref_slice %arg16[%dma_wait3A_1775, %dma_wait3A_1782, %dma_wait3A_1783] : memref<16x8x32xf32, #tpu.memory_space<vmem>> -> memref<1x8x32xf32, #tpu.memory_space<vmem>>
      %dma_wait3A_1785 = tpu.memref_squeeze %dma_wait3A_1784 : memref<1x8x32xf32, #tpu.memory_space<vmem>> -> memref<8x32xf32, #tpu.memory_space<vmem>>
      %dma_wait3A_1786 = arith.constant 0 : i32
      %dma_wait3A_1787 = tpu.memref_slice %arg9[%multiple_of3A_866, %dma_wait3A_1786] : memref<100000x32xf32, #tpu.memory_space<hbm>> -> memref<8x32xf32, #tpu.memory_space<hbm>>
      tpu.wait_dma2 semaphore(%arg20 : memref<!tpu.dma_semaphore, #tpu.memory_space<semaphore_mem>>) src(%dma_wait3A_1787 : memref<8x32xf32, #tpu.memory_space<hbm>>) dst(%dma_wait3A_1785 : memref<8x32xf32, #tpu.memory_space<vmem>>)
      %dma_wait3A_1788 = arith.constant 13 : i32
      %dma_wait3A_1789 = arith.constant 0 : i32
      %dma_wait3A_1790 = arith.constant 0 : i32
      %dma_wait3A_1791 = tpu.memref_slice %arg13[%dma_wait3A_1788, %dma_wait3A_1789, %dma_wait3A_1790] : memref<16x8x64xf32, #tpu.memory_space<vmem>> -> memref<1x8x64xf32, #tpu.memory_space<vmem>>
      %dma_wait3A_1792 = tpu.memref_squeeze %dma_wait3A_1791 : memref<1x8x64xf32, #tpu.memory_space<vmem>> -> memref<8x64xf32, #tpu.memory_space<vmem>>
      %dma_wait3A_1793 = arith.constant 0 : i32
      %dma_wait3A_1794 = tpu.memref_slice %arg6[%multiple_of3A_923, %dma_wait3A_1793] : memref<1000000x64xf32, #tpu.memory_space<hbm>> -> memref<8x64xf32, #tpu.memory_space<hbm>>
      %dma_wait3A_1795 = arith.constant 0 : i32
      %dma_wait3A_1796 = arith.constant 0 : i32
      %dma_wait3A_1797 = tpu.memref_slice %arg13[%dma_wait3A_1788, %dma_wait3A_1795, %dma_wait3A_1796] : memref<16x8x64xf32, #tpu.memory_space<vmem>> -> memref<1x8x64xf32, #tpu.memory_space<vmem>>
      %dma_wait3A_1798 = tpu.memref_squeeze %dma_wait3A_1797 : memref<1x8x64xf32, #tpu.memory_space<vmem>> -> memref<8x64xf32, #tpu.memory_space<vmem>>
      %dma_wait3A_1799 = arith.constant 0 : i32
      %dma_wait3A_1800 = tpu.memref_slice %arg6[%multiple_of3A_923, %dma_wait3A_1799] : memref<1000000x64xf32, #tpu.memory_space<hbm>> -> memref<8x64xf32, #tpu.memory_space<hbm>>
      tpu.wait_dma2 semaphore(%arg20 : memref<!tpu.dma_semaphore, #tpu.memory_space<semaphore_mem>>) src(%dma_wait3A_1800 : memref<8x64xf32, #tpu.memory_space<hbm>>) dst(%dma_wait3A_1798 : memref<8x64xf32, #tpu.memory_space<vmem>>)
      %dma_wait3A_1801 = arith.constant 13 : i32
      %dma_wait3A_1802 = arith.constant 0 : i32
      %dma_wait3A_1803 = arith.constant 0 : i32
      %dma_wait3A_1804 = tpu.memref_slice %arg14[%dma_wait3A_1801, %dma_wait3A_1802, %dma_wait3A_1803] : memref<16x8x64xf32, #tpu.memory_space<vmem>> -> memref<1x8x64xf32, #tpu.memory_space<vmem>>
      %dma_wait3A_1805 = tpu.memref_squeeze %dma_wait3A_1804 : memref<1x8x64xf32, #tpu.memory_space<vmem>> -> memref<8x64xf32, #tpu.memory_space<vmem>>
      %dma_wait3A_1806 = arith.constant 0 : i32
      %dma_wait3A_1807 = tpu.memref_slice %arg7[%multiple_of3A_928, %dma_wait3A_1806] : memref<100000x64xf32, #tpu.memory_space<hbm>> -> memref<8x64xf32, #tpu.memory_space<hbm>>
      %dma_wait3A_1808 = arith.constant 0 : i32
      %dma_wait3A_1809 = arith.constant 0 : i32
      %dma_wait3A_1810 = tpu.memref_slice %arg14[%dma_wait3A_1801, %dma_wait3A_1808, %dma_wait3A_1809] : memref<16x8x64xf32, #tpu.memory_space<vmem>> -> memref<1x8x64xf32, #tpu.memory_space<vmem>>
      %dma_wait3A_1811 = tpu.memref_squeeze %dma_wait3A_1810 : memref<1x8x64xf32, #tpu.memory_space<vmem>> -> memref<8x64xf32, #tpu.memory_space<vmem>>
      %dma_wait3A_1812 = arith.constant 0 : i32
      %dma_wait3A_1813 = tpu.memref_slice %arg7[%multiple_of3A_928, %dma_wait3A_1812] : memref<100000x64xf32, #tpu.memory_space<hbm>> -> memref<8x64xf32, #tpu.memory_space<hbm>>
      tpu.wait_dma2 semaphore(%arg20 : memref<!tpu.dma_semaphore, #tpu.memory_space<semaphore_mem>>) src(%dma_wait3A_1813 : memref<8x64xf32, #tpu.memory_space<hbm>>) dst(%dma_wait3A_1811 : memref<8x64xf32, #tpu.memory_space<vmem>>)
      %dma_wait3A_1814 = arith.constant 13 : i32
      %dma_wait3A_1815 = arith.constant 0 : i32
      %dma_wait3A_1816 = arith.constant 0 : i32
      %dma_wait3A_1817 = tpu.memref_slice %arg15[%dma_wait3A_1814, %dma_wait3A_1815, %dma_wait3A_1816] : memref<16x8x32xf32, #tpu.memory_space<vmem>> -> memref<1x8x32xf32, #tpu.memory_space<vmem>>
      %dma_wait3A_1818 = tpu.memref_squeeze %dma_wait3A_1817 : memref<1x8x32xf32, #tpu.memory_space<vmem>> -> memref<8x32xf32, #tpu.memory_space<vmem>>
      %dma_wait3A_1819 = arith.constant 0 : i32
      %dma_wait3A_1820 = tpu.memref_slice %arg8[%multiple_of3A_923, %dma_wait3A_1819] : memref<1000000x32xf32, #tpu.memory_space<hbm>> -> memref<8x32xf32, #tpu.memory_space<hbm>>
      %dma_wait3A_1821 = arith.constant 0 : i32
      %dma_wait3A_1822 = arith.constant 0 : i32
      %dma_wait3A_1823 = tpu.memref_slice %arg15[%dma_wait3A_1814, %dma_wait3A_1821, %dma_wait3A_1822] : memref<16x8x32xf32, #tpu.memory_space<vmem>> -> memref<1x8x32xf32, #tpu.memory_space<vmem>>
      %dma_wait3A_1824 = tpu.memref_squeeze %dma_wait3A_1823 : memref<1x8x32xf32, #tpu.memory_space<vmem>> -> memref<8x32xf32, #tpu.memory_space<vmem>>
      %dma_wait3A_1825 = arith.constant 0 : i32
      %dma_wait3A_1826 = tpu.memref_slice %arg8[%multiple_of3A_923, %dma_wait3A_1825] : memref<1000000x32xf32, #tpu.memory_space<hbm>> -> memref<8x32xf32, #tpu.memory_space<hbm>>
      tpu.wait_dma2 semaphore(%arg20 : memref<!tpu.dma_semaphore, #tpu.memory_space<semaphore_mem>>) src(%dma_wait3A_1826 : memref<8x32xf32, #tpu.memory_space<hbm>>) dst(%dma_wait3A_1824 : memref<8x32xf32, #tpu.memory_space<vmem>>)
      %dma_wait3A_1827 = arith.constant 13 : i32
      %dma_wait3A_1828 = arith.constant 0 : i32
      %dma_wait3A_1829 = arith.constant 0 : i32
      %dma_wait3A_1830 = tpu.memref_slice %arg16[%dma_wait3A_1827, %dma_wait3A_1828, %dma_wait3A_1829] : memref<16x8x32xf32, #tpu.memory_space<vmem>> -> memref<1x8x32xf32, #tpu.memory_space<vmem>>
      %dma_wait3A_1831 = tpu.memref_squeeze %dma_wait3A_1830 : memref<1x8x32xf32, #tpu.memory_space<vmem>> -> memref<8x32xf32, #tpu.memory_space<vmem>>
      %dma_wait3A_1832 = arith.constant 0 : i32
      %dma_wait3A_1833 = tpu.memref_slice %arg9[%multiple_of3A_928, %dma_wait3A_1832] : memref<100000x32xf32, #tpu.memory_space<hbm>> -> memref<8x32xf32, #tpu.memory_space<hbm>>
      %dma_wait3A_1834 = arith.constant 0 : i32
      %dma_wait3A_1835 = arith.constant 0 : i32
      %dma_wait3A_1836 = tpu.memref_slice %arg16[%dma_wait3A_1827, %dma_wait3A_1834, %dma_wait3A_1835] : memref<16x8x32xf32, #tpu.memory_space<vmem>> -> memref<1x8x32xf32, #tpu.memory_space<vmem>>
      %dma_wait3A_1837 = tpu.memref_squeeze %dma_wait3A_1836 : memref<1x8x32xf32, #tpu.memory_space<vmem>> -> memref<8x32xf32, #tpu.memory_space<vmem>>
      %dma_wait3A_1838 = arith.constant 0 : i32
      %dma_wait3A_1839 = tpu.memref_slice %arg9[%multiple_of3A_928, %dma_wait3A_1838] : memref<100000x32xf32, #tpu.memory_space<hbm>> -> memref<8x32xf32, #tpu.memory_space<hbm>>
      tpu.wait_dma2 semaphore(%arg20 : memref<!tpu.dma_semaphore, #tpu.memory_space<semaphore_mem>>) src(%dma_wait3A_1839 : memref<8x32xf32, #tpu.memory_space<hbm>>) dst(%dma_wait3A_1837 : memref<8x32xf32, #tpu.memory_space<vmem>>)
      %dma_wait3A_1840 = arith.constant 14 : i32
      %dma_wait3A_1841 = arith.constant 0 : i32
      %dma_wait3A_1842 = arith.constant 0 : i32
      %dma_wait3A_1843 = tpu.memref_slice %arg13[%dma_wait3A_1840, %dma_wait3A_1841, %dma_wait3A_1842] : memref<16x8x64xf32, #tpu.memory_space<vmem>> -> memref<1x8x64xf32, #tpu.memory_space<vmem>>
      %dma_wait3A_1844 = tpu.memref_squeeze %dma_wait3A_1843 : memref<1x8x64xf32, #tpu.memory_space<vmem>> -> memref<8x64xf32, #tpu.memory_space<vmem>>
      %dma_wait3A_1845 = arith.constant 0 : i32
      %dma_wait3A_1846 = tpu.memref_slice %arg6[%multiple_of3A_985, %dma_wait3A_1845] : memref<1000000x64xf32, #tpu.memory_space<hbm>> -> memref<8x64xf32, #tpu.memory_space<hbm>>
      %dma_wait3A_1847 = arith.constant 0 : i32
      %dma_wait3A_1848 = arith.constant 0 : i32
      %dma_wait3A_1849 = tpu.memref_slice %arg13[%dma_wait3A_1840, %dma_wait3A_1847, %dma_wait3A_1848] : memref<16x8x64xf32, #tpu.memory_space<vmem>> -> memref<1x8x64xf32, #tpu.memory_space<vmem>>
      %dma_wait3A_1850 = tpu.memref_squeeze %dma_wait3A_1849 : memref<1x8x64xf32, #tpu.memory_space<vmem>> -> memref<8x64xf32, #tpu.memory_space<vmem>>
      %dma_wait3A_1851 = arith.constant 0 : i32
      %dma_wait3A_1852 = tpu.memref_slice %arg6[%multiple_of3A_985, %dma_wait3A_1851] : memref<1000000x64xf32, #tpu.memory_space<hbm>> -> memref<8x64xf32, #tpu.memory_space<hbm>>
      tpu.wait_dma2 semaphore(%arg20 : memref<!tpu.dma_semaphore, #tpu.memory_space<semaphore_mem>>) src(%dma_wait3A_1852 : memref<8x64xf32, #tpu.memory_space<hbm>>) dst(%dma_wait3A_1850 : memref<8x64xf32, #tpu.memory_space<vmem>>)
      %dma_wait3A_1853 = arith.constant 14 : i32
      %dma_wait3A_1854 = arith.constant 0 : i32
      %dma_wait3A_1855 = arith.constant 0 : i32
      %dma_wait3A_1856 = tpu.memref_slice %arg14[%dma_wait3A_1853, %dma_wait3A_1854, %dma_wait3A_1855] : memref<16x8x64xf32, #tpu.memory_space<vmem>> -> memref<1x8x64xf32, #tpu.memory_space<vmem>>
      %dma_wait3A_1857 = tpu.memref_squeeze %dma_wait3A_1856 : memref<1x8x64xf32, #tpu.memory_space<vmem>> -> memref<8x64xf32, #tpu.memory_space<vmem>>
      %dma_wait3A_1858 = arith.constant 0 : i32
      %dma_wait3A_1859 = tpu.memref_slice %arg7[%multiple_of3A_990, %dma_wait3A_1858] : memref<100000x64xf32, #tpu.memory_space<hbm>> -> memref<8x64xf32, #tpu.memory_space<hbm>>
      %dma_wait3A_1860 = arith.constant 0 : i32
      %dma_wait3A_1861 = arith.constant 0 : i32
      %dma_wait3A_1862 = tpu.memref_slice %arg14[%dma_wait3A_1853, %dma_wait3A_1860, %dma_wait3A_1861] : memref<16x8x64xf32, #tpu.memory_space<vmem>> -> memref<1x8x64xf32, #tpu.memory_space<vmem>>
      %dma_wait3A_1863 = tpu.memref_squeeze %dma_wait3A_1862 : memref<1x8x64xf32, #tpu.memory_space<vmem>> -> memref<8x64xf32, #tpu.memory_space<vmem>>
      %dma_wait3A_1864 = arith.constant 0 : i32
      %dma_wait3A_1865 = tpu.memref_slice %arg7[%multiple_of3A_990, %dma_wait3A_1864] : memref<100000x64xf32, #tpu.memory_space<hbm>> -> memref<8x64xf32, #tpu.memory_space<hbm>>
      tpu.wait_dma2 semaphore(%arg20 : memref<!tpu.dma_semaphore, #tpu.memory_space<semaphore_mem>>) src(%dma_wait3A_1865 : memref<8x64xf32, #tpu.memory_space<hbm>>) dst(%dma_wait3A_1863 : memref<8x64xf32, #tpu.memory_space<vmem>>)
      %dma_wait3A_1866 = arith.constant 14 : i32
      %dma_wait3A_1867 = arith.constant 0 : i32
      %dma_wait3A_1868 = arith.constant 0 : i32
      %dma_wait3A_1869 = tpu.memref_slice %arg15[%dma_wait3A_1866, %dma_wait3A_1867, %dma_wait3A_1868] : memref<16x8x32xf32, #tpu.memory_space<vmem>> -> memref<1x8x32xf32, #tpu.memory_space<vmem>>
      %dma_wait3A_1870 = tpu.memref_squeeze %dma_wait3A_1869 : memref<1x8x32xf32, #tpu.memory_space<vmem>> -> memref<8x32xf32, #tpu.memory_space<vmem>>
      %dma_wait3A_1871 = arith.constant 0 : i32
      %dma_wait3A_1872 = tpu.memref_slice %arg8[%multiple_of3A_985, %dma_wait3A_1871] : memref<1000000x32xf32, #tpu.memory_space<hbm>> -> memref<8x32xf32, #tpu.memory_space<hbm>>
      %dma_wait3A_1873 = arith.constant 0 : i32
      %dma_wait3A_1874 = arith.constant 0 : i32
      %dma_wait3A_1875 = tpu.memref_slice %arg15[%dma_wait3A_1866, %dma_wait3A_1873, %dma_wait3A_1874] : memref<16x8x32xf32, #tpu.memory_space<vmem>> -> memref<1x8x32xf32, #tpu.memory_space<vmem>>
      %dma_wait3A_1876 = tpu.memref_squeeze %dma_wait3A_1875 : memref<1x8x32xf32, #tpu.memory_space<vmem>> -> memref<8x32xf32, #tpu.memory_space<vmem>>
      %dma_wait3A_1877 = arith.constant 0 : i32
      %dma_wait3A_1878 = tpu.memref_slice %arg8[%multiple_of3A_985, %dma_wait3A_1877] : memref<1000000x32xf32, #tpu.memory_space<hbm>> -> memref<8x32xf32, #tpu.memory_space<hbm>>
      tpu.wait_dma2 semaphore(%arg20 : memref<!tpu.dma_semaphore, #tpu.memory_space<semaphore_mem>>) src(%dma_wait3A_1878 : memref<8x32xf32, #tpu.memory_space<hbm>>) dst(%dma_wait3A_1876 : memref<8x32xf32, #tpu.memory_space<vmem>>)
      %dma_wait3A_1879 = arith.constant 14 : i32
      %dma_wait3A_1880 = arith.constant 0 : i32
      %dma_wait3A_1881 = arith.constant 0 : i32
      %dma_wait3A_1882 = tpu.memref_slice %arg16[%dma_wait3A_1879, %dma_wait3A_1880, %dma_wait3A_1881] : memref<16x8x32xf32, #tpu.memory_space<vmem>> -> memref<1x8x32xf32, #tpu.memory_space<vmem>>
      %dma_wait3A_1883 = tpu.memref_squeeze %dma_wait3A_1882 : memref<1x8x32xf32, #tpu.memory_space<vmem>> -> memref<8x32xf32, #tpu.memory_space<vmem>>
      %dma_wait3A_1884 = arith.constant 0 : i32
      %dma_wait3A_1885 = tpu.memref_slice %arg9[%multiple_of3A_990, %dma_wait3A_1884] : memref<100000x32xf32, #tpu.memory_space<hbm>> -> memref<8x32xf32, #tpu.memory_space<hbm>>
      %dma_wait3A_1886 = arith.constant 0 : i32
      %dma_wait3A_1887 = arith.constant 0 : i32
      %dma_wait3A_1888 = tpu.memref_slice %arg16[%dma_wait3A_1879, %dma_wait3A_1886, %dma_wait3A_1887] : memref<16x8x32xf32, #tpu.memory_space<vmem>> -> memref<1x8x32xf32, #tpu.memory_space<vmem>>
      %dma_wait3A_1889 = tpu.memref_squeeze %dma_wait3A_1888 : memref<1x8x32xf32, #tpu.memory_space<vmem>> -> memref<8x32xf32, #tpu.memory_space<vmem>>
      %dma_wait3A_1890 = arith.constant 0 : i32
      %dma_wait3A_1891 = tpu.memref_slice %arg9[%multiple_of3A_990, %dma_wait3A_1890] : memref<100000x32xf32, #tpu.memory_space<hbm>> -> memref<8x32xf32, #tpu.memory_space<hbm>>
      tpu.wait_dma2 semaphore(%arg20 : memref<!tpu.dma_semaphore, #tpu.memory_space<semaphore_mem>>) src(%dma_wait3A_1891 : memref<8x32xf32, #tpu.memory_space<hbm>>) dst(%dma_wait3A_1889 : memref<8x32xf32, #tpu.memory_space<vmem>>)
      %dma_wait3A_1892 = arith.constant 15 : i32
      %dma_wait3A_1893 = arith.constant 0 : i32
      %dma_wait3A_1894 = arith.constant 0 : i32
      %dma_wait3A_1895 = tpu.memref_slice %arg13[%dma_wait3A_1892, %dma_wait3A_1893, %dma_wait3A_1894] : memref<16x8x64xf32, #tpu.memory_space<vmem>> -> memref<1x8x64xf32, #tpu.memory_space<vmem>>
      %dma_wait3A_1896 = tpu.memref_squeeze %dma_wait3A_1895 : memref<1x8x64xf32, #tpu.memory_space<vmem>> -> memref<8x64xf32, #tpu.memory_space<vmem>>
      %dma_wait3A_1897 = arith.constant 0 : i32
      %dma_wait3A_1898 = tpu.memref_slice %arg6[%multiple_of3A_1047, %dma_wait3A_1897] : memref<1000000x64xf32, #tpu.memory_space<hbm>> -> memref<8x64xf32, #tpu.memory_space<hbm>>
      %dma_wait3A_1899 = arith.constant 0 : i32
      %dma_wait3A_1900 = arith.constant 0 : i32
      %dma_wait3A_1901 = tpu.memref_slice %arg13[%dma_wait3A_1892, %dma_wait3A_1899, %dma_wait3A_1900] : memref<16x8x64xf32, #tpu.memory_space<vmem>> -> memref<1x8x64xf32, #tpu.memory_space<vmem>>
      %dma_wait3A_1902 = tpu.memref_squeeze %dma_wait3A_1901 : memref<1x8x64xf32, #tpu.memory_space<vmem>> -> memref<8x64xf32, #tpu.memory_space<vmem>>
      %dma_wait3A_1903 = arith.constant 0 : i32
      %dma_wait3A_1904 = tpu.memref_slice %arg6[%multiple_of3A_1047, %dma_wait3A_1903] : memref<1000000x64xf32, #tpu.memory_space<hbm>> -> memref<8x64xf32, #tpu.memory_space<hbm>>
      tpu.wait_dma2 semaphore(%arg20 : memref<!tpu.dma_semaphore, #tpu.memory_space<semaphore_mem>>) src(%dma_wait3A_1904 : memref<8x64xf32, #tpu.memory_space<hbm>>) dst(%dma_wait3A_1902 : memref<8x64xf32, #tpu.memory_space<vmem>>)
      %dma_wait3A_1905 = arith.constant 15 : i32
      %dma_wait3A_1906 = arith.constant 0 : i32
      %dma_wait3A_1907 = arith.constant 0 : i32
      %dma_wait3A_1908 = tpu.memref_slice %arg14[%dma_wait3A_1905, %dma_wait3A_1906, %dma_wait3A_1907] : memref<16x8x64xf32, #tpu.memory_space<vmem>> -> memref<1x8x64xf32, #tpu.memory_space<vmem>>
      %dma_wait3A_1909 = tpu.memref_squeeze %dma_wait3A_1908 : memref<1x8x64xf32, #tpu.memory_space<vmem>> -> memref<8x64xf32, #tpu.memory_space<vmem>>
      %dma_wait3A_1910 = arith.constant 0 : i32
      %dma_wait3A_1911 = tpu.memref_slice %arg7[%multiple_of3A_1052, %dma_wait3A_1910] : memref<100000x64xf32, #tpu.memory_space<hbm>> -> memref<8x64xf32, #tpu.memory_space<hbm>>
      %dma_wait3A_1912 = arith.constant 0 : i32
      %dma_wait3A_1913 = arith.constant 0 : i32
      %dma_wait3A_1914 = tpu.memref_slice %arg14[%dma_wait3A_1905, %dma_wait3A_1912, %dma_wait3A_1913] : memref<16x8x64xf32, #tpu.memory_space<vmem>> -> memref<1x8x64xf32, #tpu.memory_space<vmem>>
      %dma_wait3A_1915 = tpu.memref_squeeze %dma_wait3A_1914 : memref<1x8x64xf32, #tpu.memory_space<vmem>> -> memref<8x64xf32, #tpu.memory_space<vmem>>
      %dma_wait3A_1916 = arith.constant 0 : i32
      %dma_wait3A_1917 = tpu.memref_slice %arg7[%multiple_of3A_1052, %dma_wait3A_1916] : memref<100000x64xf32, #tpu.memory_space<hbm>> -> memref<8x64xf32, #tpu.memory_space<hbm>>
      tpu.wait_dma2 semaphore(%arg20 : memref<!tpu.dma_semaphore, #tpu.memory_space<semaphore_mem>>) src(%dma_wait3A_1917 : memref<8x64xf32, #tpu.memory_space<hbm>>) dst(%dma_wait3A_1915 : memref<8x64xf32, #tpu.memory_space<vmem>>)
      %dma_wait3A_1918 = arith.constant 15 : i32
      %dma_wait3A_1919 = arith.constant 0 : i32
      %dma_wait3A_1920 = arith.constant 0 : i32
      %dma_wait3A_1921 = tpu.memref_slice %arg15[%dma_wait3A_1918, %dma_wait3A_1919, %dma_wait3A_1920] : memref<16x8x32xf32, #tpu.memory_space<vmem>> -> memref<1x8x32xf32, #tpu.memory_space<vmem>>
      %dma_wait3A_1922 = tpu.memref_squeeze %dma_wait3A_1921 : memref<1x8x32xf32, #tpu.memory_space<vmem>> -> memref<8x32xf32, #tpu.memory_space<vmem>>
      %dma_wait3A_1923 = arith.constant 0 : i32
      %dma_wait3A_1924 = tpu.memref_slice %arg8[%multiple_of3A_1047, %dma_wait3A_1923] : memref<1000000x32xf32, #tpu.memory_space<hbm>> -> memref<8x32xf32, #tpu.memory_space<hbm>>
      %dma_wait3A_1925 = arith.constant 0 : i32
      %dma_wait3A_1926 = arith.constant 0 : i32
      %dma_wait3A_1927 = tpu.memref_slice %arg15[%dma_wait3A_1918, %dma_wait3A_1925, %dma_wait3A_1926] : memref<16x8x32xf32, #tpu.memory_space<vmem>> -> memref<1x8x32xf32, #tpu.memory_space<vmem>>
      %dma_wait3A_1928 = tpu.memref_squeeze %dma_wait3A_1927 : memref<1x8x32xf32, #tpu.memory_space<vmem>> -> memref<8x32xf32, #tpu.memory_space<vmem>>
      %dma_wait3A_1929 = arith.constant 0 : i32
      %dma_wait3A_1930 = tpu.memref_slice %arg8[%multiple_of3A_1047, %dma_wait3A_1929] : memref<1000000x32xf32, #tpu.memory_space<hbm>> -> memref<8x32xf32, #tpu.memory_space<hbm>>
      tpu.wait_dma2 semaphore(%arg20 : memref<!tpu.dma_semaphore, #tpu.memory_space<semaphore_mem>>) src(%dma_wait3A_1930 : memref<8x32xf32, #tpu.memory_space<hbm>>) dst(%dma_wait3A_1928 : memref<8x32xf32, #tpu.memory_space<vmem>>)
      %dma_wait3A_1931 = arith.constant 15 : i32
      %dma_wait3A_1932 = arith.constant 0 : i32
      %dma_wait3A_1933 = arith.constant 0 : i32
      %dma_wait3A_1934 = tpu.memref_slice %arg16[%dma_wait3A_1931, %dma_wait3A_1932, %dma_wait3A_1933] : memref<16x8x32xf32, #tpu.memory_space<vmem>> -> memref<1x8x32xf32, #tpu.memory_space<vmem>>
      %dma_wait3A_1935 = tpu.memref_squeeze %dma_wait3A_1934 : memref<1x8x32xf32, #tpu.memory_space<vmem>> -> memref<8x32xf32, #tpu.memory_space<vmem>>
      %dma_wait3A_1936 = arith.constant 0 : i32
      %dma_wait3A_1937 = tpu.memref_slice %arg9[%multiple_of3A_1052, %dma_wait3A_1936] : memref<100000x32xf32, #tpu.memory_space<hbm>> -> memref<8x32xf32, #tpu.memory_space<hbm>>
      %dma_wait3A_1938 = arith.constant 0 : i32
      %dma_wait3A_1939 = arith.constant 0 : i32
      %dma_wait3A_1940 = tpu.memref_slice %arg16[%dma_wait3A_1931, %dma_wait3A_1938, %dma_wait3A_1939] : memref<16x8x32xf32, #tpu.memory_space<vmem>> -> memref<1x8x32xf32, #tpu.memory_space<vmem>>
      %dma_wait3A_1941 = tpu.memref_squeeze %dma_wait3A_1940 : memref<1x8x32xf32, #tpu.memory_space<vmem>> -> memref<8x32xf32, #tpu.memory_space<vmem>>
      %dma_wait3A_1942 = arith.constant 0 : i32
      %dma_wait3A_1943 = tpu.memref_slice %arg9[%multiple_of3A_1052, %dma_wait3A_1942] : memref<100000x32xf32, #tpu.memory_space<hbm>> -> memref<8x32xf32, #tpu.memory_space<hbm>>
      tpu.wait_dma2 semaphore(%arg20 : memref<!tpu.dma_semaphore, #tpu.memory_space<semaphore_mem>>) src(%dma_wait3A_1943 : memref<8x32xf32, #tpu.memory_space<hbm>>) dst(%dma_wait3A_1941 : memref<8x32xf32, #tpu.memory_space<vmem>>)
      %broadcast_in_dim3A = arith.constant 0.000000e+00 : f32
      %broadcast_in_dim3A_1944 = vector.broadcast %broadcast_in_dim3A : f32 to vector<16xf32>
      %slice3A_1945 = vector.extract_strided_slice %and3A_99 {offsets = [0], sizes = [1], strides = [1]} : vector<16xi32> to vector<1xi32>
      %squeeze3A_1946 = vector.extract %slice3A_1945[0] : i32 from vector<1xi32>
      %slice3A_1947 = vector.extract_strided_slice %and3A_102 {offsets = [0], sizes = [1], strides = [1]} : vector<16xi32> to vector<1xi32>
      %squeeze3A_1948 = vector.extract %slice3A_1947[0] : i32 from vector<1xi32>
      %get3A_1949 = arith.constant 0 : i32
      %get3A_1950 = arith.index_cast %get3A_1949 : i32 to index
      %get3A_1951 = arith.index_cast %squeeze3A_1946 : i32 to index
      %get3A_1952 = arith.constant 0 : index
      %get3A_1953 = tpu.vector_load %arg13[%get3A_1950, %get3A_1951, %get3A_1952] {strides = array<i32>} : memref<16x8x64xf32, #tpu.memory_space<vmem>>, vector<16xf32>,
      %get3A_1954 = arith.constant 0 : i32
      %get3A_1955 = arith.index_cast %get3A_1954 : i32 to index
      %get3A_1956 = arith.index_cast %squeeze3A_1948 : i32 to index
      %get3A_1957 = arith.constant 0 : index
      %get3A_1958 = tpu.vector_load %arg14[%get3A_1955, %get3A_1956, %get3A_1957] {strides = array<i32>} : memref<16x8x64xf32, #tpu.memory_space<vmem>>, vector<16xf32>,
      %mul3A_1959 = arith.mulf %get3A_1953, %get3A_1958 : vector<16xf32>
      %get3A_1960 = arith.constant 0 : i32
      %get3A_1961 = arith.index_cast %get3A_1960 : i32 to index
      %get3A_1962 = arith.index_cast %squeeze3A_1946 : i32 to index
      %get3A_1963 = arith.constant 16 : index
      %get3A_1964 = tpu.vector_load %arg13[%get3A_1961, %get3A_1962, %get3A_1963] {strides = array<i32>} : memref<16x8x64xf32, #tpu.memory_space<vmem>>, vector<16xf32>,
      %get3A_1965 = arith.constant 0 : i32
      %get3A_1966 = arith.index_cast %get3A_1965 : i32 to index
      %get3A_1967 = arith.index_cast %squeeze3A_1948 : i32 to index
      %get3A_1968 = arith.constant 16 : index
      %get3A_1969 = tpu.vector_load %arg14[%get3A_1966, %get3A_1967, %get3A_1968] {strides = array<i32>} : memref<16x8x64xf32, #tpu.memory_space<vmem>>, vector<16xf32>,
      %mul3A_1970 = arith.mulf %get3A_1964, %get3A_1969 : vector<16xf32>
      %add3A_1971 = arith.addf %mul3A_1959, %mul3A_1970 : vector<16xf32>
      %get3A_1972 = arith.constant 0 : i32
      %get3A_1973 = arith.index_cast %get3A_1972 : i32 to index
      %get3A_1974 = arith.index_cast %squeeze3A_1946 : i32 to index
      %get3A_1975 = arith.constant 32 : index
      %get3A_1976 = tpu.vector_load %arg13[%get3A_1973, %get3A_1974, %get3A_1975] {strides = array<i32>} : memref<16x8x64xf32, #tpu.memory_space<vmem>>, vector<16xf32>,
      %get3A_1977 = arith.constant 0 : i32
      %get3A_1978 = arith.index_cast %get3A_1977 : i32 to index
      %get3A_1979 = arith.index_cast %squeeze3A_1948 : i32 to index
      %get3A_1980 = arith.constant 32 : index
      %get3A_1981 = tpu.vector_load %arg14[%get3A_1978, %get3A_1979, %get3A_1980] {strides = array<i32>} : memref<16x8x64xf32, #tpu.memory_space<vmem>>, vector<16xf32>,
      %mul3A_1982 = arith.mulf %get3A_1976, %get3A_1981 : vector<16xf32>
      %add3A_1983 = arith.addf %add3A_1971, %mul3A_1982 : vector<16xf32>
      %get3A_1984 = arith.constant 0 : i32
      %get3A_1985 = arith.index_cast %get3A_1984 : i32 to index
      %get3A_1986 = arith.index_cast %squeeze3A_1946 : i32 to index
      %get3A_1987 = arith.constant 48 : index
      %get3A_1988 = tpu.vector_load %arg13[%get3A_1985, %get3A_1986, %get3A_1987] {strides = array<i32>} : memref<16x8x64xf32, #tpu.memory_space<vmem>>, vector<16xf32>,
      %get3A_1989 = arith.constant 0 : i32
      %get3A_1990 = arith.index_cast %get3A_1989 : i32 to index
      %get3A_1991 = arith.index_cast %squeeze3A_1948 : i32 to index
      %get3A_1992 = arith.constant 48 : index
      %get3A_1993 = tpu.vector_load %arg14[%get3A_1990, %get3A_1991, %get3A_1992] {strides = array<i32>} : memref<16x8x64xf32, #tpu.memory_space<vmem>>, vector<16xf32>,
      %mul3A_1994 = arith.mulf %get3A_1988, %get3A_1993 : vector<16xf32>
      %add3A_1995 = arith.addf %add3A_1983, %mul3A_1994 : vector<16xf32>
      %get3A_1996 = arith.constant 0 : i32
      %get3A_1997 = arith.index_cast %get3A_1996 : i32 to index
      %get3A_1998 = arith.constant 0 : index
      %get3A_1999 = tpu.vector_load %arg17[%get3A_1997, %get3A_1998] {strides = array<i32>} : memref<16x32xf32, #tpu.memory_space<vmem>>, vector<16xf32>,
      %get3A_2000 = arith.constant 0 : i32
      %get3A_2001 = arith.index_cast %get3A_2000 : i32 to index
      %get3A_2002 = arith.index_cast %squeeze3A_1948 : i32 to index
      %get3A_2003 = arith.constant 0 : index
      %get3A_2004 = tpu.vector_load %arg16[%get3A_2001, %get3A_2002, %get3A_2003] {strides = array<i32>} : memref<16x8x32xf32, #tpu.memory_space<vmem>>, vector<16xf32>,
      %mul3A_2005 = arith.mulf %get3A_1999, %get3A_2004 : vector<16xf32>
      %add3A_2006 = arith.addf %add3A_1995, %mul3A_2005 : vector<16xf32>
      %get3A_2007 = arith.constant 0 : i32
      %get3A_2008 = arith.index_cast %get3A_2007 : i32 to index
      %get3A_2009 = arith.constant 0 : index
      %get3A_2010 = tpu.vector_load %arg18[%get3A_2008, %get3A_2009] {strides = array<i32>} : memref<16x32xf32, #tpu.memory_space<vmem>>, vector<16xf32>,
      %get3A_2011 = arith.constant 0 : i32
      %get3A_2012 = arith.index_cast %get3A_2011 : i32 to index
      %get3A_2013 = arith.index_cast %squeeze3A_1946 : i32 to index
      %get3A_2014 = arith.constant 0 : index
      %get3A_2015 = tpu.vector_load %arg15[%get3A_2012, %get3A_2013, %get3A_2014] {strides = array<i32>} : memref<16x8x32xf32, #tpu.memory_space<vmem>>, vector<16xf32>,
      %mul3A_2016 = arith.mulf %get3A_2010, %get3A_2015 : vector<16xf32>
      %add3A_2017 = arith.addf %add3A_2006, %mul3A_2016 : vector<16xf32>
      %get3A_2018 = arith.constant 0 : i32
      %get3A_2019 = arith.index_cast %get3A_2018 : i32 to index
      %get3A_2020 = arith.constant 16 : index
      %get3A_2021 = tpu.vector_load %arg17[%get3A_2019, %get3A_2020] {strides = array<i32>} : memref<16x32xf32, #tpu.memory_space<vmem>>, vector<16xf32>,
      %get3A_2022 = arith.constant 0 : i32
      %get3A_2023 = arith.index_cast %get3A_2022 : i32 to index
      %get3A_2024 = arith.index_cast %squeeze3A_1948 : i32 to index
      %get3A_2025 = arith.constant 16 : index
      %get3A_2026 = tpu.vector_load %arg16[%get3A_2023, %get3A_2024, %get3A_2025] {strides = array<i32>} : memref<16x8x32xf32, #tpu.memory_space<vmem>>, vector<16xf32>,
      %mul3A_2027 = arith.mulf %get3A_2021, %get3A_2026 : vector<16xf32>
      %add3A_2028 = arith.addf %add3A_2017, %mul3A_2027 : vector<16xf32>
      %get3A_2029 = arith.constant 0 : i32
      %get3A_2030 = arith.index_cast %get3A_2029 : i32 to index
      %get3A_2031 = arith.constant 16 : index
      %get3A_2032 = tpu.vector_load %arg18[%get3A_2030, %get3A_2031] {strides = array<i32>} : memref<16x32xf32, #tpu.memory_space<vmem>>, vector<16xf32>,
      %get3A_2033 = arith.constant 0 : i32
      %get3A_2034 = arith.index_cast %get3A_2033 : i32 to index
      %get3A_2035 = arith.index_cast %squeeze3A_1946 : i32 to index
      %get3A_2036 = arith.constant 16 : index
      %get3A_2037 = tpu.vector_load %arg15[%get3A_2034, %get3A_2035, %get3A_2036] {strides = array<i32>} : memref<16x8x32xf32, #tpu.memory_space<vmem>>, vector<16xf32>,
      %mul3A_2038 = arith.mulf %get3A_2032, %get3A_2037 : vector<16xf32>
      %add3A_2039 = arith.addf %add3A_2028, %mul3A_2038 : vector<16xf32>
      %eq3A_2040 = arith.constant 0 : i32
      %eq3A_2041 = vector.broadcast %eq3A_2040 : i32 to vector<16xi32>
      %eq3A_2042 = arith.cmpi eq, %iota3A, %eq3A_2041 : vector<16xi32>
      %reduce_sum3A = arith.constant true
      %reduce_sum3A_2043 = vector.broadcast %reduce_sum3A : i1 to vector<16xi1>
      %reduce_sum3A_2044 = tpu.scan <sum>, %add3A_2039 masked %reduce_sum3A_2043 : vector<16xf32>, vector<16xi1> -> vector<16xf32>
      %reduce_sum3A_2045 = vector.extract %reduce_sum3A_2044[15] : f32 from vector<16xf32>
      %jit3A_2046 = arith.constant 0.000000e+00 : f32
      %broadcast_in_dim3A_2047 = vector.broadcast %reduce_sum3A_2045 : f32 to vector<16xf32>
      %broadcast_in_dim3A_2048 = vector.broadcast %jit3A_2046 : f32 to vector<16xf32>
      %select_n3A_2049 = arith.select %eq3A_2042, %broadcast_in_dim3A_2047, %broadcast_in_dim3A_2048 : vector<16xi1>, vector<16xf32>
      %add3A_2050 = arith.addf %broadcast_in_dim3A_1944, %select_n3A_2049 : vector<16xf32>
      %slice3A_2051 = vector.extract_strided_slice %and3A_99 {offsets = [1], sizes = [1], strides = [1]} : vector<16xi32> to vector<1xi32>
      %squeeze3A_2052 = vector.extract %slice3A_2051[0] : i32 from vector<1xi32>
      %slice3A_2053 = vector.extract_strided_slice %and3A_102 {offsets = [1], sizes = [1], strides = [1]} : vector<16xi32> to vector<1xi32>
      %squeeze3A_2054 = vector.extract %slice3A_2053[0] : i32 from vector<1xi32>
      %get3A_2055 = arith.constant 1 : i32
      %get3A_2056 = arith.index_cast %get3A_2055 : i32 to index
      %get3A_2057 = arith.index_cast %squeeze3A_2052 : i32 to index
      %get3A_2058 = arith.constant 0 : index
      %get3A_2059 = tpu.vector_load %arg13[%get3A_2056, %get3A_2057, %get3A_2058] {strides = array<i32>} : memref<16x8x64xf32, #tpu.memory_space<vmem>>, vector<16xf32>,
      %get3A_2060 = arith.constant 1 : i32
      %get3A_2061 = arith.index_cast %get3A_2060 : i32 to index
      %get3A_2062 = arith.index_cast %squeeze3A_2054 : i32 to index
      %get3A_2063 = arith.constant 0 : index
      %get3A_2064 = tpu.vector_load %arg14[%get3A_2061, %get3A_2062, %get3A_2063] {strides = array<i32>} : memref<16x8x64xf32, #tpu.memory_space<vmem>>, vector<16xf32>,
      %mul3A_2065 = arith.mulf %get3A_2059, %get3A_2064 : vector<16xf32>
      %get3A_2066 = arith.constant 1 : i32
      %get3A_2067 = arith.index_cast %get3A_2066 : i32 to index
      %get3A_2068 = arith.index_cast %squeeze3A_2052 : i32 to index
      %get3A_2069 = arith.constant 16 : index
      %get3A_2070 = tpu.vector_load %arg13[%get3A_2067, %get3A_2068, %get3A_2069] {strides = array<i32>} : memref<16x8x64xf32, #tpu.memory_space<vmem>>, vector<16xf32>,
      %get3A_2071 = arith.constant 1 : i32
      %get3A_2072 = arith.index_cast %get3A_2071 : i32 to index
      %get3A_2073 = arith.index_cast %squeeze3A_2054 : i32 to index
      %get3A_2074 = arith.constant 16 : index
      %get3A_2075 = tpu.vector_load %arg14[%get3A_2072, %get3A_2073, %get3A_2074] {strides = array<i32>} : memref<16x8x64xf32, #tpu.memory_space<vmem>>, vector<16xf32>,
      %mul3A_2076 = arith.mulf %get3A_2070, %get3A_2075 : vector<16xf32>
      %add3A_2077 = arith.addf %mul3A_2065, %mul3A_2076 : vector<16xf32>
      %get3A_2078 = arith.constant 1 : i32
      %get3A_2079 = arith.index_cast %get3A_2078 : i32 to index
      %get3A_2080 = arith.index_cast %squeeze3A_2052 : i32 to index
      %get3A_2081 = arith.constant 32 : index
      %get3A_2082 = tpu.vector_load %arg13[%get3A_2079, %get3A_2080, %get3A_2081] {strides = array<i32>} : memref<16x8x64xf32, #tpu.memory_space<vmem>>, vector<16xf32>,
      %get3A_2083 = arith.constant 1 : i32
      %get3A_2084 = arith.index_cast %get3A_2083 : i32 to index
      %get3A_2085 = arith.index_cast %squeeze3A_2054 : i32 to index
      %get3A_2086 = arith.constant 32 : index
      %get3A_2087 = tpu.vector_load %arg14[%get3A_2084, %get3A_2085, %get3A_2086] {strides = array<i32>} : memref<16x8x64xf32, #tpu.memory_space<vmem>>, vector<16xf32>,
      %mul3A_2088 = arith.mulf %get3A_2082, %get3A_2087 : vector<16xf32>
      %add3A_2089 = arith.addf %add3A_2077, %mul3A_2088 : vector<16xf32>
      %get3A_2090 = arith.constant 1 : i32
      %get3A_2091 = arith.index_cast %get3A_2090 : i32 to index
      %get3A_2092 = arith.index_cast %squeeze3A_2052 : i32 to index
      %get3A_2093 = arith.constant 48 : index
      %get3A_2094 = tpu.vector_load %arg13[%get3A_2091, %get3A_2092, %get3A_2093] {strides = array<i32>} : memref<16x8x64xf32, #tpu.memory_space<vmem>>, vector<16xf32>,
      %get3A_2095 = arith.constant 1 : i32
      %get3A_2096 = arith.index_cast %get3A_2095 : i32 to index
      %get3A_2097 = arith.index_cast %squeeze3A_2054 : i32 to index
      %get3A_2098 = arith.constant 48 : index
      %get3A_2099 = tpu.vector_load %arg14[%get3A_2096, %get3A_2097, %get3A_2098] {strides = array<i32>} : memref<16x8x64xf32, #tpu.memory_space<vmem>>, vector<16xf32>,
      %mul3A_2100 = arith.mulf %get3A_2094, %get3A_2099 : vector<16xf32>
      %add3A_2101 = arith.addf %add3A_2089, %mul3A_2100 : vector<16xf32>
      %get3A_2102 = arith.constant 1 : i32
      %get3A_2103 = arith.index_cast %get3A_2102 : i32 to index
      %get3A_2104 = arith.constant 0 : index
      %get3A_2105 = tpu.vector_load %arg17[%get3A_2103, %get3A_2104] {strides = array<i32>} : memref<16x32xf32, #tpu.memory_space<vmem>>, vector<16xf32>,
      %get3A_2106 = arith.constant 1 : i32
      %get3A_2107 = arith.index_cast %get3A_2106 : i32 to index
      %get3A_2108 = arith.index_cast %squeeze3A_2054 : i32 to index
      %get3A_2109 = arith.constant 0 : index
      %get3A_2110 = tpu.vector_load %arg16[%get3A_2107, %get3A_2108, %get3A_2109] {strides = array<i32>} : memref<16x8x32xf32, #tpu.memory_space<vmem>>, vector<16xf32>,
      %mul3A_2111 = arith.mulf %get3A_2105, %get3A_2110 : vector<16xf32>
      %add3A_2112 = arith.addf %add3A_2101, %mul3A_2111 : vector<16xf32>
      %get3A_2113 = arith.constant 1 : i32
      %get3A_2114 = arith.index_cast %get3A_2113 : i32 to index
      %get3A_2115 = arith.constant 0 : index
      %get3A_2116 = tpu.vector_load %arg18[%get3A_2114, %get3A_2115] {strides = array<i32>} : memref<16x32xf32, #tpu.memory_space<vmem>>, vector<16xf32>,
      %get3A_2117 = arith.constant 1 : i32
      %get3A_2118 = arith.index_cast %get3A_2117 : i32 to index
      %get3A_2119 = arith.index_cast %squeeze3A_2052 : i32 to index
      %get3A_2120 = arith.constant 0 : index
      %get3A_2121 = tpu.vector_load %arg15[%get3A_2118, %get3A_2119, %get3A_2120] {strides = array<i32>} : memref<16x8x32xf32, #tpu.memory_space<vmem>>, vector<16xf32>,
      %mul3A_2122 = arith.mulf %get3A_2116, %get3A_2121 : vector<16xf32>
      %add3A_2123 = arith.addf %add3A_2112, %mul3A_2122 : vector<16xf32>
      %get3A_2124 = arith.constant 1 : i32
      %get3A_2125 = arith.index_cast %get3A_2124 : i32 to index
      %get3A_2126 = arith.constant 16 : index
      %get3A_2127 = tpu.vector_load %arg17[%get3A_2125, %get3A_2126] {strides = array<i32>} : memref<16x32xf32, #tpu.memory_space<vmem>>, vector<16xf32>,
      %get3A_2128 = arith.constant 1 : i32
      %get3A_2129 = arith.index_cast %get3A_2128 : i32 to index
      %get3A_2130 = arith.index_cast %squeeze3A_2054 : i32 to index
      %get3A_2131 = arith.constant 16 : index
      %get3A_2132 = tpu.vector_load %arg16[%get3A_2129, %get3A_2130, %get3A_2131] {strides = array<i32>} : memref<16x8x32xf32, #tpu.memory_space<vmem>>, vector<16xf32>,
      %mul3A_2133 = arith.mulf %get3A_2127, %get3A_2132 : vector<16xf32>
      %add3A_2134 = arith.addf %add3A_2123, %mul3A_2133 : vector<16xf32>
      %get3A_2135 = arith.constant 1 : i32
      %get3A_2136 = arith.index_cast %get3A_2135 : i32 to index
      %get3A_2137 = arith.constant 16 : index
      %get3A_2138 = tpu.vector_load %arg18[%get3A_2136, %get3A_2137] {strides = array<i32>} : memref<16x32xf32, #tpu.memory_space<vmem>>, vector<16xf32>,
      %get3A_2139 = arith.constant 1 : i32
      %get3A_2140 = arith.index_cast %get3A_2139 : i32 to index
      %get3A_2141 = arith.index_cast %squeeze3A_2052 : i32 to index
      %get3A_2142 = arith.constant 16 : index
      %get3A_2143 = tpu.vector_load %arg15[%get3A_2140, %get3A_2141, %get3A_2142] {strides = array<i32>} : memref<16x8x32xf32, #tpu.memory_space<vmem>>, vector<16xf32>,
      %mul3A_2144 = arith.mulf %get3A_2138, %get3A_2143 : vector<16xf32>
      %add3A_2145 = arith.addf %add3A_2134, %mul3A_2144 : vector<16xf32>
      %eq3A_2146 = arith.constant 1 : i32
      %eq3A_2147 = vector.broadcast %eq3A_2146 : i32 to vector<16xi32>
      %eq3A_2148 = arith.cmpi eq, %iota3A, %eq3A_2147 : vector<16xi32>
      %reduce_sum3A_2149 = arith.constant true
      %reduce_sum3A_2150 = vector.broadcast %reduce_sum3A_2149 : i1 to vector<16xi1>
      %reduce_sum3A_2151 = tpu.scan <sum>, %add3A_2145 masked %reduce_sum3A_2150 : vector<16xf32>, vector<16xi1> -> vector<16xf32>
      %reduce_sum3A_2152 = vector.extract %reduce_sum3A_2151[15] : f32 from vector<16xf32>
      %jit3A_2153 = arith.constant 0.000000e+00 : f32
      %broadcast_in_dim3A_2154 = vector.broadcast %reduce_sum3A_2152 : f32 to vector<16xf32>
      %broadcast_in_dim3A_2155 = vector.broadcast %jit3A_2153 : f32 to vector<16xf32>
      %select_n3A_2156 = arith.select %eq3A_2148, %broadcast_in_dim3A_2154, %broadcast_in_dim3A_2155 : vector<16xi1>, vector<16xf32>
      %add3A_2157 = arith.addf %add3A_2050, %select_n3A_2156 : vector<16xf32>
      %slice3A_2158 = vector.extract_strided_slice %and3A_99 {offsets = [2], sizes = [1], strides = [1]} : vector<16xi32> to vector<1xi32>
      %squeeze3A_2159 = vector.extract %slice3A_2158[0] : i32 from vector<1xi32>
      %slice3A_2160 = vector.extract_strided_slice %and3A_102 {offsets = [2], sizes = [1], strides = [1]} : vector<16xi32> to vector<1xi32>
      %squeeze3A_2161 = vector.extract %slice3A_2160[0] : i32 from vector<1xi32>
      %get3A_2162 = arith.constant 2 : i32
      %get3A_2163 = arith.index_cast %get3A_2162 : i32 to index
      %get3A_2164 = arith.index_cast %squeeze3A_2159 : i32 to index
      %get3A_2165 = arith.constant 0 : index
      %get3A_2166 = tpu.vector_load %arg13[%get3A_2163, %get3A_2164, %get3A_2165] {strides = array<i32>} : memref<16x8x64xf32, #tpu.memory_space<vmem>>, vector<16xf32>,
      %get3A_2167 = arith.constant 2 : i32
      %get3A_2168 = arith.index_cast %get3A_2167 : i32 to index
      %get3A_2169 = arith.index_cast %squeeze3A_2161 : i32 to index
      %get3A_2170 = arith.constant 0 : index
      %get3A_2171 = tpu.vector_load %arg14[%get3A_2168, %get3A_2169, %get3A_2170] {strides = array<i32>} : memref<16x8x64xf32, #tpu.memory_space<vmem>>, vector<16xf32>,
      %mul3A_2172 = arith.mulf %get3A_2166, %get3A_2171 : vector<16xf32>
      %get3A_2173 = arith.constant 2 : i32
      %get3A_2174 = arith.index_cast %get3A_2173 : i32 to index
      %get3A_2175 = arith.index_cast %squeeze3A_2159 : i32 to index
      %get3A_2176 = arith.constant 16 : index
      %get3A_2177 = tpu.vector_load %arg13[%get3A_2174, %get3A_2175, %get3A_2176] {strides = array<i32>} : memref<16x8x64xf32, #tpu.memory_space<vmem>>, vector<16xf32>,
      %get3A_2178 = arith.constant 2 : i32
      %get3A_2179 = arith.index_cast %get3A_2178 : i32 to index
      %get3A_2180 = arith.index_cast %squeeze3A_2161 : i32 to index
      %get3A_2181 = arith.constant 16 : index
      %get3A_2182 = tpu.vector_load %arg14[%get3A_2179, %get3A_2180, %get3A_2181] {strides = array<i32>} : memref<16x8x64xf32, #tpu.memory_space<vmem>>, vector<16xf32>,
      %mul3A_2183 = arith.mulf %get3A_2177, %get3A_2182 : vector<16xf32>
      %add3A_2184 = arith.addf %mul3A_2172, %mul3A_2183 : vector<16xf32>
      %get3A_2185 = arith.constant 2 : i32
      %get3A_2186 = arith.index_cast %get3A_2185 : i32 to index
      %get3A_2187 = arith.index_cast %squeeze3A_2159 : i32 to index
      %get3A_2188 = arith.constant 32 : index
      %get3A_2189 = tpu.vector_load %arg13[%get3A_2186, %get3A_2187, %get3A_2188] {strides = array<i32>} : memref<16x8x64xf32, #tpu.memory_space<vmem>>, vector<16xf32>,
      %get3A_2190 = arith.constant 2 : i32
      %get3A_2191 = arith.index_cast %get3A_2190 : i32 to index
      %get3A_2192 = arith.index_cast %squeeze3A_2161 : i32 to index
      %get3A_2193 = arith.constant 32 : index
      %get3A_2194 = tpu.vector_load %arg14[%get3A_2191, %get3A_2192, %get3A_2193] {strides = array<i32>} : memref<16x8x64xf32, #tpu.memory_space<vmem>>, vector<16xf32>,
      %mul3A_2195 = arith.mulf %get3A_2189, %get3A_2194 : vector<16xf32>
      %add3A_2196 = arith.addf %add3A_2184, %mul3A_2195 : vector<16xf32>
      %get3A_2197 = arith.constant 2 : i32
      %get3A_2198 = arith.index_cast %get3A_2197 : i32 to index
      %get3A_2199 = arith.index_cast %squeeze3A_2159 : i32 to index
      %get3A_2200 = arith.constant 48 : index
      %get3A_2201 = tpu.vector_load %arg13[%get3A_2198, %get3A_2199, %get3A_2200] {strides = array<i32>} : memref<16x8x64xf32, #tpu.memory_space<vmem>>, vector<16xf32>,
      %get3A_2202 = arith.constant 2 : i32
      %get3A_2203 = arith.index_cast %get3A_2202 : i32 to index
      %get3A_2204 = arith.index_cast %squeeze3A_2161 : i32 to index
      %get3A_2205 = arith.constant 48 : index
      %get3A_2206 = tpu.vector_load %arg14[%get3A_2203, %get3A_2204, %get3A_2205] {strides = array<i32>} : memref<16x8x64xf32, #tpu.memory_space<vmem>>, vector<16xf32>,
      %mul3A_2207 = arith.mulf %get3A_2201, %get3A_2206 : vector<16xf32>
      %add3A_2208 = arith.addf %add3A_2196, %mul3A_2207 : vector<16xf32>
      %get3A_2209 = arith.constant 2 : i32
      %get3A_2210 = arith.index_cast %get3A_2209 : i32 to index
      %get3A_2211 = arith.constant 0 : index
      %get3A_2212 = tpu.vector_load %arg17[%get3A_2210, %get3A_2211] {strides = array<i32>} : memref<16x32xf32, #tpu.memory_space<vmem>>, vector<16xf32>,
      %get3A_2213 = arith.constant 2 : i32
      %get3A_2214 = arith.index_cast %get3A_2213 : i32 to index
      %get3A_2215 = arith.index_cast %squeeze3A_2161 : i32 to index
      %get3A_2216 = arith.constant 0 : index
      %get3A_2217 = tpu.vector_load %arg16[%get3A_2214, %get3A_2215, %get3A_2216] {strides = array<i32>} : memref<16x8x32xf32, #tpu.memory_space<vmem>>, vector<16xf32>,
      %mul3A_2218 = arith.mulf %get3A_2212, %get3A_2217 : vector<16xf32>
      %add3A_2219 = arith.addf %add3A_2208, %mul3A_2218 : vector<16xf32>
      %get3A_2220 = arith.constant 2 : i32
      %get3A_2221 = arith.index_cast %get3A_2220 : i32 to index
      %get3A_2222 = arith.constant 0 : index
      %get3A_2223 = tpu.vector_load %arg18[%get3A_2221, %get3A_2222] {strides = array<i32>} : memref<16x32xf32, #tpu.memory_space<vmem>>, vector<16xf32>,
      %get3A_2224 = arith.constant 2 : i32
      %get3A_2225 = arith.index_cast %get3A_2224 : i32 to index
      %get3A_2226 = arith.index_cast %squeeze3A_2159 : i32 to index
      %get3A_2227 = arith.constant 0 : index
      %get3A_2228 = tpu.vector_load %arg15[%get3A_2225, %get3A_2226, %get3A_2227] {strides = array<i32>} : memref<16x8x32xf32, #tpu.memory_space<vmem>>, vector<16xf32>,
      %mul3A_2229 = arith.mulf %get3A_2223, %get3A_2228 : vector<16xf32>
      %add3A_2230 = arith.addf %add3A_2219, %mul3A_2229 : vector<16xf32>
      %get3A_2231 = arith.constant 2 : i32
      %get3A_2232 = arith.index_cast %get3A_2231 : i32 to index
      %get3A_2233 = arith.constant 16 : index
      %get3A_2234 = tpu.vector_load %arg17[%get3A_2232, %get3A_2233] {strides = array<i32>} : memref<16x32xf32, #tpu.memory_space<vmem>>, vector<16xf32>,
      %get3A_2235 = arith.constant 2 : i32
      %get3A_2236 = arith.index_cast %get3A_2235 : i32 to index
      %get3A_2237 = arith.index_cast %squeeze3A_2161 : i32 to index
      %get3A_2238 = arith.constant 16 : index
      %get3A_2239 = tpu.vector_load %arg16[%get3A_2236, %get3A_2237, %get3A_2238] {strides = array<i32>} : memref<16x8x32xf32, #tpu.memory_space<vmem>>, vector<16xf32>,
      %mul3A_2240 = arith.mulf %get3A_2234, %get3A_2239 : vector<16xf32>
      %add3A_2241 = arith.addf %add3A_2230, %mul3A_2240 : vector<16xf32>
      %get3A_2242 = arith.constant 2 : i32
      %get3A_2243 = arith.index_cast %get3A_2242 : i32 to index
      %get3A_2244 = arith.constant 16 : index
      %get3A_2245 = tpu.vector_load %arg18[%get3A_2243, %get3A_2244] {strides = array<i32>} : memref<16x32xf32, #tpu.memory_space<vmem>>, vector<16xf32>,
      %get3A_2246 = arith.constant 2 : i32
      %get3A_2247 = arith.index_cast %get3A_2246 : i32 to index
      %get3A_2248 = arith.index_cast %squeeze3A_2159 : i32 to index
      %get3A_2249 = arith.constant 16 : index
      %get3A_2250 = tpu.vector_load %arg15[%get3A_2247, %get3A_2248, %get3A_2249] {strides = array<i32>} : memref<16x8x32xf32, #tpu.memory_space<vmem>>, vector<16xf32>,
      %mul3A_2251 = arith.mulf %get3A_2245, %get3A_2250 : vector<16xf32>
      %add3A_2252 = arith.addf %add3A_2241, %mul3A_2251 : vector<16xf32>
      %eq3A_2253 = arith.constant 2 : i32
      %eq3A_2254 = vector.broadcast %eq3A_2253 : i32 to vector<16xi32>
      %eq3A_2255 = arith.cmpi eq, %iota3A, %eq3A_2254 : vector<16xi32>
      %reduce_sum3A_2256 = arith.constant true
      %reduce_sum3A_2257 = vector.broadcast %reduce_sum3A_2256 : i1 to vector<16xi1>
      %reduce_sum3A_2258 = tpu.scan <sum>, %add3A_2252 masked %reduce_sum3A_2257 : vector<16xf32>, vector<16xi1> -> vector<16xf32>
      %reduce_sum3A_2259 = vector.extract %reduce_sum3A_2258[15] : f32 from vector<16xf32>
      %jit3A_2260 = arith.constant 0.000000e+00 : f32
      %broadcast_in_dim3A_2261 = vector.broadcast %reduce_sum3A_2259 : f32 to vector<16xf32>
      %broadcast_in_dim3A_2262 = vector.broadcast %jit3A_2260 : f32 to vector<16xf32>
      %select_n3A_2263 = arith.select %eq3A_2255, %broadcast_in_dim3A_2261, %broadcast_in_dim3A_2262 : vector<16xi1>, vector<16xf32>
      %add3A_2264 = arith.addf %add3A_2157, %select_n3A_2263 : vector<16xf32>
      %slice3A_2265 = vector.extract_strided_slice %and3A_99 {offsets = [3], sizes = [1], strides = [1]} : vector<16xi32> to vector<1xi32>
      %squeeze3A_2266 = vector.extract %slice3A_2265[0] : i32 from vector<1xi32>
      %slice3A_2267 = vector.extract_strided_slice %and3A_102 {offsets = [3], sizes = [1], strides = [1]} : vector<16xi32> to vector<1xi32>
      %squeeze3A_2268 = vector.extract %slice3A_2267[0] : i32 from vector<1xi32>
      %get3A_2269 = arith.constant 3 : i32
      %get3A_2270 = arith.index_cast %get3A_2269 : i32 to index
      %get3A_2271 = arith.index_cast %squeeze3A_2266 : i32 to index
      %get3A_2272 = arith.constant 0 : index
      %get3A_2273 = tpu.vector_load %arg13[%get3A_2270, %get3A_2271, %get3A_2272] {strides = array<i32>} : memref<16x8x64xf32, #tpu.memory_space<vmem>>, vector<16xf32>,
      %get3A_2274 = arith.constant 3 : i32
      %get3A_2275 = arith.index_cast %get3A_2274 : i32 to index
      %get3A_2276 = arith.index_cast %squeeze3A_2268 : i32 to index
      %get3A_2277 = arith.constant 0 : index
      %get3A_2278 = tpu.vector_load %arg14[%get3A_2275, %get3A_2276, %get3A_2277] {strides = array<i32>} : memref<16x8x64xf32, #tpu.memory_space<vmem>>, vector<16xf32>,
      %mul3A_2279 = arith.mulf %get3A_2273, %get3A_2278 : vector<16xf32>
      %get3A_2280 = arith.constant 3 : i32
      %get3A_2281 = arith.index_cast %get3A_2280 : i32 to index
      %get3A_2282 = arith.index_cast %squeeze3A_2266 : i32 to index
      %get3A_2283 = arith.constant 16 : index
      %get3A_2284 = tpu.vector_load %arg13[%get3A_2281, %get3A_2282, %get3A_2283] {strides = array<i32>} : memref<16x8x64xf32, #tpu.memory_space<vmem>>, vector<16xf32>,
      %get3A_2285 = arith.constant 3 : i32
      %get3A_2286 = arith.index_cast %get3A_2285 : i32 to index
      %get3A_2287 = arith.index_cast %squeeze3A_2268 : i32 to index
      %get3A_2288 = arith.constant 16 : index
      %get3A_2289 = tpu.vector_load %arg14[%get3A_2286, %get3A_2287, %get3A_2288] {strides = array<i32>} : memref<16x8x64xf32, #tpu.memory_space<vmem>>, vector<16xf32>,
      %mul3A_2290 = arith.mulf %get3A_2284, %get3A_2289 : vector<16xf32>
      %add3A_2291 = arith.addf %mul3A_2279, %mul3A_2290 : vector<16xf32>
      %get3A_2292 = arith.constant 3 : i32
      %get3A_2293 = arith.index_cast %get3A_2292 : i32 to index
      %get3A_2294 = arith.index_cast %squeeze3A_2266 : i32 to index
      %get3A_2295 = arith.constant 32 : index
      %get3A_2296 = tpu.vector_load %arg13[%get3A_2293, %get3A_2294, %get3A_2295] {strides = array<i32>} : memref<16x8x64xf32, #tpu.memory_space<vmem>>, vector<16xf32>,
      %get3A_2297 = arith.constant 3 : i32
      %get3A_2298 = arith.index_cast %get3A_2297 : i32 to index
      %get3A_2299 = arith.index_cast %squeeze3A_2268 : i32 to index
      %get3A_2300 = arith.constant 32 : index
      %get3A_2301 = tpu.vector_load %arg14[%get3A_2298, %get3A_2299, %get3A_2300] {strides = array<i32>} : memref<16x8x64xf32, #tpu.memory_space<vmem>>, vector<16xf32>,
      %mul3A_2302 = arith.mulf %get3A_2296, %get3A_2301 : vector<16xf32>
      %add3A_2303 = arith.addf %add3A_2291, %mul3A_2302 : vector<16xf32>
      %get3A_2304 = arith.constant 3 : i32
      %get3A_2305 = arith.index_cast %get3A_2304 : i32 to index
      %get3A_2306 = arith.index_cast %squeeze3A_2266 : i32 to index
      %get3A_2307 = arith.constant 48 : index
      %get3A_2308 = tpu.vector_load %arg13[%get3A_2305, %get3A_2306, %get3A_2307] {strides = array<i32>} : memref<16x8x64xf32, #tpu.memory_space<vmem>>, vector<16xf32>,
      %get3A_2309 = arith.constant 3 : i32
      %get3A_2310 = arith.index_cast %get3A_2309 : i32 to index
      %get3A_2311 = arith.index_cast %squeeze3A_2268 : i32 to index
      %get3A_2312 = arith.constant 48 : index
      %get3A_2313 = tpu.vector_load %arg14[%get3A_2310, %get3A_2311, %get3A_2312] {strides = array<i32>} : memref<16x8x64xf32, #tpu.memory_space<vmem>>, vector<16xf32>,
      %mul3A_2314 = arith.mulf %get3A_2308, %get3A_2313 : vector<16xf32>
      %add3A_2315 = arith.addf %add3A_2303, %mul3A_2314 : vector<16xf32>
      %get3A_2316 = arith.constant 3 : i32
      %get3A_2317 = arith.index_cast %get3A_2316 : i32 to index
      %get3A_2318 = arith.constant 0 : index
      %get3A_2319 = tpu.vector_load %arg17[%get3A_2317, %get3A_2318] {strides = array<i32>} : memref<16x32xf32, #tpu.memory_space<vmem>>, vector<16xf32>,
      %get3A_2320 = arith.constant 3 : i32
      %get3A_2321 = arith.index_cast %get3A_2320 : i32 to index
      %get3A_2322 = arith.index_cast %squeeze3A_2268 : i32 to index
      %get3A_2323 = arith.constant 0 : index
      %get3A_2324 = tpu.vector_load %arg16[%get3A_2321, %get3A_2322, %get3A_2323] {strides = array<i32>} : memref<16x8x32xf32, #tpu.memory_space<vmem>>, vector<16xf32>,
      %mul3A_2325 = arith.mulf %get3A_2319, %get3A_2324 : vector<16xf32>
      %add3A_2326 = arith.addf %add3A_2315, %mul3A_2325 : vector<16xf32>
      %get3A_2327 = arith.constant 3 : i32
      %get3A_2328 = arith.index_cast %get3A_2327 : i32 to index
      %get3A_2329 = arith.constant 0 : index
      %get3A_2330 = tpu.vector_load %arg18[%get3A_2328, %get3A_2329] {strides = array<i32>} : memref<16x32xf32, #tpu.memory_space<vmem>>, vector<16xf32>,
      %get3A_2331 = arith.constant 3 : i32
      %get3A_2332 = arith.index_cast %get3A_2331 : i32 to index
      %get3A_2333 = arith.index_cast %squeeze3A_2266 : i32 to index
      %get3A_2334 = arith.constant 0 : index
      %get3A_2335 = tpu.vector_load %arg15[%get3A_2332, %get3A_2333, %get3A_2334] {strides = array<i32>} : memref<16x8x32xf32, #tpu.memory_space<vmem>>, vector<16xf32>,
      %mul3A_2336 = arith.mulf %get3A_2330, %get3A_2335 : vector<16xf32>
      %add3A_2337 = arith.addf %add3A_2326, %mul3A_2336 : vector<16xf32>
      %get3A_2338 = arith.constant 3 : i32
      %get3A_2339 = arith.index_cast %get3A_2338 : i32 to index
      %get3A_2340 = arith.constant 16 : index
      %get3A_2341 = tpu.vector_load %arg17[%get3A_2339, %get3A_2340] {strides = array<i32>} : memref<16x32xf32, #tpu.memory_space<vmem>>, vector<16xf32>,
      %get3A_2342 = arith.constant 3 : i32
      %get3A_2343 = arith.index_cast %get3A_2342 : i32 to index
      %get3A_2344 = arith.index_cast %squeeze3A_2268 : i32 to index
      %get3A_2345 = arith.constant 16 : index
      %get3A_2346 = tpu.vector_load %arg16[%get3A_2343, %get3A_2344, %get3A_2345] {strides = array<i32>} : memref<16x8x32xf32, #tpu.memory_space<vmem>>, vector<16xf32>,
      %mul3A_2347 = arith.mulf %get3A_2341, %get3A_2346 : vector<16xf32>
      %add3A_2348 = arith.addf %add3A_2337, %mul3A_2347 : vector<16xf32>
      %get3A_2349 = arith.constant 3 : i32
      %get3A_2350 = arith.index_cast %get3A_2349 : i32 to index
      %get3A_2351 = arith.constant 16 : index
      %get3A_2352 = tpu.vector_load %arg18[%get3A_2350, %get3A_2351] {strides = array<i32>} : memref<16x32xf32, #tpu.memory_space<vmem>>, vector<16xf32>,
      %get3A_2353 = arith.constant 3 : i32
      %get3A_2354 = arith.index_cast %get3A_2353 : i32 to index
      %get3A_2355 = arith.index_cast %squeeze3A_2266 : i32 to index
      %get3A_2356 = arith.constant 16 : index
      %get3A_2357 = tpu.vector_load %arg15[%get3A_2354, %get3A_2355, %get3A_2356] {strides = array<i32>} : memref<16x8x32xf32, #tpu.memory_space<vmem>>, vector<16xf32>,
      %mul3A_2358 = arith.mulf %get3A_2352, %get3A_2357 : vector<16xf32>
      %add3A_2359 = arith.addf %add3A_2348, %mul3A_2358 : vector<16xf32>
      %eq3A_2360 = arith.constant 3 : i32
      %eq3A_2361 = vector.broadcast %eq3A_2360 : i32 to vector<16xi32>
      %eq3A_2362 = arith.cmpi eq, %iota3A, %eq3A_2361 : vector<16xi32>
      %reduce_sum3A_2363 = arith.constant true
      %reduce_sum3A_2364 = vector.broadcast %reduce_sum3A_2363 : i1 to vector<16xi1>
      %reduce_sum3A_2365 = tpu.scan <sum>, %add3A_2359 masked %reduce_sum3A_2364 : vector<16xf32>, vector<16xi1> -> vector<16xf32>
      %reduce_sum3A_2366 = vector.extract %reduce_sum3A_2365[15] : f32 from vector<16xf32>
      %jit3A_2367 = arith.constant 0.000000e+00 : f32
      %broadcast_in_dim3A_2368 = vector.broadcast %reduce_sum3A_2366 : f32 to vector<16xf32>
      %broadcast_in_dim3A_2369 = vector.broadcast %jit3A_2367 : f32 to vector<16xf32>
      %select_n3A_2370 = arith.select %eq3A_2362, %broadcast_in_dim3A_2368, %broadcast_in_dim3A_2369 : vector<16xi1>, vector<16xf32>
      %add3A_2371 = arith.addf %add3A_2264, %select_n3A_2370 : vector<16xf32>
      %slice3A_2372 = vector.extract_strided_slice %and3A_99 {offsets = [4], sizes = [1], strides = [1]} : vector<16xi32> to vector<1xi32>
      %squeeze3A_2373 = vector.extract %slice3A_2372[0] : i32 from vector<1xi32>
      %slice3A_2374 = vector.extract_strided_slice %and3A_102 {offsets = [4], sizes = [1], strides = [1]} : vector<16xi32> to vector<1xi32>
      %squeeze3A_2375 = vector.extract %slice3A_2374[0] : i32 from vector<1xi32>
      %get3A_2376 = arith.constant 4 : i32
      %get3A_2377 = arith.index_cast %get3A_2376 : i32 to index
      %get3A_2378 = arith.index_cast %squeeze3A_2373 : i32 to index
      %get3A_2379 = arith.constant 0 : index
      %get3A_2380 = tpu.vector_load %arg13[%get3A_2377, %get3A_2378, %get3A_2379] {strides = array<i32>} : memref<16x8x64xf32, #tpu.memory_space<vmem>>, vector<16xf32>,
      %get3A_2381 = arith.constant 4 : i32
      %get3A_2382 = arith.index_cast %get3A_2381 : i32 to index
      %get3A_2383 = arith.index_cast %squeeze3A_2375 : i32 to index
      %get3A_2384 = arith.constant 0 : index
      %get3A_2385 = tpu.vector_load %arg14[%get3A_2382, %get3A_2383, %get3A_2384] {strides = array<i32>} : memref<16x8x64xf32, #tpu.memory_space<vmem>>, vector<16xf32>,
      %mul3A_2386 = arith.mulf %get3A_2380, %get3A_2385 : vector<16xf32>
      %get3A_2387 = arith.constant 4 : i32
      %get3A_2388 = arith.index_cast %get3A_2387 : i32 to index
      %get3A_2389 = arith.index_cast %squeeze3A_2373 : i32 to index
      %get3A_2390 = arith.constant 16 : index
      %get3A_2391 = tpu.vector_load %arg13[%get3A_2388, %get3A_2389, %get3A_2390] {strides = array<i32>} : memref<16x8x64xf32, #tpu.memory_space<vmem>>, vector<16xf32>,
      %get3A_2392 = arith.constant 4 : i32
      %get3A_2393 = arith.index_cast %get3A_2392 : i32 to index
      %get3A_2394 = arith.index_cast %squeeze3A_2375 : i32 to index
      %get3A_2395 = arith.constant 16 : index
      %get3A_2396 = tpu.vector_load %arg14[%get3A_2393, %get3A_2394, %get3A_2395] {strides = array<i32>} : memref<16x8x64xf32, #tpu.memory_space<vmem>>, vector<16xf32>,
      %mul3A_2397 = arith.mulf %get3A_2391, %get3A_2396 : vector<16xf32>
      %add3A_2398 = arith.addf %mul3A_2386, %mul3A_2397 : vector<16xf32>
      %get3A_2399 = arith.constant 4 : i32
      %get3A_2400 = arith.index_cast %get3A_2399 : i32 to index
      %get3A_2401 = arith.index_cast %squeeze3A_2373 : i32 to index
      %get3A_2402 = arith.constant 32 : index
      %get3A_2403 = tpu.vector_load %arg13[%get3A_2400, %get3A_2401, %get3A_2402] {strides = array<i32>} : memref<16x8x64xf32, #tpu.memory_space<vmem>>, vector<16xf32>,
      %get3A_2404 = arith.constant 4 : i32
      %get3A_2405 = arith.index_cast %get3A_2404 : i32 to index
      %get3A_2406 = arith.index_cast %squeeze3A_2375 : i32 to index
      %get3A_2407 = arith.constant 32 : index
      %get3A_2408 = tpu.vector_load %arg14[%get3A_2405, %get3A_2406, %get3A_2407] {strides = array<i32>} : memref<16x8x64xf32, #tpu.memory_space<vmem>>, vector<16xf32>,
      %mul3A_2409 = arith.mulf %get3A_2403, %get3A_2408 : vector<16xf32>
      %add3A_2410 = arith.addf %add3A_2398, %mul3A_2409 : vector<16xf32>
      %get3A_2411 = arith.constant 4 : i32
      %get3A_2412 = arith.index_cast %get3A_2411 : i32 to index
      %get3A_2413 = arith.index_cast %squeeze3A_2373 : i32 to index
      %get3A_2414 = arith.constant 48 : index
      %get3A_2415 = tpu.vector_load %arg13[%get3A_2412, %get3A_2413, %get3A_2414] {strides = array<i32>} : memref<16x8x64xf32, #tpu.memory_space<vmem>>, vector<16xf32>,
      %get3A_2416 = arith.constant 4 : i32
      %get3A_2417 = arith.index_cast %get3A_2416 : i32 to index
      %get3A_2418 = arith.index_cast %squeeze3A_2375 : i32 to index
      %get3A_2419 = arith.constant 48 : index
      %get3A_2420 = tpu.vector_load %arg14[%get3A_2417, %get3A_2418, %get3A_2419] {strides = array<i32>} : memref<16x8x64xf32, #tpu.memory_space<vmem>>, vector<16xf32>,
      %mul3A_2421 = arith.mulf %get3A_2415, %get3A_2420 : vector<16xf32>
      %add3A_2422 = arith.addf %add3A_2410, %mul3A_2421 : vector<16xf32>
      %get3A_2423 = arith.constant 4 : i32
      %get3A_2424 = arith.index_cast %get3A_2423 : i32 to index
      %get3A_2425 = arith.constant 0 : index
      %get3A_2426 = tpu.vector_load %arg17[%get3A_2424, %get3A_2425] {strides = array<i32>} : memref<16x32xf32, #tpu.memory_space<vmem>>, vector<16xf32>,
      %get3A_2427 = arith.constant 4 : i32
      %get3A_2428 = arith.index_cast %get3A_2427 : i32 to index
      %get3A_2429 = arith.index_cast %squeeze3A_2375 : i32 to index
      %get3A_2430 = arith.constant 0 : index
      %get3A_2431 = tpu.vector_load %arg16[%get3A_2428, %get3A_2429, %get3A_2430] {strides = array<i32>} : memref<16x8x32xf32, #tpu.memory_space<vmem>>, vector<16xf32>,
      %mul3A_2432 = arith.mulf %get3A_2426, %get3A_2431 : vector<16xf32>
      %add3A_2433 = arith.addf %add3A_2422, %mul3A_2432 : vector<16xf32>
      %get3A_2434 = arith.constant 4 : i32
      %get3A_2435 = arith.index_cast %get3A_2434 : i32 to index
      %get3A_2436 = arith.constant 0 : index
      %get3A_2437 = tpu.vector_load %arg18[%get3A_2435, %get3A_2436] {strides = array<i32>} : memref<16x32xf32, #tpu.memory_space<vmem>>, vector<16xf32>,
      %get3A_2438 = arith.constant 4 : i32
      %get3A_2439 = arith.index_cast %get3A_2438 : i32 to index
      %get3A_2440 = arith.index_cast %squeeze3A_2373 : i32 to index
      %get3A_2441 = arith.constant 0 : index
      %get3A_2442 = tpu.vector_load %arg15[%get3A_2439, %get3A_2440, %get3A_2441] {strides = array<i32>} : memref<16x8x32xf32, #tpu.memory_space<vmem>>, vector<16xf32>,
      %mul3A_2443 = arith.mulf %get3A_2437, %get3A_2442 : vector<16xf32>
      %add3A_2444 = arith.addf %add3A_2433, %mul3A_2443 : vector<16xf32>
      %get3A_2445 = arith.constant 4 : i32
      %get3A_2446 = arith.index_cast %get3A_2445 : i32 to index
      %get3A_2447 = arith.constant 16 : index
      %get3A_2448 = tpu.vector_load %arg17[%get3A_2446, %get3A_2447] {strides = array<i32>} : memref<16x32xf32, #tpu.memory_space<vmem>>, vector<16xf32>,
      %get3A_2449 = arith.constant 4 : i32
      %get3A_2450 = arith.index_cast %get3A_2449 : i32 to index
      %get3A_2451 = arith.index_cast %squeeze3A_2375 : i32 to index
      %get3A_2452 = arith.constant 16 : index
      %get3A_2453 = tpu.vector_load %arg16[%get3A_2450, %get3A_2451, %get3A_2452] {strides = array<i32>} : memref<16x8x32xf32, #tpu.memory_space<vmem>>, vector<16xf32>,
      %mul3A_2454 = arith.mulf %get3A_2448, %get3A_2453 : vector<16xf32>
      %add3A_2455 = arith.addf %add3A_2444, %mul3A_2454 : vector<16xf32>
      %get3A_2456 = arith.constant 4 : i32
      %get3A_2457 = arith.index_cast %get3A_2456 : i32 to index
      %get3A_2458 = arith.constant 16 : index
      %get3A_2459 = tpu.vector_load %arg18[%get3A_2457, %get3A_2458] {strides = array<i32>} : memref<16x32xf32, #tpu.memory_space<vmem>>, vector<16xf32>,
      %get3A_2460 = arith.constant 4 : i32
      %get3A_2461 = arith.index_cast %get3A_2460 : i32 to index
      %get3A_2462 = arith.index_cast %squeeze3A_2373 : i32 to index
      %get3A_2463 = arith.constant 16 : index
      %get3A_2464 = tpu.vector_load %arg15[%get3A_2461, %get3A_2462, %get3A_2463] {strides = array<i32>} : memref<16x8x32xf32, #tpu.memory_space<vmem>>, vector<16xf32>,
      %mul3A_2465 = arith.mulf %get3A_2459, %get3A_2464 : vector<16xf32>
      %add3A_2466 = arith.addf %add3A_2455, %mul3A_2465 : vector<16xf32>
      %eq3A_2467 = arith.constant 4 : i32
      %eq3A_2468 = vector.broadcast %eq3A_2467 : i32 to vector<16xi32>
      %eq3A_2469 = arith.cmpi eq, %iota3A, %eq3A_2468 : vector<16xi32>
      %reduce_sum3A_2470 = arith.constant true
      %reduce_sum3A_2471 = vector.broadcast %reduce_sum3A_2470 : i1 to vector<16xi1>
      %reduce_sum3A_2472 = tpu.scan <sum>, %add3A_2466 masked %reduce_sum3A_2471 : vector<16xf32>, vector<16xi1> -> vector<16xf32>
      %reduce_sum3A_2473 = vector.extract %reduce_sum3A_2472[15] : f32 from vector<16xf32>
      %jit3A_2474 = arith.constant 0.000000e+00 : f32
      %broadcast_in_dim3A_2475 = vector.broadcast %reduce_sum3A_2473 : f32 to vector<16xf32>
      %broadcast_in_dim3A_2476 = vector.broadcast %jit3A_2474 : f32 to vector<16xf32>
      %select_n3A_2477 = arith.select %eq3A_2469, %broadcast_in_dim3A_2475, %broadcast_in_dim3A_2476 : vector<16xi1>, vector<16xf32>
      %add3A_2478 = arith.addf %add3A_2371, %select_n3A_2477 : vector<16xf32>
      %slice3A_2479 = vector.extract_strided_slice %and3A_99 {offsets = [5], sizes = [1], strides = [1]} : vector<16xi32> to vector<1xi32>
      %squeeze3A_2480 = vector.extract %slice3A_2479[0] : i32 from vector<1xi32>
      %slice3A_2481 = vector.extract_strided_slice %and3A_102 {offsets = [5], sizes = [1], strides = [1]} : vector<16xi32> to vector<1xi32>
      %squeeze3A_2482 = vector.extract %slice3A_2481[0] : i32 from vector<1xi32>
      %get3A_2483 = arith.constant 5 : i32
      %get3A_2484 = arith.index_cast %get3A_2483 : i32 to index
      %get3A_2485 = arith.index_cast %squeeze3A_2480 : i32 to index
      %get3A_2486 = arith.constant 0 : index
      %get3A_2487 = tpu.vector_load %arg13[%get3A_2484, %get3A_2485, %get3A_2486] {strides = array<i32>} : memref<16x8x64xf32, #tpu.memory_space<vmem>>, vector<16xf32>,
      %get3A_2488 = arith.constant 5 : i32
      %get3A_2489 = arith.index_cast %get3A_2488 : i32 to index
      %get3A_2490 = arith.index_cast %squeeze3A_2482 : i32 to index
      %get3A_2491 = arith.constant 0 : index
      %get3A_2492 = tpu.vector_load %arg14[%get3A_2489, %get3A_2490, %get3A_2491] {strides = array<i32>} : memref<16x8x64xf32, #tpu.memory_space<vmem>>, vector<16xf32>,
      %mul3A_2493 = arith.mulf %get3A_2487, %get3A_2492 : vector<16xf32>
      %get3A_2494 = arith.constant 5 : i32
      %get3A_2495 = arith.index_cast %get3A_2494 : i32 to index
      %get3A_2496 = arith.index_cast %squeeze3A_2480 : i32 to index
      %get3A_2497 = arith.constant 16 : index
      %get3A_2498 = tpu.vector_load %arg13[%get3A_2495, %get3A_2496, %get3A_2497] {strides = array<i32>} : memref<16x8x64xf32, #tpu.memory_space<vmem>>, vector<16xf32>,
      %get3A_2499 = arith.constant 5 : i32
      %get3A_2500 = arith.index_cast %get3A_2499 : i32 to index
      %get3A_2501 = arith.index_cast %squeeze3A_2482 : i32 to index
      %get3A_2502 = arith.constant 16 : index
      %get3A_2503 = tpu.vector_load %arg14[%get3A_2500, %get3A_2501, %get3A_2502] {strides = array<i32>} : memref<16x8x64xf32, #tpu.memory_space<vmem>>, vector<16xf32>,
      %mul3A_2504 = arith.mulf %get3A_2498, %get3A_2503 : vector<16xf32>
      %add3A_2505 = arith.addf %mul3A_2493, %mul3A_2504 : vector<16xf32>
      %get3A_2506 = arith.constant 5 : i32
      %get3A_2507 = arith.index_cast %get3A_2506 : i32 to index
      %get3A_2508 = arith.index_cast %squeeze3A_2480 : i32 to index
      %get3A_2509 = arith.constant 32 : index
      %get3A_2510 = tpu.vector_load %arg13[%get3A_2507, %get3A_2508, %get3A_2509] {strides = array<i32>} : memref<16x8x64xf32, #tpu.memory_space<vmem>>, vector<16xf32>,
      %get3A_2511 = arith.constant 5 : i32
      %get3A_2512 = arith.index_cast %get3A_2511 : i32 to index
      %get3A_2513 = arith.index_cast %squeeze3A_2482 : i32 to index
      %get3A_2514 = arith.constant 32 : index
      %get3A_2515 = tpu.vector_load %arg14[%get3A_2512, %get3A_2513, %get3A_2514] {strides = array<i32>} : memref<16x8x64xf32, #tpu.memory_space<vmem>>, vector<16xf32>,
      %mul3A_2516 = arith.mulf %get3A_2510, %get3A_2515 : vector<16xf32>
      %add3A_2517 = arith.addf %add3A_2505, %mul3A_2516 : vector<16xf32>
      %get3A_2518 = arith.constant 5 : i32
      %get3A_2519 = arith.index_cast %get3A_2518 : i32 to index
      %get3A_2520 = arith.index_cast %squeeze3A_2480 : i32 to index
      %get3A_2521 = arith.constant 48 : index
      %get3A_2522 = tpu.vector_load %arg13[%get3A_2519, %get3A_2520, %get3A_2521] {strides = array<i32>} : memref<16x8x64xf32, #tpu.memory_space<vmem>>, vector<16xf32>,
      %get3A_2523 = arith.constant 5 : i32
      %get3A_2524 = arith.index_cast %get3A_2523 : i32 to index
      %get3A_2525 = arith.index_cast %squeeze3A_2482 : i32 to index
      %get3A_2526 = arith.constant 48 : index
      %get3A_2527 = tpu.vector_load %arg14[%get3A_2524, %get3A_2525, %get3A_2526] {strides = array<i32>} : memref<16x8x64xf32, #tpu.memory_space<vmem>>, vector<16xf32>,
      %mul3A_2528 = arith.mulf %get3A_2522, %get3A_2527 : vector<16xf32>
      %add3A_2529 = arith.addf %add3A_2517, %mul3A_2528 : vector<16xf32>
      %get3A_2530 = arith.constant 5 : i32
      %get3A_2531 = arith.index_cast %get3A_2530 : i32 to index
      %get3A_2532 = arith.constant 0 : index
      %get3A_2533 = tpu.vector_load %arg17[%get3A_2531, %get3A_2532] {strides = array<i32>} : memref<16x32xf32, #tpu.memory_space<vmem>>, vector<16xf32>,
      %get3A_2534 = arith.constant 5 : i32
      %get3A_2535 = arith.index_cast %get3A_2534 : i32 to index
      %get3A_2536 = arith.index_cast %squeeze3A_2482 : i32 to index
      %get3A_2537 = arith.constant 0 : index
      %get3A_2538 = tpu.vector_load %arg16[%get3A_2535, %get3A_2536, %get3A_2537] {strides = array<i32>} : memref<16x8x32xf32, #tpu.memory_space<vmem>>, vector<16xf32>,
      %mul3A_2539 = arith.mulf %get3A_2533, %get3A_2538 : vector<16xf32>
      %add3A_2540 = arith.addf %add3A_2529, %mul3A_2539 : vector<16xf32>
      %get3A_2541 = arith.constant 5 : i32
      %get3A_2542 = arith.index_cast %get3A_2541 : i32 to index
      %get3A_2543 = arith.constant 0 : index
      %get3A_2544 = tpu.vector_load %arg18[%get3A_2542, %get3A_2543] {strides = array<i32>} : memref<16x32xf32, #tpu.memory_space<vmem>>, vector<16xf32>,
      %get3A_2545 = arith.constant 5 : i32
      %get3A_2546 = arith.index_cast %get3A_2545 : i32 to index
      %get3A_2547 = arith.index_cast %squeeze3A_2480 : i32 to index
      %get3A_2548 = arith.constant 0 : index
      %get3A_2549 = tpu.vector_load %arg15[%get3A_2546, %get3A_2547, %get3A_2548] {strides = array<i32>} : memref<16x8x32xf32, #tpu.memory_space<vmem>>, vector<16xf32>,
      %mul3A_2550 = arith.mulf %get3A_2544, %get3A_2549 : vector<16xf32>
      %add3A_2551 = arith.addf %add3A_2540, %mul3A_2550 : vector<16xf32>
      %get3A_2552 = arith.constant 5 : i32
      %get3A_2553 = arith.index_cast %get3A_2552 : i32 to index
      %get3A_2554 = arith.constant 16 : index
      %get3A_2555 = tpu.vector_load %arg17[%get3A_2553, %get3A_2554] {strides = array<i32>} : memref<16x32xf32, #tpu.memory_space<vmem>>, vector<16xf32>,
      %get3A_2556 = arith.constant 5 : i32
      %get3A_2557 = arith.index_cast %get3A_2556 : i32 to index
      %get3A_2558 = arith.index_cast %squeeze3A_2482 : i32 to index
      %get3A_2559 = arith.constant 16 : index
      %get3A_2560 = tpu.vector_load %arg16[%get3A_2557, %get3A_2558, %get3A_2559] {strides = array<i32>} : memref<16x8x32xf32, #tpu.memory_space<vmem>>, vector<16xf32>,
      %mul3A_2561 = arith.mulf %get3A_2555, %get3A_2560 : vector<16xf32>
      %add3A_2562 = arith.addf %add3A_2551, %mul3A_2561 : vector<16xf32>
      %get3A_2563 = arith.constant 5 : i32
      %get3A_2564 = arith.index_cast %get3A_2563 : i32 to index
      %get3A_2565 = arith.constant 16 : index
      %get3A_2566 = tpu.vector_load %arg18[%get3A_2564, %get3A_2565] {strides = array<i32>} : memref<16x32xf32, #tpu.memory_space<vmem>>, vector<16xf32>,
      %get3A_2567 = arith.constant 5 : i32
      %get3A_2568 = arith.index_cast %get3A_2567 : i32 to index
      %get3A_2569 = arith.index_cast %squeeze3A_2480 : i32 to index
      %get3A_2570 = arith.constant 16 : index
      %get3A_2571 = tpu.vector_load %arg15[%get3A_2568, %get3A_2569, %get3A_2570] {strides = array<i32>} : memref<16x8x32xf32, #tpu.memory_space<vmem>>, vector<16xf32>,
      %mul3A_2572 = arith.mulf %get3A_2566, %get3A_2571 : vector<16xf32>
      %add3A_2573 = arith.addf %add3A_2562, %mul3A_2572 : vector<16xf32>
      %eq3A_2574 = arith.constant 5 : i32
      %eq3A_2575 = vector.broadcast %eq3A_2574 : i32 to vector<16xi32>
      %eq3A_2576 = arith.cmpi eq, %iota3A, %eq3A_2575 : vector<16xi32>
      %reduce_sum3A_2577 = arith.constant true
      %reduce_sum3A_2578 = vector.broadcast %reduce_sum3A_2577 : i1 to vector<16xi1>
      %reduce_sum3A_2579 = tpu.scan <sum>, %add3A_2573 masked %reduce_sum3A_2578 : vector<16xf32>, vector<16xi1> -> vector<16xf32>
      %reduce_sum3A_2580 = vector.extract %reduce_sum3A_2579[15] : f32 from vector<16xf32>
      %jit3A_2581 = arith.constant 0.000000e+00 : f32
      %broadcast_in_dim3A_2582 = vector.broadcast %reduce_sum3A_2580 : f32 to vector<16xf32>
      %broadcast_in_dim3A_2583 = vector.broadcast %jit3A_2581 : f32 to vector<16xf32>
      %select_n3A_2584 = arith.select %eq3A_2576, %broadcast_in_dim3A_2582, %broadcast_in_dim3A_2583 : vector<16xi1>, vector<16xf32>
      %add3A_2585 = arith.addf %add3A_2478, %select_n3A_2584 : vector<16xf32>
      %slice3A_2586 = vector.extract_strided_slice %and3A_99 {offsets = [6], sizes = [1], strides = [1]} : vector<16xi32> to vector<1xi32>
      %squeeze3A_2587 = vector.extract %slice3A_2586[0] : i32 from vector<1xi32>
      %slice3A_2588 = vector.extract_strided_slice %and3A_102 {offsets = [6], sizes = [1], strides = [1]} : vector<16xi32> to vector<1xi32>
      %squeeze3A_2589 = vector.extract %slice3A_2588[0] : i32 from vector<1xi32>
      %get3A_2590 = arith.constant 6 : i32
      %get3A_2591 = arith.index_cast %get3A_2590 : i32 to index
      %get3A_2592 = arith.index_cast %squeeze3A_2587 : i32 to index
      %get3A_2593 = arith.constant 0 : index
      %get3A_2594 = tpu.vector_load %arg13[%get3A_2591, %get3A_2592, %get3A_2593] {strides = array<i32>} : memref<16x8x64xf32, #tpu.memory_space<vmem>>, vector<16xf32>,
      %get3A_2595 = arith.constant 6 : i32
      %get3A_2596 = arith.index_cast %get3A_2595 : i32 to index
      %get3A_2597 = arith.index_cast %squeeze3A_2589 : i32 to index
      %get3A_2598 = arith.constant 0 : index
      %get3A_2599 = tpu.vector_load %arg14[%get3A_2596, %get3A_2597, %get3A_2598] {strides = array<i32>} : memref<16x8x64xf32, #tpu.memory_space<vmem>>, vector<16xf32>,
      %mul3A_2600 = arith.mulf %get3A_2594, %get3A_2599 : vector<16xf32>
      %get3A_2601 = arith.constant 6 : i32
      %get3A_2602 = arith.index_cast %get3A_2601 : i32 to index
      %get3A_2603 = arith.index_cast %squeeze3A_2587 : i32 to index
      %get3A_2604 = arith.constant 16 : index
      %get3A_2605 = tpu.vector_load %arg13[%get3A_2602, %get3A_2603, %get3A_2604] {strides = array<i32>} : memref<16x8x64xf32, #tpu.memory_space<vmem>>, vector<16xf32>,
      %get3A_2606 = arith.constant 6 : i32
      %get3A_2607 = arith.index_cast %get3A_2606 : i32 to index
      %get3A_2608 = arith.index_cast %squeeze3A_2589 : i32 to index
      %get3A_2609 = arith.constant 16 : index
      %get3A_2610 = tpu.vector_load %arg14[%get3A_2607, %get3A_2608, %get3A_2609] {strides = array<i32>} : memref<16x8x64xf32, #tpu.memory_space<vmem>>, vector<16xf32>,
      %mul3A_2611 = arith.mulf %get3A_2605, %get3A_2610 : vector<16xf32>
      %add3A_2612 = arith.addf %mul3A_2600, %mul3A_2611 : vector<16xf32>
      %get3A_2613 = arith.constant 6 : i32
      %get3A_2614 = arith.index_cast %get3A_2613 : i32 to index
      %get3A_2615 = arith.index_cast %squeeze3A_2587 : i32 to index
      %get3A_2616 = arith.constant 32 : index
      %get3A_2617 = tpu.vector_load %arg13[%get3A_2614, %get3A_2615, %get3A_2616] {strides = array<i32>} : memref<16x8x64xf32, #tpu.memory_space<vmem>>, vector<16xf32>,
      %get3A_2618 = arith.constant 6 : i32
      %get3A_2619 = arith.index_cast %get3A_2618 : i32 to index
      %get3A_2620 = arith.index_cast %squeeze3A_2589 : i32 to index
      %get3A_2621 = arith.constant 32 : index
      %get3A_2622 = tpu.vector_load %arg14[%get3A_2619, %get3A_2620, %get3A_2621] {strides = array<i32>} : memref<16x8x64xf32, #tpu.memory_space<vmem>>, vector<16xf32>,
      %mul3A_2623 = arith.mulf %get3A_2617, %get3A_2622 : vector<16xf32>
      %add3A_2624 = arith.addf %add3A_2612, %mul3A_2623 : vector<16xf32>
      %get3A_2625 = arith.constant 6 : i32
      %get3A_2626 = arith.index_cast %get3A_2625 : i32 to index
      %get3A_2627 = arith.index_cast %squeeze3A_2587 : i32 to index
      %get3A_2628 = arith.constant 48 : index
      %get3A_2629 = tpu.vector_load %arg13[%get3A_2626, %get3A_2627, %get3A_2628] {strides = array<i32>} : memref<16x8x64xf32, #tpu.memory_space<vmem>>, vector<16xf32>,
      %get3A_2630 = arith.constant 6 : i32
      %get3A_2631 = arith.index_cast %get3A_2630 : i32 to index
      %get3A_2632 = arith.index_cast %squeeze3A_2589 : i32 to index
      %get3A_2633 = arith.constant 48 : index
      %get3A_2634 = tpu.vector_load %arg14[%get3A_2631, %get3A_2632, %get3A_2633] {strides = array<i32>} : memref<16x8x64xf32, #tpu.memory_space<vmem>>, vector<16xf32>,
      %mul3A_2635 = arith.mulf %get3A_2629, %get3A_2634 : vector<16xf32>
      %add3A_2636 = arith.addf %add3A_2624, %mul3A_2635 : vector<16xf32>
      %get3A_2637 = arith.constant 6 : i32
      %get3A_2638 = arith.index_cast %get3A_2637 : i32 to index
      %get3A_2639 = arith.constant 0 : index
      %get3A_2640 = tpu.vector_load %arg17[%get3A_2638, %get3A_2639] {strides = array<i32>} : memref<16x32xf32, #tpu.memory_space<vmem>>, vector<16xf32>,
      %get3A_2641 = arith.constant 6 : i32
      %get3A_2642 = arith.index_cast %get3A_2641 : i32 to index
      %get3A_2643 = arith.index_cast %squeeze3A_2589 : i32 to index
      %get3A_2644 = arith.constant 0 : index
      %get3A_2645 = tpu.vector_load %arg16[%get3A_2642, %get3A_2643, %get3A_2644] {strides = array<i32>} : memref<16x8x32xf32, #tpu.memory_space<vmem>>, vector<16xf32>,
      %mul3A_2646 = arith.mulf %get3A_2640, %get3A_2645 : vector<16xf32>
      %add3A_2647 = arith.addf %add3A_2636, %mul3A_2646 : vector<16xf32>
      %get3A_2648 = arith.constant 6 : i32
      %get3A_2649 = arith.index_cast %get3A_2648 : i32 to index
      %get3A_2650 = arith.constant 0 : index
      %get3A_2651 = tpu.vector_load %arg18[%get3A_2649, %get3A_2650] {strides = array<i32>} : memref<16x32xf32, #tpu.memory_space<vmem>>, vector<16xf32>,
      %get3A_2652 = arith.constant 6 : i32
      %get3A_2653 = arith.index_cast %get3A_2652 : i32 to index
      %get3A_2654 = arith.index_cast %squeeze3A_2587 : i32 to index
      %get3A_2655 = arith.constant 0 : index
      %get3A_2656 = tpu.vector_load %arg15[%get3A_2653, %get3A_2654, %get3A_2655] {strides = array<i32>} : memref<16x8x32xf32, #tpu.memory_space<vmem>>, vector<16xf32>,
      %mul3A_2657 = arith.mulf %get3A_2651, %get3A_2656 : vector<16xf32>
      %add3A_2658 = arith.addf %add3A_2647, %mul3A_2657 : vector<16xf32>
      %get3A_2659 = arith.constant 6 : i32
      %get3A_2660 = arith.index_cast %get3A_2659 : i32 to index
      %get3A_2661 = arith.constant 16 : index
      %get3A_2662 = tpu.vector_load %arg17[%get3A_2660, %get3A_2661] {strides = array<i32>} : memref<16x32xf32, #tpu.memory_space<vmem>>, vector<16xf32>,
      %get3A_2663 = arith.constant 6 : i32
      %get3A_2664 = arith.index_cast %get3A_2663 : i32 to index
      %get3A_2665 = arith.index_cast %squeeze3A_2589 : i32 to index
      %get3A_2666 = arith.constant 16 : index
      %get3A_2667 = tpu.vector_load %arg16[%get3A_2664, %get3A_2665, %get3A_2666] {strides = array<i32>} : memref<16x8x32xf32, #tpu.memory_space<vmem>>, vector<16xf32>,
      %mul3A_2668 = arith.mulf %get3A_2662, %get3A_2667 : vector<16xf32>
      %add3A_2669 = arith.addf %add3A_2658, %mul3A_2668 : vector<16xf32>
      %get3A_2670 = arith.constant 6 : i32
      %get3A_2671 = arith.index_cast %get3A_2670 : i32 to index
      %get3A_2672 = arith.constant 16 : index
      %get3A_2673 = tpu.vector_load %arg18[%get3A_2671, %get3A_2672] {strides = array<i32>} : memref<16x32xf32, #tpu.memory_space<vmem>>, vector<16xf32>,
      %get3A_2674 = arith.constant 6 : i32
      %get3A_2675 = arith.index_cast %get3A_2674 : i32 to index
      %get3A_2676 = arith.index_cast %squeeze3A_2587 : i32 to index
      %get3A_2677 = arith.constant 16 : index
      %get3A_2678 = tpu.vector_load %arg15[%get3A_2675, %get3A_2676, %get3A_2677] {strides = array<i32>} : memref<16x8x32xf32, #tpu.memory_space<vmem>>, vector<16xf32>,
      %mul3A_2679 = arith.mulf %get3A_2673, %get3A_2678 : vector<16xf32>
      %add3A_2680 = arith.addf %add3A_2669, %mul3A_2679 : vector<16xf32>
      %eq3A_2681 = arith.constant 6 : i32
      %eq3A_2682 = vector.broadcast %eq3A_2681 : i32 to vector<16xi32>
      %eq3A_2683 = arith.cmpi eq, %iota3A, %eq3A_2682 : vector<16xi32>
      %reduce_sum3A_2684 = arith.constant true
      %reduce_sum3A_2685 = vector.broadcast %reduce_sum3A_2684 : i1 to vector<16xi1>
      %reduce_sum3A_2686 = tpu.scan <sum>, %add3A_2680 masked %reduce_sum3A_2685 : vector<16xf32>, vector<16xi1> -> vector<16xf32>
      %reduce_sum3A_2687 = vector.extract %reduce_sum3A_2686[15] : f32 from vector<16xf32>
      %jit3A_2688 = arith.constant 0.000000e+00 : f32
      %broadcast_in_dim3A_2689 = vector.broadcast %reduce_sum3A_2687 : f32 to vector<16xf32>
      %broadcast_in_dim3A_2690 = vector.broadcast %jit3A_2688 : f32 to vector<16xf32>
      %select_n3A_2691 = arith.select %eq3A_2683, %broadcast_in_dim3A_2689, %broadcast_in_dim3A_2690 : vector<16xi1>, vector<16xf32>
      %add3A_2692 = arith.addf %add3A_2585, %select_n3A_2691 : vector<16xf32>
      %slice3A_2693 = vector.extract_strided_slice %and3A_99 {offsets = [7], sizes = [1], strides = [1]} : vector<16xi32> to vector<1xi32>
      %squeeze3A_2694 = vector.extract %slice3A_2693[0] : i32 from vector<1xi32>
      %slice3A_2695 = vector.extract_strided_slice %and3A_102 {offsets = [7], sizes = [1], strides = [1]} : vector<16xi32> to vector<1xi32>
      %squeeze3A_2696 = vector.extract %slice3A_2695[0] : i32 from vector<1xi32>
      %get3A_2697 = arith.constant 7 : i32
      %get3A_2698 = arith.index_cast %get3A_2697 : i32 to index
      %get3A_2699 = arith.index_cast %squeeze3A_2694 : i32 to index
      %get3A_2700 = arith.constant 0 : index
      %get3A_2701 = tpu.vector_load %arg13[%get3A_2698, %get3A_2699, %get3A_2700] {strides = array<i32>} : memref<16x8x64xf32, #tpu.memory_space<vmem>>, vector<16xf32>,
      %get3A_2702 = arith.constant 7 : i32
      %get3A_2703 = arith.index_cast %get3A_2702 : i32 to index
      %get3A_2704 = arith.index_cast %squeeze3A_2696 : i32 to index
      %get3A_2705 = arith.constant 0 : index
      %get3A_2706 = tpu.vector_load %arg14[%get3A_2703, %get3A_2704, %get3A_2705] {strides = array<i32>} : memref<16x8x64xf32, #tpu.memory_space<vmem>>, vector<16xf32>,
      %mul3A_2707 = arith.mulf %get3A_2701, %get3A_2706 : vector<16xf32>
      %get3A_2708 = arith.constant 7 : i32
      %get3A_2709 = arith.index_cast %get3A_2708 : i32 to index
      %get3A_2710 = arith.index_cast %squeeze3A_2694 : i32 to index
      %get3A_2711 = arith.constant 16 : index
      %get3A_2712 = tpu.vector_load %arg13[%get3A_2709, %get3A_2710, %get3A_2711] {strides = array<i32>} : memref<16x8x64xf32, #tpu.memory_space<vmem>>, vector<16xf32>,
      %get3A_2713 = arith.constant 7 : i32
      %get3A_2714 = arith.index_cast %get3A_2713 : i32 to index
      %get3A_2715 = arith.index_cast %squeeze3A_2696 : i32 to index
      %get3A_2716 = arith.constant 16 : index
      %get3A_2717 = tpu.vector_load %arg14[%get3A_2714, %get3A_2715, %get3A_2716] {strides = array<i32>} : memref<16x8x64xf32, #tpu.memory_space<vmem>>, vector<16xf32>,
      %mul3A_2718 = arith.mulf %get3A_2712, %get3A_2717 : vector<16xf32>
      %add3A_2719 = arith.addf %mul3A_2707, %mul3A_2718 : vector<16xf32>
      %get3A_2720 = arith.constant 7 : i32
      %get3A_2721 = arith.index_cast %get3A_2720 : i32 to index
      %get3A_2722 = arith.index_cast %squeeze3A_2694 : i32 to index
      %get3A_2723 = arith.constant 32 : index
      %get3A_2724 = tpu.vector_load %arg13[%get3A_2721, %get3A_2722, %get3A_2723] {strides = array<i32>} : memref<16x8x64xf32, #tpu.memory_space<vmem>>, vector<16xf32>,
      %get3A_2725 = arith.constant 7 : i32
      %get3A_2726 = arith.index_cast %get3A_2725 : i32 to index
      %get3A_2727 = arith.index_cast %squeeze3A_2696 : i32 to index
      %get3A_2728 = arith.constant 32 : index
      %get3A_2729 = tpu.vector_load %arg14[%get3A_2726, %get3A_2727, %get3A_2728] {strides = array<i32>} : memref<16x8x64xf32, #tpu.memory_space<vmem>>, vector<16xf32>,
      %mul3A_2730 = arith.mulf %get3A_2724, %get3A_2729 : vector<16xf32>
      %add3A_2731 = arith.addf %add3A_2719, %mul3A_2730 : vector<16xf32>
      %get3A_2732 = arith.constant 7 : i32
      %get3A_2733 = arith.index_cast %get3A_2732 : i32 to index
      %get3A_2734 = arith.index_cast %squeeze3A_2694 : i32 to index
      %get3A_2735 = arith.constant 48 : index
      %get3A_2736 = tpu.vector_load %arg13[%get3A_2733, %get3A_2734, %get3A_2735] {strides = array<i32>} : memref<16x8x64xf32, #tpu.memory_space<vmem>>, vector<16xf32>,
      %get3A_2737 = arith.constant 7 : i32
      %get3A_2738 = arith.index_cast %get3A_2737 : i32 to index
      %get3A_2739 = arith.index_cast %squeeze3A_2696 : i32 to index
      %get3A_2740 = arith.constant 48 : index
      %get3A_2741 = tpu.vector_load %arg14[%get3A_2738, %get3A_2739, %get3A_2740] {strides = array<i32>} : memref<16x8x64xf32, #tpu.memory_space<vmem>>, vector<16xf32>,
      %mul3A_2742 = arith.mulf %get3A_2736, %get3A_2741 : vector<16xf32>
      %add3A_2743 = arith.addf %add3A_2731, %mul3A_2742 : vector<16xf32>
      %get3A_2744 = arith.constant 7 : i32
      %get3A_2745 = arith.index_cast %get3A_2744 : i32 to index
      %get3A_2746 = arith.constant 0 : index
      %get3A_2747 = tpu.vector_load %arg17[%get3A_2745, %get3A_2746] {strides = array<i32>} : memref<16x32xf32, #tpu.memory_space<vmem>>, vector<16xf32>,
      %get3A_2748 = arith.constant 7 : i32
      %get3A_2749 = arith.index_cast %get3A_2748 : i32 to index
      %get3A_2750 = arith.index_cast %squeeze3A_2696 : i32 to index
      %get3A_2751 = arith.constant 0 : index
      %get3A_2752 = tpu.vector_load %arg16[%get3A_2749, %get3A_2750, %get3A_2751] {strides = array<i32>} : memref<16x8x32xf32, #tpu.memory_space<vmem>>, vector<16xf32>,
      %mul3A_2753 = arith.mulf %get3A_2747, %get3A_2752 : vector<16xf32>
      %add3A_2754 = arith.addf %add3A_2743, %mul3A_2753 : vector<16xf32>
      %get3A_2755 = arith.constant 7 : i32
      %get3A_2756 = arith.index_cast %get3A_2755 : i32 to index
      %get3A_2757 = arith.constant 0 : index
      %get3A_2758 = tpu.vector_load %arg18[%get3A_2756, %get3A_2757] {strides = array<i32>} : memref<16x32xf32, #tpu.memory_space<vmem>>, vector<16xf32>,
      %get3A_2759 = arith.constant 7 : i32
      %get3A_2760 = arith.index_cast %get3A_2759 : i32 to index
      %get3A_2761 = arith.index_cast %squeeze3A_2694 : i32 to index
      %get3A_2762 = arith.constant 0 : index
      %get3A_2763 = tpu.vector_load %arg15[%get3A_2760, %get3A_2761, %get3A_2762] {strides = array<i32>} : memref<16x8x32xf32, #tpu.memory_space<vmem>>, vector<16xf32>,
      %mul3A_2764 = arith.mulf %get3A_2758, %get3A_2763 : vector<16xf32>
      %add3A_2765 = arith.addf %add3A_2754, %mul3A_2764 : vector<16xf32>
      %get3A_2766 = arith.constant 7 : i32
      %get3A_2767 = arith.index_cast %get3A_2766 : i32 to index
      %get3A_2768 = arith.constant 16 : index
      %get3A_2769 = tpu.vector_load %arg17[%get3A_2767, %get3A_2768] {strides = array<i32>} : memref<16x32xf32, #tpu.memory_space<vmem>>, vector<16xf32>,
      %get3A_2770 = arith.constant 7 : i32
      %get3A_2771 = arith.index_cast %get3A_2770 : i32 to index
      %get3A_2772 = arith.index_cast %squeeze3A_2696 : i32 to index
      %get3A_2773 = arith.constant 16 : index
      %get3A_2774 = tpu.vector_load %arg16[%get3A_2771, %get3A_2772, %get3A_2773] {strides = array<i32>} : memref<16x8x32xf32, #tpu.memory_space<vmem>>, vector<16xf32>,
      %mul3A_2775 = arith.mulf %get3A_2769, %get3A_2774 : vector<16xf32>
      %add3A_2776 = arith.addf %add3A_2765, %mul3A_2775 : vector<16xf32>
      %get3A_2777 = arith.constant 7 : i32
      %get3A_2778 = arith.index_cast %get3A_2777 : i32 to index
      %get3A_2779 = arith.constant 16 : index
      %get3A_2780 = tpu.vector_load %arg18[%get3A_2778, %get3A_2779] {strides = array<i32>} : memref<16x32xf32, #tpu.memory_space<vmem>>, vector<16xf32>,
      %get3A_2781 = arith.constant 7 : i32
      %get3A_2782 = arith.index_cast %get3A_2781 : i32 to index
      %get3A_2783 = arith.index_cast %squeeze3A_2694 : i32 to index
      %get3A_2784 = arith.constant 16 : index
      %get3A_2785 = tpu.vector_load %arg15[%get3A_2782, %get3A_2783, %get3A_2784] {strides = array<i32>} : memref<16x8x32xf32, #tpu.memory_space<vmem>>, vector<16xf32>,
      %mul3A_2786 = arith.mulf %get3A_2780, %get3A_2785 : vector<16xf32>
      %add3A_2787 = arith.addf %add3A_2776, %mul3A_2786 : vector<16xf32>
      %eq3A_2788 = arith.constant 7 : i32
      %eq3A_2789 = vector.broadcast %eq3A_2788 : i32 to vector<16xi32>
      %eq3A_2790 = arith.cmpi eq, %iota3A, %eq3A_2789 : vector<16xi32>
      %reduce_sum3A_2791 = arith.constant true
      %reduce_sum3A_2792 = vector.broadcast %reduce_sum3A_2791 : i1 to vector<16xi1>
      %reduce_sum3A_2793 = tpu.scan <sum>, %add3A_2787 masked %reduce_sum3A_2792 : vector<16xf32>, vector<16xi1> -> vector<16xf32>
      %reduce_sum3A_2794 = vector.extract %reduce_sum3A_2793[15] : f32 from vector<16xf32>
      %jit3A_2795 = arith.constant 0.000000e+00 : f32
      %broadcast_in_dim3A_2796 = vector.broadcast %reduce_sum3A_2794 : f32 to vector<16xf32>
      %broadcast_in_dim3A_2797 = vector.broadcast %jit3A_2795 : f32 to vector<16xf32>
      %select_n3A_2798 = arith.select %eq3A_2790, %broadcast_in_dim3A_2796, %broadcast_in_dim3A_2797 : vector<16xi1>, vector<16xf32>
      %add3A_2799 = arith.addf %add3A_2692, %select_n3A_2798 : vector<16xf32>
      %slice3A_2800 = vector.extract_strided_slice %and3A_99 {offsets = [8], sizes = [1], strides = [1]} : vector<16xi32> to vector<1xi32>
      %squeeze3A_2801 = vector.extract %slice3A_2800[0] : i32 from vector<1xi32>
      %slice3A_2802 = vector.extract_strided_slice %and3A_102 {offsets = [8], sizes = [1], strides = [1]} : vector<16xi32> to vector<1xi32>
      %squeeze3A_2803 = vector.extract %slice3A_2802[0] : i32 from vector<1xi32>
      %get3A_2804 = arith.constant 8 : i32
      %get3A_2805 = arith.index_cast %get3A_2804 : i32 to index
      %get3A_2806 = arith.index_cast %squeeze3A_2801 : i32 to index
      %get3A_2807 = arith.constant 0 : index
      %get3A_2808 = tpu.vector_load %arg13[%get3A_2805, %get3A_2806, %get3A_2807] {strides = array<i32>} : memref<16x8x64xf32, #tpu.memory_space<vmem>>, vector<16xf32>,
      %get3A_2809 = arith.constant 8 : i32
      %get3A_2810 = arith.index_cast %get3A_2809 : i32 to index
      %get3A_2811 = arith.index_cast %squeeze3A_2803 : i32 to index
      %get3A_2812 = arith.constant 0 : index
      %get3A_2813 = tpu.vector_load %arg14[%get3A_2810, %get3A_2811, %get3A_2812] {strides = array<i32>} : memref<16x8x64xf32, #tpu.memory_space<vmem>>, vector<16xf32>,
      %mul3A_2814 = arith.mulf %get3A_2808, %get3A_2813 : vector<16xf32>
      %get3A_2815 = arith.constant 8 : i32
      %get3A_2816 = arith.index_cast %get3A_2815 : i32 to index
      %get3A_2817 = arith.index_cast %squeeze3A_2801 : i32 to index
      %get3A_2818 = arith.constant 16 : index
      %get3A_2819 = tpu.vector_load %arg13[%get3A_2816, %get3A_2817, %get3A_2818] {strides = array<i32>} : memref<16x8x64xf32, #tpu.memory_space<vmem>>, vector<16xf32>,
      %get3A_2820 = arith.constant 8 : i32
      %get3A_2821 = arith.index_cast %get3A_2820 : i32 to index
      %get3A_2822 = arith.index_cast %squeeze3A_2803 : i32 to index
      %get3A_2823 = arith.constant 16 : index
      %get3A_2824 = tpu.vector_load %arg14[%get3A_2821, %get3A_2822, %get3A_2823] {strides = array<i32>} : memref<16x8x64xf32, #tpu.memory_space<vmem>>, vector<16xf32>,
      %mul3A_2825 = arith.mulf %get3A_2819, %get3A_2824 : vector<16xf32>
      %add3A_2826 = arith.addf %mul3A_2814, %mul3A_2825 : vector<16xf32>
      %get3A_2827 = arith.constant 8 : i32
      %get3A_2828 = arith.index_cast %get3A_2827 : i32 to index
      %get3A_2829 = arith.index_cast %squeeze3A_2801 : i32 to index
      %get3A_2830 = arith.constant 32 : index
      %get3A_2831 = tpu.vector_load %arg13[%get3A_2828, %get3A_2829, %get3A_2830] {strides = array<i32>} : memref<16x8x64xf32, #tpu.memory_space<vmem>>, vector<16xf32>,
      %get3A_2832 = arith.constant 8 : i32
      %get3A_2833 = arith.index_cast %get3A_2832 : i32 to index
      %get3A_2834 = arith.index_cast %squeeze3A_2803 : i32 to index
      %get3A_2835 = arith.constant 32 : index
      %get3A_2836 = tpu.vector_load %arg14[%get3A_2833, %get3A_2834, %get3A_2835] {strides = array<i32>} : memref<16x8x64xf32, #tpu.memory_space<vmem>>, vector<16xf32>,
      %mul3A_2837 = arith.mulf %get3A_2831, %get3A_2836 : vector<16xf32>
      %add3A_2838 = arith.addf %add3A_2826, %mul3A_2837 : vector<16xf32>
      %get3A_2839 = arith.constant 8 : i32
      %get3A_2840 = arith.index_cast %get3A_2839 : i32 to index
      %get3A_2841 = arith.index_cast %squeeze3A_2801 : i32 to index
      %get3A_2842 = arith.constant 48 : index
      %get3A_2843 = tpu.vector_load %arg13[%get3A_2840, %get3A_2841, %get3A_2842] {strides = array<i32>} : memref<16x8x64xf32, #tpu.memory_space<vmem>>, vector<16xf32>,
      %get3A_2844 = arith.constant 8 : i32
      %get3A_2845 = arith.index_cast %get3A_2844 : i32 to index
      %get3A_2846 = arith.index_cast %squeeze3A_2803 : i32 to index
      %get3A_2847 = arith.constant 48 : index
      %get3A_2848 = tpu.vector_load %arg14[%get3A_2845, %get3A_2846, %get3A_2847] {strides = array<i32>} : memref<16x8x64xf32, #tpu.memory_space<vmem>>, vector<16xf32>,
      %mul3A_2849 = arith.mulf %get3A_2843, %get3A_2848 : vector<16xf32>
      %add3A_2850 = arith.addf %add3A_2838, %mul3A_2849 : vector<16xf32>
      %get3A_2851 = arith.constant 8 : i32
      %get3A_2852 = arith.index_cast %get3A_2851 : i32 to index
      %get3A_2853 = arith.constant 0 : index
      %get3A_2854 = tpu.vector_load %arg17[%get3A_2852, %get3A_2853] {strides = array<i32>} : memref<16x32xf32, #tpu.memory_space<vmem>>, vector<16xf32>,
      %get3A_2855 = arith.constant 8 : i32
      %get3A_2856 = arith.index_cast %get3A_2855 : i32 to index
      %get3A_2857 = arith.index_cast %squeeze3A_2803 : i32 to index
      %get3A_2858 = arith.constant 0 : index
      %get3A_2859 = tpu.vector_load %arg16[%get3A_2856, %get3A_2857, %get3A_2858] {strides = array<i32>} : memref<16x8x32xf32, #tpu.memory_space<vmem>>, vector<16xf32>,
      %mul3A_2860 = arith.mulf %get3A_2854, %get3A_2859 : vector<16xf32>
      %add3A_2861 = arith.addf %add3A_2850, %mul3A_2860 : vector<16xf32>
      %get3A_2862 = arith.constant 8 : i32
      %get3A_2863 = arith.index_cast %get3A_2862 : i32 to index
      %get3A_2864 = arith.constant 0 : index
      %get3A_2865 = tpu.vector_load %arg18[%get3A_2863, %get3A_2864] {strides = array<i32>} : memref<16x32xf32, #tpu.memory_space<vmem>>, vector<16xf32>,
      %get3A_2866 = arith.constant 8 : i32
      %get3A_2867 = arith.index_cast %get3A_2866 : i32 to index
      %get3A_2868 = arith.index_cast %squeeze3A_2801 : i32 to index
      %get3A_2869 = arith.constant 0 : index
      %get3A_2870 = tpu.vector_load %arg15[%get3A_2867, %get3A_2868, %get3A_2869] {strides = array<i32>} : memref<16x8x32xf32, #tpu.memory_space<vmem>>, vector<16xf32>,
      %mul3A_2871 = arith.mulf %get3A_2865, %get3A_2870 : vector<16xf32>
      %add3A_2872 = arith.addf %add3A_2861, %mul3A_2871 : vector<16xf32>
      %get3A_2873 = arith.constant 8 : i32
      %get3A_2874 = arith.index_cast %get3A_2873 : i32 to index
      %get3A_2875 = arith.constant 16 : index
      %get3A_2876 = tpu.vector_load %arg17[%get3A_2874, %get3A_2875] {strides = array<i32>} : memref<16x32xf32, #tpu.memory_space<vmem>>, vector<16xf32>,
      %get3A_2877 = arith.constant 8 : i32
      %get3A_2878 = arith.index_cast %get3A_2877 : i32 to index
      %get3A_2879 = arith.index_cast %squeeze3A_2803 : i32 to index
      %get3A_2880 = arith.constant 16 : index
      %get3A_2881 = tpu.vector_load %arg16[%get3A_2878, %get3A_2879, %get3A_2880] {strides = array<i32>} : memref<16x8x32xf32, #tpu.memory_space<vmem>>, vector<16xf32>,
      %mul3A_2882 = arith.mulf %get3A_2876, %get3A_2881 : vector<16xf32>
      %add3A_2883 = arith.addf %add3A_2872, %mul3A_2882 : vector<16xf32>
      %get3A_2884 = arith.constant 8 : i32
      %get3A_2885 = arith.index_cast %get3A_2884 : i32 to index
      %get3A_2886 = arith.constant 16 : index
      %get3A_2887 = tpu.vector_load %arg18[%get3A_2885, %get3A_2886] {strides = array<i32>} : memref<16x32xf32, #tpu.memory_space<vmem>>, vector<16xf32>,
      %get3A_2888 = arith.constant 8 : i32
      %get3A_2889 = arith.index_cast %get3A_2888 : i32 to index
      %get3A_2890 = arith.index_cast %squeeze3A_2801 : i32 to index
      %get3A_2891 = arith.constant 16 : index
      %get3A_2892 = tpu.vector_load %arg15[%get3A_2889, %get3A_2890, %get3A_2891] {strides = array<i32>} : memref<16x8x32xf32, #tpu.memory_space<vmem>>, vector<16xf32>,
      %mul3A_2893 = arith.mulf %get3A_2887, %get3A_2892 : vector<16xf32>
      %add3A_2894 = arith.addf %add3A_2883, %mul3A_2893 : vector<16xf32>
      %eq3A_2895 = arith.constant 8 : i32
      %eq3A_2896 = vector.broadcast %eq3A_2895 : i32 to vector<16xi32>
      %eq3A_2897 = arith.cmpi eq, %iota3A, %eq3A_2896 : vector<16xi32>
      %reduce_sum3A_2898 = arith.constant true
      %reduce_sum3A_2899 = vector.broadcast %reduce_sum3A_2898 : i1 to vector<16xi1>
      %reduce_sum3A_2900 = tpu.scan <sum>, %add3A_2894 masked %reduce_sum3A_2899 : vector<16xf32>, vector<16xi1> -> vector<16xf32>
      %reduce_sum3A_2901 = vector.extract %reduce_sum3A_2900[15] : f32 from vector<16xf32>
      %jit3A_2902 = arith.constant 0.000000e+00 : f32
      %broadcast_in_dim3A_2903 = vector.broadcast %reduce_sum3A_2901 : f32 to vector<16xf32>
      %broadcast_in_dim3A_2904 = vector.broadcast %jit3A_2902 : f32 to vector<16xf32>
      %select_n3A_2905 = arith.select %eq3A_2897, %broadcast_in_dim3A_2903, %broadcast_in_dim3A_2904 : vector<16xi1>, vector<16xf32>
      %add3A_2906 = arith.addf %add3A_2799, %select_n3A_2905 : vector<16xf32>
      %slice3A_2907 = vector.extract_strided_slice %and3A_99 {offsets = [9], sizes = [1], strides = [1]} : vector<16xi32> to vector<1xi32>
      %squeeze3A_2908 = vector.extract %slice3A_2907[0] : i32 from vector<1xi32>
      %slice3A_2909 = vector.extract_strided_slice %and3A_102 {offsets = [9], sizes = [1], strides = [1]} : vector<16xi32> to vector<1xi32>
      %squeeze3A_2910 = vector.extract %slice3A_2909[0] : i32 from vector<1xi32>
      %get3A_2911 = arith.constant 9 : i32
      %get3A_2912 = arith.index_cast %get3A_2911 : i32 to index
      %get3A_2913 = arith.index_cast %squeeze3A_2908 : i32 to index
      %get3A_2914 = arith.constant 0 : index
      %get3A_2915 = tpu.vector_load %arg13[%get3A_2912, %get3A_2913, %get3A_2914] {strides = array<i32>} : memref<16x8x64xf32, #tpu.memory_space<vmem>>, vector<16xf32>,
      %get3A_2916 = arith.constant 9 : i32
      %get3A_2917 = arith.index_cast %get3A_2916 : i32 to index
      %get3A_2918 = arith.index_cast %squeeze3A_2910 : i32 to index
      %get3A_2919 = arith.constant 0 : index
      %get3A_2920 = tpu.vector_load %arg14[%get3A_2917, %get3A_2918, %get3A_2919] {strides = array<i32>} : memref<16x8x64xf32, #tpu.memory_space<vmem>>, vector<16xf32>,
      %mul3A_2921 = arith.mulf %get3A_2915, %get3A_2920 : vector<16xf32>
      %get3A_2922 = arith.constant 9 : i32
      %get3A_2923 = arith.index_cast %get3A_2922 : i32 to index
      %get3A_2924 = arith.index_cast %squeeze3A_2908 : i32 to index
      %get3A_2925 = arith.constant 16 : index
      %get3A_2926 = tpu.vector_load %arg13[%get3A_2923, %get3A_2924, %get3A_2925] {strides = array<i32>} : memref<16x8x64xf32, #tpu.memory_space<vmem>>, vector<16xf32>,
      %get3A_2927 = arith.constant 9 : i32
      %get3A_2928 = arith.index_cast %get3A_2927 : i32 to index
      %get3A_2929 = arith.index_cast %squeeze3A_2910 : i32 to index
      %get3A_2930 = arith.constant 16 : index
      %get3A_2931 = tpu.vector_load %arg14[%get3A_2928, %get3A_2929, %get3A_2930] {strides = array<i32>} : memref<16x8x64xf32, #tpu.memory_space<vmem>>, vector<16xf32>,
      %mul3A_2932 = arith.mulf %get3A_2926, %get3A_2931 : vector<16xf32>
      %add3A_2933 = arith.addf %mul3A_2921, %mul3A_2932 : vector<16xf32>
      %get3A_2934 = arith.constant 9 : i32
      %get3A_2935 = arith.index_cast %get3A_2934 : i32 to index
      %get3A_2936 = arith.index_cast %squeeze3A_2908 : i32 to index
      %get3A_2937 = arith.constant 32 : index
      %get3A_2938 = tpu.vector_load %arg13[%get3A_2935, %get3A_2936, %get3A_2937] {strides = array<i32>} : memref<16x8x64xf32, #tpu.memory_space<vmem>>, vector<16xf32>,
      %get3A_2939 = arith.constant 9 : i32
      %get3A_2940 = arith.index_cast %get3A_2939 : i32 to index
      %get3A_2941 = arith.index_cast %squeeze3A_2910 : i32 to index
      %get3A_2942 = arith.constant 32 : index
      %get3A_2943 = tpu.vector_load %arg14[%get3A_2940, %get3A_2941, %get3A_2942] {strides = array<i32>} : memref<16x8x64xf32, #tpu.memory_space<vmem>>, vector<16xf32>,
      %mul3A_2944 = arith.mulf %get3A_2938, %get3A_2943 : vector<16xf32>
      %add3A_2945 = arith.addf %add3A_2933, %mul3A_2944 : vector<16xf32>
      %get3A_2946 = arith.constant 9 : i32
      %get3A_2947 = arith.index_cast %get3A_2946 : i32 to index
      %get3A_2948 = arith.index_cast %squeeze3A_2908 : i32 to index
      %get3A_2949 = arith.constant 48 : index
      %get3A_2950 = tpu.vector_load %arg13[%get3A_2947, %get3A_2948, %get3A_2949] {strides = array<i32>} : memref<16x8x64xf32, #tpu.memory_space<vmem>>, vector<16xf32>,
      %get3A_2951 = arith.constant 9 : i32
      %get3A_2952 = arith.index_cast %get3A_2951 : i32 to index
      %get3A_2953 = arith.index_cast %squeeze3A_2910 : i32 to index
      %get3A_2954 = arith.constant 48 : index
      %get3A_2955 = tpu.vector_load %arg14[%get3A_2952, %get3A_2953, %get3A_2954] {strides = array<i32>} : memref<16x8x64xf32, #tpu.memory_space<vmem>>, vector<16xf32>,
      %mul3A_2956 = arith.mulf %get3A_2950, %get3A_2955 : vector<16xf32>
      %add3A_2957 = arith.addf %add3A_2945, %mul3A_2956 : vector<16xf32>
      %get3A_2958 = arith.constant 9 : i32
      %get3A_2959 = arith.index_cast %get3A_2958 : i32 to index
      %get3A_2960 = arith.constant 0 : index
      %get3A_2961 = tpu.vector_load %arg17[%get3A_2959, %get3A_2960] {strides = array<i32>} : memref<16x32xf32, #tpu.memory_space<vmem>>, vector<16xf32>,
      %get3A_2962 = arith.constant 9 : i32
      %get3A_2963 = arith.index_cast %get3A_2962 : i32 to index
      %get3A_2964 = arith.index_cast %squeeze3A_2910 : i32 to index
      %get3A_2965 = arith.constant 0 : index
      %get3A_2966 = tpu.vector_load %arg16[%get3A_2963, %get3A_2964, %get3A_2965] {strides = array<i32>} : memref<16x8x32xf32, #tpu.memory_space<vmem>>, vector<16xf32>,
      %mul3A_2967 = arith.mulf %get3A_2961, %get3A_2966 : vector<16xf32>
      %add3A_2968 = arith.addf %add3A_2957, %mul3A_2967 : vector<16xf32>
      %get3A_2969 = arith.constant 9 : i32
      %get3A_2970 = arith.index_cast %get3A_2969 : i32 to index
      %get3A_2971 = arith.constant 0 : index
      %get3A_2972 = tpu.vector_load %arg18[%get3A_2970, %get3A_2971] {strides = array<i32>} : memref<16x32xf32, #tpu.memory_space<vmem>>, vector<16xf32>,
      %get3A_2973 = arith.constant 9 : i32
      %get3A_2974 = arith.index_cast %get3A_2973 : i32 to index
      %get3A_2975 = arith.index_cast %squeeze3A_2908 : i32 to index
      %get3A_2976 = arith.constant 0 : index
      %get3A_2977 = tpu.vector_load %arg15[%get3A_2974, %get3A_2975, %get3A_2976] {strides = array<i32>} : memref<16x8x32xf32, #tpu.memory_space<vmem>>, vector<16xf32>,
      %mul3A_2978 = arith.mulf %get3A_2972, %get3A_2977 : vector<16xf32>
      %add3A_2979 = arith.addf %add3A_2968, %mul3A_2978 : vector<16xf32>
      %get3A_2980 = arith.constant 9 : i32
      %get3A_2981 = arith.index_cast %get3A_2980 : i32 to index
      %get3A_2982 = arith.constant 16 : index
      %get3A_2983 = tpu.vector_load %arg17[%get3A_2981, %get3A_2982] {strides = array<i32>} : memref<16x32xf32, #tpu.memory_space<vmem>>, vector<16xf32>,
      %get3A_2984 = arith.constant 9 : i32
      %get3A_2985 = arith.index_cast %get3A_2984 : i32 to index
      %get3A_2986 = arith.index_cast %squeeze3A_2910 : i32 to index
      %get3A_2987 = arith.constant 16 : index
      %get3A_2988 = tpu.vector_load %arg16[%get3A_2985, %get3A_2986, %get3A_2987] {strides = array<i32>} : memref<16x8x32xf32, #tpu.memory_space<vmem>>, vector<16xf32>,
      %mul3A_2989 = arith.mulf %get3A_2983, %get3A_2988 : vector<16xf32>
      %add3A_2990 = arith.addf %add3A_2979, %mul3A_2989 : vector<16xf32>
      %get3A_2991 = arith.constant 9 : i32
      %get3A_2992 = arith.index_cast %get3A_2991 : i32 to index
      %get3A_2993 = arith.constant 16 : index
      %get3A_2994 = tpu.vector_load %arg18[%get3A_2992, %get3A_2993] {strides = array<i32>} : memref<16x32xf32, #tpu.memory_space<vmem>>, vector<16xf32>,
      %get3A_2995 = arith.constant 9 : i32
      %get3A_2996 = arith.index_cast %get3A_2995 : i32 to index
      %get3A_2997 = arith.index_cast %squeeze3A_2908 : i32 to index
      %get3A_2998 = arith.constant 16 : index
      %get3A_2999 = tpu.vector_load %arg15[%get3A_2996, %get3A_2997, %get3A_2998] {strides = array<i32>} : memref<16x8x32xf32, #tpu.memory_space<vmem>>, vector<16xf32>,
      %mul3A_3000 = arith.mulf %get3A_2994, %get3A_2999 : vector<16xf32>
      %add3A_3001 = arith.addf %add3A_2990, %mul3A_3000 : vector<16xf32>
      %eq3A_3002 = arith.constant 9 : i32
      %eq3A_3003 = vector.broadcast %eq3A_3002 : i32 to vector<16xi32>
      %eq3A_3004 = arith.cmpi eq, %iota3A, %eq3A_3003 : vector<16xi32>
      %reduce_sum3A_3005 = arith.constant true
      %reduce_sum3A_3006 = vector.broadcast %reduce_sum3A_3005 : i1 to vector<16xi1>
      %reduce_sum3A_3007 = tpu.scan <sum>, %add3A_3001 masked %reduce_sum3A_3006 : vector<16xf32>, vector<16xi1> -> vector<16xf32>
      %reduce_sum3A_3008 = vector.extract %reduce_sum3A_3007[15] : f32 from vector<16xf32>
      %jit3A_3009 = arith.constant 0.000000e+00 : f32
      %broadcast_in_dim3A_3010 = vector.broadcast %reduce_sum3A_3008 : f32 to vector<16xf32>
      %broadcast_in_dim3A_3011 = vector.broadcast %jit3A_3009 : f32 to vector<16xf32>
      %select_n3A_3012 = arith.select %eq3A_3004, %broadcast_in_dim3A_3010, %broadcast_in_dim3A_3011 : vector<16xi1>, vector<16xf32>
      %add3A_3013 = arith.addf %add3A_2906, %select_n3A_3012 : vector<16xf32>
      %slice3A_3014 = vector.extract_strided_slice %and3A_99 {offsets = [10], sizes = [1], strides = [1]} : vector<16xi32> to vector<1xi32>
      %squeeze3A_3015 = vector.extract %slice3A_3014[0] : i32 from vector<1xi32>
      %slice3A_3016 = vector.extract_strided_slice %and3A_102 {offsets = [10], sizes = [1], strides = [1]} : vector<16xi32> to vector<1xi32>
      %squeeze3A_3017 = vector.extract %slice3A_3016[0] : i32 from vector<1xi32>
      %get3A_3018 = arith.constant 10 : i32
      %get3A_3019 = arith.index_cast %get3A_3018 : i32 to index
      %get3A_3020 = arith.index_cast %squeeze3A_3015 : i32 to index
      %get3A_3021 = arith.constant 0 : index
      %get3A_3022 = tpu.vector_load %arg13[%get3A_3019, %get3A_3020, %get3A_3021] {strides = array<i32>} : memref<16x8x64xf32, #tpu.memory_space<vmem>>, vector<16xf32>,
      %get3A_3023 = arith.constant 10 : i32
      %get3A_3024 = arith.index_cast %get3A_3023 : i32 to index
      %get3A_3025 = arith.index_cast %squeeze3A_3017 : i32 to index
      %get3A_3026 = arith.constant 0 : index
      %get3A_3027 = tpu.vector_load %arg14[%get3A_3024, %get3A_3025, %get3A_3026] {strides = array<i32>} : memref<16x8x64xf32, #tpu.memory_space<vmem>>, vector<16xf32>,
      %mul3A_3028 = arith.mulf %get3A_3022, %get3A_3027 : vector<16xf32>
      %get3A_3029 = arith.constant 10 : i32
      %get3A_3030 = arith.index_cast %get3A_3029 : i32 to index
      %get3A_3031 = arith.index_cast %squeeze3A_3015 : i32 to index
      %get3A_3032 = arith.constant 16 : index
      %get3A_3033 = tpu.vector_load %arg13[%get3A_3030, %get3A_3031, %get3A_3032] {strides = array<i32>} : memref<16x8x64xf32, #tpu.memory_space<vmem>>, vector<16xf32>,
      %get3A_3034 = arith.constant 10 : i32
      %get3A_3035 = arith.index_cast %get3A_3034 : i32 to index
      %get3A_3036 = arith.index_cast %squeeze3A_3017 : i32 to index
      %get3A_3037 = arith.constant 16 : index
      %get3A_3038 = tpu.vector_load %arg14[%get3A_3035, %get3A_3036, %get3A_3037] {strides = array<i32>} : memref<16x8x64xf32, #tpu.memory_space<vmem>>, vector<16xf32>,
      %mul3A_3039 = arith.mulf %get3A_3033, %get3A_3038 : vector<16xf32>
      %add3A_3040 = arith.addf %mul3A_3028, %mul3A_3039 : vector<16xf32>
      %get3A_3041 = arith.constant 10 : i32
      %get3A_3042 = arith.index_cast %get3A_3041 : i32 to index
      %get3A_3043 = arith.index_cast %squeeze3A_3015 : i32 to index
      %get3A_3044 = arith.constant 32 : index
      %get3A_3045 = tpu.vector_load %arg13[%get3A_3042, %get3A_3043, %get3A_3044] {strides = array<i32>} : memref<16x8x64xf32, #tpu.memory_space<vmem>>, vector<16xf32>,
      %get3A_3046 = arith.constant 10 : i32
      %get3A_3047 = arith.index_cast %get3A_3046 : i32 to index
      %get3A_3048 = arith.index_cast %squeeze3A_3017 : i32 to index
      %get3A_3049 = arith.constant 32 : index
      %get3A_3050 = tpu.vector_load %arg14[%get3A_3047, %get3A_3048, %get3A_3049] {strides = array<i32>} : memref<16x8x64xf32, #tpu.memory_space<vmem>>, vector<16xf32>,
      %mul3A_3051 = arith.mulf %get3A_3045, %get3A_3050 : vector<16xf32>
      %add3A_3052 = arith.addf %add3A_3040, %mul3A_3051 : vector<16xf32>
      %get3A_3053 = arith.constant 10 : i32
      %get3A_3054 = arith.index_cast %get3A_3053 : i32 to index
      %get3A_3055 = arith.index_cast %squeeze3A_3015 : i32 to index
      %get3A_3056 = arith.constant 48 : index
      %get3A_3057 = tpu.vector_load %arg13[%get3A_3054, %get3A_3055, %get3A_3056] {strides = array<i32>} : memref<16x8x64xf32, #tpu.memory_space<vmem>>, vector<16xf32>,
      %get3A_3058 = arith.constant 10 : i32
      %get3A_3059 = arith.index_cast %get3A_3058 : i32 to index
      %get3A_3060 = arith.index_cast %squeeze3A_3017 : i32 to index
      %get3A_3061 = arith.constant 48 : index
      %get3A_3062 = tpu.vector_load %arg14[%get3A_3059, %get3A_3060, %get3A_3061] {strides = array<i32>} : memref<16x8x64xf32, #tpu.memory_space<vmem>>, vector<16xf32>,
      %mul3A_3063 = arith.mulf %get3A_3057, %get3A_3062 : vector<16xf32>
      %add3A_3064 = arith.addf %add3A_3052, %mul3A_3063 : vector<16xf32>
      %get3A_3065 = arith.constant 10 : i32
      %get3A_3066 = arith.index_cast %get3A_3065 : i32 to index
      %get3A_3067 = arith.constant 0 : index
      %get3A_3068 = tpu.vector_load %arg17[%get3A_3066, %get3A_3067] {strides = array<i32>} : memref<16x32xf32, #tpu.memory_space<vmem>>, vector<16xf32>,
      %get3A_3069 = arith.constant 10 : i32
      %get3A_3070 = arith.index_cast %get3A_3069 : i32 to index
      %get3A_3071 = arith.index_cast %squeeze3A_3017 : i32 to index
      %get3A_3072 = arith.constant 0 : index
      %get3A_3073 = tpu.vector_load %arg16[%get3A_3070, %get3A_3071, %get3A_3072] {strides = array<i32>} : memref<16x8x32xf32, #tpu.memory_space<vmem>>, vector<16xf32>,
      %mul3A_3074 = arith.mulf %get3A_3068, %get3A_3073 : vector<16xf32>
      %add3A_3075 = arith.addf %add3A_3064, %mul3A_3074 : vector<16xf32>
      %get3A_3076 = arith.constant 10 : i32
      %get3A_3077 = arith.index_cast %get3A_3076 : i32 to index
      %get3A_3078 = arith.constant 0 : index
      %get3A_3079 = tpu.vector_load %arg18[%get3A_3077, %get3A_3078] {strides = array<i32>} : memref<16x32xf32, #tpu.memory_space<vmem>>, vector<16xf32>,
      %get3A_3080 = arith.constant 10 : i32
      %get3A_3081 = arith.index_cast %get3A_3080 : i32 to index
      %get3A_3082 = arith.index_cast %squeeze3A_3015 : i32 to index
      %get3A_3083 = arith.constant 0 : index
      %get3A_3084 = tpu.vector_load %arg15[%get3A_3081, %get3A_3082, %get3A_3083] {strides = array<i32>} : memref<16x8x32xf32, #tpu.memory_space<vmem>>, vector<16xf32>,
      %mul3A_3085 = arith.mulf %get3A_3079, %get3A_3084 : vector<16xf32>
      %add3A_3086 = arith.addf %add3A_3075, %mul3A_3085 : vector<16xf32>
      %get3A_3087 = arith.constant 10 : i32
      %get3A_3088 = arith.index_cast %get3A_3087 : i32 to index
      %get3A_3089 = arith.constant 16 : index
      %get3A_3090 = tpu.vector_load %arg17[%get3A_3088, %get3A_3089] {strides = array<i32>} : memref<16x32xf32, #tpu.memory_space<vmem>>, vector<16xf32>,
      %get3A_3091 = arith.constant 10 : i32
      %get3A_3092 = arith.index_cast %get3A_3091 : i32 to index
      %get3A_3093 = arith.index_cast %squeeze3A_3017 : i32 to index
      %get3A_3094 = arith.constant 16 : index
      %get3A_3095 = tpu.vector_load %arg16[%get3A_3092, %get3A_3093, %get3A_3094] {strides = array<i32>} : memref<16x8x32xf32, #tpu.memory_space<vmem>>, vector<16xf32>,
      %mul3A_3096 = arith.mulf %get3A_3090, %get3A_3095 : vector<16xf32>
      %add3A_3097 = arith.addf %add3A_3086, %mul3A_3096 : vector<16xf32>
      %get3A_3098 = arith.constant 10 : i32
      %get3A_3099 = arith.index_cast %get3A_3098 : i32 to index
      %get3A_3100 = arith.constant 16 : index
      %get3A_3101 = tpu.vector_load %arg18[%get3A_3099, %get3A_3100] {strides = array<i32>} : memref<16x32xf32, #tpu.memory_space<vmem>>, vector<16xf32>,
      %get3A_3102 = arith.constant 10 : i32
      %get3A_3103 = arith.index_cast %get3A_3102 : i32 to index
      %get3A_3104 = arith.index_cast %squeeze3A_3015 : i32 to index
      %get3A_3105 = arith.constant 16 : index
      %get3A_3106 = tpu.vector_load %arg15[%get3A_3103, %get3A_3104, %get3A_3105] {strides = array<i32>} : memref<16x8x32xf32, #tpu.memory_space<vmem>>, vector<16xf32>,
      %mul3A_3107 = arith.mulf %get3A_3101, %get3A_3106 : vector<16xf32>
      %add3A_3108 = arith.addf %add3A_3097, %mul3A_3107 : vector<16xf32>
      %eq3A_3109 = arith.constant 10 : i32
      %eq3A_3110 = vector.broadcast %eq3A_3109 : i32 to vector<16xi32>
      %eq3A_3111 = arith.cmpi eq, %iota3A, %eq3A_3110 : vector<16xi32>
      %reduce_sum3A_3112 = arith.constant true
      %reduce_sum3A_3113 = vector.broadcast %reduce_sum3A_3112 : i1 to vector<16xi1>
      %reduce_sum3A_3114 = tpu.scan <sum>, %add3A_3108 masked %reduce_sum3A_3113 : vector<16xf32>, vector<16xi1> -> vector<16xf32>
      %reduce_sum3A_3115 = vector.extract %reduce_sum3A_3114[15] : f32 from vector<16xf32>
      %jit3A_3116 = arith.constant 0.000000e+00 : f32
      %broadcast_in_dim3A_3117 = vector.broadcast %reduce_sum3A_3115 : f32 to vector<16xf32>
      %broadcast_in_dim3A_3118 = vector.broadcast %jit3A_3116 : f32 to vector<16xf32>
      %select_n3A_3119 = arith.select %eq3A_3111, %broadcast_in_dim3A_3117, %broadcast_in_dim3A_3118 : vector<16xi1>, vector<16xf32>
      %add3A_3120 = arith.addf %add3A_3013, %select_n3A_3119 : vector<16xf32>
      %slice3A_3121 = vector.extract_strided_slice %and3A_99 {offsets = [11], sizes = [1], strides = [1]} : vector<16xi32> to vector<1xi32>
      %squeeze3A_3122 = vector.extract %slice3A_3121[0] : i32 from vector<1xi32>
      %slice3A_3123 = vector.extract_strided_slice %and3A_102 {offsets = [11], sizes = [1], strides = [1]} : vector<16xi32> to vector<1xi32>
      %squeeze3A_3124 = vector.extract %slice3A_3123[0] : i32 from vector<1xi32>
      %get3A_3125 = arith.constant 11 : i32
      %get3A_3126 = arith.index_cast %get3A_3125 : i32 to index
      %get3A_3127 = arith.index_cast %squeeze3A_3122 : i32 to index
      %get3A_3128 = arith.constant 0 : index
      %get3A_3129 = tpu.vector_load %arg13[%get3A_3126, %get3A_3127, %get3A_3128] {strides = array<i32>} : memref<16x8x64xf32, #tpu.memory_space<vmem>>, vector<16xf32>,
      %get3A_3130 = arith.constant 11 : i32
      %get3A_3131 = arith.index_cast %get3A_3130 : i32 to index
      %get3A_3132 = arith.index_cast %squeeze3A_3124 : i32 to index
      %get3A_3133 = arith.constant 0 : index
      %get3A_3134 = tpu.vector_load %arg14[%get3A_3131, %get3A_3132, %get3A_3133] {strides = array<i32>} : memref<16x8x64xf32, #tpu.memory_space<vmem>>, vector<16xf32>,
      %mul3A_3135 = arith.mulf %get3A_3129, %get3A_3134 : vector<16xf32>
      %get3A_3136 = arith.constant 11 : i32
      %get3A_3137 = arith.index_cast %get3A_3136 : i32 to index
      %get3A_3138 = arith.index_cast %squeeze3A_3122 : i32 to index
      %get3A_3139 = arith.constant 16 : index
      %get3A_3140 = tpu.vector_load %arg13[%get3A_3137, %get3A_3138, %get3A_3139] {strides = array<i32>} : memref<16x8x64xf32, #tpu.memory_space<vmem>>, vector<16xf32>,
      %get3A_3141 = arith.constant 11 : i32
      %get3A_3142 = arith.index_cast %get3A_3141 : i32 to index
      %get3A_3143 = arith.index_cast %squeeze3A_3124 : i32 to index
      %get3A_3144 = arith.constant 16 : index
      %get3A_3145 = tpu.vector_load %arg14[%get3A_3142, %get3A_3143, %get3A_3144] {strides = array<i32>} : memref<16x8x64xf32, #tpu.memory_space<vmem>>, vector<16xf32>,
      %mul3A_3146 = arith.mulf %get3A_3140, %get3A_3145 : vector<16xf32>
      %add3A_3147 = arith.addf %mul3A_3135, %mul3A_3146 : vector<16xf32>
      %get3A_3148 = arith.constant 11 : i32
      %get3A_3149 = arith.index_cast %get3A_3148 : i32 to index
      %get3A_3150 = arith.index_cast %squeeze3A_3122 : i32 to index
      %get3A_3151 = arith.constant 32 : index
      %get3A_3152 = tpu.vector_load %arg13[%get3A_3149, %get3A_3150, %get3A_3151] {strides = array<i32>} : memref<16x8x64xf32, #tpu.memory_space<vmem>>, vector<16xf32>,
      %get3A_3153 = arith.constant 11 : i32
      %get3A_3154 = arith.index_cast %get3A_3153 : i32 to index
      %get3A_3155 = arith.index_cast %squeeze3A_3124 : i32 to index
      %get3A_3156 = arith.constant 32 : index
      %get3A_3157 = tpu.vector_load %arg14[%get3A_3154, %get3A_3155, %get3A_3156] {strides = array<i32>} : memref<16x8x64xf32, #tpu.memory_space<vmem>>, vector<16xf32>,
      %mul3A_3158 = arith.mulf %get3A_3152, %get3A_3157 : vector<16xf32>
      %add3A_3159 = arith.addf %add3A_3147, %mul3A_3158 : vector<16xf32>
      %get3A_3160 = arith.constant 11 : i32
      %get3A_3161 = arith.index_cast %get3A_3160 : i32 to index
      %get3A_3162 = arith.index_cast %squeeze3A_3122 : i32 to index
      %get3A_3163 = arith.constant 48 : index
      %get3A_3164 = tpu.vector_load %arg13[%get3A_3161, %get3A_3162, %get3A_3163] {strides = array<i32>} : memref<16x8x64xf32, #tpu.memory_space<vmem>>, vector<16xf32>,
      %get3A_3165 = arith.constant 11 : i32
      %get3A_3166 = arith.index_cast %get3A_3165 : i32 to index
      %get3A_3167 = arith.index_cast %squeeze3A_3124 : i32 to index
      %get3A_3168 = arith.constant 48 : index
      %get3A_3169 = tpu.vector_load %arg14[%get3A_3166, %get3A_3167, %get3A_3168] {strides = array<i32>} : memref<16x8x64xf32, #tpu.memory_space<vmem>>, vector<16xf32>,
      %mul3A_3170 = arith.mulf %get3A_3164, %get3A_3169 : vector<16xf32>
      %add3A_3171 = arith.addf %add3A_3159, %mul3A_3170 : vector<16xf32>
      %get3A_3172 = arith.constant 11 : i32
      %get3A_3173 = arith.index_cast %get3A_3172 : i32 to index
      %get3A_3174 = arith.constant 0 : index
      %get3A_3175 = tpu.vector_load %arg17[%get3A_3173, %get3A_3174] {strides = array<i32>} : memref<16x32xf32, #tpu.memory_space<vmem>>, vector<16xf32>,
      %get3A_3176 = arith.constant 11 : i32
      %get3A_3177 = arith.index_cast %get3A_3176 : i32 to index
      %get3A_3178 = arith.index_cast %squeeze3A_3124 : i32 to index
      %get3A_3179 = arith.constant 0 : index
      %get3A_3180 = tpu.vector_load %arg16[%get3A_3177, %get3A_3178, %get3A_3179] {strides = array<i32>} : memref<16x8x32xf32, #tpu.memory_space<vmem>>, vector<16xf32>,
      %mul3A_3181 = arith.mulf %get3A_3175, %get3A_3180 : vector<16xf32>
      %add3A_3182 = arith.addf %add3A_3171, %mul3A_3181 : vector<16xf32>
      %get3A_3183 = arith.constant 11 : i32
      %get3A_3184 = arith.index_cast %get3A_3183 : i32 to index
      %get3A_3185 = arith.constant 0 : index
      %get3A_3186 = tpu.vector_load %arg18[%get3A_3184, %get3A_3185] {strides = array<i32>} : memref<16x32xf32, #tpu.memory_space<vmem>>, vector<16xf32>,
      %get3A_3187 = arith.constant 11 : i32
      %get3A_3188 = arith.index_cast %get3A_3187 : i32 to index
      %get3A_3189 = arith.index_cast %squeeze3A_3122 : i32 to index
      %get3A_3190 = arith.constant 0 : index
      %get3A_3191 = tpu.vector_load %arg15[%get3A_3188, %get3A_3189, %get3A_3190] {strides = array<i32>} : memref<16x8x32xf32, #tpu.memory_space<vmem>>, vector<16xf32>,
      %mul3A_3192 = arith.mulf %get3A_3186, %get3A_3191 : vector<16xf32>
      %add3A_3193 = arith.addf %add3A_3182, %mul3A_3192 : vector<16xf32>
      %get3A_3194 = arith.constant 11 : i32
      %get3A_3195 = arith.index_cast %get3A_3194 : i32 to index
      %get3A_3196 = arith.constant 16 : index
      %get3A_3197 = tpu.vector_load %arg17[%get3A_3195, %get3A_3196] {strides = array<i32>} : memref<16x32xf32, #tpu.memory_space<vmem>>, vector<16xf32>,
      %get3A_3198 = arith.constant 11 : i32
      %get3A_3199 = arith.index_cast %get3A_3198 : i32 to index
      %get3A_3200 = arith.index_cast %squeeze3A_3124 : i32 to index
      %get3A_3201 = arith.constant 16 : index
      %get3A_3202 = tpu.vector_load %arg16[%get3A_3199, %get3A_3200, %get3A_3201] {strides = array<i32>} : memref<16x8x32xf32, #tpu.memory_space<vmem>>, vector<16xf32>,
      %mul3A_3203 = arith.mulf %get3A_3197, %get3A_3202 : vector<16xf32>
      %add3A_3204 = arith.addf %add3A_3193, %mul3A_3203 : vector<16xf32>
      %get3A_3205 = arith.constant 11 : i32
      %get3A_3206 = arith.index_cast %get3A_3205 : i32 to index
      %get3A_3207 = arith.constant 16 : index
      %get3A_3208 = tpu.vector_load %arg18[%get3A_3206, %get3A_3207] {strides = array<i32>} : memref<16x32xf32, #tpu.memory_space<vmem>>, vector<16xf32>,
      %get3A_3209 = arith.constant 11 : i32
      %get3A_3210 = arith.index_cast %get3A_3209 : i32 to index
      %get3A_3211 = arith.index_cast %squeeze3A_3122 : i32 to index
      %get3A_3212 = arith.constant 16 : index
      %get3A_3213 = tpu.vector_load %arg15[%get3A_3210, %get3A_3211, %get3A_3212] {strides = array<i32>} : memref<16x8x32xf32, #tpu.memory_space<vmem>>, vector<16xf32>,
      %mul3A_3214 = arith.mulf %get3A_3208, %get3A_3213 : vector<16xf32>
      %add3A_3215 = arith.addf %add3A_3204, %mul3A_3214 : vector<16xf32>
      %eq3A_3216 = arith.constant 11 : i32
      %eq3A_3217 = vector.broadcast %eq3A_3216 : i32 to vector<16xi32>
      %eq3A_3218 = arith.cmpi eq, %iota3A, %eq3A_3217 : vector<16xi32>
      %reduce_sum3A_3219 = arith.constant true
      %reduce_sum3A_3220 = vector.broadcast %reduce_sum3A_3219 : i1 to vector<16xi1>
      %reduce_sum3A_3221 = tpu.scan <sum>, %add3A_3215 masked %reduce_sum3A_3220 : vector<16xf32>, vector<16xi1> -> vector<16xf32>
      %reduce_sum3A_3222 = vector.extract %reduce_sum3A_3221[15] : f32 from vector<16xf32>
      %jit3A_3223 = arith.constant 0.000000e+00 : f32
      %broadcast_in_dim3A_3224 = vector.broadcast %reduce_sum3A_3222 : f32 to vector<16xf32>
      %broadcast_in_dim3A_3225 = vector.broadcast %jit3A_3223 : f32 to vector<16xf32>
      %select_n3A_3226 = arith.select %eq3A_3218, %broadcast_in_dim3A_3224, %broadcast_in_dim3A_3225 : vector<16xi1>, vector<16xf32>
      %add3A_3227 = arith.addf %add3A_3120, %select_n3A_3226 : vector<16xf32>
      %slice3A_3228 = vector.extract_strided_slice %and3A_99 {offsets = [12], sizes = [1], strides = [1]} : vector<16xi32> to vector<1xi32>
      %squeeze3A_3229 = vector.extract %slice3A_3228[0] : i32 from vector<1xi32>
      %slice3A_3230 = vector.extract_strided_slice %and3A_102 {offsets = [12], sizes = [1], strides = [1]} : vector<16xi32> to vector<1xi32>
      %squeeze3A_3231 = vector.extract %slice3A_3230[0] : i32 from vector<1xi32>
      %get3A_3232 = arith.constant 12 : i32
      %get3A_3233 = arith.index_cast %get3A_3232 : i32 to index
      %get3A_3234 = arith.index_cast %squeeze3A_3229 : i32 to index
      %get3A_3235 = arith.constant 0 : index
      %get3A_3236 = tpu.vector_load %arg13[%get3A_3233, %get3A_3234, %get3A_3235] {strides = array<i32>} : memref<16x8x64xf32, #tpu.memory_space<vmem>>, vector<16xf32>,
      %get3A_3237 = arith.constant 12 : i32
      %get3A_3238 = arith.index_cast %get3A_3237 : i32 to index
      %get3A_3239 = arith.index_cast %squeeze3A_3231 : i32 to index
      %get3A_3240 = arith.constant 0 : index
      %get3A_3241 = tpu.vector_load %arg14[%get3A_3238, %get3A_3239, %get3A_3240] {strides = array<i32>} : memref<16x8x64xf32, #tpu.memory_space<vmem>>, vector<16xf32>,
      %mul3A_3242 = arith.mulf %get3A_3236, %get3A_3241 : vector<16xf32>
      %get3A_3243 = arith.constant 12 : i32
      %get3A_3244 = arith.index_cast %get3A_3243 : i32 to index
      %get3A_3245 = arith.index_cast %squeeze3A_3229 : i32 to index
      %get3A_3246 = arith.constant 16 : index
      %get3A_3247 = tpu.vector_load %arg13[%get3A_3244, %get3A_3245, %get3A_3246] {strides = array<i32>} : memref<16x8x64xf32, #tpu.memory_space<vmem>>, vector<16xf32>,
      %get3A_3248 = arith.constant 12 : i32
      %get3A_3249 = arith.index_cast %get3A_3248 : i32 to index
      %get3A_3250 = arith.index_cast %squeeze3A_3231 : i32 to index
      %get3A_3251 = arith.constant 16 : index
      %get3A_3252 = tpu.vector_load %arg14[%get3A_3249, %get3A_3250, %get3A_3251] {strides = array<i32>} : memref<16x8x64xf32, #tpu.memory_space<vmem>>, vector<16xf32>,
      %mul3A_3253 = arith.mulf %get3A_3247, %get3A_3252 : vector<16xf32>
      %add3A_3254 = arith.addf %mul3A_3242, %mul3A_3253 : vector<16xf32>
      %get3A_3255 = arith.constant 12 : i32
      %get3A_3256 = arith.index_cast %get3A_3255 : i32 to index
      %get3A_3257 = arith.index_cast %squeeze3A_3229 : i32 to index
      %get3A_3258 = arith.constant 32 : index
      %get3A_3259 = tpu.vector_load %arg13[%get3A_3256, %get3A_3257, %get3A_3258] {strides = array<i32>} : memref<16x8x64xf32, #tpu.memory_space<vmem>>, vector<16xf32>,
      %get3A_3260 = arith.constant 12 : i32
      %get3A_3261 = arith.index_cast %get3A_3260 : i32 to index
      %get3A_3262 = arith.index_cast %squeeze3A_3231 : i32 to index
      %get3A_3263 = arith.constant 32 : index
      %get3A_3264 = tpu.vector_load %arg14[%get3A_3261, %get3A_3262, %get3A_3263] {strides = array<i32>} : memref<16x8x64xf32, #tpu.memory_space<vmem>>, vector<16xf32>,
      %mul3A_3265 = arith.mulf %get3A_3259, %get3A_3264 : vector<16xf32>
      %add3A_3266 = arith.addf %add3A_3254, %mul3A_3265 : vector<16xf32>
      %get3A_3267 = arith.constant 12 : i32
      %get3A_3268 = arith.index_cast %get3A_3267 : i32 to index
      %get3A_3269 = arith.index_cast %squeeze3A_3229 : i32 to index
      %get3A_3270 = arith.constant 48 : index
      %get3A_3271 = tpu.vector_load %arg13[%get3A_3268, %get3A_3269, %get3A_3270] {strides = array<i32>} : memref<16x8x64xf32, #tpu.memory_space<vmem>>, vector<16xf32>,
      %get3A_3272 = arith.constant 12 : i32
      %get3A_3273 = arith.index_cast %get3A_3272 : i32 to index
      %get3A_3274 = arith.index_cast %squeeze3A_3231 : i32 to index
      %get3A_3275 = arith.constant 48 : index
      %get3A_3276 = tpu.vector_load %arg14[%get3A_3273, %get3A_3274, %get3A_3275] {strides = array<i32>} : memref<16x8x64xf32, #tpu.memory_space<vmem>>, vector<16xf32>,
      %mul3A_3277 = arith.mulf %get3A_3271, %get3A_3276 : vector<16xf32>
      %add3A_3278 = arith.addf %add3A_3266, %mul3A_3277 : vector<16xf32>
      %get3A_3279 = arith.constant 12 : i32
      %get3A_3280 = arith.index_cast %get3A_3279 : i32 to index
      %get3A_3281 = arith.constant 0 : index
      %get3A_3282 = tpu.vector_load %arg17[%get3A_3280, %get3A_3281] {strides = array<i32>} : memref<16x32xf32, #tpu.memory_space<vmem>>, vector<16xf32>,
      %get3A_3283 = arith.constant 12 : i32
      %get3A_3284 = arith.index_cast %get3A_3283 : i32 to index
      %get3A_3285 = arith.index_cast %squeeze3A_3231 : i32 to index
      %get3A_3286 = arith.constant 0 : index
      %get3A_3287 = tpu.vector_load %arg16[%get3A_3284, %get3A_3285, %get3A_3286] {strides = array<i32>} : memref<16x8x32xf32, #tpu.memory_space<vmem>>, vector<16xf32>,
      %mul3A_3288 = arith.mulf %get3A_3282, %get3A_3287 : vector<16xf32>
      %add3A_3289 = arith.addf %add3A_3278, %mul3A_3288 : vector<16xf32>
      %get3A_3290 = arith.constant 12 : i32
      %get3A_3291 = arith.index_cast %get3A_3290 : i32 to index
      %get3A_3292 = arith.constant 0 : index
      %get3A_3293 = tpu.vector_load %arg18[%get3A_3291, %get3A_3292] {strides = array<i32>} : memref<16x32xf32, #tpu.memory_space<vmem>>, vector<16xf32>,
      %get3A_3294 = arith.constant 12 : i32
      %get3A_3295 = arith.index_cast %get3A_3294 : i32 to index
      %get3A_3296 = arith.index_cast %squeeze3A_3229 : i32 to index
      %get3A_3297 = arith.constant 0 : index
      %get3A_3298 = tpu.vector_load %arg15[%get3A_3295, %get3A_3296, %get3A_3297] {strides = array<i32>} : memref<16x8x32xf32, #tpu.memory_space<vmem>>, vector<16xf32>,
      %mul3A_3299 = arith.mulf %get3A_3293, %get3A_3298 : vector<16xf32>
      %add3A_3300 = arith.addf %add3A_3289, %mul3A_3299 : vector<16xf32>
      %get3A_3301 = arith.constant 12 : i32
      %get3A_3302 = arith.index_cast %get3A_3301 : i32 to index
      %get3A_3303 = arith.constant 16 : index
      %get3A_3304 = tpu.vector_load %arg17[%get3A_3302, %get3A_3303] {strides = array<i32>} : memref<16x32xf32, #tpu.memory_space<vmem>>, vector<16xf32>,
      %get3A_3305 = arith.constant 12 : i32
      %get3A_3306 = arith.index_cast %get3A_3305 : i32 to index
      %get3A_3307 = arith.index_cast %squeeze3A_3231 : i32 to index
      %get3A_3308 = arith.constant 16 : index
      %get3A_3309 = tpu.vector_load %arg16[%get3A_3306, %get3A_3307, %get3A_3308] {strides = array<i32>} : memref<16x8x32xf32, #tpu.memory_space<vmem>>, vector<16xf32>,
      %mul3A_3310 = arith.mulf %get3A_3304, %get3A_3309 : vector<16xf32>
      %add3A_3311 = arith.addf %add3A_3300, %mul3A_3310 : vector<16xf32>
      %get3A_3312 = arith.constant 12 : i32
      %get3A_3313 = arith.index_cast %get3A_3312 : i32 to index
      %get3A_3314 = arith.constant 16 : index
      %get3A_3315 = tpu.vector_load %arg18[%get3A_3313, %get3A_3314] {strides = array<i32>} : memref<16x32xf32, #tpu.memory_space<vmem>>, vector<16xf32>,
      %get3A_3316 = arith.constant 12 : i32
      %get3A_3317 = arith.index_cast %get3A_3316 : i32 to index
      %get3A_3318 = arith.index_cast %squeeze3A_3229 : i32 to index
      %get3A_3319 = arith.constant 16 : index
      %get3A_3320 = tpu.vector_load %arg15[%get3A_3317, %get3A_3318, %get3A_3319] {strides = array<i32>} : memref<16x8x32xf32, #tpu.memory_space<vmem>>, vector<16xf32>,
      %mul3A_3321 = arith.mulf %get3A_3315, %get3A_3320 : vector<16xf32>
      %add3A_3322 = arith.addf %add3A_3311, %mul3A_3321 : vector<16xf32>
      %eq3A_3323 = arith.constant 12 : i32
      %eq3A_3324 = vector.broadcast %eq3A_3323 : i32 to vector<16xi32>
      %eq3A_3325 = arith.cmpi eq, %iota3A, %eq3A_3324 : vector<16xi32>
      %reduce_sum3A_3326 = arith.constant true
      %reduce_sum3A_3327 = vector.broadcast %reduce_sum3A_3326 : i1 to vector<16xi1>
      %reduce_sum3A_3328 = tpu.scan <sum>, %add3A_3322 masked %reduce_sum3A_3327 : vector<16xf32>, vector<16xi1> -> vector<16xf32>
      %reduce_sum3A_3329 = vector.extract %reduce_sum3A_3328[15] : f32 from vector<16xf32>
      %jit3A_3330 = arith.constant 0.000000e+00 : f32
      %broadcast_in_dim3A_3331 = vector.broadcast %reduce_sum3A_3329 : f32 to vector<16xf32>
      %broadcast_in_dim3A_3332 = vector.broadcast %jit3A_3330 : f32 to vector<16xf32>
      %select_n3A_3333 = arith.select %eq3A_3325, %broadcast_in_dim3A_3331, %broadcast_in_dim3A_3332 : vector<16xi1>, vector<16xf32>
      %add3A_3334 = arith.addf %add3A_3227, %select_n3A_3333 : vector<16xf32>
      %slice3A_3335 = vector.extract_strided_slice %and3A_99 {offsets = [13], sizes = [1], strides = [1]} : vector<16xi32> to vector<1xi32>
      %squeeze3A_3336 = vector.extract %slice3A_3335[0] : i32 from vector<1xi32>
      %slice3A_3337 = vector.extract_strided_slice %and3A_102 {offsets = [13], sizes = [1], strides = [1]} : vector<16xi32> to vector<1xi32>
      %squeeze3A_3338 = vector.extract %slice3A_3337[0] : i32 from vector<1xi32>
      %get3A_3339 = arith.constant 13 : i32
      %get3A_3340 = arith.index_cast %get3A_3339 : i32 to index
      %get3A_3341 = arith.index_cast %squeeze3A_3336 : i32 to index
      %get3A_3342 = arith.constant 0 : index
      %get3A_3343 = tpu.vector_load %arg13[%get3A_3340, %get3A_3341, %get3A_3342] {strides = array<i32>} : memref<16x8x64xf32, #tpu.memory_space<vmem>>, vector<16xf32>,
      %get3A_3344 = arith.constant 13 : i32
      %get3A_3345 = arith.index_cast %get3A_3344 : i32 to index
      %get3A_3346 = arith.index_cast %squeeze3A_3338 : i32 to index
      %get3A_3347 = arith.constant 0 : index
      %get3A_3348 = tpu.vector_load %arg14[%get3A_3345, %get3A_3346, %get3A_3347] {strides = array<i32>} : memref<16x8x64xf32, #tpu.memory_space<vmem>>, vector<16xf32>,
      %mul3A_3349 = arith.mulf %get3A_3343, %get3A_3348 : vector<16xf32>
      %get3A_3350 = arith.constant 13 : i32
      %get3A_3351 = arith.index_cast %get3A_3350 : i32 to index
      %get3A_3352 = arith.index_cast %squeeze3A_3336 : i32 to index
      %get3A_3353 = arith.constant 16 : index
      %get3A_3354 = tpu.vector_load %arg13[%get3A_3351, %get3A_3352, %get3A_3353] {strides = array<i32>} : memref<16x8x64xf32, #tpu.memory_space<vmem>>, vector<16xf32>,
      %get3A_3355 = arith.constant 13 : i32
      %get3A_3356 = arith.index_cast %get3A_3355 : i32 to index
      %get3A_3357 = arith.index_cast %squeeze3A_3338 : i32 to index
      %get3A_3358 = arith.constant 16 : index
      %get3A_3359 = tpu.vector_load %arg14[%get3A_3356, %get3A_3357, %get3A_3358] {strides = array<i32>} : memref<16x8x64xf32, #tpu.memory_space<vmem>>, vector<16xf32>,
      %mul3A_3360 = arith.mulf %get3A_3354, %get3A_3359 : vector<16xf32>
      %add3A_3361 = arith.addf %mul3A_3349, %mul3A_3360 : vector<16xf32>
      %get3A_3362 = arith.constant 13 : i32
      %get3A_3363 = arith.index_cast %get3A_3362 : i32 to index
      %get3A_3364 = arith.index_cast %squeeze3A_3336 : i32 to index
      %get3A_3365 = arith.constant 32 : index
      %get3A_3366 = tpu.vector_load %arg13[%get3A_3363, %get3A_3364, %get3A_3365] {strides = array<i32>} : memref<16x8x64xf32, #tpu.memory_space<vmem>>, vector<16xf32>,
      %get3A_3367 = arith.constant 13 : i32
      %get3A_3368 = arith.index_cast %get3A_3367 : i32 to index
      %get3A_3369 = arith.index_cast %squeeze3A_3338 : i32 to index
      %get3A_3370 = arith.constant 32 : index
      %get3A_3371 = tpu.vector_load %arg14[%get3A_3368, %get3A_3369, %get3A_3370] {strides = array<i32>} : memref<16x8x64xf32, #tpu.memory_space<vmem>>, vector<16xf32>,
      %mul3A_3372 = arith.mulf %get3A_3366, %get3A_3371 : vector<16xf32>
      %add3A_3373 = arith.addf %add3A_3361, %mul3A_3372 : vector<16xf32>
      %get3A_3374 = arith.constant 13 : i32
      %get3A_3375 = arith.index_cast %get3A_3374 : i32 to index
      %get3A_3376 = arith.index_cast %squeeze3A_3336 : i32 to index
      %get3A_3377 = arith.constant 48 : index
      %get3A_3378 = tpu.vector_load %arg13[%get3A_3375, %get3A_3376, %get3A_3377] {strides = array<i32>} : memref<16x8x64xf32, #tpu.memory_space<vmem>>, vector<16xf32>,
      %get3A_3379 = arith.constant 13 : i32
      %get3A_3380 = arith.index_cast %get3A_3379 : i32 to index
      %get3A_3381 = arith.index_cast %squeeze3A_3338 : i32 to index
      %get3A_3382 = arith.constant 48 : index
      %get3A_3383 = tpu.vector_load %arg14[%get3A_3380, %get3A_3381, %get3A_3382] {strides = array<i32>} : memref<16x8x64xf32, #tpu.memory_space<vmem>>, vector<16xf32>,
      %mul3A_3384 = arith.mulf %get3A_3378, %get3A_3383 : vector<16xf32>
      %add3A_3385 = arith.addf %add3A_3373, %mul3A_3384 : vector<16xf32>
      %get3A_3386 = arith.constant 13 : i32
      %get3A_3387 = arith.index_cast %get3A_3386 : i32 to index
      %get3A_3388 = arith.constant 0 : index
      %get3A_3389 = tpu.vector_load %arg17[%get3A_3387, %get3A_3388] {strides = array<i32>} : memref<16x32xf32, #tpu.memory_space<vmem>>, vector<16xf32>,
      %get3A_3390 = arith.constant 13 : i32
      %get3A_3391 = arith.index_cast %get3A_3390 : i32 to index
      %get3A_3392 = arith.index_cast %squeeze3A_3338 : i32 to index
      %get3A_3393 = arith.constant 0 : index
      %get3A_3394 = tpu.vector_load %arg16[%get3A_3391, %get3A_3392, %get3A_3393] {strides = array<i32>} : memref<16x8x32xf32, #tpu.memory_space<vmem>>, vector<16xf32>,
      %mul3A_3395 = arith.mulf %get3A_3389, %get3A_3394 : vector<16xf32>
      %add3A_3396 = arith.addf %add3A_3385, %mul3A_3395 : vector<16xf32>
      %get3A_3397 = arith.constant 13 : i32
      %get3A_3398 = arith.index_cast %get3A_3397 : i32 to index
      %get3A_3399 = arith.constant 0 : index
      %get3A_3400 = tpu.vector_load %arg18[%get3A_3398, %get3A_3399] {strides = array<i32>} : memref<16x32xf32, #tpu.memory_space<vmem>>, vector<16xf32>,
      %get3A_3401 = arith.constant 13 : i32
      %get3A_3402 = arith.index_cast %get3A_3401 : i32 to index
      %get3A_3403 = arith.index_cast %squeeze3A_3336 : i32 to index
      %get3A_3404 = arith.constant 0 : index
      %get3A_3405 = tpu.vector_load %arg15[%get3A_3402, %get3A_3403, %get3A_3404] {strides = array<i32>} : memref<16x8x32xf32, #tpu.memory_space<vmem>>, vector<16xf32>,
      %mul3A_3406 = arith.mulf %get3A_3400, %get3A_3405 : vector<16xf32>
      %add3A_3407 = arith.addf %add3A_3396, %mul3A_3406 : vector<16xf32>
      %get3A_3408 = arith.constant 13 : i32
      %get3A_3409 = arith.index_cast %get3A_3408 : i32 to index
      %get3A_3410 = arith.constant 16 : index
      %get3A_3411 = tpu.vector_load %arg17[%get3A_3409, %get3A_3410] {strides = array<i32>} : memref<16x32xf32, #tpu.memory_space<vmem>>, vector<16xf32>,
      %get3A_3412 = arith.constant 13 : i32
      %get3A_3413 = arith.index_cast %get3A_3412 : i32 to index
      %get3A_3414 = arith.index_cast %squeeze3A_3338 : i32 to index
      %get3A_3415 = arith.constant 16 : index
      %get3A_3416 = tpu.vector_load %arg16[%get3A_3413, %get3A_3414, %get3A_3415] {strides = array<i32>} : memref<16x8x32xf32, #tpu.memory_space<vmem>>, vector<16xf32>,
      %mul3A_3417 = arith.mulf %get3A_3411, %get3A_3416 : vector<16xf32>
      %add3A_3418 = arith.addf %add3A_3407, %mul3A_3417 : vector<16xf32>
      %get3A_3419 = arith.constant 13 : i32
      %get3A_3420 = arith.index_cast %get3A_3419 : i32 to index
      %get3A_3421 = arith.constant 16 : index
      %get3A_3422 = tpu.vector_load %arg18[%get3A_3420, %get3A_3421] {strides = array<i32>} : memref<16x32xf32, #tpu.memory_space<vmem>>, vector<16xf32>,
      %get3A_3423 = arith.constant 13 : i32
      %get3A_3424 = arith.index_cast %get3A_3423 : i32 to index
      %get3A_3425 = arith.index_cast %squeeze3A_3336 : i32 to index
      %get3A_3426 = arith.constant 16 : index
      %get3A_3427 = tpu.vector_load %arg15[%get3A_3424, %get3A_3425, %get3A_3426] {strides = array<i32>} : memref<16x8x32xf32, #tpu.memory_space<vmem>>, vector<16xf32>,
      %mul3A_3428 = arith.mulf %get3A_3422, %get3A_3427 : vector<16xf32>
      %add3A_3429 = arith.addf %add3A_3418, %mul3A_3428 : vector<16xf32>
      %eq3A_3430 = arith.constant 13 : i32
      %eq3A_3431 = vector.broadcast %eq3A_3430 : i32 to vector<16xi32>
      %eq3A_3432 = arith.cmpi eq, %iota3A, %eq3A_3431 : vector<16xi32>
      %reduce_sum3A_3433 = arith.constant true
      %reduce_sum3A_3434 = vector.broadcast %reduce_sum3A_3433 : i1 to vector<16xi1>
      %reduce_sum3A_3435 = tpu.scan <sum>, %add3A_3429 masked %reduce_sum3A_3434 : vector<16xf32>, vector<16xi1> -> vector<16xf32>
      %reduce_sum3A_3436 = vector.extract %reduce_sum3A_3435[15] : f32 from vector<16xf32>
      %jit3A_3437 = arith.constant 0.000000e+00 : f32
      %broadcast_in_dim3A_3438 = vector.broadcast %reduce_sum3A_3436 : f32 to vector<16xf32>
      %broadcast_in_dim3A_3439 = vector.broadcast %jit3A_3437 : f32 to vector<16xf32>
      %select_n3A_3440 = arith.select %eq3A_3432, %broadcast_in_dim3A_3438, %broadcast_in_dim3A_3439 : vector<16xi1>, vector<16xf32>
      %add3A_3441 = arith.addf %add3A_3334, %select_n3A_3440 : vector<16xf32>
      %slice3A_3442 = vector.extract_strided_slice %and3A_99 {offsets = [14], sizes = [1], strides = [1]} : vector<16xi32> to vector<1xi32>
      %squeeze3A_3443 = vector.extract %slice3A_3442[0] : i32 from vector<1xi32>
      %slice3A_3444 = vector.extract_strided_slice %and3A_102 {offsets = [14], sizes = [1], strides = [1]} : vector<16xi32> to vector<1xi32>
      %squeeze3A_3445 = vector.extract %slice3A_3444[0] : i32 from vector<1xi32>
      %get3A_3446 = arith.constant 14 : i32
      %get3A_3447 = arith.index_cast %get3A_3446 : i32 to index
      %get3A_3448 = arith.index_cast %squeeze3A_3443 : i32 to index
      %get3A_3449 = arith.constant 0 : index
      %get3A_3450 = tpu.vector_load %arg13[%get3A_3447, %get3A_3448, %get3A_3449] {strides = array<i32>} : memref<16x8x64xf32, #tpu.memory_space<vmem>>, vector<16xf32>,
      %get3A_3451 = arith.constant 14 : i32
      %get3A_3452 = arith.index_cast %get3A_3451 : i32 to index
      %get3A_3453 = arith.index_cast %squeeze3A_3445 : i32 to index
      %get3A_3454 = arith.constant 0 : index
      %get3A_3455 = tpu.vector_load %arg14[%get3A_3452, %get3A_3453, %get3A_3454] {strides = array<i32>} : memref<16x8x64xf32, #tpu.memory_space<vmem>>, vector<16xf32>,
      %mul3A_3456 = arith.mulf %get3A_3450, %get3A_3455 : vector<16xf32>
      %get3A_3457 = arith.constant 14 : i32
      %get3A_3458 = arith.index_cast %get3A_3457 : i32 to index
      %get3A_3459 = arith.index_cast %squeeze3A_3443 : i32 to index
      %get3A_3460 = arith.constant 16 : index
      %get3A_3461 = tpu.vector_load %arg13[%get3A_3458, %get3A_3459, %get3A_3460] {strides = array<i32>} : memref<16x8x64xf32, #tpu.memory_space<vmem>>, vector<16xf32>,
      %get3A_3462 = arith.constant 14 : i32
      %get3A_3463 = arith.index_cast %get3A_3462 : i32 to index
      %get3A_3464 = arith.index_cast %squeeze3A_3445 : i32 to index
      %get3A_3465 = arith.constant 16 : index
      %get3A_3466 = tpu.vector_load %arg14[%get3A_3463, %get3A_3464, %get3A_3465] {strides = array<i32>} : memref<16x8x64xf32, #tpu.memory_space<vmem>>, vector<16xf32>,
      %mul3A_3467 = arith.mulf %get3A_3461, %get3A_3466 : vector<16xf32>
      %add3A_3468 = arith.addf %mul3A_3456, %mul3A_3467 : vector<16xf32>
      %get3A_3469 = arith.constant 14 : i32
      %get3A_3470 = arith.index_cast %get3A_3469 : i32 to index
      %get3A_3471 = arith.index_cast %squeeze3A_3443 : i32 to index
      %get3A_3472 = arith.constant 32 : index
      %get3A_3473 = tpu.vector_load %arg13[%get3A_3470, %get3A_3471, %get3A_3472] {strides = array<i32>} : memref<16x8x64xf32, #tpu.memory_space<vmem>>, vector<16xf32>,
      %get3A_3474 = arith.constant 14 : i32
      %get3A_3475 = arith.index_cast %get3A_3474 : i32 to index
      %get3A_3476 = arith.index_cast %squeeze3A_3445 : i32 to index
      %get3A_3477 = arith.constant 32 : index
      %get3A_3478 = tpu.vector_load %arg14[%get3A_3475, %get3A_3476, %get3A_3477] {strides = array<i32>} : memref<16x8x64xf32, #tpu.memory_space<vmem>>, vector<16xf32>,
      %mul3A_3479 = arith.mulf %get3A_3473, %get3A_3478 : vector<16xf32>
      %add3A_3480 = arith.addf %add3A_3468, %mul3A_3479 : vector<16xf32>
      %get3A_3481 = arith.constant 14 : i32
      %get3A_3482 = arith.index_cast %get3A_3481 : i32 to index
      %get3A_3483 = arith.index_cast %squeeze3A_3443 : i32 to index
      %get3A_3484 = arith.constant 48 : index
      %get3A_3485 = tpu.vector_load %arg13[%get3A_3482, %get3A_3483, %get3A_3484] {strides = array<i32>} : memref<16x8x64xf32, #tpu.memory_space<vmem>>, vector<16xf32>,
      %get3A_3486 = arith.constant 14 : i32
      %get3A_3487 = arith.index_cast %get3A_3486 : i32 to index
      %get3A_3488 = arith.index_cast %squeeze3A_3445 : i32 to index
      %get3A_3489 = arith.constant 48 : index
      %get3A_3490 = tpu.vector_load %arg14[%get3A_3487, %get3A_3488, %get3A_3489] {strides = array<i32>} : memref<16x8x64xf32, #tpu.memory_space<vmem>>, vector<16xf32>,
      %mul3A_3491 = arith.mulf %get3A_3485, %get3A_3490 : vector<16xf32>
      %add3A_3492 = arith.addf %add3A_3480, %mul3A_3491 : vector<16xf32>
      %get3A_3493 = arith.constant 14 : i32
      %get3A_3494 = arith.index_cast %get3A_3493 : i32 to index
      %get3A_3495 = arith.constant 0 : index
      %get3A_3496 = tpu.vector_load %arg17[%get3A_3494, %get3A_3495] {strides = array<i32>} : memref<16x32xf32, #tpu.memory_space<vmem>>, vector<16xf32>,
      %get3A_3497 = arith.constant 14 : i32
      %get3A_3498 = arith.index_cast %get3A_3497 : i32 to index
      %get3A_3499 = arith.index_cast %squeeze3A_3445 : i32 to index
      %get3A_3500 = arith.constant 0 : index
      %get3A_3501 = tpu.vector_load %arg16[%get3A_3498, %get3A_3499, %get3A_3500] {strides = array<i32>} : memref<16x8x32xf32, #tpu.memory_space<vmem>>, vector<16xf32>,
      %mul3A_3502 = arith.mulf %get3A_3496, %get3A_3501 : vector<16xf32>
      %add3A_3503 = arith.addf %add3A_3492, %mul3A_3502 : vector<16xf32>
      %get3A_3504 = arith.constant 14 : i32
      %get3A_3505 = arith.index_cast %get3A_3504 : i32 to index
      %get3A_3506 = arith.constant 0 : index
      %get3A_3507 = tpu.vector_load %arg18[%get3A_3505, %get3A_3506] {strides = array<i32>} : memref<16x32xf32, #tpu.memory_space<vmem>>, vector<16xf32>,
      %get3A_3508 = arith.constant 14 : i32
      %get3A_3509 = arith.index_cast %get3A_3508 : i32 to index
      %get3A_3510 = arith.index_cast %squeeze3A_3443 : i32 to index
      %get3A_3511 = arith.constant 0 : index
      %get3A_3512 = tpu.vector_load %arg15[%get3A_3509, %get3A_3510, %get3A_3511] {strides = array<i32>} : memref<16x8x32xf32, #tpu.memory_space<vmem>>, vector<16xf32>,
      %mul3A_3513 = arith.mulf %get3A_3507, %get3A_3512 : vector<16xf32>
      %add3A_3514 = arith.addf %add3A_3503, %mul3A_3513 : vector<16xf32>
      %get3A_3515 = arith.constant 14 : i32
      %get3A_3516 = arith.index_cast %get3A_3515 : i32 to index
      %get3A_3517 = arith.constant 16 : index
      %get3A_3518 = tpu.vector_load %arg17[%get3A_3516, %get3A_3517] {strides = array<i32>} : memref<16x32xf32, #tpu.memory_space<vmem>>, vector<16xf32>,
      %get3A_3519 = arith.constant 14 : i32
      %get3A_3520 = arith.index_cast %get3A_3519 : i32 to index
      %get3A_3521 = arith.index_cast %squeeze3A_3445 : i32 to index
      %get3A_3522 = arith.constant 16 : index
      %get3A_3523 = tpu.vector_load %arg16[%get3A_3520, %get3A_3521, %get3A_3522] {strides = array<i32>} : memref<16x8x32xf32, #tpu.memory_space<vmem>>, vector<16xf32>,
      %mul3A_3524 = arith.mulf %get3A_3518, %get3A_3523 : vector<16xf32>
      %add3A_3525 = arith.addf %add3A_3514, %mul3A_3524 : vector<16xf32>
      %get3A_3526 = arith.constant 14 : i32
      %get3A_3527 = arith.index_cast %get3A_3526 : i32 to index
      %get3A_3528 = arith.constant 16 : index
      %get3A_3529 = tpu.vector_load %arg18[%get3A_3527, %get3A_3528] {strides = array<i32>} : memref<16x32xf32, #tpu.memory_space<vmem>>, vector<16xf32>,
      %get3A_3530 = arith.constant 14 : i32
      %get3A_3531 = arith.index_cast %get3A_3530 : i32 to index
      %get3A_3532 = arith.index_cast %squeeze3A_3443 : i32 to index
      %get3A_3533 = arith.constant 16 : index
      %get3A_3534 = tpu.vector_load %arg15[%get3A_3531, %get3A_3532, %get3A_3533] {strides = array<i32>} : memref<16x8x32xf32, #tpu.memory_space<vmem>>, vector<16xf32>,
      %mul3A_3535 = arith.mulf %get3A_3529, %get3A_3534 : vector<16xf32>
      %add3A_3536 = arith.addf %add3A_3525, %mul3A_3535 : vector<16xf32>
      %eq3A_3537 = arith.constant 14 : i32
      %eq3A_3538 = vector.broadcast %eq3A_3537 : i32 to vector<16xi32>
      %eq3A_3539 = arith.cmpi eq, %iota3A, %eq3A_3538 : vector<16xi32>
      %reduce_sum3A_3540 = arith.constant true
      %reduce_sum3A_3541 = vector.broadcast %reduce_sum3A_3540 : i1 to vector<16xi1>
      %reduce_sum3A_3542 = tpu.scan <sum>, %add3A_3536 masked %reduce_sum3A_3541 : vector<16xf32>, vector<16xi1> -> vector<16xf32>
      %reduce_sum3A_3543 = vector.extract %reduce_sum3A_3542[15] : f32 from vector<16xf32>
      %jit3A_3544 = arith.constant 0.000000e+00 : f32
      %broadcast_in_dim3A_3545 = vector.broadcast %reduce_sum3A_3543 : f32 to vector<16xf32>
      %broadcast_in_dim3A_3546 = vector.broadcast %jit3A_3544 : f32 to vector<16xf32>
      %select_n3A_3547 = arith.select %eq3A_3539, %broadcast_in_dim3A_3545, %broadcast_in_dim3A_3546 : vector<16xi1>, vector<16xf32>
      %add3A_3548 = arith.addf %add3A_3441, %select_n3A_3547 : vector<16xf32>
      %slice3A_3549 = vector.extract_strided_slice %and3A_99 {offsets = [15], sizes = [1], strides = [1]} : vector<16xi32> to vector<1xi32>
      %squeeze3A_3550 = vector.extract %slice3A_3549[0] : i32 from vector<1xi32>
      %slice3A_3551 = vector.extract_strided_slice %and3A_102 {offsets = [15], sizes = [1], strides = [1]} : vector<16xi32> to vector<1xi32>
      %squeeze3A_3552 = vector.extract %slice3A_3551[0] : i32 from vector<1xi32>
      %get3A_3553 = arith.constant 15 : i32
      %get3A_3554 = arith.index_cast %get3A_3553 : i32 to index
      %get3A_3555 = arith.index_cast %squeeze3A_3550 : i32 to index
      %get3A_3556 = arith.constant 0 : index
      %get3A_3557 = tpu.vector_load %arg13[%get3A_3554, %get3A_3555, %get3A_3556] {strides = array<i32>} : memref<16x8x64xf32, #tpu.memory_space<vmem>>, vector<16xf32>,
      %get3A_3558 = arith.constant 15 : i32
      %get3A_3559 = arith.index_cast %get3A_3558 : i32 to index
      %get3A_3560 = arith.index_cast %squeeze3A_3552 : i32 to index
      %get3A_3561 = arith.constant 0 : index
      %get3A_3562 = tpu.vector_load %arg14[%get3A_3559, %get3A_3560, %get3A_3561] {strides = array<i32>} : memref<16x8x64xf32, #tpu.memory_space<vmem>>, vector<16xf32>,
      %mul3A_3563 = arith.mulf %get3A_3557, %get3A_3562 : vector<16xf32>
      %get3A_3564 = arith.constant 15 : i32
      %get3A_3565 = arith.index_cast %get3A_3564 : i32 to index
      %get3A_3566 = arith.index_cast %squeeze3A_3550 : i32 to index
      %get3A_3567 = arith.constant 16 : index
      %get3A_3568 = tpu.vector_load %arg13[%get3A_3565, %get3A_3566, %get3A_3567] {strides = array<i32>} : memref<16x8x64xf32, #tpu.memory_space<vmem>>, vector<16xf32>,
      %get3A_3569 = arith.constant 15 : i32
      %get3A_3570 = arith.index_cast %get3A_3569 : i32 to index
      %get3A_3571 = arith.index_cast %squeeze3A_3552 : i32 to index
      %get3A_3572 = arith.constant 16 : index
      %get3A_3573 = tpu.vector_load %arg14[%get3A_3570, %get3A_3571, %get3A_3572] {strides = array<i32>} : memref<16x8x64xf32, #tpu.memory_space<vmem>>, vector<16xf32>,
      %mul3A_3574 = arith.mulf %get3A_3568, %get3A_3573 : vector<16xf32>
      %add3A_3575 = arith.addf %mul3A_3563, %mul3A_3574 : vector<16xf32>
      %get3A_3576 = arith.constant 15 : i32
      %get3A_3577 = arith.index_cast %get3A_3576 : i32 to index
      %get3A_3578 = arith.index_cast %squeeze3A_3550 : i32 to index
      %get3A_3579 = arith.constant 32 : index
      %get3A_3580 = tpu.vector_load %arg13[%get3A_3577, %get3A_3578, %get3A_3579] {strides = array<i32>} : memref<16x8x64xf32, #tpu.memory_space<vmem>>, vector<16xf32>,
      %get3A_3581 = arith.constant 15 : i32
      %get3A_3582 = arith.index_cast %get3A_3581 : i32 to index
      %get3A_3583 = arith.index_cast %squeeze3A_3552 : i32 to index
      %get3A_3584 = arith.constant 32 : index
      %get3A_3585 = tpu.vector_load %arg14[%get3A_3582, %get3A_3583, %get3A_3584] {strides = array<i32>} : memref<16x8x64xf32, #tpu.memory_space<vmem>>, vector<16xf32>,
      %mul3A_3586 = arith.mulf %get3A_3580, %get3A_3585 : vector<16xf32>
      %add3A_3587 = arith.addf %add3A_3575, %mul3A_3586 : vector<16xf32>
      %get3A_3588 = arith.constant 15 : i32
      %get3A_3589 = arith.index_cast %get3A_3588 : i32 to index
      %get3A_3590 = arith.index_cast %squeeze3A_3550 : i32 to index
      %get3A_3591 = arith.constant 48 : index
      %get3A_3592 = tpu.vector_load %arg13[%get3A_3589, %get3A_3590, %get3A_3591] {strides = array<i32>} : memref<16x8x64xf32, #tpu.memory_space<vmem>>, vector<16xf32>,
      %get3A_3593 = arith.constant 15 : i32
      %get3A_3594 = arith.index_cast %get3A_3593 : i32 to index
      %get3A_3595 = arith.index_cast %squeeze3A_3552 : i32 to index
      %get3A_3596 = arith.constant 48 : index
      %get3A_3597 = tpu.vector_load %arg14[%get3A_3594, %get3A_3595, %get3A_3596] {strides = array<i32>} : memref<16x8x64xf32, #tpu.memory_space<vmem>>, vector<16xf32>,
      %mul3A_3598 = arith.mulf %get3A_3592, %get3A_3597 : vector<16xf32>
      %add3A_3599 = arith.addf %add3A_3587, %mul3A_3598 : vector<16xf32>
      %get3A_3600 = arith.constant 15 : i32
      %get3A_3601 = arith.index_cast %get3A_3600 : i32 to index
      %get3A_3602 = arith.constant 0 : index
      %get3A_3603 = tpu.vector_load %arg17[%get3A_3601, %get3A_3602] {strides = array<i32>} : memref<16x32xf32, #tpu.memory_space<vmem>>, vector<16xf32>,
      %get3A_3604 = arith.constant 15 : i32
      %get3A_3605 = arith.index_cast %get3A_3604 : i32 to index
      %get3A_3606 = arith.index_cast %squeeze3A_3552 : i32 to index
      %get3A_3607 = arith.constant 0 : index
      %get3A_3608 = tpu.vector_load %arg16[%get3A_3605, %get3A_3606, %get3A_3607] {strides = array<i32>} : memref<16x8x32xf32, #tpu.memory_space<vmem>>, vector<16xf32>,
      %mul3A_3609 = arith.mulf %get3A_3603, %get3A_3608 : vector<16xf32>
      %add3A_3610 = arith.addf %add3A_3599, %mul3A_3609 : vector<16xf32>
      %get3A_3611 = arith.constant 15 : i32
      %get3A_3612 = arith.index_cast %get3A_3611 : i32 to index
      %get3A_3613 = arith.constant 0 : index
      %get3A_3614 = tpu.vector_load %arg18[%get3A_3612, %get3A_3613] {strides = array<i32>} : memref<16x32xf32, #tpu.memory_space<vmem>>, vector<16xf32>,
      %get3A_3615 = arith.constant 15 : i32
      %get3A_3616 = arith.index_cast %get3A_3615 : i32 to index
      %get3A_3617 = arith.index_cast %squeeze3A_3550 : i32 to index
      %get3A_3618 = arith.constant 0 : index
      %get3A_3619 = tpu.vector_load %arg15[%get3A_3616, %get3A_3617, %get3A_3618] {strides = array<i32>} : memref<16x8x32xf32, #tpu.memory_space<vmem>>, vector<16xf32>,
      %mul3A_3620 = arith.mulf %get3A_3614, %get3A_3619 : vector<16xf32>
      %add3A_3621 = arith.addf %add3A_3610, %mul3A_3620 : vector<16xf32>
      %get3A_3622 = arith.constant 15 : i32
      %get3A_3623 = arith.index_cast %get3A_3622 : i32 to index
      %get3A_3624 = arith.constant 16 : index
      %get3A_3625 = tpu.vector_load %arg17[%get3A_3623, %get3A_3624] {strides = array<i32>} : memref<16x32xf32, #tpu.memory_space<vmem>>, vector<16xf32>,
      %get3A_3626 = arith.constant 15 : i32
      %get3A_3627 = arith.index_cast %get3A_3626 : i32 to index
      %get3A_3628 = arith.index_cast %squeeze3A_3552 : i32 to index
      %get3A_3629 = arith.constant 16 : index
      %get3A_3630 = tpu.vector_load %arg16[%get3A_3627, %get3A_3628, %get3A_3629] {strides = array<i32>} : memref<16x8x32xf32, #tpu.memory_space<vmem>>, vector<16xf32>,
      %mul3A_3631 = arith.mulf %get3A_3625, %get3A_3630 : vector<16xf32>
      %add3A_3632 = arith.addf %add3A_3621, %mul3A_3631 : vector<16xf32>
      %get3A_3633 = arith.constant 15 : i32
      %get3A_3634 = arith.index_cast %get3A_3633 : i32 to index
      %get3A_3635 = arith.constant 16 : index
      %get3A_3636 = tpu.vector_load %arg18[%get3A_3634, %get3A_3635] {strides = array<i32>} : memref<16x32xf32, #tpu.memory_space<vmem>>, vector<16xf32>,
      %get3A_3637 = arith.constant 15 : i32
      %get3A_3638 = arith.index_cast %get3A_3637 : i32 to index
      %get3A_3639 = arith.index_cast %squeeze3A_3550 : i32 to index
      %get3A_3640 = arith.constant 16 : index
      %get3A_3641 = tpu.vector_load %arg15[%get3A_3638, %get3A_3639, %get3A_3640] {strides = array<i32>} : memref<16x8x32xf32, #tpu.memory_space<vmem>>, vector<16xf32>,
      %mul3A_3642 = arith.mulf %get3A_3636, %get3A_3641 : vector<16xf32>
      %add3A_3643 = arith.addf %add3A_3632, %mul3A_3642 : vector<16xf32>
      %eq3A_3644 = arith.constant 15 : i32
      %eq3A_3645 = vector.broadcast %eq3A_3644 : i32 to vector<16xi32>
      %eq3A_3646 = arith.cmpi eq, %iota3A, %eq3A_3645 : vector<16xi32>
      %reduce_sum3A_3647 = arith.constant true
      %reduce_sum3A_3648 = vector.broadcast %reduce_sum3A_3647 : i1 to vector<16xi1>
      %reduce_sum3A_3649 = tpu.scan <sum>, %add3A_3643 masked %reduce_sum3A_3648 : vector<16xf32>, vector<16xi1> -> vector<16xf32>
      %reduce_sum3A_3650 = vector.extract %reduce_sum3A_3649[15] : f32 from vector<16xf32>
      %jit3A_3651 = arith.constant 0.000000e+00 : f32
      %broadcast_in_dim3A_3652 = vector.broadcast %reduce_sum3A_3650 : f32 to vector<16xf32>
      %broadcast_in_dim3A_3653 = vector.broadcast %jit3A_3651 : f32 to vector<16xf32>
      %select_n3A_3654 = arith.select %eq3A_3646, %broadcast_in_dim3A_3652, %broadcast_in_dim3A_3653 : vector<16xi1>, vector<16xf32>
      %add3A_3655 = arith.addf %add3A_3548, %select_n3A_3654 : vector<16xf32>
      %mul3A_3656 = arith.constant 16 : i32
      %mul3A_3657 = arith.muli %scan3A_12, %mul3A_3656 : i32
      %swap3A = arith.index_cast %mul3A_3657 : i32 to index
      %swap3A_3658 = tpu.vector_load %arg19[%swap3A] {strides = array<i32>} : memref<512xf32, #tpu.memory_space<vmem>>, vector<16xf32>,
      tpu.vector_store %arg19[%swap3A], %add3A_3655 {strides = array<i32>} : memref<512xf32, #tpu.memory_space<vmem>>, vector<16xf32>,
    }
    %scan3A_11 = arith.constant 32 : i32
    "tpu.region"() ({
      %run_scoped3A = tpu.sem_alloc : memref<!tpu.dma_semaphore, #tpu.memory_space<semaphore_mem>>
      %dma_start3A = tpu.memref_slice %arg10[%mul3A_2] : memref<16384xf32, #tpu.memory_space<hbm>> -> memref<512xf32, #tpu.memory_space<hbm>>
      %dma_start3A_12 = tpu.memref_slice %arg10[%mul3A_2] : memref<16384xf32, #tpu.memory_space<hbm>> -> memref<512xf32, #tpu.memory_space<hbm>>
      tpu.enqueue_dma source(%arg19 : memref<512xf32, #tpu.memory_space<vmem>>) target(%dma_start3A_12 : memref<512xf32, #tpu.memory_space<hbm>>) target_semaphore(%run_scoped3A : memref<!tpu.dma_semaphore, #tpu.memory_space<semaphore_mem>>)
      %dma_wait3A = tpu.memref_slice %arg10[%mul3A_2] : memref<16384xf32, #tpu.memory_space<hbm>> -> memref<512xf32, #tpu.memory_space<hbm>>
      %dma_wait3A_13 = tpu.memref_slice %arg10[%mul3A_2] : memref<16384xf32, #tpu.memory_space<hbm>> -> memref<512xf32, #tpu.memory_space<hbm>>
      tpu.wait_dma2 semaphore(%run_scoped3A : memref<!tpu.dma_semaphore, #tpu.memory_space<semaphore_mem>>) src(%arg19 : memref<512xf32, #tpu.memory_space<vmem>>) dst(%dma_wait3A_13 : memref<512xf32, #tpu.memory_space<hbm>>)
      tpu.yield
    }) : () -> ()
    return
  }
}

#map = affine_map<(d0, d1) -> (0, 0)>
#map1 = affine_map<(d0, d1) -> (0)>
module attributes {stable_mosaic.version = 14 : i64} {
  func.func @_bias_body(%arg0: i32, %arg1: i32, %arg2: memref<128x128xi32, #tpu.memory_space<hbm>>, %arg3: memref<128x128xi32, #tpu.memory_space<hbm>>, %arg4: memref<16384xf32, #tpu.memory_space<hbm>>, %arg5: memref<1000000xf32, #tpu.memory_space<hbm>>, %arg6: memref<100000xf32, #tpu.memory_space<hbm>>, %arg7: memref<16xf32, #tpu.memory_space<hbm>>, %arg8: memref<16384xf32, #tpu.memory_space<hbm>>, %arg9: memref<4x128xi32, #tpu.memory_space<vmem>>, %arg10: memref<4x128xi32, #tpu.memory_space<vmem>>, %arg11: memref<128xf32, #tpu.memory_space<vmem>>, %arg12: memref<128xf32, #tpu.memory_space<vmem>>, %arg13: memref<512xf32, #tpu.memory_space<vmem>>, %arg14: memref<16xf32, #tpu.memory_space<vmem>>, %arg15: memref<!tpu.dma_semaphore, #tpu.memory_space<semaphore_mem>>) attributes {dimension_semantics = [#tpu.dimension_semantics<core_parallel>, #tpu.dimension_semantics<subcore_parallel>], iteration_bounds = array<i64: 2, 16>, scalar_prefetch = 0 : i64, scratch_operands = 7 : i64, tpu.core_type = #tpu.core_type<sc_vector_subcore>, window_params = [{transform_indices = #map}, {transform_indices = #map}, {transform_indices = #map1}, {transform_indices = #map1}, {transform_indices = #map1}, {transform_indices = #map1}, {transform_indices = #map1}]} {
    %mul3A = arith.constant 2 : i32
    %mul3A_0 = arith.muli %arg1, %mul3A : i32
    %add3A = arith.addi %mul3A_0, %arg0 : i32
    %mul3A_1 = arith.constant 512 : i32
    %mul3A_2 = arith.muli %add3A, %mul3A_1 : i32
    %mul3A_3 = arith.constant 4 : i32
    %mul3A_4 = arith.muli %add3A, %mul3A_3 : i32
    "tpu.region"() ({
      %run_scoped3A = tpu.sem_alloc : memref<!tpu.dma_semaphore, #tpu.memory_space<semaphore_mem>>
      %dma_start3A_125 = arith.constant 0 : i32
      %dma_start3A_126 = tpu.memref_slice %arg2[%mul3A_4, %dma_start3A_125] : memref<128x128xi32, #tpu.memory_space<hbm>> -> memref<4x128xi32, #tpu.memory_space<hbm>>
      %dma_start3A_127 = arith.constant 0 : i32
      %dma_start3A_128 = tpu.memref_slice %arg2[%mul3A_4, %dma_start3A_127] : memref<128x128xi32, #tpu.memory_space<hbm>> -> memref<4x128xi32, #tpu.memory_space<hbm>>
      tpu.enqueue_dma source(%dma_start3A_128 : memref<4x128xi32, #tpu.memory_space<hbm>>) target(%arg9 : memref<4x128xi32, #tpu.memory_space<vmem>>) target_semaphore(%run_scoped3A : memref<!tpu.dma_semaphore, #tpu.memory_space<semaphore_mem>>)
      %dma_wait3A_129 = arith.constant 0 : i32
      %dma_wait3A_130 = tpu.memref_slice %arg2[%mul3A_4, %dma_wait3A_129] : memref<128x128xi32, #tpu.memory_space<hbm>> -> memref<4x128xi32, #tpu.memory_space<hbm>>
      %dma_wait3A_131 = arith.constant 0 : i32
      %dma_wait3A_132 = tpu.memref_slice %arg2[%mul3A_4, %dma_wait3A_131] : memref<128x128xi32, #tpu.memory_space<hbm>> -> memref<4x128xi32, #tpu.memory_space<hbm>>
      tpu.wait_dma2 semaphore(%run_scoped3A : memref<!tpu.dma_semaphore, #tpu.memory_space<semaphore_mem>>) src(%dma_wait3A_132 : memref<4x128xi32, #tpu.memory_space<hbm>>) dst(%arg9 : memref<4x128xi32, #tpu.memory_space<vmem>>)
      tpu.yield
    }) : () -> ()
    %mul3A_5 = arith.constant 4 : i32
    %mul3A_6 = arith.muli %add3A, %mul3A_5 : i32
    "tpu.region"() ({
      %run_scoped3A = tpu.sem_alloc : memref<!tpu.dma_semaphore, #tpu.memory_space<semaphore_mem>>
      %dma_start3A_125 = arith.constant 0 : i32
      %dma_start3A_126 = tpu.memref_slice %arg3[%mul3A_6, %dma_start3A_125] : memref<128x128xi32, #tpu.memory_space<hbm>> -> memref<4x128xi32, #tpu.memory_space<hbm>>
      %dma_start3A_127 = arith.constant 0 : i32
      %dma_start3A_128 = tpu.memref_slice %arg3[%mul3A_6, %dma_start3A_127] : memref<128x128xi32, #tpu.memory_space<hbm>> -> memref<4x128xi32, #tpu.memory_space<hbm>>
      tpu.enqueue_dma source(%dma_start3A_128 : memref<4x128xi32, #tpu.memory_space<hbm>>) target(%arg10 : memref<4x128xi32, #tpu.memory_space<vmem>>) target_semaphore(%run_scoped3A : memref<!tpu.dma_semaphore, #tpu.memory_space<semaphore_mem>>)
      %dma_wait3A_129 = arith.constant 0 : i32
      %dma_wait3A_130 = tpu.memref_slice %arg3[%mul3A_6, %dma_wait3A_129] : memref<128x128xi32, #tpu.memory_space<hbm>> -> memref<4x128xi32, #tpu.memory_space<hbm>>
      %dma_wait3A_131 = arith.constant 0 : i32
      %dma_wait3A_132 = tpu.memref_slice %arg3[%mul3A_6, %dma_wait3A_131] : memref<128x128xi32, #tpu.memory_space<hbm>> -> memref<4x128xi32, #tpu.memory_space<hbm>>
      tpu.wait_dma2 semaphore(%run_scoped3A : memref<!tpu.dma_semaphore, #tpu.memory_space<semaphore_mem>>) src(%dma_wait3A_132 : memref<4x128xi32, #tpu.memory_space<hbm>>) dst(%arg10 : memref<4x128xi32, #tpu.memory_space<vmem>>)
      tpu.yield
    }) : () -> ()
    "tpu.region"() ({
      %run_scoped3A = tpu.sem_alloc : memref<!tpu.dma_semaphore, #tpu.memory_space<semaphore_mem>>
      %dma_start3A_125 = tpu.memref_slice %arg4[%mul3A_2] : memref<16384xf32, #tpu.memory_space<hbm>> -> memref<512xf32, #tpu.memory_space<hbm>>
      %dma_start3A_126 = tpu.memref_slice %arg4[%mul3A_2] : memref<16384xf32, #tpu.memory_space<hbm>> -> memref<512xf32, #tpu.memory_space<hbm>>
      tpu.enqueue_dma source(%dma_start3A_126 : memref<512xf32, #tpu.memory_space<hbm>>) target(%arg13 : memref<512xf32, #tpu.memory_space<vmem>>) target_semaphore(%run_scoped3A : memref<!tpu.dma_semaphore, #tpu.memory_space<semaphore_mem>>)
      %dma_wait3A_127 = tpu.memref_slice %arg4[%mul3A_2] : memref<16384xf32, #tpu.memory_space<hbm>> -> memref<512xf32, #tpu.memory_space<hbm>>
      %dma_wait3A_128 = tpu.memref_slice %arg4[%mul3A_2] : memref<16384xf32, #tpu.memory_space<hbm>> -> memref<512xf32, #tpu.memory_space<hbm>>
      tpu.wait_dma2 semaphore(%run_scoped3A : memref<!tpu.dma_semaphore, #tpu.memory_space<semaphore_mem>>) src(%dma_wait3A_128 : memref<512xf32, #tpu.memory_space<hbm>>) dst(%arg13 : memref<512xf32, #tpu.memory_space<vmem>>)
      tpu.yield
    }) : () -> ()
    "tpu.region"() ({
      %run_scoped3A = tpu.sem_alloc : memref<!tpu.dma_semaphore, #tpu.memory_space<semaphore_mem>>
      tpu.enqueue_dma source(%arg7 : memref<16xf32, #tpu.memory_space<hbm>>) target(%arg14 : memref<16xf32, #tpu.memory_space<vmem>>) target_semaphore(%run_scoped3A : memref<!tpu.dma_semaphore, #tpu.memory_space<semaphore_mem>>)
      tpu.wait_dma2 semaphore(%run_scoped3A : memref<!tpu.dma_semaphore, #tpu.memory_space<semaphore_mem>>) src(%arg7 : memref<16xf32, #tpu.memory_space<hbm>>) dst(%arg14 : memref<16xf32, #tpu.memory_space<vmem>>)
      tpu.yield
    }) : () -> ()
    %get3A = arith.constant 0 : index
    %get3A_7 = tpu.vector_load %arg14[%get3A] {strides = array<i32>} : memref<16xf32, #tpu.memory_space<vmem>>, vector<16xf32>,
    %dma_start3A = arith.constant 0 : i32
    %dma_start3A_8 = arith.constant 0 : i32
    %dma_start3A_9 = tpu.memref_slice %arg9[%dma_start3A, %dma_start3A_8] : memref<4x128xi32, #tpu.memory_space<vmem>> -> memref<1x128xi32, #tpu.memory_space<vmem>>
    %dma_start3A_10 = tpu.memref_squeeze %dma_start3A_9 : memref<1x128xi32, #tpu.memory_space<vmem>> -> memref<128xi32, #tpu.memory_space<vmem>>
    %dma_start3A_11 = arith.constant 0 : i32
    %dma_start3A_12 = tpu.memref_slice %arg5[%dma_start3A_11] : memref<1000000xf32, #tpu.memory_space<hbm>> -> memref<1000000xf32, #tpu.memory_space<hbm>>
    tpu.enqueue_indirect_dma source(%dma_start3A_12 : memref<1000000xf32, #tpu.memory_space<hbm>>) target(%arg11 : memref<128xf32, #tpu.memory_space<vmem>>) offsets(%dma_start3A_10 : memref<128xi32, #tpu.memory_space<vmem>>) semaphore(%arg15 : memref<!tpu.dma_semaphore, #tpu.memory_space<semaphore_mem>>)
    %dma_start3A_13 = arith.constant 0 : i32
    %dma_start3A_14 = arith.constant 0 : i32
    %dma_start3A_15 = tpu.memref_slice %arg10[%dma_start3A_13, %dma_start3A_14] : memref<4x128xi32, #tpu.memory_space<vmem>> -> memref<1x128xi32, #tpu.memory_space<vmem>>
    %dma_start3A_16 = tpu.memref_squeeze %dma_start3A_15 : memref<1x128xi32, #tpu.memory_space<vmem>> -> memref<128xi32, #tpu.memory_space<vmem>>
    %dma_start3A_17 = arith.constant 0 : i32
    %dma_start3A_18 = tpu.memref_slice %arg6[%dma_start3A_17] : memref<100000xf32, #tpu.memory_space<hbm>> -> memref<100000xf32, #tpu.memory_space<hbm>>
    tpu.enqueue_indirect_dma source(%dma_start3A_18 : memref<100000xf32, #tpu.memory_space<hbm>>) target(%arg12 : memref<128xf32, #tpu.memory_space<vmem>>) offsets(%dma_start3A_16 : memref<128xi32, #tpu.memory_space<vmem>>) semaphore(%arg15 : memref<!tpu.dma_semaphore, #tpu.memory_space<semaphore_mem>>)
    %dma_wait3A = arith.constant 0 : i32
    %dma_wait3A_19 = arith.constant 0 : i32
    %dma_wait3A_20 = tpu.memref_slice %arg9[%dma_wait3A, %dma_wait3A_19] : memref<4x128xi32, #tpu.memory_space<vmem>> -> memref<1x128xi32, #tpu.memory_space<vmem>>
    %dma_wait3A_21 = tpu.memref_squeeze %dma_wait3A_20 : memref<1x128xi32, #tpu.memory_space<vmem>> -> memref<128xi32, #tpu.memory_space<vmem>>
    %dma_wait3A_22 = arith.constant 0 : i32
    %dma_wait3A_23 = tpu.memref_slice %arg5[%dma_wait3A_22] : memref<1000000xf32, #tpu.memory_space<hbm>> -> memref<1000000xf32, #tpu.memory_space<hbm>>
    tpu.wait_indirect_dma semaphore(%arg15 : memref<!tpu.dma_semaphore, #tpu.memory_space<semaphore_mem>>) src(%dma_wait3A_23 : memref<1000000xf32, #tpu.memory_space<hbm>>) dst(%arg11 : memref<128xf32, #tpu.memory_space<vmem>>)
    %dma_wait3A_24 = arith.constant 0 : i32
    %dma_wait3A_25 = arith.constant 0 : i32
    %dma_wait3A_26 = tpu.memref_slice %arg10[%dma_wait3A_24, %dma_wait3A_25] : memref<4x128xi32, #tpu.memory_space<vmem>> -> memref<1x128xi32, #tpu.memory_space<vmem>>
    %dma_wait3A_27 = tpu.memref_squeeze %dma_wait3A_26 : memref<1x128xi32, #tpu.memory_space<vmem>> -> memref<128xi32, #tpu.memory_space<vmem>>
    %dma_wait3A_28 = arith.constant 0 : i32
    %dma_wait3A_29 = tpu.memref_slice %arg6[%dma_wait3A_28] : memref<100000xf32, #tpu.memory_space<hbm>> -> memref<100000xf32, #tpu.memory_space<hbm>>
    tpu.wait_indirect_dma semaphore(%arg15 : memref<!tpu.dma_semaphore, #tpu.memory_space<semaphore_mem>>) src(%dma_wait3A_29 : memref<100000xf32, #tpu.memory_space<hbm>>) dst(%arg12 : memref<128xf32, #tpu.memory_space<vmem>>)
    %scan3A = arith.constant 0 : i32
    %scan3A_30 = arith.constant 0 : i32
    %scan3A_31 = arith.constant 8 : i32
    %scan3A_32 = arith.addi %scan3A_30, %scan3A_31 : i32
    %scan3A_33 = arith.constant 1 : i32
    scf.for %scan3A_125 = %scan3A_30 to %scan3A_32 step %scan3A_33  : i32 {
      %mul3A_126 = arith.constant 16 : i32
      %mul3A_127 = arith.muli %scan3A_125, %mul3A_126 : i32
      %add3A_128 = arith.constant 0 : i32
      %add3A_129 = arith.addi %add3A_128, %mul3A_127 : i32
      %get3A_130 = arith.index_cast %add3A_129 : i32 to index
      %get3A_131 = tpu.vector_load %arg13[%get3A_130] {strides = array<i32>} : memref<512xf32, #tpu.memory_space<vmem>>, vector<16xf32>,
      %mul3A_132 = arith.constant 16 : i32
      %mul3A_133 = arith.muli %scan3A_125, %mul3A_132 : i32
      %get3A_134 = arith.index_cast %mul3A_133 : i32 to index
      %get3A_135 = tpu.vector_load %arg11[%get3A_134] {strides = array<i32>} : memref<128xf32, #tpu.memory_space<vmem>>, vector<16xf32>,
      %add3A_136 = arith.addf %get3A_131, %get3A_135 : vector<16xf32>
      %mul3A_137 = arith.constant 16 : i32
      %mul3A_138 = arith.muli %scan3A_125, %mul3A_137 : i32
      %get3A_139 = arith.index_cast %mul3A_138 : i32 to index
      %get3A_140 = tpu.vector_load %arg12[%get3A_139] {strides = array<i32>} : memref<128xf32, #tpu.memory_space<vmem>>, vector<16xf32>,
      %add3A_141 = arith.addf %add3A_136, %get3A_140 : vector<16xf32>
      %add3A_142 = arith.addf %add3A_141, %get3A_7 : vector<16xf32>
      %swap3A = arith.index_cast %add3A_129 : i32 to index
      %swap3A_143 = tpu.vector_load %arg13[%swap3A] {strides = array<i32>} : memref<512xf32, #tpu.memory_space<vmem>>, vector<16xf32>,
      tpu.vector_store %arg13[%swap3A], %add3A_142 {strides = array<i32>} : memref<512xf32, #tpu.memory_space<vmem>>, vector<16xf32>,
    }
    %scan3A_34 = arith.constant 8 : i32
    %dma_start3A_35 = arith.constant 1 : i32
    %dma_start3A_36 = arith.constant 0 : i32
    %dma_start3A_37 = tpu.memref_slice %arg9[%dma_start3A_35, %dma_start3A_36] : memref<4x128xi32, #tpu.memory_space<vmem>> -> memref<1x128xi32, #tpu.memory_space<vmem>>
    %dma_start3A_38 = tpu.memref_squeeze %dma_start3A_37 : memref<1x128xi32, #tpu.memory_space<vmem>> -> memref<128xi32, #tpu.memory_space<vmem>>
    %dma_start3A_39 = arith.constant 0 : i32
    %dma_start3A_40 = tpu.memref_slice %arg5[%dma_start3A_39] : memref<1000000xf32, #tpu.memory_space<hbm>> -> memref<1000000xf32, #tpu.memory_space<hbm>>
    tpu.enqueue_indirect_dma source(%dma_start3A_40 : memref<1000000xf32, #tpu.memory_space<hbm>>) target(%arg11 : memref<128xf32, #tpu.memory_space<vmem>>) offsets(%dma_start3A_38 : memref<128xi32, #tpu.memory_space<vmem>>) semaphore(%arg15 : memref<!tpu.dma_semaphore, #tpu.memory_space<semaphore_mem>>)
    %dma_start3A_41 = arith.constant 1 : i32
    %dma_start3A_42 = arith.constant 0 : i32
    %dma_start3A_43 = tpu.memref_slice %arg10[%dma_start3A_41, %dma_start3A_42] : memref<4x128xi32, #tpu.memory_space<vmem>> -> memref<1x128xi32, #tpu.memory_space<vmem>>
    %dma_start3A_44 = tpu.memref_squeeze %dma_start3A_43 : memref<1x128xi32, #tpu.memory_space<vmem>> -> memref<128xi32, #tpu.memory_space<vmem>>
    %dma_start3A_45 = arith.constant 0 : i32
    %dma_start3A_46 = tpu.memref_slice %arg6[%dma_start3A_45] : memref<100000xf32, #tpu.memory_space<hbm>> -> memref<100000xf32, #tpu.memory_space<hbm>>
    tpu.enqueue_indirect_dma source(%dma_start3A_46 : memref<100000xf32, #tpu.memory_space<hbm>>) target(%arg12 : memref<128xf32, #tpu.memory_space<vmem>>) offsets(%dma_start3A_44 : memref<128xi32, #tpu.memory_space<vmem>>) semaphore(%arg15 : memref<!tpu.dma_semaphore, #tpu.memory_space<semaphore_mem>>)
    %dma_wait3A_47 = arith.constant 1 : i32
    %dma_wait3A_48 = arith.constant 0 : i32
    %dma_wait3A_49 = tpu.memref_slice %arg9[%dma_wait3A_47, %dma_wait3A_48] : memref<4x128xi32, #tpu.memory_space<vmem>> -> memref<1x128xi32, #tpu.memory_space<vmem>>
    %dma_wait3A_50 = tpu.memref_squeeze %dma_wait3A_49 : memref<1x128xi32, #tpu.memory_space<vmem>> -> memref<128xi32, #tpu.memory_space<vmem>>
    %dma_wait3A_51 = arith.constant 0 : i32
    %dma_wait3A_52 = tpu.memref_slice %arg5[%dma_wait3A_51] : memref<1000000xf32, #tpu.memory_space<hbm>> -> memref<1000000xf32, #tpu.memory_space<hbm>>
    tpu.wait_indirect_dma semaphore(%arg15 : memref<!tpu.dma_semaphore, #tpu.memory_space<semaphore_mem>>) src(%dma_wait3A_52 : memref<1000000xf32, #tpu.memory_space<hbm>>) dst(%arg11 : memref<128xf32, #tpu.memory_space<vmem>>)
    %dma_wait3A_53 = arith.constant 1 : i32
    %dma_wait3A_54 = arith.constant 0 : i32
    %dma_wait3A_55 = tpu.memref_slice %arg10[%dma_wait3A_53, %dma_wait3A_54] : memref<4x128xi32, #tpu.memory_space<vmem>> -> memref<1x128xi32, #tpu.memory_space<vmem>>
    %dma_wait3A_56 = tpu.memref_squeeze %dma_wait3A_55 : memref<1x128xi32, #tpu.memory_space<vmem>> -> memref<128xi32, #tpu.memory_space<vmem>>
    %dma_wait3A_57 = arith.constant 0 : i32
    %dma_wait3A_58 = tpu.memref_slice %arg6[%dma_wait3A_57] : memref<100000xf32, #tpu.memory_space<hbm>> -> memref<100000xf32, #tpu.memory_space<hbm>>
    tpu.wait_indirect_dma semaphore(%arg15 : memref<!tpu.dma_semaphore, #tpu.memory_space<semaphore_mem>>) src(%dma_wait3A_58 : memref<100000xf32, #tpu.memory_space<hbm>>) dst(%arg12 : memref<128xf32, #tpu.memory_space<vmem>>)
    %scan3A_59 = arith.constant 0 : i32
    %scan3A_60 = arith.constant 0 : i32
    %scan3A_61 = arith.constant 8 : i32
    %scan3A_62 = arith.addi %scan3A_60, %scan3A_61 : i32
    %scan3A_63 = arith.constant 1 : i32
    scf.for %scan3A_125 = %scan3A_60 to %scan3A_62 step %scan3A_63  : i32 {
      %mul3A_126 = arith.constant 16 : i32
      %mul3A_127 = arith.muli %scan3A_125, %mul3A_126 : i32
      %add3A_128 = arith.constant 128 : i32
      %add3A_129 = arith.addi %add3A_128, %mul3A_127 : i32
      %get3A_130 = arith.index_cast %add3A_129 : i32 to index
      %get3A_131 = tpu.vector_load %arg13[%get3A_130] {strides = array<i32>} : memref<512xf32, #tpu.memory_space<vmem>>, vector<16xf32>,
      %mul3A_132 = arith.constant 16 : i32
      %mul3A_133 = arith.muli %scan3A_125, %mul3A_132 : i32
      %get3A_134 = arith.index_cast %mul3A_133 : i32 to index
      %get3A_135 = tpu.vector_load %arg11[%get3A_134] {strides = array<i32>} : memref<128xf32, #tpu.memory_space<vmem>>, vector<16xf32>,
      %add3A_136 = arith.addf %get3A_131, %get3A_135 : vector<16xf32>
      %mul3A_137 = arith.constant 16 : i32
      %mul3A_138 = arith.muli %scan3A_125, %mul3A_137 : i32
      %get3A_139 = arith.index_cast %mul3A_138 : i32 to index
      %get3A_140 = tpu.vector_load %arg12[%get3A_139] {strides = array<i32>} : memref<128xf32, #tpu.memory_space<vmem>>, vector<16xf32>,
      %add3A_141 = arith.addf %add3A_136, %get3A_140 : vector<16xf32>
      %add3A_142 = arith.addf %add3A_141, %get3A_7 : vector<16xf32>
      %swap3A = arith.index_cast %add3A_129 : i32 to index
      %swap3A_143 = tpu.vector_load %arg13[%swap3A] {strides = array<i32>} : memref<512xf32, #tpu.memory_space<vmem>>, vector<16xf32>,
      tpu.vector_store %arg13[%swap3A], %add3A_142 {strides = array<i32>} : memref<512xf32, #tpu.memory_space<vmem>>, vector<16xf32>,
    }
    %scan3A_64 = arith.constant 8 : i32
    %dma_start3A_65 = arith.constant 2 : i32
    %dma_start3A_66 = arith.constant 0 : i32
    %dma_start3A_67 = tpu.memref_slice %arg9[%dma_start3A_65, %dma_start3A_66] : memref<4x128xi32, #tpu.memory_space<vmem>> -> memref<1x128xi32, #tpu.memory_space<vmem>>
    %dma_start3A_68 = tpu.memref_squeeze %dma_start3A_67 : memref<1x128xi32, #tpu.memory_space<vmem>> -> memref<128xi32, #tpu.memory_space<vmem>>
    %dma_start3A_69 = arith.constant 0 : i32
    %dma_start3A_70 = tpu.memref_slice %arg5[%dma_start3A_69] : memref<1000000xf32, #tpu.memory_space<hbm>> -> memref<1000000xf32, #tpu.memory_space<hbm>>
    tpu.enqueue_indirect_dma source(%dma_start3A_70 : memref<1000000xf32, #tpu.memory_space<hbm>>) target(%arg11 : memref<128xf32, #tpu.memory_space<vmem>>) offsets(%dma_start3A_68 : memref<128xi32, #tpu.memory_space<vmem>>) semaphore(%arg15 : memref<!tpu.dma_semaphore, #tpu.memory_space<semaphore_mem>>)
    %dma_start3A_71 = arith.constant 2 : i32
    %dma_start3A_72 = arith.constant 0 : i32
    %dma_start3A_73 = tpu.memref_slice %arg10[%dma_start3A_71, %dma_start3A_72] : memref<4x128xi32, #tpu.memory_space<vmem>> -> memref<1x128xi32, #tpu.memory_space<vmem>>
    %dma_start3A_74 = tpu.memref_squeeze %dma_start3A_73 : memref<1x128xi32, #tpu.memory_space<vmem>> -> memref<128xi32, #tpu.memory_space<vmem>>
    %dma_start3A_75 = arith.constant 0 : i32
    %dma_start3A_76 = tpu.memref_slice %arg6[%dma_start3A_75] : memref<100000xf32, #tpu.memory_space<hbm>> -> memref<100000xf32, #tpu.memory_space<hbm>>
    tpu.enqueue_indirect_dma source(%dma_start3A_76 : memref<100000xf32, #tpu.memory_space<hbm>>) target(%arg12 : memref<128xf32, #tpu.memory_space<vmem>>) offsets(%dma_start3A_74 : memref<128xi32, #tpu.memory_space<vmem>>) semaphore(%arg15 : memref<!tpu.dma_semaphore, #tpu.memory_space<semaphore_mem>>)
    %dma_wait3A_77 = arith.constant 2 : i32
    %dma_wait3A_78 = arith.constant 0 : i32
    %dma_wait3A_79 = tpu.memref_slice %arg9[%dma_wait3A_77, %dma_wait3A_78] : memref<4x128xi32, #tpu.memory_space<vmem>> -> memref<1x128xi32, #tpu.memory_space<vmem>>
    %dma_wait3A_80 = tpu.memref_squeeze %dma_wait3A_79 : memref<1x128xi32, #tpu.memory_space<vmem>> -> memref<128xi32, #tpu.memory_space<vmem>>
    %dma_wait3A_81 = arith.constant 0 : i32
    %dma_wait3A_82 = tpu.memref_slice %arg5[%dma_wait3A_81] : memref<1000000xf32, #tpu.memory_space<hbm>> -> memref<1000000xf32, #tpu.memory_space<hbm>>
    tpu.wait_indirect_dma semaphore(%arg15 : memref<!tpu.dma_semaphore, #tpu.memory_space<semaphore_mem>>) src(%dma_wait3A_82 : memref<1000000xf32, #tpu.memory_space<hbm>>) dst(%arg11 : memref<128xf32, #tpu.memory_space<vmem>>)
    %dma_wait3A_83 = arith.constant 2 : i32
    %dma_wait3A_84 = arith.constant 0 : i32
    %dma_wait3A_85 = tpu.memref_slice %arg10[%dma_wait3A_83, %dma_wait3A_84] : memref<4x128xi32, #tpu.memory_space<vmem>> -> memref<1x128xi32, #tpu.memory_space<vmem>>
    %dma_wait3A_86 = tpu.memref_squeeze %dma_wait3A_85 : memref<1x128xi32, #tpu.memory_space<vmem>> -> memref<128xi32, #tpu.memory_space<vmem>>
    %dma_wait3A_87 = arith.constant 0 : i32
    %dma_wait3A_88 = tpu.memref_slice %arg6[%dma_wait3A_87] : memref<100000xf32, #tpu.memory_space<hbm>> -> memref<100000xf32, #tpu.memory_space<hbm>>
    tpu.wait_indirect_dma semaphore(%arg15 : memref<!tpu.dma_semaphore, #tpu.memory_space<semaphore_mem>>) src(%dma_wait3A_88 : memref<100000xf32, #tpu.memory_space<hbm>>) dst(%arg12 : memref<128xf32, #tpu.memory_space<vmem>>)
    %scan3A_89 = arith.constant 0 : i32
    %scan3A_90 = arith.constant 0 : i32
    %scan3A_91 = arith.constant 8 : i32
    %scan3A_92 = arith.addi %scan3A_90, %scan3A_91 : i32
    %scan3A_93 = arith.constant 1 : i32
    scf.for %scan3A_125 = %scan3A_90 to %scan3A_92 step %scan3A_93  : i32 {
      %mul3A_126 = arith.constant 16 : i32
      %mul3A_127 = arith.muli %scan3A_125, %mul3A_126 : i32
      %add3A_128 = arith.constant 256 : i32
      %add3A_129 = arith.addi %add3A_128, %mul3A_127 : i32
      %get3A_130 = arith.index_cast %add3A_129 : i32 to index
      %get3A_131 = tpu.vector_load %arg13[%get3A_130] {strides = array<i32>} : memref<512xf32, #tpu.memory_space<vmem>>, vector<16xf32>,
      %mul3A_132 = arith.constant 16 : i32
      %mul3A_133 = arith.muli %scan3A_125, %mul3A_132 : i32
      %get3A_134 = arith.index_cast %mul3A_133 : i32 to index
      %get3A_135 = tpu.vector_load %arg11[%get3A_134] {strides = array<i32>} : memref<128xf32, #tpu.memory_space<vmem>>, vector<16xf32>,
      %add3A_136 = arith.addf %get3A_131, %get3A_135 : vector<16xf32>
      %mul3A_137 = arith.constant 16 : i32
      %mul3A_138 = arith.muli %scan3A_125, %mul3A_137 : i32
      %get3A_139 = arith.index_cast %mul3A_138 : i32 to index
      %get3A_140 = tpu.vector_load %arg12[%get3A_139] {strides = array<i32>} : memref<128xf32, #tpu.memory_space<vmem>>, vector<16xf32>,
      %add3A_141 = arith.addf %add3A_136, %get3A_140 : vector<16xf32>
      %add3A_142 = arith.addf %add3A_141, %get3A_7 : vector<16xf32>
      %swap3A = arith.index_cast %add3A_129 : i32 to index
      %swap3A_143 = tpu.vector_load %arg13[%swap3A] {strides = array<i32>} : memref<512xf32, #tpu.memory_space<vmem>>, vector<16xf32>,
      tpu.vector_store %arg13[%swap3A], %add3A_142 {strides = array<i32>} : memref<512xf32, #tpu.memory_space<vmem>>, vector<16xf32>,
    }
    %scan3A_94 = arith.constant 8 : i32
    %dma_start3A_95 = arith.constant 3 : i32
    %dma_start3A_96 = arith.constant 0 : i32
    %dma_start3A_97 = tpu.memref_slice %arg9[%dma_start3A_95, %dma_start3A_96] : memref<4x128xi32, #tpu.memory_space<vmem>> -> memref<1x128xi32, #tpu.memory_space<vmem>>
    %dma_start3A_98 = tpu.memref_squeeze %dma_start3A_97 : memref<1x128xi32, #tpu.memory_space<vmem>> -> memref<128xi32, #tpu.memory_space<vmem>>
    %dma_start3A_99 = arith.constant 0 : i32
    %dma_start3A_100 = tpu.memref_slice %arg5[%dma_start3A_99] : memref<1000000xf32, #tpu.memory_space<hbm>> -> memref<1000000xf32, #tpu.memory_space<hbm>>
    tpu.enqueue_indirect_dma source(%dma_start3A_100 : memref<1000000xf32, #tpu.memory_space<hbm>>) target(%arg11 : memref<128xf32, #tpu.memory_space<vmem>>) offsets(%dma_start3A_98 : memref<128xi32, #tpu.memory_space<vmem>>) semaphore(%arg15 : memref<!tpu.dma_semaphore, #tpu.memory_space<semaphore_mem>>)
    %dma_start3A_101 = arith.constant 3 : i32
    %dma_start3A_102 = arith.constant 0 : i32
    %dma_start3A_103 = tpu.memref_slice %arg10[%dma_start3A_101, %dma_start3A_102] : memref<4x128xi32, #tpu.memory_space<vmem>> -> memref<1x128xi32, #tpu.memory_space<vmem>>
    %dma_start3A_104 = tpu.memref_squeeze %dma_start3A_103 : memref<1x128xi32, #tpu.memory_space<vmem>> -> memref<128xi32, #tpu.memory_space<vmem>>
    %dma_start3A_105 = arith.constant 0 : i32
    %dma_start3A_106 = tpu.memref_slice %arg6[%dma_start3A_105] : memref<100000xf32, #tpu.memory_space<hbm>> -> memref<100000xf32, #tpu.memory_space<hbm>>
    tpu.enqueue_indirect_dma source(%dma_start3A_106 : memref<100000xf32, #tpu.memory_space<hbm>>) target(%arg12 : memref<128xf32, #tpu.memory_space<vmem>>) offsets(%dma_start3A_104 : memref<128xi32, #tpu.memory_space<vmem>>) semaphore(%arg15 : memref<!tpu.dma_semaphore, #tpu.memory_space<semaphore_mem>>)
    %dma_wait3A_107 = arith.constant 3 : i32
    %dma_wait3A_108 = arith.constant 0 : i32
    %dma_wait3A_109 = tpu.memref_slice %arg9[%dma_wait3A_107, %dma_wait3A_108] : memref<4x128xi32, #tpu.memory_space<vmem>> -> memref<1x128xi32, #tpu.memory_space<vmem>>
    %dma_wait3A_110 = tpu.memref_squeeze %dma_wait3A_109 : memref<1x128xi32, #tpu.memory_space<vmem>> -> memref<128xi32, #tpu.memory_space<vmem>>
    %dma_wait3A_111 = arith.constant 0 : i32
    %dma_wait3A_112 = tpu.memref_slice %arg5[%dma_wait3A_111] : memref<1000000xf32, #tpu.memory_space<hbm>> -> memref<1000000xf32, #tpu.memory_space<hbm>>
    tpu.wait_indirect_dma semaphore(%arg15 : memref<!tpu.dma_semaphore, #tpu.memory_space<semaphore_mem>>) src(%dma_wait3A_112 : memref<1000000xf32, #tpu.memory_space<hbm>>) dst(%arg11 : memref<128xf32, #tpu.memory_space<vmem>>)
    %dma_wait3A_113 = arith.constant 3 : i32
    %dma_wait3A_114 = arith.constant 0 : i32
    %dma_wait3A_115 = tpu.memref_slice %arg10[%dma_wait3A_113, %dma_wait3A_114] : memref<4x128xi32, #tpu.memory_space<vmem>> -> memref<1x128xi32, #tpu.memory_space<vmem>>
    %dma_wait3A_116 = tpu.memref_squeeze %dma_wait3A_115 : memref<1x128xi32, #tpu.memory_space<vmem>> -> memref<128xi32, #tpu.memory_space<vmem>>
    %dma_wait3A_117 = arith.constant 0 : i32
    %dma_wait3A_118 = tpu.memref_slice %arg6[%dma_wait3A_117] : memref<100000xf32, #tpu.memory_space<hbm>> -> memref<100000xf32, #tpu.memory_space<hbm>>
    tpu.wait_indirect_dma semaphore(%arg15 : memref<!tpu.dma_semaphore, #tpu.memory_space<semaphore_mem>>) src(%dma_wait3A_118 : memref<100000xf32, #tpu.memory_space<hbm>>) dst(%arg12 : memref<128xf32, #tpu.memory_space<vmem>>)
    %scan3A_119 = arith.constant 0 : i32
    %scan3A_120 = arith.constant 0 : i32
    %scan3A_121 = arith.constant 8 : i32
    %scan3A_122 = arith.addi %scan3A_120, %scan3A_121 : i32
    %scan3A_123 = arith.constant 1 : i32
    scf.for %scan3A_125 = %scan3A_120 to %scan3A_122 step %scan3A_123  : i32 {
      %mul3A_126 = arith.constant 16 : i32
      %mul3A_127 = arith.muli %scan3A_125, %mul3A_126 : i32
      %add3A_128 = arith.constant 384 : i32
      %add3A_129 = arith.addi %add3A_128, %mul3A_127 : i32
      %get3A_130 = arith.index_cast %add3A_129 : i32 to index
      %get3A_131 = tpu.vector_load %arg13[%get3A_130] {strides = array<i32>} : memref<512xf32, #tpu.memory_space<vmem>>, vector<16xf32>,
      %mul3A_132 = arith.constant 16 : i32
      %mul3A_133 = arith.muli %scan3A_125, %mul3A_132 : i32
      %get3A_134 = arith.index_cast %mul3A_133 : i32 to index
      %get3A_135 = tpu.vector_load %arg11[%get3A_134] {strides = array<i32>} : memref<128xf32, #tpu.memory_space<vmem>>, vector<16xf32>,
      %add3A_136 = arith.addf %get3A_131, %get3A_135 : vector<16xf32>
      %mul3A_137 = arith.constant 16 : i32
      %mul3A_138 = arith.muli %scan3A_125, %mul3A_137 : i32
      %get3A_139 = arith.index_cast %mul3A_138 : i32 to index
      %get3A_140 = tpu.vector_load %arg12[%get3A_139] {strides = array<i32>} : memref<128xf32, #tpu.memory_space<vmem>>, vector<16xf32>,
      %add3A_141 = arith.addf %add3A_136, %get3A_140 : vector<16xf32>
      %add3A_142 = arith.addf %add3A_141, %get3A_7 : vector<16xf32>
      %swap3A = arith.index_cast %add3A_129 : i32 to index
      %swap3A_143 = tpu.vector_load %arg13[%swap3A] {strides = array<i32>} : memref<512xf32, #tpu.memory_space<vmem>>, vector<16xf32>,
      tpu.vector_store %arg13[%swap3A], %add3A_142 {strides = array<i32>} : memref<512xf32, #tpu.memory_space<vmem>>, vector<16xf32>,
    }
    %scan3A_124 = arith.constant 8 : i32
    "tpu.region"() ({
      %run_scoped3A = tpu.sem_alloc : memref<!tpu.dma_semaphore, #tpu.memory_space<semaphore_mem>>
      %dma_start3A_125 = tpu.memref_slice %arg8[%mul3A_2] : memref<16384xf32, #tpu.memory_space<hbm>> -> memref<512xf32, #tpu.memory_space<hbm>>
      %dma_start3A_126 = tpu.memref_slice %arg8[%mul3A_2] : memref<16384xf32, #tpu.memory_space<hbm>> -> memref<512xf32, #tpu.memory_space<hbm>>
      tpu.enqueue_dma source(%arg13 : memref<512xf32, #tpu.memory_space<vmem>>) target(%dma_start3A_126 : memref<512xf32, #tpu.memory_space<hbm>>) target_semaphore(%run_scoped3A : memref<!tpu.dma_semaphore, #tpu.memory_space<semaphore_mem>>)
      %dma_wait3A_127 = tpu.memref_slice %arg8[%mul3A_2] : memref<16384xf32, #tpu.memory_space<hbm>> -> memref<512xf32, #tpu.memory_space<hbm>>
      %dma_wait3A_128 = tpu.memref_slice %arg8[%mul3A_2] : memref<16384xf32, #tpu.memory_space<hbm>> -> memref<512xf32, #tpu.memory_space<hbm>>
      tpu.wait_dma2 semaphore(%run_scoped3A : memref<!tpu.dma_semaphore, #tpu.memory_space<semaphore_mem>>) src(%arg13 : memref<512xf32, #tpu.memory_space<vmem>>) dst(%dma_wait3A_128 : memref<512xf32, #tpu.memory_space<hbm>>)
      tpu.yield
    }) : () -> ()
    return
  }
}

</mosaic_0001>

<sc_bundles>
// kernel: kernel.4.cloned.1.call-start
scs
__scs_entry_jumppad:
0x0: {  	(pc) =	sbr.rel $0x88, $3  }
0x1: {  	(tag) =	ssettag $0x0;
	lr =	simm.s32 $0x1  }
0x2: {  	[smem:$0x3F96] =	sst lr;
	_ =	strace $0xD0000000  }
0x3: {  	_ = 	snop  }
0x4: {  	_ = 	snop  }
0x5: {  	_ = 	snop  }
0x6: {  	_ = 	snop  }
0x7: {  	_ = 	snop  }
__scs_overlays_trampoline_lowered:
0x8: {  	[smem:$0x3FA5] =	sst s0  }
0x9: {  	[smem:$0x3FA6] =	sst s1  }
0xa: {  	[smem:$0x3FA7] =	sst s2  }
0xb: {  	[smem:$0x3FA8] =	sst s3  }
0xc: {  	[smem:$0x3FA9] =	sst s4  }
0xd: {  	[smem:$0x3FAA] =	sst s5  }
0xe: {  	[smem:$0x3FAB] =	sst s6  }
0xf: {  	[smem:$0x3FAC] =	sst s7  }
0x10: {  	[smem:$0x3FAD] =	sst s8  }
0x11: {  	[smem:$0x3FAE] =	sst s9;
	s0 =	simm.s32 @!p0 $0x0  }
0x12: {  	s1 =	sld [smem:$0x3F94];
	s0 =	simm.s32 @p0 $0x1  }
0x13: {  	[smem:$0x3FAF] =	sst s0;
	s0 =	simm.s32 @!p1 $0x0  }
0x14: {  	s2 =	sld [smem:$0x3F93];
	s0 =	simm.s32 @p1 $0x1  }
0x15: {  	[smem:$0x3FB0] =	sst s0;
	s0 =	simm.s32 @!p2 $0x0  }
0x16: {  	s3 =	sld [smem:$0x3FDB];
	s0 =	simm.s32 @p2 $0x1  }
0x17: {  	s4 =	simm.s32 $0x1BF5;
	[smem:$0x3FB2] =	sst s0  }
0x18: {  	s0 =	sld [smem:$0x3F95];
	_ =	swait.ge [sflag:s4], $0x0  }
0x19: {  	s7 =	sld [smem:$0x3F96]  }
0x1a: {  	s8 =	sadd.s32 $0xFFFFE003, lr  }
0x1b: {  	s9 =	sadd.s32 $0xFFFFFEF7, lr;
	s5 =	simm.s32 $0xFFFFFFFF;
	p2 =	slt.u32 s8, $0xFFFFF086  }
0x1c: {  	p1 =	slt.u32 s9, $0xF7A;
	s5 =	simm.s32 @!p2 $0x0  }
0x1d: {  	s5 =	simm.s32 @p1 $0x1;
	p0 =	seq.s32 s7, s2  }
0x1e: {  	s7 =	smul.u32 @!p0 $0xF7A, s2;
	p2 =	seq.s32 @!p0 s5, $0x0  }
0x1f: {  	s9 =	smul.u32 $0xF7A, s1;
	s8 =	simm.s32 @!p0 $0x1BF5;
	p2 =	por !p2, p0  }
0x20: {  	[sflag:s8] =	ssyncset.s32 @!p0 $0xFFFFF086;
	s6 =	sadd.s32 @!p0 s3, s7;
	s7 =	simm.s32 @!p0 $0x108  }
0x21: {  	s3 =	sadd.s32 s3, s9;
	s6 =	sadd.s32 @!p0 $0x88, s6;
	s7 =	simm.s32 @p2 $0x1082  }
0x22: {  	[simem:s7], [sflag:s8] =	dma.local @!p0 [hbm:s6], $0xF7A  }
0x23: {  	s9 =	sor.u32 $0xD0000000, s2;
	s6 =	simm.s32 $0x108;
	_ =	swait.ge @!p0 [sflag:s8], $0x0  }
0x24: {  	s3 =	sadd.s32 $0x88, s3;
	s6 =	simm.s32 @!p1 $0x1082;
	[sflag:s4] =	ssyncset.s32 $0xFFFFF086  }
0x25: {  	[simem:s6], [sflag:s4] =	dma.local [hbm:s3], $0xF7A  }
0x26: {  	[smem:$0x3F96] =	sst s1;
	(tag) =	ssettag s2;
	_ =	strace s9  }
0x27: {  	s1 =	sld [smem:$0x3FA6]  }
0x28: {  	s2 =	sld [smem:$0x3FA7]  }
0x29: {  	s4 =	sld [smem:$0x3FA9]  }
0x2a: {  	p0 =	seq.s32 s5, $0x0;
	s5 =	sld [smem:$0x3FAA]  }
0x2b: {  	s6 =	sld [smem:$0x3FAB]  }
0x2c: {  	s7 =	sld [smem:$0x3FAC]  }
0x2d: {  	s3 =	simm.s32 $0x108;
	s8 =	sld [smem:$0x3FAD]  }
0x2e: {  	s3 =	simm.s32 @!p0 $0x1082;
	s9 =	sld [smem:$0x3FAE]  }
0x2f: {  	lr =	sadd.s32 s0, s3;
	s0 =	sld [smem:$0x3FA5]  }
0x30: {  	s3 =	sld [smem:$0x3FA8]  }
0x31: {  	[smem:$0x3FB1] =	sst s10  }
0x32: {  	s10 =	sld [smem:$0x3FAF];
	_ =	sdelay $0x3  }
0x33: {  	p0 =	seq.s32 s10, $0x1;
	s10 =	sld [smem:$0x3FB1];
	_ =	sdelay $0x3  }
0x34: {  	[smem:$0x3FB1] =	sst s10  }
0x35: {  	s10 =	sld [smem:$0x3FB0];
	_ =	sdelay $0x3  }
0x36: {  	p1 =	seq.s32 s10, $0x1;
	s10 =	sld [smem:$0x3FB1];
	_ =	sdelay $0x3  }
0x37: {  	[smem:$0x3FB1] =	sst s10  }
0x38: {  	s10 =	sld [smem:$0x3FB2]  }
0x39: {  	_ = 	snop;
	(pc) =	sbr.ind lr, $3  }
0x3a: {  	_ = 	snop  }
0x3b: {  	_ = 	snop  }
0x3c: {  	p2 =	seq.s32 s10, $0x1;
	s10 =	sld [smem:$0x3FB1]  }
0x3d: {  	_ =	shalt  }
0x3e: {  	_ =	shalt  }
0x3f: {  	_ =	shalt  }
0x40: {  	_ =	shalt  }
0x41: {  	_ =	shalt  }
0x42: {  	_ =	shalt  }
0x43: {  	_ =	shalt  }
0x44: {  	_ =	shalt  }
0x45: {  	_ =	shalt  }
0x46: {  	_ =	shalt  }
0x47: {  	_ =	shalt  }
0x48: {  	_ =	shalt  }
0x49: {  	_ =	shalt  }
0x4a: {  	_ =	shalt  }
0x4b: {  	_ =	shalt  }
0x4c: {  	_ =	shalt  }
0x4d: {  	_ =	shalt  }
0x4e: {  	_ =	shalt  }
0x4f: {  	_ =	shalt  }
0x50: {  	_ =	shalt  }
0x51: {  	_ =	shalt  }
0x52: {  	_ =	shalt  }
0x53: {  	_ =	shalt  }
0x54: {  	_ =	shalt  }
0x55: {  	_ =	shalt  }
0x56: {  	_ =	shalt  }
0x57: {  	_ =	shalt  }
0x58: {  	_ =	shalt  }
0x59: {  	_ =	shalt  }
0x5a: {  	_ =	shalt  }
0x5b: {  	_ =	shalt  }
0x5c: {  	_ =	shalt  }
0x5d: {  	_ =	shalt  }
0x5e: {  	_ =	shalt  }
0x5f: {  	_ =	shalt  }
0x60: {  	_ =	shalt  }
0x61: {  	_ =	shalt  }
0x62: {  	_ =	shalt  }
0x63: {  	_ =	shalt  }
0x64: {  	_ =	shalt  }
0x65: {  	_ =	shalt  }
0x66: {  	_ =	shalt  }
0x67: {  	_ =	shalt  }
0x68: {  	_ =	shalt  }
0x69: {  	_ =	shalt  }
0x6a: {  	_ =	shalt  }
0x6b: {  	_ =	shalt  }
0x6c: {  	_ =	shalt  }
0x6d: {  	_ =	shalt  }
0x6e: {  	_ =	shalt  }
0x6f: {  	_ =	shalt  }
0x70: {  	_ =	shalt  }
0x71: {  	_ =	shalt  }
0x72: {  	_ =	shalt  }
0x73: {  	_ =	shalt  }
0x74: {  	_ =	shalt  }
0x75: {  	_ =	shalt  }
0x76: {  	_ =	shalt  }
0x77: {  	_ =	shalt  }
0x78: {  	_ =	shalt  }
0x79: {  	_ =	shalt  }
0x7a: {  	_ =	shalt  }
0x7b: {  	_ =	shalt  }
0x7c: {  	_ =	shalt  }
0x7d: {  	_ =	shalt  }
0x7e: {  	_ =	shalt  }
0x7f: {  	_ =	shalt  }
0x80: {  	_ =	shalt  }
0x81: {  	_ =	shalt  }
0x82: {  	_ =	shalt  }
0x83: {  	_ =	shalt  }
0x84: {  	_ =	shalt  }
0x85: {  	_ =	shalt  }
0x86: {  	_ =	shalt  }
0x87: {  	_ =	shalt  }
.Lfunc_end0:
.L_simem_size_0:
called_computation_lowered:
.L_overlay_start_0:
0x88: {  	s2 =	sld [smem:$0x3FD9]  }
0x89: {  	s3 =	sld [smem:$0x3FFE];
	_ =	sdelay $0x1  }
0x8a: {  	s1 =	srdreg.scid  }
0x8b: {  	s0 =	sand.u32 $0x1, s1  }
0x8c: {  	s17 =	sshll.u32 s0, $0xA;
	s2 =	sadd.s32 s3, s2  }
0x8d: {  	s2 =	sadd.s32 s2, s17  }
0x8e: {  	[smem:$0x3FBD] =	sst s2  }
0x8f: {  	_ = 	snop  }
0x90: {  	s2 =	sld [smem:$0x3FC9]  }
0x91: {  	s18 =	sld [smem:$0x3FC8];
	(tm) =	ssettm $0x1  }
0x92: {  	s4 =	sld [smem:$0x3FFB];
	_ =	sdelay $0x3  }
0x93: {  	_ =	strace s4  }
0x94: {  	s4 =	sld [smem:$0x3FFC];
	_ =	sdelay $0x3  }
0x95: {  	_ =	strace s4  }
0x96: {  	s4 =	sld [smem:$0x3FFD];
	_ =	sdelay $0x3  }
0x97: {  	_ =	strace s4  }
0x98: {  	_ =	strace $0x8FFFFFFF  }
0x99: {  	s19 =	sld [smem:$0x3FDB];
	_ =	sdelay $0x1  }
0x9a: {  	s5 =	simm.s32 $_scs_section_size  }
0x9b: {  	s6 =	simm.s32 $_size__tile_overlayer_lowered;
	s7 =	simm.s32 $_tile_overlayer_lowered  }
0x9c: {  	s22 =	simm.s32 $0x1BFF;
	s21 =	sshll.u32 s7, $0x1;
	s4 =	sadd.s32 s5, s19  }
0x9d: {  	s8 =	simm.s32 $0x0;
	s20 =	sshll.u32 s6, $0x1;
	s6 =	sadd.s32 s21, s4  }
0x9e: {  	[timem:s8], [sflag:s22] =	dma.local [hbm:s6], s20  }
0x9f: {  	_ =	swait.ge [sflag:s22], s20  }
0xa0: {  	s5 =	ssub.s32 $0x0, s20;
	[sflag:s22] =	ssyncset.done $0x0  }
0xa1: {  	[sflag:s22] =	ssyncadd.s32 s5;
	_ =	sdelay $0x1  }
0xa2: {  	s23 =	simm.s32 $0x1B8B  }
0xa3: {  	_ =	swait.ge [sflag:s23], $0x1  }
0xa4: {  	[sflag:s23] =	ssyncset.done $0x0  }
0xa5: {  	s25 =	simm.s32 $0x1B8E;
	s24 =	sld [smem:$0x3FFE];
	[sflag:s23] =	ssyncadd.s32 $0xFFFFFFFF  }
0xa6: {  	s26 =	simm.s32 $execute0_lowered;
	[smem:$0x3FD2] =	sst s25  }
0xa7: {  	s6 =	sshll.u32 s26, $0x1;
	_ =	strace $0x80000046;
	[dreg:$0x1] =	wrdreg $0xFFFFFFFF  }
0xa8: {  	s28 =	simm.s32 $_size_execute0_lowered;
	s4 =	sadd.s32 s4, s6;
	[dreg:$0x0] =	wrdreg $0x0  }
0xa9: {  	s6 =	sshll.u32 s28, $0x1;
	[dreg:$0x2] =	wrdreg s4  }
0xaa: {  	[dreg:$0x3] =	wrdreg s6  }
0xab: {  	[dreg:$0x4] =	wrdreg $0xC0  }
0xac: {  	_ =	task [dreg:s8], $0x5FFFF  }
0xad: {  	[dreg:$0x1] =	wrdreg $0xFFFFFFFF  }
0xae: {  	[dreg:$0x0] =	wrdreg $0x60  }
0xaf: {  	[dreg:$0x2] =	wrdreg s2  }
0xb0: {  	[dreg:$0x3] =	wrdreg s18  }
0xb1: {  	[dreg:$0x4] =	wrdreg s24  }
0xb2: {  	[dreg:$0x5] =	wrdreg $0x9  }
0xb3: {  	_ =	task.clear_ibuf [dreg:s8], $0x6FFFF;
	_ =	strace $0x90000046  }
0xb4: {  	s29 =	simm.s32 $0x9;
	_ =	strace $0x80000048  }
0xb5: {  	_ =	swait.ge [sflag:s29], $0x1  }
0xb6: {  	[sflag:s29] =	ssyncadd.s32 $0xFFFFFFFF  }
0xb7: {  	_ =	strace $0x90000048  }
0xb8: {  	_ =	sfence  }
0xb9: {  	s30 =	sld [smem:$0x0];
	_ =	sdelay $0x2  }
0xba: {  	s31 =	sshll.u32 s1, $0xD;
	s1 =	sshrl.u32 s1, $0x2  }
0xbb: {  	s3 =	sand.u32 $0x4000, s31;
	s1 =	sadd.s32 s1, s30  }
0xbc: {  	s0 =	sor.u32 s3, s0;
	s1 =	sshll.u32 s1, $0x11  }
0xbd: {  	s0 =	sor.u32 s1, s0  }
0xbe: {  	s0 =	sadd.s32 $0x8F2B, s0  }
0xbf: {  	[sflag:s0] =	ssyncadd.remote.s32 $0x1  }
0xc0: {  	_ =	sfence.sel $0xFFFF  }
0xc1: {  	[dreg:$0x0] =	wrdreg $0xFFFFFFFF;
	(pc) =	sbr.abs _section_cstart, $3  }
0xc2: {  	[dreg:$0x1] =	wrdreg $0xFFFFFFFF  }
0xc3: {  	_ =	task.clear_ibuf [dreg:s8], $0x2FFFF;
	_ =	strace $0x9FFFFFFF  }
0xc4: {  	(tm) =	ssettm $0x7FFFFFFF  }
0xc5: {  	_ =	shalt  }
tec
execute0_lowered:
.L_overlay_start_1:
0x0: {  	(tag) =	ssettag $0x1  }
0x1: {  	s7 =	rddreg [dreg:$0x0]  }
0x2: {  	s8 =	rddreg [dreg:$0x1]  }
0x3: {  	s9 =	rddreg [dreg:$0x2]  }
0x4: {  	s0 =	rddreg [dreg:$0x3];
	s1 =	simm.s32 $0x0  }
0x5: {  	s2 =	simm.s32 $0x10400;
	[smem:$0x7FF] =	sst s1  }
0x6: {  	s12 =	simm.s32 $0x10C00;
	_ =	strace $0x80000047;
	[dreg:$0x4] =	wrdreg s2  }
0x7: {  	s13 =	simm.s32 $0x400;
	[dreg:$0x5] =	wrdreg s12  }
0x8: {  	s14 =	simm.s32 $0x4400;
	[dreg:$0x6] =	wrdreg s13  }
0x9: {  	s15 =	simm.s32 $0x8400;
	[dreg:$0x7] =	wrdreg s14  }
0xa: {  	s16 =	simm.s32 $0xC400;
	[dreg:$0x8] =	wrdreg s15  }
0xb: {  	s17 =	simm.s32 $0x800;
	[dreg:$0x9] =	wrdreg s16  }
0xc: {  	s18 =	simm.s32 $0x4800;
	[dreg:$0xa] =	wrdreg s17  }
0xd: {  	s19 =	simm.s32 $0x8800;
	[dreg:$0xb] =	wrdreg s18  }
0xe: {  	s20 =	simm.s32 $0xC800;
	[dreg:$0xc] =	wrdreg s19  }
0xf: {  	s21 =	simm.s32 $0xC00;
	[dreg:$0xd] =	wrdreg s20  }
0x10: {  	s22 =	simm.s32 $0x4C00;
	[dreg:$0xe] =	wrdreg s21  }
0x11: {  	s23 =	simm.s32 $0x8C00;
	[dreg:$0xf] =	wrdreg s22  }
0x12: {  	s24 =	simm.s32 $0xCC00;
	[dreg:$0x10] =	wrdreg s23  }
0x13: {  	s25 =	simm.s32 $0x1000;
	[dreg:$0x11] =	wrdreg s24  }
0x14: {  	s26 =	simm.s32 $0x5000;
	[dreg:$0x12] =	wrdreg s25  }
0x15: {  	s28 =	simm.s32 $0x9000;
	[dreg:$0x13] =	wrdreg s26  }
0x16: {  	s29 =	simm.s32 $0xD000;
	[dreg:$0x14] =	wrdreg s28  }
0x17: {  	s30 =	simm.s32 $0x1400;
	[dreg:$0x15] =	wrdreg s29  }
0x18: {  	s31 =	simm.s32 $0x5400;
	[dreg:$0x16] =	wrdreg s30  }
0x19: {  	s3 =	simm.s32 $0x9400;
	[dreg:$0x17] =	wrdreg s31  }
0x1a: {  	s4 =	simm.s32 $0xD400;
	[dreg:$0x18] =	wrdreg s3  }
0x1b: {  	s5 =	simm.s32 $0x1800;
	[dreg:$0x19] =	wrdreg s4  }
0x1c: {  	s6 =	simm.s32 $0x5800;
	[dreg:$0x1a] =	wrdreg s5  }
0x1d: {  	s10 =	simm.s32 $0x9800;
	[dreg:$0x1b] =	wrdreg s6  }
0x1e: {  	s11 =	simm.s32 $0xD800;
	[dreg:$0x1c] =	wrdreg s10  }
0x1f: {  	[dreg:$0x1d] =	wrdreg s11;
	s12 =	simm.s32 $0x1C00  }
0x20: {  	s13 =	simm.s32 $0x5C00;
	[dreg:$0x1e] =	wrdreg s12  }
0x21: {  	s14 =	simm.s32 $0x9C00;
	[dreg:$0x1f] =	wrdreg s13  }
0x22: {  	s15 =	simm.s32 $0xDC00;
	[smem:$0x7D8] =	sst s14  }
0x23: {  	s16 =	simm.s32 $0x2000;
	[smem:$0x7D9] =	sst s15  }
0x24: {  	s17 =	simm.s32 $0x6000;
	[smem:$0x7DA] =	sst s16  }
0x25: {  	s18 =	simm.s32 $0xA000;
	[smem:$0x7DB] =	sst s17  }
0x26: {  	s19 =	simm.s32 $0xE000;
	[smem:$0x7DC] =	sst s18  }
0x27: {  	s20 =	simm.s32 $0x2400;
	[smem:$0x7DD] =	sst s19  }
0x28: {  	s21 =	simm.s32 $0x6400;
	[smem:$0x7DE] =	sst s20  }
0x29: {  	s22 =	simm.s32 $0xA400;
	[smem:$0x7DF] =	sst s21  }
0x2a: {  	s23 =	simm.s32 $0xE400;
	[smem:$0x7E0] =	sst s22  }
0x2b: {  	s24 =	simm.s32 $0x2800;
	[smem:$0x7E1] =	sst s23  }
0x2c: {  	s25 =	simm.s32 $0x6800;
	[smem:$0x7E2] =	sst s24  }
0x2d: {  	s26 =	simm.s32 $0xA800;
	[smem:$0x7E3] =	sst s25  }
0x2e: {  	s3 =	simm.s32 $0xE800;
	[smem:$0x7E4] =	sst s26  }
0x2f: {  	s28 =	simm.s32 $0x2C00;
	[smem:$0x7E5] =	sst s3  }
0x30: {  	s29 =	simm.s32 $0x6C00;
	[smem:$0x7E6] =	sst s28  }
0x31: {  	s30 =	simm.s32 $0xAC00;
	[smem:$0x7E7] =	sst s29  }
0x32: {  	s5 =	simm.s32 $0xEC00;
	[smem:$0x7E8] =	sst s30  }
0x33: {  	s6 =	simm.s32 $0x3000;
	[smem:$0x7E9] =	sst s5  }
0x34: {  	s10 =	simm.s32 $0x7000;
	[smem:$0x7EA] =	sst s6  }
0x35: {  	s31 =	simm.s32 $0xB000;
	[smem:$0x7EB] =	sst s10  }
0x36: {  	[smem:$0x7EC] =	sst s31;
	s13 =	simm.s32 $0xF000  }
0x37: {  	s14 =	simm.s32 $0x3400;
	[smem:$0x7ED] =	sst s13  }
0x38: {  	s15 =	simm.s32 $0x7400;
	[smem:$0x7EE] =	sst s14  }
0x39: {  	s16 =	simm.s32 $0xB400;
	[smem:$0x7EF] =	sst s15  }
0x3a: {  	s17 =	simm.s32 $0xF400;
	[smem:$0x7F0] =	sst s16  }
0x3b: {  	s18 =	simm.s32 $0x3800;
	[smem:$0x7F1] =	sst s17  }
0x3c: {  	s20 =	simm.s32 $0x7800;
	[smem:$0x7F2] =	sst s18  }
0x3d: {  	s21 =	simm.s32 $0xB800;
	[smem:$0x7F3] =	sst s20  }
0x3e: {  	s2 =	stileid.u32;
	s22 =	simm.s32 $0xF800;
	[smem:$0x7F4] =	sst s21  }
0x3f: {  	s4 =	sshll.u32 s2, $0xE;
	s23 =	simm.s32 $0x3C00;
	[smem:$0x7F5] =	sst s22  }
0x40: {  	s3 =	sadd.s32 $0x800, s9;
	s24 =	simm.s32 $0x7C00;
	[smem:$0x7F6] =	sst s23  }
0x41: {  	s5 =	sadd.s32 $0xF42C00, s9;
	s25 =	simm.s32 $0xBC00;
	[smem:$0x7F7] =	sst s24  }
0x42: {  	s6 =	sadd.s32 $0x200BA00, s9;
	s26 =	simm.s32 $0xFC00;
	[smem:$0x7F8] =	sst s25  }
0x43: {  	s12 =	srdreg.scid;
	s28 =	simm.s32 $0x4000;
	[smem:$0x7F9] =	sst s26  }
0x44: {  	s29 =	simm.s32 $0x8000;
	s30 =	simm.s32 $0xC000;
	[smem:$0x7FA] =	sst s28  }
0x45: {  	s31 =	simm.s32 $0x10000;
	s11 =	sadd.s32 s4, s9;
	[smem:$0x7FB] =	sst s29  }
0x46: {  	s4 =	sadd.s32 $0x1E85000, s9;
	s12 =	sand.u32 $0x1, s12;
	[smem:$0x7FC] =	sst s30  }
0x47: {  	s13 =	sshll.u32 s2, $0x7;
	[smem:$0x7FD] =	sst s31;
	s16 =	simm.s32 $0x11400  }
0x48: {  	vm0 =	vmmov $0x1;
	s17 =	simm.s32 $0x0;
	s14 =	sshll.u32 s12, $0x6;
	s19 =	ssub.s32 $0x2, s12  }
0x49: {  	vm1 =	vcmask $0x704;
	vm2 =	vcmask $0xB08;
	vm3 =	vcmask $0xF0C;
	s12 =	sshll.u32 s12, $0xD;
	s13 =	sor.u32 s14, s13;
	s15 =	sshrl.u32 s19, $0x1  }
0x4a: {  	vm4 =	vcmask $0x1310;
	vm5 =	vcmask $0x1714;
	vm6 =	vcmask $0x1B18;
	s12 =	sadd.s32 s12, s11;
	s9 =	sadd.s32 s13, s9;
	s14 =	ssub.s32 s19, s15  }
0x4b: {  	vm7 =	vcmask $0x1F1C;
	vm8 =	vcmask $0x2320;
	vm9 =	vcmask $0x2724;
	s7 =	sadd.s32 s7, s13;
	s8 =	sadd.s32 s8, s13;
	s11 =	sadd.s32 $0x2192400, s12  }
0x4c: {  	vm10 =	vcmask $0x2B28;
	vm11 =	vcmask $0x2F2C;
	vm12 =	vcmask $0x3330;
	s12 =	sadd.s32 $0x21D2400, s12;
	s13 =	simm.s32 $0x2;
	s15 =	simm.s32 $0x1  }
0x4d: {  	vm13 =	vcmask $0x3734;
	vm14 =	vcmask $0x3B38;
	vm15 =	vmmov $0x7fff;
	s9 =	sadd.s32 $0x2212400, s9;
	s10 =	smax.u32 s14, $0x1;
	s14 =	simm.s32 $0x200  }
.LBB2_1:
0x4e: {  	[tilespmem:s1], [sflag:$0x2] =	stream.linear.gather [hbm4b:s7+s1], $0x200, $0x38;
	[tilespmem:$0x11600] =	vst v63  }
0x4f: {  	_ =	swait.ge [sflag:s13], $0x200  }
0x50: {  	[sflag:s13] =	ssyncset.done $0x0  }
0x51: {  	[sflag:s13] =	ssyncadd.s32 $0xFFFFFE00  }
0x52: {  	[tilespmem:s14], [sflag:$0x2] =	stream.linear.gather [hbm4b:s8+s1], $0x200, $0x38;
	[tilespmem:$0x11600] =	vst v63  }
0x53: {  	_ =	swait.ge [sflag:s13], $0x200  }
0x54: {  	s18 =	smov.u32 s12;
	[sflag:s13] =	ssyncset.done $0x0  }
0x55: {  	s19 =	smov.u32 s11;
	s20 =	simm.s32 $0x0;
	[sflag:s13] =	ssyncadd.s32 $0xFFFFFE00  }
.LBB2_2:
0x56: {  	s21 =	sshra.s32 s20, $0x2  }
0x57: {  	v1 =	vld [tilespmem:s21+$0x0];
	_ =	sdelay $0x1  }
0x58: {  	v0 =	vld [tilespmem:s21+$0x200];
	_ =	sdelay $0x2  }
0x59: {  	v2 =	vshrl.u32 v1, $0x3  }
0x5a: {  	v2 =	vshll.u32 v2, $0x7  }
0x5b: {  	v3 =	vshrl.u32 v0, $0x3;
	(v2sf) =	vpush v2, $0x0  }
0x5c: {  	v3 =	vshll.u32 v3, $0x7  }
0x5d: {  	(v2sf) =	vpush v3, $0x0;
	_ =	sdelay $0x3  }
0x5e: {  	(v2sf) =	vpush v2, $0x1;
	_ =	sdelay $0x6  }
0x5f: {  	s22 =	rddreg [dreg:$0x4]  }
0x60: {  	[tilespmem:s22], [sflag:$0x1] =	stream.linear.gather [hbm4b:s19+s1], $0x800, $0x38;
	[tilespmem:$0x11600] =	vst v63  }
0x61: {  	s23 =	rddreg [dreg:$0x5];
	s28 =	spop (v2sf);
	(v2sf) =	vpush v3, $0x1  }
0x62: {  	[tilespmem:s23], [sflag:$0x1] =	stream.linear.gather [hbm4b:s18+s1], $0x800, $0x38;
	[tilespmem:$0x11600] =	vst v63  }
0x63: {  	s30 =	spop (v2sf);
	(v2sf) =	vpush v2, $0x2  }
0x64: {  	s22 =	sand.u32 $0x1FFFFF80, s28  }
0x65: {  	s29 =	rddreg [dreg:$0x6];
	s24 =	sadd.s32 s3, s22  }
0x66: {  	[tilespmem:s29], [sflag:$0x1] =	stream.linear.gather [hbm4b:s24+s1], $0x400, $0x38;
	[tilespmem:$0x11600] =	vst v63  }
0x67: {  	s23 =	sand.u32 $0x1FFFFF80, s30;
	s29 =	spop (v2sf);
	(v2sf) =	vpush v3, $0x2  }
0x68: {  	s31 =	rddreg [dreg:$0x7];
	s25 =	sadd.s32 s4, s23  }
0x69: {  	[tilespmem:s31], [sflag:$0x1] =	stream.linear.gather [hbm4b:s25+s1], $0x400, $0x38;
	[tilespmem:$0x11600] =	vst v63  }
0x6a: {  	s26 =	rddreg [dreg:$0x8];
	s22 =	sadd.s32 s5, s22  }
0x6b: {  	[tilespmem:s26], [sflag:$0x1] =	stream.linear.gather [hbm4b:s22+s1], $0x400, $0x38;
	[tilespmem:$0x11600] =	vst v63  }
0x6c: {  	s28 =	sadd.s32 s6, s23;
	s25 =	rddreg [dreg:$0x9];
	s22 =	sand.u32 $0x1FFFFF80, s29  }
0x6d: {  	[tilespmem:s25], [sflag:$0x1] =	stream.linear.gather [hbm4b:s28+s1], $0x400, $0x38;
	[tilespmem:$0x11600] =	vst v63  }
0x6e: {  	s30 =	rddreg [dreg:$0xa];
	s31 =	sadd.s32 s3, s22  }
0x6f: {  	[tilespmem:s30], [sflag:$0x1] =	stream.linear.gather [hbm4b:s31+s1], $0x400, $0x38;
	[tilespmem:$0x11600] =	vst v63  }
0x70: {  	s25 =	spop (v2sf)  }
0x71: {  	s26 =	rddreg [dreg:$0xb];
	(v2sf) =	vpush v2, $0x3;
	s23 =	sand.u32 $0x1FFFFF80, s25  }
0x72: {  	s28 =	sadd.s32 s4, s23;
	s31 =	sadd.s32 s6, s23;
	s23 =	spop (v2sf)  }
0x73: {  	(v2sf) =	vpush v3, $0x3;
	[tilespmem:s26], [sflag:$0x1] =	stream.linear.gather [hbm4b:s28+s1], $0x400, $0x38;
	[tilespmem:$0x11600] =	vst v63  }
0x74: {  	s29 =	rddreg [dreg:$0xc];
	s22 =	sadd.s32 s5, s22  }
0x75: {  	[tilespmem:s29], [sflag:$0x1] =	stream.linear.gather [hbm4b:s22+s1], $0x400, $0x38;
	[tilespmem:$0x11600] =	vst v63  }
0x76: {  	s30 =	rddreg [dreg:$0xd];
	s26 =	spop (v2sf);
	s22 =	sand.u32 $0x1FFFFF80, s23  }
0x77: {  	[tilespmem:s30], [sflag:$0x1] =	stream.linear.gather [hbm4b:s31+s1], $0x400, $0x38;
	[tilespmem:$0x11600] =	vst v63  }
0x78: {  	s24 =	rddreg [dreg:$0xe];
	(v2sf) =	vpush v2, $0x4;
	s23 =	sand.u32 $0x1FFFFF80, s26;
	s25 =	sadd.s32 s3, s22  }
0x79: {  	[tilespmem:s24], [sflag:$0x1] =	stream.linear.gather [hbm4b:s25+s1], $0x400, $0x38;
	[tilespmem:$0x11600] =	vst v63  }
0x7a: {  	s28 =	rddreg [dreg:$0xf];
	s29 =	sadd.s32 s4, s23  }
0x7b: {  	[tilespmem:s28], [sflag:$0x1] =	stream.linear.gather [hbm4b:s29+s1], $0x400, $0x38;
	[tilespmem:$0x11600] =	vst v63  }
0x7c: {  	s22 =	sadd.s32 s5, s22;
	s30 =	rddreg [dreg:$0x10]  }
0x7d: {  	[tilespmem:s30], [sflag:$0x1] =	stream.linear.gather [hbm4b:s22+s1], $0x400, $0x38;
	[tilespmem:$0x11600] =	vst v63  }
0x7e: {  	s23 =	sadd.s32 s6, s23;
	s31 =	rddreg [dreg:$0x11]  }
0x7f: {  	[tilespmem:s31], [sflag:$0x1] =	stream.linear.gather [hbm4b:s23+s1], $0x400, $0x38;
	[tilespmem:$0x11600] =	vst v63  }
0x80: {  	s24 =	spop (v2sf)  }
0x81: {  	(v2sf) =	vpush v3, $0x4;
	s22 =	sand.u32 $0x1FFFFF80, s24  }
0x82: {  	s25 =	rddreg [dreg:$0x12];
	s26 =	sadd.s32 s3, s22;
	s28 =	spop (v2sf)  }
0x83: {  	(v2sf) =	vpush v2, $0x5;
	[tilespmem:s25], [sflag:$0x1] =	stream.linear.gather [hbm4b:s26+s1], $0x400, $0x38;
	[tilespmem:$0x11600] =	vst v63  }
0x84: {  	s23 =	sand.u32 $0x1FFFFF80, s28  }
0x85: {  	s29 =	rddreg [dreg:$0x13];
	s30 =	sadd.s32 s4, s23  }
0x86: {  	[tilespmem:s29], [sflag:$0x1] =	stream.linear.gather [hbm4b:s30+s1], $0x400, $0x38;
	[tilespmem:$0x11600] =	vst v63  }
0x87: {  	s29 =	spop (v2sf);
	(v2sf) =	vpush v3, $0x5;
	_ =	sdelay $0x2  }
0x88: {  	s31 =	rddreg [dreg:$0x14];
	s22 =	sadd.s32 s5, s22  }
0x89: {  	[tilespmem:s31], [sflag:$0x1] =	stream.linear.gather [hbm4b:s22+s1], $0x400, $0x38;
	[tilespmem:$0x11600] =	vst v63  }
0x8a: {  	s25 =	rddreg [dreg:$0x15];
	s28 =	sadd.s32 s6, s23;
	s22 =	sand.u32 $0x1FFFFF80, s29  }
0x8b: {  	[tilespmem:s25], [sflag:$0x1] =	stream.linear.gather [hbm4b:s28+s1], $0x400, $0x38;
	[tilespmem:$0x11600] =	vst v63  }
0x8c: {  	s30 =	rddreg [dreg:$0x16];
	s31 =	sadd.s32 s3, s22  }
0x8d: {  	[tilespmem:s30], [sflag:$0x1] =	stream.linear.gather [hbm4b:s31+s1], $0x400, $0x38;
	[tilespmem:$0x11600] =	vst v63  }
0x8e: {  	s25 =	spop (v2sf)  }
0x8f: {  	s26 =	rddreg [dreg:$0x17];
	(v2sf) =	vpush v2, $0x6;
	s23 =	sand.u32 $0x1FFFFF80, s25  }
0x90: {  	s28 =	sadd.s32 s4, s23;
	s31 =	sadd.s32 s6, s23;
	s23 =	spop (v2sf)  }
0x91: {  	(v2sf) =	vpush v3, $0x6;
	[tilespmem:s26], [sflag:$0x1] =	stream.linear.gather [hbm4b:s28+s1], $0x400, $0x38;
	[tilespmem:$0x11600] =	vst v63  }
0x92: {  	s29 =	rddreg [dreg:$0x18];
	s22 =	sadd.s32 s5, s22  }
0x93: {  	[tilespmem:s29], [sflag:$0x1] =	stream.linear.gather [hbm4b:s22+s1], $0x400, $0x38;
	[tilespmem:$0x11600] =	vst v63  }
0x94: {  	s30 =	rddreg [dreg:$0x19];
	s22 =	sand.u32 $0x1FFFFF80, s23;
	s26 =	spop (v2sf)  }
0x95: {  	[tilespmem:s30], [sflag:$0x1] =	stream.linear.gather [hbm4b:s31+s1], $0x400, $0x38;
	[tilespmem:$0x11600] =	vst v63  }
0x96: {  	s24 =	rddreg [dreg:$0x1a];
	(v2sf) =	vpush v2, $0x7;
	s25 =	sadd.s32 s3, s22;
	s23 =	sand.u32 $0x1FFFFF80, s26  }
0x97: {  	[tilespmem:s24], [sflag:$0x1] =	stream.linear.gather [hbm4b:s25+s1], $0x400, $0x38;
	[tilespmem:$0x11600] =	vst v63  }
0x98: {  	s28 =	rddreg [dreg:$0x1b];
	s29 =	sadd.s32 s4, s23  }
0x99: {  	[tilespmem:s28], [sflag:$0x1] =	stream.linear.gather [hbm4b:s29+s1], $0x400, $0x38;
	[tilespmem:$0x11600] =	vst v63  }
0x9a: {  	s22 =	sadd.s32 s5, s22;
	s30 =	rddreg [dreg:$0x1c]  }
0x9b: {  	[tilespmem:s30], [sflag:$0x1] =	stream.linear.gather [hbm4b:s22+s1], $0x400, $0x38;
	[tilespmem:$0x11600] =	vst v63  }
0x9c: {  	s31 =	rddreg [dreg:$0x1d];
	s23 =	sadd.s32 s6, s23  }
0x9d: {  	[tilespmem:s31], [sflag:$0x1] =	stream.linear.gather [hbm4b:s23+s1], $0x400, $0x38;
	[tilespmem:$0x11600] =	vst v63  }
0x9e: {  	s24 =	spop (v2sf)  }
0x9f: {  	(v2sf) =	vpush v3, $0x7;
	s22 =	sand.u32 $0x1FFFFF80, s24  }
0xa0: {  	s25 =	rddreg [dreg:$0x1e];
	s26 =	sadd.s32 s3, s22;
	s28 =	spop (v2sf)  }
0xa1: {  	(v2sf) =	vpush v2, $0x8;
	[tilespmem:s25], [sflag:$0x1] =	stream.linear.gather [hbm4b:s26+s1], $0x400, $0x38;
	[tilespmem:$0x11600] =	vst v63  }
0xa2: {  	s23 =	sand.u32 $0x1FFFFF80, s28  }
0xa3: {  	s29 =	rddreg [dreg:$0x1f];
	s30 =	sadd.s32 s4, s23  }
0xa4: {  	[tilespmem:s29], [sflag:$0x1] =	stream.linear.gather [hbm4b:s30+s1], $0x400, $0x38;
	[tilespmem:$0x11600] =	vst v63  }
0xa5: {  	s29 =	spop (v2sf);
	(v2sf) =	vpush v3, $0x8  }
0xa6: {  	s31 =	sld [smem:$0x7D8];
	_ =	sdelay $0x1  }
0xa7: {  	s22 =	sadd.s32 s5, s22;
	s25 =	sld [smem:$0x7D9]  }
0xa8: {  	[tilespmem:s31], [sflag:$0x1] =	stream.linear.gather [hbm4b:s22+s1], $0x400, $0x38;
	[tilespmem:$0x11600] =	vst v63  }
0xa9: {  	s28 =	sadd.s32 s6, s23;
	s30 =	sld [smem:$0x7DA];
	s22 =	sand.u32 $0x1FFFFF80, s29  }
0xaa: {  	[tilespmem:s25], [sflag:$0x1] =	stream.linear.gather [hbm4b:s28+s1], $0x400, $0x38;
	[tilespmem:$0x11600] =	vst v63  }
0xab: {  	s31 =	sadd.s32 s3, s22  }
0xac: {  	[tilespmem:s30], [sflag:$0x1] =	stream.linear.gather [hbm4b:s31+s1], $0x400, $0x38;
	[tilespmem:$0x11600] =	vst v63  }
0xad: {  	s26 =	sld [smem:$0x7DB];
	s25 =	spop (v2sf)  }
0xae: {  	s29 =	sld [smem:$0x7DC];
	(v2sf) =	vpush v2, $0x9;
	s23 =	sand.u32 $0x1FFFFF80, s25  }
0xaf: {  	s28 =	sadd.s32 s4, s23;
	s31 =	sadd.s32 s6, s23;
	s23 =	spop (v2sf)  }
0xb0: {  	(v2sf) =	vpush v3, $0x9;
	[tilespmem:s26], [sflag:$0x1] =	stream.linear.gather [hbm4b:s28+s1], $0x400, $0x38;
	[tilespmem:$0x11600] =	vst v63  }
0xb1: {  	s22 =	sadd.s32 s5, s22;
	s30 =	sld [smem:$0x7DD]  }
0xb2: {  	[tilespmem:s29], [sflag:$0x1] =	stream.linear.gather [hbm4b:s22+s1], $0x400, $0x38;
	[tilespmem:$0x11600] =	vst v63  }
0xb3: {  	s24 =	sld [smem:$0x7DE];
	s22 =	sand.u32 $0x1FFFFF80, s23;
	s26 =	spop (v2sf)  }
0xb4: {  	[tilespmem:s30], [sflag:$0x1] =	stream.linear.gather [hbm4b:s31+s1], $0x400, $0x38;
	[tilespmem:$0x11600] =	vst v63  }
0xb5: {  	s28 =	sld [smem:$0x7DF];
	(v2sf) =	vpush v2, $0xA;
	s25 =	sadd.s32 s3, s22;
	s23 =	sand.u32 $0x1FFFFF80, s26  }
0xb6: {  	[tilespmem:s24], [sflag:$0x1] =	stream.linear.gather [hbm4b:s25+s1], $0x400, $0x38;
	[tilespmem:$0x11600] =	vst v63  }
0xb7: {  	s29 =	sadd.s32 s4, s23;
	s30 =	sld [smem:$0x7E0]  }
0xb8: {  	[tilespmem:s28], [sflag:$0x1] =	stream.linear.gather [hbm4b:s29+s1], $0x400, $0x38;
	[tilespmem:$0x11600] =	vst v63  }
0xb9: {  	s22 =	sadd.s32 s5, s22;
	s31 =	sld [smem:$0x7E1]  }
0xba: {  	[tilespmem:s30], [sflag:$0x1] =	stream.linear.gather [hbm4b:s22+s1], $0x400, $0x38;
	[tilespmem:$0x11600] =	vst v63  }
0xbb: {  	s23 =	sadd.s32 s6, s23  }
0xbc: {  	[tilespmem:s31], [sflag:$0x1] =	stream.linear.gather [hbm4b:s23+s1], $0x400, $0x38;
	[tilespmem:$0x11600] =	vst v63  }
0xbd: {  	s25 =	sld [smem:$0x7E2];
	s24 =	spop (v2sf)  }
0xbe: {  	(v2sf) =	vpush v3, $0xA;
	s22 =	sand.u32 $0x1FFFFF80, s24  }
0xbf: {  	s29 =	sld [smem:$0x7E3];
	s26 =	sadd.s32 s3, s22;
	s28 =	spop (v2sf)  }
0xc0: {  	(v2sf) =	vpush v2, $0xB;
	[tilespmem:s25], [sflag:$0x1] =	stream.linear.gather [hbm4b:s26+s1], $0x400, $0x38;
	[tilespmem:$0x11600] =	vst v63  }
0xc1: {  	s23 =	sand.u32 $0x1FFFFF80, s28  }
0xc2: {  	s30 =	sadd.s32 s4, s23  }
0xc3: {  	[tilespmem:s29], [sflag:$0x1] =	stream.linear.gather [hbm4b:s30+s1], $0x400, $0x38;
	[tilespmem:$0x11600] =	vst v63  }
0xc4: {  	s29 =	spop (v2sf);
	(v2sf) =	vpush v3, $0xB  }
0xc5: {  	s31 =	sld [smem:$0x7E4];
	_ =	sdelay $0x1  }
0xc6: {  	s22 =	sadd.s32 s5, s22;
	s25 =	sld [smem:$0x7E5]  }
0xc7: {  	[tilespmem:s31], [sflag:$0x1] =	stream.linear.gather [hbm4b:s22+s1], $0x400, $0x38;
	[tilespmem:$0x11600] =	vst v63  }
0xc8: {  	s28 =	sadd.s32 s6, s23;
	s30 =	sld [smem:$0x7E6];
	s22 =	sand.u32 $0x1FFFFF80, s29  }
0xc9: {  	[tilespmem:s25], [sflag:$0x1] =	stream.linear.gather [hbm4b:s28+s1], $0x400, $0x38;
	[tilespmem:$0x11600] =	vst v63  }
0xca: {  	s31 =	sadd.s32 s3, s22  }
0xcb: {  	[tilespmem:s30], [sflag:$0x1] =	stream.linear.gather [hbm4b:s31+s1], $0x400, $0x38;
	[tilespmem:$0x11600] =	vst v63  }
0xcc: {  	s26 =	sld [smem:$0x7E7];
	s25 =	spop (v2sf)  }
0xcd: {  	s29 =	sld [smem:$0x7E8];
	(v2sf) =	vpush v2, $0xC;
	s23 =	sand.u32 $0x1FFFFF80, s25  }
0xce: {  	s28 =	sadd.s32 s4, s23;
	s31 =	sadd.s32 s6, s23;
	s23 =	spop (v2sf)  }
0xcf: {  	(v2sf) =	vpush v3, $0xC;
	[tilespmem:s26], [sflag:$0x1] =	stream.linear.gather [hbm4b:s28+s1], $0x400, $0x38;
	[tilespmem:$0x11600] =	vst v63  }
0xd0: {  	s22 =	sadd.s32 s5, s22;
	s30 =	sld [smem:$0x7E9]  }
0xd1: {  	[tilespmem:s29], [sflag:$0x1] =	stream.linear.gather [hbm4b:s22+s1], $0x400, $0x38;
	[tilespmem:$0x11600] =	vst v63  }
0xd2: {  	s24 =	sld [smem:$0x7EA];
	s22 =	sand.u32 $0x1FFFFF80, s23;
	s26 =	spop (v2sf)  }
0xd3: {  	[tilespmem:s30], [sflag:$0x1] =	stream.linear.gather [hbm4b:s31+s1], $0x400, $0x38;
	[tilespmem:$0x11600] =	vst v63  }
0xd4: {  	s28 =	sld [smem:$0x7EB];
	(v2sf) =	vpush v2, $0xD;
	s25 =	sadd.s32 s3, s22;
	s23 =	sand.u32 $0x1FFFFF80, s26  }
0xd5: {  	[tilespmem:s24], [sflag:$0x1] =	stream.linear.gather [hbm4b:s25+s1], $0x400, $0x38;
	[tilespmem:$0x11600] =	vst v63  }
0xd6: {  	s29 =	sadd.s32 s4, s23;
	s30 =	sld [smem:$0x7EC]  }
0xd7: {  	[tilespmem:s28], [sflag:$0x1] =	stream.linear.gather [hbm4b:s29+s1], $0x400, $0x38;
	[tilespmem:$0x11600] =	vst v63  }
0xd8: {  	s22 =	sadd.s32 s5, s22;
	s31 =	sld [smem:$0x7ED]  }
0xd9: {  	[tilespmem:s30], [sflag:$0x1] =	stream.linear.gather [hbm4b:s22+s1], $0x400, $0x38;
	[tilespmem:$0x11600] =	vst v63  }
0xda: {  	s23 =	sadd.s32 s6, s23  }
0xdb: {  	[tilespmem:s31], [sflag:$0x1] =	stream.linear.gather [hbm4b:s23+s1], $0x400, $0x38;
	[tilespmem:$0x11600] =	vst v63  }
0xdc: {  	s25 =	sld [smem:$0x7EE];
	s24 =	spop (v2sf)  }
0xdd: {  	(v2sf) =	vpush v3, $0xD;
	s22 =	sand.u32 $0x1FFFFF80, s24  }
0xde: {  	s29 =	sld [smem:$0x7EF];
	s26 =	sadd.s32 s3, s22;
	s28 =	spop (v2sf)  }
0xdf: {  	(v2sf) =	vpush v2, $0xE;
	[tilespmem:s25], [sflag:$0x1] =	stream.linear.gather [hbm4b:s26+s1], $0x400, $0x38;
	[tilespmem:$0x11600] =	vst v63  }
0xe0: {  	s23 =	sand.u32 $0x1FFFFF80, s28  }
0xe1: {  	s30 =	sadd.s32 s4, s23  }
0xe2: {  	[tilespmem:s29], [sflag:$0x1] =	stream.linear.gather [hbm4b:s30+s1], $0x400, $0x38;
	[tilespmem:$0x11600] =	vst v63  }
0xe3: {  	s29 =	spop (v2sf);
	(v2sf) =	vpush v3, $0xE  }
0xe4: {  	s31 =	sld [smem:$0x7F0];
	_ =	sdelay $0x1  }
0xe5: {  	s22 =	sadd.s32 s5, s22;
	s25 =	sld [smem:$0x7F1]  }
0xe6: {  	[tilespmem:s31], [sflag:$0x1] =	stream.linear.gather [hbm4b:s22+s1], $0x400, $0x38;
	[tilespmem:$0x11600] =	vst v63  }
0xe7: {  	s28 =	sadd.s32 s6, s23;
	s30 =	sld [smem:$0x7F2];
	s22 =	sand.u32 $0x1FFFFF80, s29  }
0xe8: {  	[tilespmem:s25], [sflag:$0x1] =	stream.linear.gather [hbm4b:s28+s1], $0x400, $0x38;
	[tilespmem:$0x11600] =	vst v63  }
0xe9: {  	s31 =	sadd.s32 s3, s22  }
0xea: {  	[tilespmem:s30], [sflag:$0x1] =	stream.linear.gather [hbm4b:s31+s1], $0x400, $0x38;
	[tilespmem:$0x11600] =	vst v63  }
0xeb: {  	s26 =	sld [smem:$0x7F3];
	s25 =	spop (v2sf)  }
0xec: {  	s29 =	sld [smem:$0x7F4];
	(v2sf) =	vpush v2, $0xF;
	s23 =	sand.u32 $0x1FFFFF80, s25  }
0xed: {  	s28 =	sadd.s32 s4, s23;
	s31 =	sadd.s32 s6, s23;
	s23 =	spop (v2sf)  }
0xee: {  	(v2sf) =	vpush v3, $0xF;
	[tilespmem:s26], [sflag:$0x1] =	stream.linear.gather [hbm4b:s28+s1], $0x400, $0x38;
	[tilespmem:$0x11600] =	vst v63  }
0xef: {  	s22 =	sadd.s32 s5, s22;
	s30 =	sld [smem:$0x7F5]  }
0xf0: {  	[tilespmem:s29], [sflag:$0x1] =	stream.linear.gather [hbm4b:s22+s1], $0x400, $0x38;
	[tilespmem:$0x11600] =	vst v63  }
0xf1: {  	s24 =	sld [smem:$0x7F6];
	s22 =	sand.u32 $0x1FFFFF80, s23;
	s26 =	spop (v2sf)  }
0xf2: {  	[tilespmem:s30], [sflag:$0x1] =	stream.linear.gather [hbm4b:s31+s1], $0x400, $0x38;
	[tilespmem:$0x11600] =	vst v63  }
0xf3: {  	s28 =	sld [smem:$0x7F7];
	s25 =	sadd.s32 s3, s22;
	s23 =	sand.u32 $0x1FFFFF80, s26  }
0xf4: {  	[tilespmem:s24], [sflag:$0x1] =	stream.linear.gather [hbm4b:s25+s1], $0x400, $0x38;
	[tilespmem:$0x11600] =	vst v63  }
0xf5: {  	s29 =	sadd.s32 s4, s23;
	s30 =	sld [smem:$0x7F8]  }
0xf6: {  	[tilespmem:s28], [sflag:$0x1] =	stream.linear.gather [hbm4b:s29+s1], $0x400, $0x38;
	[tilespmem:$0x11600] =	vst v63  }
0xf7: {  	s22 =	sadd.s32 s5, s22;
	s31 =	sld [smem:$0x7F9]  }
0xf8: {  	[tilespmem:s30], [sflag:$0x1] =	stream.linear.gather [hbm4b:s22+s1], $0x400, $0x38;
	[tilespmem:$0x11600] =	vst v63  }
0xf9: {  	s23 =	sadd.s32 s6, s23  }
0xfa: {  	[tilespmem:s31], [sflag:$0x1] =	stream.linear.gather [hbm4b:s23+s1], $0x400, $0x38;
	[tilespmem:$0x11600] =	vst v63  }
0xfb: {  	s25 =	sld [smem:$0x7FA];
	s24 =	spop (v2sf)  }
0xfc: {  	s22 =	sand.u32 $0x1FFFFF80, s24  }
0xfd: {  	s29 =	sld [smem:$0x7FB];
	s26 =	sadd.s32 s3, s22;
	s28 =	spop (v2sf)  }
0xfe: {  	[tilespmem:s25], [sflag:$0x1] =	stream.linear.gather [hbm4b:s26+s1], $0x400, $0x38;
	[tilespmem:$0x11600] =	vst v63  }
0xff: {  	s23 =	sand.u32 $0x1FFFFF80, s28  }
0x100: {  	s31 =	sld [smem:$0x7FC];
	s30 =	sadd.s32 s4, s23  }
0x101: {  	[tilespmem:s29], [sflag:$0x1] =	stream.linear.gather [hbm4b:s30+s1], $0x400, $0x38;
	[tilespmem:$0x11600] =	vst v63  }
0x102: {  	s22 =	sadd.s32 s5, s22;
	s25 =	sld [smem:$0x7FD]  }
0x103: {  	[tilespmem:s31], [sflag:$0x1] =	stream.linear.gather [hbm4b:s22+s1], $0x400, $0x38;
	[tilespmem:$0x11600] =	vst v63  }
0x104: {  	s28 =	sadd.s32 s6, s23  }
0x105: {  	[tilespmem:s25], [sflag:$0x1] =	stream.linear.gather [hbm4b:s28+s1], $0x400, $0x38;
	[tilespmem:$0x11600] =	vst v63  }
0x106: {  	_ =	swait.ge [sflag:s15], $0x800  }
0x107: {  	[sflag:s15] =	ssyncset.done $0x0  }
0x108: {  	[sflag:s15] =	ssyncadd.s32 $0xFFFFF800  }
0x109: {  	_ =	swait.ge [sflag:s15], $0x800  }
0x10a: {  	[sflag:s15] =	ssyncset.done $0x0  }
0x10b: {  	[sflag:s15] =	ssyncadd.s32 $0xFFFFF800  }
0x10c: {  	_ =	swait.ge [sflag:s15], $0x400  }
0x10d: {  	[sflag:s15] =	ssyncset.done $0x0  }
0x10e: {  	[sflag:s15] =	ssyncadd.s32 $0xFFFFFC00  }
0x10f: {  	_ =	swait.ge [sflag:s15], $0x400  }
0x110: {  	[sflag:s15] =	ssyncset.done $0x0  }
0x111: {  	[sflag:s15] =	ssyncadd.s32 $0xFFFFFC00  }
0x112: {  	_ =	swait.ge [sflag:s15], $0x400  }
0x113: {  	[sflag:s15] =	ssyncset.done $0x0  }
0x114: {  	[sflag:s15] =	ssyncadd.s32 $0xFFFFFC00  }
0x115: {  	_ =	swait.ge [sflag:s15], $0x400  }
0x116: {  	[sflag:s15] =	ssyncset.done $0x0  }
0x117: {  	[sflag:s15] =	ssyncadd.s32 $0xFFFFFC00  }
0x118: {  	_ =	swait.ge [sflag:s15], $0x400  }
0x119: {  	[sflag:s15] =	ssyncset.done $0x0  }
0x11a: {  	[sflag:s15] =	ssyncadd.s32 $0xFFFFFC00  }
0x11b: {  	_ =	swait.ge [sflag:s15], $0x400  }
0x11c: {  	[sflag:s15] =	ssyncset.done $0x0  }
0x11d: {  	[sflag:s15] =	ssyncadd.s32 $0xFFFFFC00  }
0x11e: {  	_ =	swait.ge [sflag:s15], $0x400  }
0x11f: {  	[sflag:s15] =	ssyncset.done $0x0  }
0x120: {  	[sflag:s15] =	ssyncadd.s32 $0xFFFFFC00  }
0x121: {  	_ =	swait.ge [sflag:s15], $0x400  }
0x122: {  	[sflag:s15] =	ssyncset.done $0x0  }
0x123: {  	[sflag:s15] =	ssyncadd.s32 $0xFFFFFC00  }
0x124: {  	_ =	swait.ge [sflag:s15], $0x400  }
0x125: {  	[sflag:s15] =	ssyncset.done $0x0  }
0x126: {  	[sflag:s15] =	ssyncadd.s32 $0xFFFFFC00  }
0x127: {  	_ =	swait.ge [sflag:s15], $0x400  }
0x128: {  	[sflag:s15] =	ssyncset.done $0x0  }
0x129: {  	[sflag:s15] =	ssyncadd.s32 $0xFFFFFC00  }
0x12a: {  	_ =	swait.ge [sflag:s15], $0x400  }
0x12b: {  	[sflag:s15] =	ssyncset.done $0x0  }
0x12c: {  	[sflag:s15] =	ssyncadd.s32 $0xFFFFFC00  }
0x12d: {  	_ =	swait.ge [sflag:s15], $0x400  }
0x12e: {  	[sflag:s15] =	ssyncset.done $0x0  }
0x12f: {  	[sflag:s15] =	ssyncadd.s32 $0xFFFFFC00  }
0x130: {  	_ =	swait.ge [sflag:s15], $0x400  }
0x131: {  	[sflag:s15] =	ssyncset.done $0x0  }
0x132: {  	[sflag:s15] =	ssyncadd.s32 $0xFFFFFC00  }
0x133: {  	_ =	swait.ge [sflag:s15], $0x400  }
0x134: {  	[sflag:s15] =	ssyncset.done $0x0  }
0x135: {  	[sflag:s15] =	ssyncadd.s32 $0xFFFFFC00  }
0x136: {  	_ =	swait.ge [sflag:s15], $0x400  }
0x137: {  	[sflag:s15] =	ssyncset.done $0x0  }
0x138: {  	[sflag:s15] =	ssyncadd.s32 $0xFFFFFC00  }
0x139: {  	_ =	swait.ge [sflag:s15], $0x400  }
0x13a: {  	[sflag:s15] =	ssyncset.done $0x0  }
0x13b: {  	[sflag:s15] =	ssyncadd.s32 $0xFFFFFC00  }
0x13c: {  	_ =	swait.ge [sflag:s15], $0x400  }
0x13d: {  	[sflag:s15] =	ssyncset.done $0x0  }
0x13e: {  	[sflag:s15] =	ssyncadd.s32 $0xFFFFFC00  }
0x13f: {  	_ =	swait.ge [sflag:s15], $0x400  }
0x140: {  	[sflag:s15] =	ssyncset.done $0x0  }
0x141: {  	[sflag:s15] =	ssyncadd.s32 $0xFFFFFC00  }
0x142: {  	_ =	swait.ge [sflag:s15], $0x400  }
0x143: {  	[sflag:s15] =	ssyncset.done $0x0  }
0x144: {  	[sflag:s15] =	ssyncadd.s32 $0xFFFFFC00  }
0x145: {  	_ =	swait.ge [sflag:s15], $0x400  }
0x146: {  	[sflag:s15] =	ssyncset.done $0x0  }
0x147: {  	[sflag:s15] =	ssyncadd.s32 $0xFFFFFC00  }
0x148: {  	_ =	swait.ge [sflag:s15], $0x400  }
0x149: {  	[sflag:s15] =	ssyncset.done $0x0  }
0x14a: {  	[sflag:s15] =	ssyncadd.s32 $0xFFFFFC00  }
0x14b: {  	_ =	swait.ge [sflag:s15], $0x400  }
0x14c: {  	[sflag:s15] =	ssyncset.done $0x0  }
0x14d: {  	[sflag:s15] =	ssyncadd.s32 $0xFFFFFC00  }
0x14e: {  	_ =	swait.ge [sflag:s15], $0x400  }
0x14f: {  	[sflag:s15] =	ssyncset.done $0x0  }
0x150: {  	[sflag:s15] =	ssyncadd.s32 $0xFFFFFC00  }
0x151: {  	_ =	swait.ge [sflag:s15], $0x400  }
0x152: {  	[sflag:s15] =	ssyncset.done $0x0  }
0x153: {  	[sflag:s15] =	ssyncadd.s32 $0xFFFFFC00  }
0x154: {  	_ =	swait.ge [sflag:s15], $0x400  }
0x155: {  	[sflag:s15] =	ssyncset.done $0x0  }
0x156: {  	[sflag:s15] =	ssyncadd.s32 $0xFFFFFC00  }
0x157: {  	_ =	swait.ge [sflag:s15], $0x400  }
0x158: {  	[sflag:s15] =	ssyncset.done $0x0  }
0x159: {  	[sflag:s15] =	ssyncadd.s32 $0xFFFFFC00  }
0x15a: {  	_ =	swait.ge [sflag:s15], $0x400  }
0x15b: {  	[sflag:s15] =	ssyncset.done $0x0  }
0x15c: {  	[sflag:s15] =	ssyncadd.s32 $0xFFFFFC00  }
0x15d: {  	_ =	swait.ge [sflag:s15], $0x400  }
0x15e: {  	[sflag:s15] =	ssyncset.done $0x0  }
0x15f: {  	[sflag:s15] =	ssyncadd.s32 $0xFFFFFC00  }
0x160: {  	_ =	swait.ge [sflag:s15], $0x400  }
0x161: {  	[sflag:s15] =	ssyncset.done $0x0  }
0x162: {  	[sflag:s15] =	ssyncadd.s32 $0xFFFFFC00  }
0x163: {  	_ =	swait.ge [sflag:s15], $0x400  }
0x164: {  	[sflag:s15] =	ssyncset.done $0x0  }
0x165: {  	[sflag:s15] =	ssyncadd.s32 $0xFFFFFC00  }
0x166: {  	_ =	swait.ge [sflag:s15], $0x400  }
0x167: {  	[sflag:s15] =	ssyncset.done $0x0  }
0x168: {  	[sflag:s15] =	ssyncadd.s32 $0xFFFFFC00  }
0x169: {  	_ =	swait.ge [sflag:s15], $0x400  }
0x16a: {  	[sflag:s15] =	ssyncset.done $0x0  }
0x16b: {  	[sflag:s15] =	ssyncadd.s32 $0xFFFFFC00  }
0x16c: {  	_ =	swait.ge [sflag:s15], $0x400  }
0x16d: {  	[sflag:s15] =	ssyncset.done $0x0  }
0x16e: {  	[sflag:s15] =	ssyncadd.s32 $0xFFFFFC00  }
0x16f: {  	_ =	swait.ge [sflag:s15], $0x400  }
0x170: {  	[sflag:s15] =	ssyncset.done $0x0  }
0x171: {  	[sflag:s15] =	ssyncadd.s32 $0xFFFFFC00  }
0x172: {  	_ =	swait.ge [sflag:s15], $0x400  }
0x173: {  	[sflag:s15] =	ssyncset.done $0x0  }
0x174: {  	[sflag:s15] =	ssyncadd.s32 $0xFFFFFC00  }
0x175: {  	_ =	swait.ge [sflag:s15], $0x400  }
0x176: {  	[sflag:s15] =	ssyncset.done $0x0  }
0x177: {  	[sflag:s15] =	ssyncadd.s32 $0xFFFFFC00  }
0x178: {  	_ =	swait.ge [sflag:s15], $0x400  }
0x179: {  	[sflag:s15] =	ssyncset.done $0x0  }
0x17a: {  	[sflag:s15] =	ssyncadd.s32 $0xFFFFFC00  }
0x17b: {  	_ =	swait.ge [sflag:s15], $0x400  }
0x17c: {  	[sflag:s15] =	ssyncset.done $0x0  }
0x17d: {  	[sflag:s15] =	ssyncadd.s32 $0xFFFFFC00  }
0x17e: {  	_ =	swait.ge [sflag:s15], $0x400  }
0x17f: {  	[sflag:s15] =	ssyncset.done $0x0  }
0x180: {  	[sflag:s15] =	ssyncadd.s32 $0xFFFFFC00  }
0x181: {  	_ =	swait.ge [sflag:s15], $0x400  }
0x182: {  	[sflag:s15] =	ssyncset.done $0x0  }
0x183: {  	[sflag:s15] =	ssyncadd.s32 $0xFFFFFC00  }
0x184: {  	_ =	swait.ge [sflag:s15], $0x400  }
0x185: {  	[sflag:s15] =	ssyncset.done $0x0  }
0x186: {  	[sflag:s15] =	ssyncadd.s32 $0xFFFFFC00  }
0x187: {  	_ =	swait.ge [sflag:s15], $0x400  }
0x188: {  	[sflag:s15] =	ssyncset.done $0x0  }
0x189: {  	[sflag:s15] =	ssyncadd.s32 $0xFFFFFC00  }
0x18a: {  	_ =	swait.ge [sflag:s15], $0x400  }
0x18b: {  	[sflag:s15] =	ssyncset.done $0x0  }
0x18c: {  	[sflag:s15] =	ssyncadd.s32 $0xFFFFFC00  }
0x18d: {  	_ =	swait.ge [sflag:s15], $0x400  }
0x18e: {  	[sflag:s15] =	ssyncset.done $0x0  }
0x18f: {  	[sflag:s15] =	ssyncadd.s32 $0xFFFFFC00  }
0x190: {  	_ =	swait.ge [sflag:s15], $0x400  }
0x191: {  	[sflag:s15] =	ssyncset.done $0x0  }
0x192: {  	[sflag:s15] =	ssyncadd.s32 $0xFFFFFC00  }
0x193: {  	_ =	swait.ge [sflag:s15], $0x400  }
0x194: {  	[sflag:s15] =	ssyncset.done $0x0  }
0x195: {  	[sflag:s15] =	ssyncadd.s32 $0xFFFFFC00  }
0x196: {  	_ =	swait.ge [sflag:s15], $0x400  }
0x197: {  	[sflag:s15] =	ssyncset.done $0x0  }
0x198: {  	[sflag:s15] =	ssyncadd.s32 $0xFFFFFC00  }
0x199: {  	_ =	swait.ge [sflag:s15], $0x400  }
0x19a: {  	[sflag:s15] =	ssyncset.done $0x0  }
0x19b: {  	[sflag:s15] =	ssyncadd.s32 $0xFFFFFC00  }
0x19c: {  	_ =	swait.ge [sflag:s15], $0x400  }
0x19d: {  	[sflag:s15] =	ssyncset.done $0x0  }
0x19e: {  	[sflag:s15] =	ssyncadd.s32 $0xFFFFFC00  }
0x19f: {  	_ =	swait.ge [sflag:s15], $0x400  }
0x1a0: {  	[sflag:s15] =	ssyncset.done $0x0  }
0x1a1: {  	[sflag:s15] =	ssyncadd.s32 $0xFFFFFC00  }
0x1a2: {  	_ =	swait.ge [sflag:s15], $0x400  }
0x1a3: {  	[sflag:s15] =	ssyncset.done $0x0  }
0x1a4: {  	[sflag:s15] =	ssyncadd.s32 $0xFFFFFC00  }
0x1a5: {  	_ =	swait.ge [sflag:s15], $0x400  }
0x1a6: {  	[sflag:s15] =	ssyncset.done $0x0  }
0x1a7: {  	[sflag:s15] =	ssyncadd.s32 $0xFFFFFC00  }
0x1a8: {  	_ =	swait.ge [sflag:s15], $0x400  }
0x1a9: {  	[sflag:s15] =	ssyncset.done $0x0  }
0x1aa: {  	[sflag:s15] =	ssyncadd.s32 $0xFFFFFC00  }
0x1ab: {  	_ =	swait.ge [sflag:s15], $0x400  }
0x1ac: {  	[sflag:s15] =	ssyncset.done $0x0  }
0x1ad: {  	[sflag:s15] =	ssyncadd.s32 $0xFFFFFC00  }
0x1ae: {  	_ =	swait.ge [sflag:s15], $0x400  }
0x1af: {  	[sflag:s15] =	ssyncset.done $0x0  }
0x1b0: {  	[sflag:s15] =	ssyncadd.s32 $0xFFFFFC00  }
0x1b1: {  	_ =	swait.ge [sflag:s15], $0x400  }
0x1b2: {  	[sflag:s15] =	ssyncset.done $0x0  }
0x1b3: {  	[sflag:s15] =	ssyncadd.s32 $0xFFFFFC00  }
0x1b4: {  	_ =	swait.ge [sflag:s15], $0x400  }
0x1b5: {  	[sflag:s15] =	ssyncset.done $0x0  }
0x1b6: {  	[sflag:s15] =	ssyncadd.s32 $0xFFFFFC00  }
0x1b7: {  	_ =	swait.ge [sflag:s15], $0x400  }
0x1b8: {  	[sflag:s15] =	ssyncset.done $0x0  }
0x1b9: {  	[sflag:s15] =	ssyncadd.s32 $0xFFFFFC00  }
0x1ba: {  	_ =	swait.ge [sflag:s15], $0x400  }
0x1bb: {  	[sflag:s15] =	ssyncset.done $0x0  }
0x1bc: {  	[sflag:s15] =	ssyncadd.s32 $0xFFFFFC00  }
0x1bd: {  	_ =	swait.ge [sflag:s15], $0x400  }
0x1be: {  	[sflag:s15] =	ssyncset.done $0x0  }
0x1bf: {  	[sflag:s15] =	ssyncadd.s32 $0xFFFFFC00  }
0x1c0: {  	_ =	swait.ge [sflag:s15], $0x400  }
0x1c1: {  	[sflag:s15] =	ssyncset.done $0x0  }
0x1c2: {  	[sflag:s15] =	ssyncadd.s32 $0xFFFFFC00  }
0x1c3: {  	_ =	swait.ge [sflag:s15], $0x400  }
0x1c4: {  	[sflag:s15] =	ssyncset.done $0x0  }
0x1c5: {  	[sflag:s15] =	ssyncadd.s32 $0xFFFFFC00  }
0x1c6: {  	_ =	swait.ge [sflag:s15], $0x400  }
0x1c7: {  	[sflag:s15] =	ssyncset.done $0x0  }
0x1c8: {  	v1 =	vand.u32 $0x7, v1;
	[sflag:s15] =	ssyncadd.s32 $0xFFFFFC00  }
0x1c9: {  	v18 =	vshll.u32 v1, $0x7;
	_ =	swait.ge [sflag:s15], $0x400  }
0x1ca: {  	(v2sf) =	vpush v18, $0x0;
	_ =	sdelay $0x5  }
0x1cb: {  	v0 =	vand.u32 $0x7, v0  }
0x1cc: {  	v19 =	vshll.u32 v0, $0x7  }
0x1cd: {  	(v2sf) =	vpush v19, $0x0;
	_ =	sdelay $0x2  }
0x1ce: {  	[sflag:s15] =	ssyncset.done $0x0  }
0x1cf: {  	[sflag:s15] =	ssyncadd.s32 $0xFFFFFC00  }
0x1d0: {  	v56 =	vld [tilespmem:$0x10400]  }
0x1d1: {  	v31 =	vld [tilespmem:$0x10C00]  }
0x1d2: {  	v34 =	vld [tilespmem:$0x10410];
	s29 =	spop (v2sf);
	(v2sf) =	vpush v18, $0x1  }
0x1d3: {  	v36 =	vld [tilespmem:$0x10C10]  }
0x1d4: {  	v52 =	vld [tilespmem:$0x10480]  }
0x1d5: {  	v60 =	vld [tilespmem:$0x10C80]  }
0x1d6: {  	v40 =	vld [tilespmem:$0x10490]  }
0x1d7: {  	v43 =	vld [tilespmem:$0x10C90]  }
0x1d8: {  	v50 =	vld [tilespmem:$0x10500]  }
0x1d9: {  	v45 =	vld [tilespmem:$0x10D00]  }
0x1da: {  	v51 =	vld [tilespmem:$0x10510];
	s30 =	spop (v2sf);
	(v2sf) =	vpush v19, $0x1  }
0x1db: {  	v54 =	vld [tilespmem:$0x10D10]  }
0x1dc: {  	v38 =	vld [tilespmem:s29+$0x400]  }
0x1dd: {  	v29 =	vld [tilespmem:s29+$0x410]  }
0x1de: {  	v42 =	vld [tilespmem:s29+$0x420]  }
0x1df: {  	v49 =	vld [tilespmem:s29+$0x430]  }
0x1e0: {  	v33 =	vld [tilespmem:s29+$0x8400]  }
0x1e1: {  	v37 =	vld [tilespmem:s29+$0x8410];
	s31 =	spop (v2sf);
	(v2sf) =	vpush v18, $0x2  }
0x1e2: {  	v32 =	vld [tilespmem:s30+$0x4400]  }
0x1e3: {  	v27 =	vld [tilespmem:s30+$0x4410]  }
0x1e4: {  	v39 =	vld [tilespmem:s30+$0x4420]  }
0x1e5: {  	v46 =	vld [tilespmem:s30+$0x4430]  }
0x1e6: {  	v61 =	vld [tilespmem:s30+$0xC400]  }
0x1e7: {  	v35 =	vld [tilespmem:s30+$0xC410]  }
0x1e8: {  	v23 =	vld [tilespmem:s31+$0x800]  }
0x1e9: {  	s24 =	spop (v2sf);
	(v2sf) =	vpush v19, $0x2;
	v14 =	vld [tilespmem:s31+$0x810]  }
0x1ea: {  	v24 =	vld [tilespmem:s31+$0x820]  }
0x1eb: {  	[tilespmem:$0x1F960] =	vst v37;
	v37 =	vld [tilespmem:s31+$0x830]  }
0x1ec: {  	v59 =	vld [tilespmem:s31+$0x8800]  }
0x1ed: {  	v44 =	vld [tilespmem:s31+$0x8810]  }
0x1ee: {  	v20 =	vld [tilespmem:s24+$0x4800]  }
0x1ef: {  	v11 =	vld [tilespmem:s24+$0x4810]  }
0x1f0: {  	v22 =	vld [tilespmem:s24+$0x4820];
	s25 =	spop (v2sf);
	(v2sf) =	vpush v18, $0x3  }
0x1f1: {  	[tilespmem:$0x1F930] =	vst v34;
	v34 =	vld [tilespmem:s24+$0x4830]  }
0x1f2: {  	v48 =	vld [tilespmem:s24+$0xC800]  }
0x1f3: {  	[tilespmem:$0x1F910] =	vst v31;
	v41 =	vld [tilespmem:s24+$0xC810]  }
0x1f4: {  	[tilespmem:$0x1F950] =	vst v36;
	v15 =	vld [tilespmem:s25+$0xC00]  }
0x1f5: {  	[tilespmem:$0x1F970] =	vst v40;
	v5 =	vld [tilespmem:s25+$0xC10]  }
0x1f6: {  	[tilespmem:$0x1F9A0] =	vst v43;
	v0 =	vld [tilespmem:s25+$0xC20]  }
0x1f7: {  	[tilespmem:$0x1F920] =	vst v33;
	v33 =	vld [tilespmem:s25+$0xC30]  }
0x1f8: {  	[tilespmem:$0x1F990] =	vst v45;
	s26 =	spop (v2sf);
	v62 =	vld [tilespmem:s25+$0x8C00]  }
0x1f9: {  	[tilespmem:$0x1F9C0] =	vst v51;
	v53 =	vld [tilespmem:s26+$0xCC10]  }
0x1fa: {  	[tilespmem:$0x1FA00] =	vst v54;
	(v2sf) =	vpush v19, $0x3;
	v8 =	vld [tilespmem:s26+$0x4C00]  }
0x1fb: {  	[tilespmem:$0x1F940] =	vst v35;
	v4 =	vld [tilespmem:s26+$0x4C10]  }
0x1fc: {  	[tilespmem:$0x1F9B0] =	vst v44;
	v16 =	vld [tilespmem:s26+$0x4C20]  }
0x1fd: {  	[tilespmem:$0x1F980] =	vst v41;
	v31 =	vld [tilespmem:s26+$0x4C30]  }
0x1fe: {  	v47 =	vld [tilespmem:s26+$0xCC00];
	[tilespmem:$0x1F9D0] =	vst v53  }
0x1ff: {  	v1 =	vld [tilespmem:s25+$0x8C10];
	s22 =	spop (v2sf);
	(v2sf) =	vpush v18, $0x4;
	_ =	sdelay $0x9  }
0x200: {  	s28 =	spop (v2sf);
	(v2sf) =	vpush v19, $0x4;
	_ =	sdelay $0x4  }
0x201: {  	s29 =	spop (v2sf);
	(v2sf) =	vpush v18, $0x5;
	_ =	sdelay $0x5  }
0x202: {  	v63 =	vld [tilespmem:$0x10D90];
	_ =	sdelay $0x3  }
0x203: {  	s30 =	spop (v2sf);
	(v2sf) =	vpush v19, $0x5  }
0x204: {  	[tilespmem:$0x1FA60] =	vst v63;
	v63 =	vld [tilespmem:$0x10E80];
	_ =	sdelay $0x3  }
0x205: {  	s31 =	spop (v2sf)  }
0x206: {  	[tilespmem:$0x1FAC0] =	vst v63;
	v63 =	vld [tilespmem:s31+$0x9800];
	_ =	sdelay $0x4  }
0x207: {  	[tilespmem:$0x1FAD0] =	vst v63;
	v63 =	vld [tilespmem:$0x10690];
	_ =	sdelay $0x3  }
0x208: {  	(v2sf) =	vpush v18, $0x6;
	s24 =	spop (v2sf)  }
0x209: {  	[tilespmem:$0x1FB00] =	vst v63;
	v63 =	vld [tilespmem:s24+$0xD810];
	_ =	sdelay $0x3  }
0x20a: {  	(v2sf) =	vpush v19, $0x6  }
0x20b: {  	[tilespmem:$0x1FB10] =	vst v63;
	v63 =	vld [tilespmem:$0x10E90];
	_ =	sdelay $0x4  }
0x20c: {  	[tilespmem:$0x1FB20] =	vst v63;
	v63 =	vld [tilespmem:s31+$0x9810];
	_ =	sdelay $0x3  }
0x20d: {  	s25 =	spop (v2sf)  }
0x20e: {  	[tilespmem:$0x1FB30] =	vst v63;
	v63 =	vld [tilespmem:s25+$0x1C00];
	_ =	sdelay $0x3  }
0x20f: {  	s26 =	spop (v2sf)  }
0x210: {  	[tilespmem:$0x1FB40] =	vst v63;
	v63 =	vld [tilespmem:s26+$0x5C00];
	_ =	sdelay $0x4  }
0x211: {  	[tilespmem:$0x1FB50] =	vst v63;
	v63 =	vld [tilespmem:s25+$0x1C10];
	_ =	sdelay $0x4  }
0x212: {  	[tilespmem:$0x1FB60] =	vst v63;
	v63 =	vld [tilespmem:s26+$0x5C10];
	_ =	sdelay $0x4  }
0x213: {  	[tilespmem:$0x1FB70] =	vst v63;
	v63 =	vld [tilespmem:s25+$0x1C20];
	_ =	sdelay $0x4  }
0x214: {  	[tilespmem:$0x1FB80] =	vst v63;
	v63 =	vld [tilespmem:s26+$0x5C20];
	_ =	sdelay $0x4  }
0x215: {  	[tilespmem:$0x1FB90] =	vst v63;
	v63 =	vld [tilespmem:s25+$0x1C30];
	_ =	sdelay $0x4  }
0x216: {  	[tilespmem:$0x1FBA0] =	vst v63;
	v63 =	vld [tilespmem:s26+$0x5C30];
	_ =	sdelay $0x4  }
0x217: {  	[tilespmem:$0x1FBB0] =	vst v63;
	v63 =	vld [tilespmem:$0x10700];
	_ =	sdelay $0x4  }
0x218: {  	[tilespmem:$0x1FBC0] =	vst v63;
	v63 =	vld [tilespmem:s26+$0xDC00];
	_ =	sdelay $0x4  }
0x219: {  	[tilespmem:$0x1FBD0] =	vst v63;
	v63 =	vld [tilespmem:$0x10F00];
	_ =	sdelay $0x4  }
0x21a: {  	[tilespmem:$0x1FC20] =	vst v63;
	v63 =	vld [tilespmem:s25+$0x9C00];
	_ =	sdelay $0x4  }
0x21b: {  	[tilespmem:$0x1FC30] =	vst v63;
	v63 =	vld [tilespmem:$0x10710];
	_ =	sdelay $0x3  }
0x21c: {  	(v2sf) =	vpush v18, $0x7  }
0x21d: {  	[tilespmem:$0x1FC60] =	vst v63;
	v63 =	vld [tilespmem:s26+$0xDC10];
	_ =	sdelay $0x3  }
0x21e: {  	v57 =	vld [tilespmem:$0x10590];
	(v2sf) =	vpush v19, $0x7  }
0x21f: {  	[tilespmem:$0x1FC70] =	vst v63;
	v63 =	vld [tilespmem:$0x10F10]  }
0x220: {  	v6 =	vld [tilespmem:s28+$0x5000]  }
0x221: {  	v2 =	vld [tilespmem:s28+$0x5010]  }
0x222: {  	v17 =	vld [tilespmem:s28+$0x5020]  }
0x223: {  	v36 =	vld [tilespmem:s28+$0x5030]  }
0x224: {  	[tilespmem:$0x1FD20] =	vst v63;
	v63 =	vld [tilespmem:s25+$0x9C10]  }
0x225: {  	v51 =	vld [tilespmem:s28+$0xD000]  }
0x226: {  	v58 =	vld [tilespmem:s28+$0xD010]  }
0x227: {  	v35 =	vld [tilespmem:s29+$0x1400]  }
0x228: {  	v28 =	vld [tilespmem:s29+$0x1410];
	s28 =	spop (v2sf)  }
0x229: {  	[tilespmem:$0x1FD30] =	vst v63;
	v63 =	vld [tilespmem:s28+$0x2000]  }
0x22a: {  	v44 =	vld [tilespmem:s29+$0x1420]  }
0x22b: {  	[tilespmem:$0x1FA20] =	vst v57;
	v57 =	vld [tilespmem:s29+$0x1430]  }
0x22c: {  	v26 =	vld [tilespmem:s29+$0x9400]  }
0x22d: {  	[tilespmem:$0x1FA30] =	vst v58;
	v58 =	vld [tilespmem:s29+$0x9410];
	s29 =	spop (v2sf)  }
0x22e: {  	[tilespmem:$0x1FBE0] =	vst v63;
	v63 =	vld [tilespmem:s29+$0x6000];
	_ =	sdelay $0x4  }
0x22f: {  	[tilespmem:$0x1FBF0] =	vst v63;
	v63 =	vld [tilespmem:s28+$0x2010];
	_ =	sdelay $0x4  }
0x230: {  	[tilespmem:$0x1FC00] =	vst v63;
	v63 =	vld [tilespmem:s29+$0x6010];
	_ =	sdelay $0x4  }
0x231: {  	[tilespmem:$0x1FC10] =	vst v63;
	v63 =	vld [tilespmem:s28+$0x2020];
	_ =	sdelay $0x4  }
0x232: {  	[tilespmem:$0x1FC40] =	vst v63;
	v63 =	vld [tilespmem:s29+$0x6020];
	_ =	sdelay $0x4  }
0x233: {  	[tilespmem:$0x1FC50] =	vst v63;
	v63 =	vld [tilespmem:s28+$0x2030];
	_ =	sdelay $0x4  }
0x234: {  	[tilespmem:$0x1FC80] =	vst v63;
	v63 =	vld [tilespmem:s29+$0x6030];
	_ =	sdelay $0x4  }
0x235: {  	[tilespmem:$0x1FC90] =	vst v63;
	v63 =	vld [tilespmem:$0x10780];
	_ =	sdelay $0x4  }
0x236: {  	[tilespmem:$0x1FCE0] =	vst v63;
	v63 =	vld [tilespmem:s29+$0xE000];
	_ =	sdelay $0x4  }
0x237: {  	[tilespmem:$0x1FCF0] =	vst v63;
	v63 =	vld [tilespmem:$0x10F80];
	_ =	sdelay $0x4  }
0x238: {  	[tilespmem:$0x1FD40] =	vst v63;
	v63 =	vld [tilespmem:s28+$0xA000];
	_ =	sdelay $0x4  }
0x239: {  	[tilespmem:$0x1FD50] =	vst v63;
	v63 =	vld [tilespmem:$0x10790];
	_ =	sdelay $0x3  }
0x23a: {  	(v2sf) =	vpush v18, $0x8  }
0x23b: {  	[tilespmem:$0x1FD60] =	vst v63;
	v63 =	vld [tilespmem:s29+$0xE010];
	_ =	sdelay $0x3  }
0x23c: {  	(v2sf) =	vpush v19, $0x8  }
0x23d: {  	[tilespmem:$0x1FD70] =	vst v63;
	v63 =	vld [tilespmem:$0x10F90]  }
0x23e: {  	v10 =	vld [tilespmem:$0x10600]  }
0x23f: {  	v55 =	vld [tilespmem:s22+$0x9000]  }
0x240: {  	v30 =	vld [tilespmem:s30+$0x5400]  }
0x241: {  	v25 =	vld [tilespmem:s30+$0x5410]  }
0x242: {  	[tilespmem:$0x1FE20] =	vst v63;
	v63 =	vld [tilespmem:s28+$0xA010]  }
0x243: {  	v13 =	vld [tilespmem:s30+$0xD400]  }
0x244: {  	v43 =	vld [tilespmem:s30+$0x5420]  }
0x245: {  	[tilespmem:$0x1F9F0] =	vst v55;
	v55 =	vld [tilespmem:s30+$0x5430]  }
0x246: {  	v45 =	vld [tilespmem:s30+$0xD410];
	s30 =	spop (v2sf)  }
0x247: {  	[tilespmem:$0x1FE30] =	vst v63;
	v63 =	vld [tilespmem:s30+$0x2400]  }
0x248: {  	[tilespmem:$0x1FA50] =	vst v13;
	v13 =	vld [tilespmem:s31+$0x1800]  }
0x249: {  	[tilespmem:$0x1FA40] =	vst v10;
	v10 =	vld [tilespmem:s31+$0x1810]  }
0x24a: {  	[tilespmem:$0x1FA90] =	vst v26;
	v26 =	vld [tilespmem:s31+$0x1820]  }
0x24b: {  	[tilespmem:$0x1FAB0] =	vst v45;
	v45 =	vld [tilespmem:s31+$0x1830];
	s31 =	spop (v2sf)  }
0x24c: {  	[tilespmem:$0x1FCA0] =	vst v63;
	v63 =	vld [tilespmem:s31+$0x6400];
	_ =	sdelay $0x4  }
0x24d: {  	[tilespmem:$0x1FCB0] =	vst v63;
	v63 =	vld [tilespmem:s30+$0x2410];
	_ =	sdelay $0x4  }
0x24e: {  	[tilespmem:$0x1FCC0] =	vst v63;
	v63 =	vld [tilespmem:s31+$0x6410];
	_ =	sdelay $0x4  }
0x24f: {  	[tilespmem:$0x1FCD0] =	vst v63;
	v63 =	vld [tilespmem:s30+$0x2420];
	_ =	sdelay $0x4  }
0x250: {  	[tilespmem:$0x1FD00] =	vst v63;
	v63 =	vld [tilespmem:s31+$0x6420];
	_ =	sdelay $0x4  }
0x251: {  	[tilespmem:$0x1FD10] =	vst v63;
	v63 =	vld [tilespmem:s30+$0x2430];
	_ =	sdelay $0x4  }
0x252: {  	[tilespmem:$0x1FD80] =	vst v63;
	v63 =	vld [tilespmem:s31+$0x6430];
	_ =	sdelay $0x4  }
0x253: {  	[tilespmem:$0x1FD90] =	vst v63;
	v63 =	vld [tilespmem:$0x10800];
	_ =	sdelay $0x4  }
0x254: {  	[tilespmem:$0x1FDE0] =	vst v63;
	v63 =	vld [tilespmem:s31+$0xE400];
	_ =	sdelay $0x4  }
0x255: {  	[tilespmem:$0x1FDF0] =	vst v63;
	v63 =	vld [tilespmem:$0x11000];
	_ =	sdelay $0x4  }
0x256: {  	[tilespmem:$0x1FE40] =	vst v63;
	v63 =	vld [tilespmem:s30+$0xA400];
	_ =	sdelay $0x4  }
0x257: {  	[tilespmem:$0x1FE50] =	vst v63;
	v63 =	vld [tilespmem:$0x10810];
	_ =	sdelay $0x3  }
0x258: {  	(v2sf) =	vpush v18, $0x9  }
0x259: {  	[tilespmem:$0x1FE60] =	vst v63;
	v63 =	vld [tilespmem:s31+$0xE410];
	_ =	sdelay $0x2  }
0x25a: {  	v7 =	vld [tilespmem:$0x10D80]  }
0x25b: {  	v9 =	vld [tilespmem:s22+$0x9010];
	(v2sf) =	vpush v19, $0x9  }
0x25c: {  	[tilespmem:$0x1FE70] =	vst v63;
	v63 =	vld [tilespmem:$0x11010]  }
0x25d: {  	v21 =	vld [tilespmem:$0x10E00]  }
0x25e: {  	v41 =	vld [tilespmem:$0x10610]  }
0x25f: {  	v54 =	vld [tilespmem:$0x10E10]  }
0x260: {  	[tilespmem:$0x1FA70] =	vst v9;
	v9 =	vld [tilespmem:s24+$0x5800]  }
0x261: {  	[tilespmem:$0x1FF60] =	vst v63;
	v63 =	vld [tilespmem:s30+$0xA410]  }
0x262: {  	[tilespmem:$0x1F9E0] =	vst v7;
	v7 =	vld [tilespmem:s24+$0x5810]  }
0x263: {  	[tilespmem:$0x1FA80] =	vst v21;
	v21 =	vld [tilespmem:s24+$0x5820]  }
0x264: {  	[tilespmem:$0x1FAA0] =	vst v41;
	v41 =	vld [tilespmem:s24+$0x5830]  }
0x265: {  	[tilespmem:$0x1FAE0] =	vst v54;
	v54 =	vld [tilespmem:s24+$0xD800];
	s24 =	spop (v2sf)  }
0x266: {  	[tilespmem:$0x1FF70] =	vst v63;
	v63 =	vld [tilespmem:s24+$0x2800];
	_ =	sdelay $0x3  }
0x267: {  	s25 =	spop (v2sf)  }
0x268: {  	[tilespmem:$0x1FDA0] =	vst v63;
	v63 =	vld [tilespmem:s25+$0x6800];
	_ =	sdelay $0x4  }
0x269: {  	[tilespmem:$0x1FDB0] =	vst v63;
	v63 =	vld [tilespmem:s24+$0x2810];
	_ =	sdelay $0x4  }
0x26a: {  	[tilespmem:$0x1FDC0] =	vst v63;
	v63 =	vld [tilespmem:s25+$0x6810];
	_ =	sdelay $0x4  }
0x26b: {  	[tilespmem:$0x1FDD0] =	vst v63;
	v63 =	vld [tilespmem:s24+$0x2820];
	_ =	sdelay $0x4  }
0x26c: {  	[tilespmem:$0x1FE00] =	vst v63;
	v63 =	vld [tilespmem:s25+$0x6820];
	_ =	sdelay $0x4  }
0x26d: {  	(v2sf) =	vpush v18, $0xA;
	[tilespmem:$0x1FE10] =	vst v63;
	v63 =	vld [tilespmem:s24+$0x2830];
	_ =	sdelay $0x4  }
0x26e: {  	[tilespmem:$0x1FE80] =	vst v63;
	v63 =	vld [tilespmem:s25+$0x6830];
	_ =	sdelay $0x4  }
0x26f: {  	[tilespmem:$0x1FE90] =	vst v63;
	v63 =	vld [tilespmem:$0x10880];
	_ =	sdelay $0x3  }
0x270: {  	(v2sf) =	vpush v19, $0xA  }
0x271: {  	s26 =	spop (v2sf);
	(v2sf) =	vpush v18, $0xB;
	[tilespmem:$0x1FED0] =	vst v63;
	v63 =	vld [tilespmem:s25+$0xE800];
	_ =	sdelay $0x4  }
0x272: {  	[tilespmem:$0x1FEE0] =	vst v63;
	v63 =	vld [tilespmem:$0x11080]  }
0x273: {  	v53 =	vld [tilespmem:$0x10580]  }
0x274: {  	v27 =	vmul.f32 v27, v29;
	v29 =	vmul.f32 v22, v24;
	v24 =	vld [tilespmem:$0x10900]  }
0x275: {  	v12 =	vld [tilespmem:s22+$0x1000]  }
0x276: {  	v3 =	vld [tilespmem:s22+$0x1010]  }
0x277: {  	[tilespmem:$0x1FF00] =	vst v63;
	v63 =	vld [tilespmem:s24+$0xA800]  }
0x278: {  	v20 =	vmul.f32 v20, v23;
	v11 =	vmul.f32 v11, v14;
	[tilespmem:$0x1FA10] =	vst v1;
	v1 =	vld [tilespmem:s22+$0x1020]  }
0x279: {  	v8 =	vmul.f32 v8, v15;
	v15 =	vld [tilespmem:$0x1F970]  }
0x27a: {  	v11 =	vadd.f32 v11, v20;
	v40 =	vld [tilespmem:s22+$0x1030]  }
0x27b: {  	v20 =	vld [tilespmem:$0x1F980];
	v6 =	vmul.f32 v6, v12;
	v2 =	vmul.f32 v2, v3;
	s28 =	spop (v2sf);
	(v2sf) =	vpush v19, $0xB  }
0x27c: {  	v4 =	vmul.f32 v4, v5;
	s29 =	spop (v2sf);
	(v2sf) =	vpush v18, $0xC;
	[tilespmem:$0x1FF10] =	vst v63;
	v63 =	vld [tilespmem:$0x10890]  }
0x27d: {  	v11 =	vadd.f32 v29, v11;
	v29 =	vld [tilespmem:$0x1F940];
	[tilespmem:$0x1FF50] =	vst v24;
	v24 =	vmul.f32 v17, v1;
	v2 =	vadd.f32 v2, v6  }
0x27e: {  	v4 =	vadd.f32 v4, v8;
	v8 =	vld [tilespmem:$0x10990]  }
0x27f: {  	v40 =	vmul.f32 v36, v40;
	v17 =	vld [tilespmem:$0x1FA00];
	v2 =	vadd.f32 v24, v2  }
0x280: {  	v3 =	vmul.f32 v20, v15;
	v20 =	vld [tilespmem:$0x1FA10]  }
0x281: {  	v53 =	vmul.f32 v51, v53;
	v2 =	vadd.f32 v40, v2;
	[tilespmem:$0x1FF30] =	vst v63;
	v63 =	vld [tilespmem:s25+$0xE810]  }
0x282: {  	v32 =	vmul.f32 v32, v38;
	v38 =	vld [tilespmem:s26+$0x2C00]  }
0x283: {  	v2 =	vadd.f32 v53, v2;
	v53 =	vld [tilespmem:$0x1FAA0]  }
0x284: {  	[tilespmem:$0x1FAF0] =	vst v58;
	v58 =	vld [tilespmem:$0x10680]  }
0x285: {  	v23 =	vld [tilespmem:s26+$0xAC10]  }
0x286: {  	[tilespmem:$0x1FF40] =	vst v63;
	v63 =	vld [tilespmem:$0x11090]  }
0x287: {  	[tilespmem:$0x1FEA0] =	vst v38;
	v38 =	vld [tilespmem:s28+$0x6C00]  }
0x288: {  	v27 =	vadd.f32 v27, v32;
	v32 =	vld [tilespmem:s28+$0x6C20]  }
0x289: {  	v24 =	vld [tilespmem:s29+$0x3010]  }
0x28a: {  	[tilespmem:$0x1FFF0] =	vst v23;
	v23 =	vld [tilespmem:s29+$0x3030];
	s30 =	spop (v2sf);
	(v2sf) =	vpush v19, $0xC  }
0x28b: {  	s31 =	spop (v2sf);
	(v2sf) =	vpush v18, $0xD;
	[tilespmem:$0x1FFA0] =	vst v63;
	v63 =	vld [tilespmem:s24+$0xA810]  }
0x28c: {  	v7 =	vmul.f32 v7, v10;
	v10 =	vld [tilespmem:s29+$0xB000]  }
0x28d: {  	[tilespmem:$0x1FEB0] =	vst v38;
	v38 =	vld [tilespmem:s28+$0x6C30]  }
0x28e: {  	v15 =	vld [tilespmem:s30+$0x7020]  }
0x28f: {  	v12 =	vld [tilespmem:s30+$0x7030]  }
0x290: {  	v36 =	vmul.f32 v21, v26;
	v21 =	vld [tilespmem:s31+$0x3400];
	[tilespmem:$0x1FFB0] =	vst v63;
	v63 =	vmul.f32 v39, v42  }
0x291: {  	v39 =	vld [tilespmem:s26+$0x2C10]  }
0x292: {  	v42 =	vmul.f32 v46, v49;
	v49 =	vld [tilespmem:s28+$0x6C10];
	v27 =	vadd.f32 v63, v27  }
0x293: {  	v46 =	vld [tilespmem:s26+$0x2C20]  }
0x294: {  	v63 =	vadd.f32 v42, v27;
	v42 =	vld [tilespmem:$0x1F910]  }
0x295: {  	v27 =	vmul.f32 v61, v56;
	v61 =	vld [tilespmem:s28+$0xEC00]  }
0x296: {  	v56 =	vmul.f32 v34, v37;
	v37 =	vld [tilespmem:$0x11100]  }
0x297: {  	v34 =	vmul.f32 v48, v52;
	v48 =	vld [tilespmem:$0x10910]  }
0x298: {  	v52 =	vld [tilespmem:$0x1F950]  }
0x299: {  	s24 =	spop (v2sf);
	(v2sf) =	vpush v19, $0xD;
	[tilespmem:$0x1FEC0] =	vst v39;
	v39 =	vld [tilespmem:s26+$0x2C30]  }
0x29a: {  	s25 =	spop (v2sf);
	(v2sf) =	vpush v18, $0xE;
	[tilespmem:$0x1FEF0] =	vst v46;
	v46 =	vld [tilespmem:$0x1F920]  }
0x29b: {  	v14 =	vadd.f32 v27, v63;
	v27 =	vld [tilespmem:$0x1F930]  }
0x29c: {  	v11 =	vadd.f32 v56, v11;
	v56 =	vld [tilespmem:$0x1F960]  }
0x29d: {  	v63 =	vld [tilespmem:s28+$0xEC10]  }
0x29e: {  	v11 =	vadd.f32 v34, v11;
	v34 =	vmul.f32 v55, v57;
	v57 =	vld [tilespmem:$0x1FAC0]  }
0x29f: {  	[tilespmem:$0x1FF80] =	vst v37;
	v37 =	vld [tilespmem:$0x1F990]  }
0x2a0: {  	[tilespmem:$0x1FFC0] =	vst v48;
	v48 =	vld [tilespmem:$0x1F9C0]  }
0x2a1: {  	v22 =	vmul.f32 v46, v42;
	v42 =	vld [tilespmem:s26+$0xAC00]  }
0x2a2: {  	v46 =	vmul.f32 v59, v60;
	v60 =	vmul.f32 v31, v33;
	v33 =	vld [tilespmem:s30+$0x7000]  }
0x2a3: {  	[tilespmem:$0x1FF20] =	vst v39;
	v39 =	vmul.f32 v16, v0;
	v16 =	vld [tilespmem:s30+$0x7010]  }
0x2a4: {  	v9 =	vmul.f32 v9, v13;
	v5 =	vmul.f32 v29, v27;
	v29 =	vld [tilespmem:s29+$0x3000]  }
0x2a5: {  	v59 =	vmul.f32 v56, v52;
	v56 =	vmul.f32 v30, v35;
	v30 =	vld [tilespmem:$0x1FA30]  }
0x2a6: {  	v35 =	vadd.f32 v7, v9;
	v9 =	vld [tilespmem:$0x11180]  }
0x2a7: {  	v27 =	vmul.f32 v43, v44;
	v43 =	vld [tilespmem:$0x1FA70]  }
0x2a8: {  	s26 =	spop (v2sf);
	v11 =	vadd.f32 v46, v11;
	v46 =	vld [tilespmem:$0x1F9B0]  }
0x2a9: {  	(v2sf) =	vpush v19, $0xE;
	s28 =	spop (v2sf);
	v14 =	vadd.f32 v22, v14;
	v22 =	vmul.f32 v47, v50;
	v50 =	vld [tilespmem:$0x1F9D0]  }
0x2aa: {  	(v2sf) =	vpush v18, $0xF;
	v4 =	vadd.f32 v39, v4;
	v18 =	vld [tilespmem:s28+$0x3C00]  }
0x2ab: {  	v5 =	vadd.f32 v5, v14;
	v14 =	vld [tilespmem:$0x11110]  }
0x2ac: {  	v4 =	vadd.f32 v60, v4;
	v60 =	vld [tilespmem:$0x1F9E0]  }
0x2ad: {  	v39 =	vmul.f32 v62, v37;
	v62 =	vld [tilespmem:$0x1F9F0]  }
0x2ae: {  	v37 =	vld [tilespmem:$0x1FA40]  }
0x2af: {  	[tilespmem:$0x1FF90] =	vst v42;
	v42 =	vld [tilespmem:$0x1F9A0]  }
0x2b0: {  	v16 =	vmul.f32 v16, v24;
	v24 =	vld [tilespmem:s28+$0x3C20]  }
0x2b1: {  	v4 =	vadd.f32 v22, v4;
	v22 =	vld [tilespmem:s29+$0x3020]  }
0x2b2: {  	v5 =	vadd.f32 v59, v5;
	v59 =	vmul.f32 v25, v28;
	v25 =	vmul.f32 v20, v17;
	v20 =	vld [tilespmem:$0x10980]  }
0x2b3: {  	v28 =	vld [tilespmem:$0x1FA20]  }
0x2b4: {  	v17 =	vld [tilespmem:$0x11210]  }
0x2b5: {  	v9 =	vmul.f32 v10, v9;
	v10 =	vld [tilespmem:$0x10B10]  }
0x2b6: {  	v52 =	vmul.f32 v50, v48;
	v48 =	vld [tilespmem:$0x1FA90]  }
0x2b7: {  	v4 =	vadd.f32 v39, v4;
	v39 =	vld [tilespmem:$0x1FA50]  }
0x2b8: {  	(xrf2) =	vadd.scan.msk.f32 $0xffff, v5;
	v5 =	vld [tilespmem:$0x1FBD0]  }
0x2b9: {  	[tilespmem:$0x1FFE0] =	vst v14;
	v14 =	vld [tilespmem:s30+$0xF000]  }
0x2ba: {  	[tilespmem:$0x1FFD0] =	vst v63;
	v63 =	vmul.f32 v62, v60;
	v60 =	vld [tilespmem:$0x1FAE0]  }
0x2bb: {  	v3 =	vadd.f32 v3, v11;
	v11 =	vadd.f32 v59, v56;
	v62 =	vld [tilespmem:$0x1FAF0]  }
0x2bc: {  	v47 =	vmul.f32 v46, v42;
	v42 =	vld [tilespmem:$0x1FA60]  }
0x2bd: {  	v11 =	vadd.f32 v27, v11;
	v27 =	vld [tilespmem:$0x11190]  }
0x2be: {  	v4 =	vadd.f32 v52, v4;
	v52 =	vmul.f32 v54, v58;
	v54 =	vld [tilespmem:$0x1FAB0]  }
0x2bf: {  	v58 =	vld [tilespmem:$0x1FAD0]  }
0x2c0: {  	v46 =	vmul.f32 v41, v45;
	v41 =	vld [tilespmem:s24+$0x7410]  }
0x2c1: {  	v45 =	vld [tilespmem:$0x1FB40]  }
0x2c2: {  	v31 =	vmul.f32 v30, v28;
	v28 =	vld [tilespmem:s24+$0x7400]  }
0x2c3: {  	v7 =	vadd.f32 v36, v35;
	v30 =	vld [tilespmem:$0x1FB20]  }
0x2c4: {  	v6 =	vadd.f32 v63, v2;
	v3 =	vadd.f32 v47, v3;
	v47 =	vld [tilespmem:$0x1FA80]  }
0x2c5: {  	v4 =	vadd.f32 v25, v4;
	v7 =	vadd.f32 v46, v7;
	v25 =	vld [tilespmem:$0x1FB10]  }
0x2c6: {  	v46 =	vld [tilespmem:$0x1FB50];
	v6 =	vadd.f32 v31, v6;
	(xrf2) =	vadd.scan.msk.f32 $0xffff, v3;
	v44 =	vmul.f32 v43, v42  }
0x2c7: {  	v11 =	vadd.f32 v34, v11;
	v40 =	vmul.f32 v39, v37;
	v56 =	vadd.f32 v52, v7;
	v7 =	vld [tilespmem:$0x1FB00];
	(xrf2) =	vadd.scan.msk.f32 $0xffff, v4  }
0x2c8: {  	v31 =	vld [tilespmem:$0x1FB30];
	v51 =	vadd.f32 v44, v6  }
0x2c9: {  	v13 =	vadd.f32 v40, v11;
	v59 =	vmul.f32 v58, v57;
	v58 =	vld [tilespmem:$0x1FBA0];
	v50 =	vmul.f32 v48, v47  }
0x2ca: {  	v48 =	vld [tilespmem:$0x1FB60];
	(xrf2) =	vadd.scan.msk.f32 $0xffff, v51  }
0x2cb: {  	v55 =	vmul.f32 v54, v53;
	v4 =	vadd.f32 v59, v56;
	v59 =	vld [tilespmem:$0x1FBB0];
	v13 =	vadd.f32 v50, v13  }
0x2cc: {  	v26 =	vmul.f32 v25, v7;
	v50 =	vld [tilespmem:$0x1FB70]  }
0x2cd: {  	v63 =	vmul.f32 v62, v60;
	v56 =	vld [tilespmem:$0x1FB90];
	v13 =	vadd.f32 v55, v13  }
0x2ce: {  	v34 =	vmul.f32 v31, v30;
	v35, _, _ =	vpop (xrf2);
	v4 =	vadd.f32 v26, v4;
	v55 =	vld [tilespmem:$0x1FB80]  }
0x2cf: {  	v15 =	vmul.f32 v15, v22;
	v22 =	vld [tilespmem:s28+$0x3C30];
	v36 =	vbroadcast v35, $0xF;
	v13 =	vadd.f32 v63, v13  }
0x2d0: {  	v47 =	vmul.f32 v46, v45;
	v60 =	vmul.f32 v59, v58;
	v58 =	vld [tilespmem:$0x1FC30];
	v4 =	vadd.f32 v34, v4;
	v44, _, _ =	vpop (xrf2)  }
0x2d1: {  	v63 =	vld [tilespmem:$0x1FBC0];
	v51 =	vmul.f32 v50, v48;
	(xrf2) =	vadd.scan.msk.f32 $0xffff, v13;
	v13 =	vnsel vm0, $0x0, v36;
	v7 =	vbroadcast v44, $0xF;
	v52, _, _ =	vpop (xrf2)  }
0x2d2: {  	v50 =	vld [tilespmem:$0x1FBE0];
	v13 =	vadd.f32 $0.0e+00, v13;
	v53 =	vbroadcast v52, $0xF  }
0x2d3: {  	(xrf2) =	vadd.scan.msk.f32 $0xffff, v4;
	v4 =	vadd.f32 v51, v47;
	v57 =	vmul.f32 v56, v55;
	v51 =	vld [tilespmem:$0x1FBF0];
	v7 =	vnsel vm1, $0x0, v7  }
0x2d4: {  	v55 =	vld [tilespmem:$0x1FC10];
	v7 =	vadd.f32 v7, v13;
	v54, _, _ =	vpop (xrf2)  }
0x2d5: {  	v36 =	vnsel vm2, $0x0, v53;
	v4 =	vadd.f32 v57, v4;
	v57 =	vld [tilespmem:$0x1FC20];
	v13 =	vbroadcast v54, $0xF  }
0x2d6: {  	v36 =	vadd.f32 v36, v7;
	v54 =	vld [tilespmem:$0x1FC00]  }
0x2d7: {  	v4 =	vadd.f32 v60, v4;
	v60 =	vld [tilespmem:$0x1FC40];
	v62 =	vnsel vm3, $0x0, v13  }
0x2d8: {  	v31 =	vmul.f32 v5, v63;
	v44 =	vadd.f32 v62, v36;
	v62 =	vld [tilespmem:$0x1FC50]  }
0x2d9: {  	v37 =	vld [tilespmem:s31+$0x3410]  }
0x2da: {  	v39 =	vld [tilespmem:$0x11200];
	v4 =	vadd.f32 v31, v4;
	v59 =	vmul.f32 v58, v57  }
0x2db: {  	v29 =	vmul.f32 v33, v29;
	v58 =	vld [tilespmem:$0x1FC80]  }
0x2dc: {  	v52 =	vmul.f32 v51, v50;
	v43 =	vadd.f32 v59, v4;
	v59 =	vld [tilespmem:$0x1FC90]  }
0x2dd: {  	v16 =	vadd.f32 v16, v29;
	v56 =	vmul.f32 v55, v54;
	v63 =	vmul.f32 v62, v60;
	v60 =	vld [tilespmem:$0x1FCA0]  }
0x2de: {  	v62 =	vld [tilespmem:$0x1FCB0]  }
0x2df: {  	v15 =	vadd.f32 v15, v16;
	v16 =	vld [tilespmem:$0x10B00];
	v45 =	vadd.f32 v56, v52  }
0x2e0: {  	v5 =	vld [tilespmem:$0x1FCD0]  }
0x2e1: {  	v53, _, _ =	vpop (xrf2);
	v45 =	vadd.f32 v63, v45;
	v63 =	vld [tilespmem:$0x1FCC0]  }
0x2e2: {  	v46 =	vbroadcast v53, $0xF;
	v47 =	vmul.f32 v59, v58;
	v59 =	vld [tilespmem:$0x1FCE0]  }
0x2e3: {  	v31, _, _ =	vpop (xrf2);
	v54 =	vmul.f32 v62, v60;
	v60 =	vld [tilespmem:$0x1FCF0]  }
0x2e4: {  	v57 =	vld [tilespmem:$0x1FC70];
	v4 =	vbroadcast v31, $0xF;
	v46 =	vnsel vm4, $0x0, v46  }
0x2e5: {  	v56 =	vld [tilespmem:$0x1FC60];
	v44 =	vadd.f32 v46, v44  }
0x2e6: {  	v4 =	vnsel vm5, $0x0, v4;
	v31 =	vmul.f32 v5, v63;
	v63 =	vld [tilespmem:$0x1FD00]  }
0x2e7: {  	v5 =	vadd.f32 v4, v44;
	v4 =	vld [tilespmem:$0x1FD10]  }
0x2e8: {  	v62 =	vmul.f32 v60, v59;
	v59 =	vld [tilespmem:$0x1FD40]  }
0x2e9: {  	v44 =	vadd.f32 v47, v45;
	v60 =	vld [tilespmem:$0x1FD50]  }
0x2ea: {  	v58 =	vld [tilespmem:$0x1FD30];
	v51 =	vmul.f32 v57, v56  }
0x2eb: {  	v44 =	vadd.f32 v62, v44;
	v62 =	vld [tilespmem:$0x1FD60]  }
0x2ec: {  	v43 =	vadd.f32 v51, v43;
	v51 =	vadd.f32 v31, v54;
	v31 =	vmul.f32 v4, v63;
	v63 =	vld [tilespmem:$0x1FD70]  }
0x2ed: {  	v4 =	vld [tilespmem:$0x1FD80]  }
0x2ee: {  	v51 =	vadd.f32 v31, v51;
	v31 =	vld [tilespmem:$0x1FD90];
	v45 =	vmul.f32 v60, v59  }
0x2ef: {  	v57 =	vld [tilespmem:$0x1FD20]  }
0x2f0: {  	v44 =	vadd.f32 v45, v44;
	v45 =	vld [tilespmem:$0x1FDA0]  }
0x2f1: {  	v59 =	vmul.f32 v63, v62;
	v62 =	vld [tilespmem:$0x1FDB0]  }
0x2f2: {  	v63 =	vld [tilespmem:$0x1FDC0]  }
0x2f3: {  	v54 =	vmul.f32 v31, v4;
	v4 =	vld [tilespmem:$0x1FDD0]  }
0x2f4: {  	v3 =	vld [tilespmem:s26+$0xF810];
	v57 =	vmul.f32 v58, v57  }
0x2f5: {  	v11 =	vld [tilespmem:s30+$0xF010]  }
0x2f6: {  	v57 =	vadd.f32 v57, v43;
	v43 =	vadd.f32 v54, v51;
	v51 =	vld [tilespmem:$0x1FDE0]  }
0x2f7: {  	v54 =	vld [tilespmem:$0x1FDF0]  }
0x2f8: {  	v40 =	vld [tilespmem:s24+$0x7420];
	v45 =	vmul.f32 v62, v45;
	v31 =	vmul.f32 v4, v63  }
0x2f9: {  	v4 =	vld [tilespmem:$0x1FE20]  }
0x2fa: {  	v12 =	vmul.f32 v12, v23;
	v45 =	vadd.f32 v31, v45;
	v31 =	vld [tilespmem:$0x1FE30]  }
0x2fb: {  	v42 =	vld [tilespmem:s31+$0xB400]  }
0x2fc: {  	v12 =	vadd.f32 v12, v15;
	v15 =	vld [tilespmem:$0x11300];
	v51 =	vmul.f32 v54, v51  }
0x2fd: {  	v21 =	vmul.f32 v28, v21;
	v28 =	vld [tilespmem:s28+$0xBC00]  }
0x2fe: {  	v51 =	vadd.f32 v51, v43;
	v43 =	vld [tilespmem:$0x1FE40]  }
0x2ff: {  	v2 =	vmul.f32 v31, v4;
	v4 =	vld [tilespmem:$0x1FE50]  }
0x300: {  	v44 =	vadd.f32 v59, v44;
	v59 =	vld [tilespmem:$0x1FE00]  }
0x301: {  	v62 =	vld [tilespmem:$0x1FE10]  }
0x302: {  	v6 =	vld [tilespmem:s29+$0xB010]  }
0x303: {  	v31 =	vld [tilespmem:$0x1FE60]  }
0x304: {  	v43 =	vmul.f32 v4, v43;
	v4 =	vld [tilespmem:$0x1FE70]  }
0x305: {  	s29 =	spop (v2sf);
	v30 =	vld [tilespmem:s31+$0x3420]  }
0x306: {  	(v2sf) =	vpush v19, $0xF;
	v19 =	vld [tilespmem:s29+$0x7C00];
	v59 =	vmul.f32 v62, v59  }
0x307: {  	v25 =	vld [tilespmem:s31+$0x3430]  }
0x308: {  	v59 =	vadd.f32 v59, v45;
	v45 =	vld [tilespmem:$0x1FE90]  }
0x309: {  	v1 =	vmul.f32 v4, v31;
	v31 =	vld [tilespmem:$0x1FE80]  }
0x30a: {  	v35 =	vld [tilespmem:s24+$0xF400]  }
0x30b: {  	v26 =	vld [tilespmem:$0x10A00]  }
0x30c: {  	v34 =	vld [tilespmem:s24+$0x7430]  }
0x30d: {  	v48 =	vld [tilespmem:s25+$0x3800]  }
0x30e: {  	v0 =	vmul.f32 v45, v31;
	v31 =	vld [tilespmem:$0x1FEC0]  }
0x30f: {  	v7 =	vld [tilespmem:$0x10A10]  }
0x310: {  	v50 =	vld [tilespmem:s26+$0x7800]  }
0x311: {  	v43 =	vadd.f32 v43, v51;
	v51 =	vld [tilespmem:$0x1FEB0]  }
0x312: {  	v0 =	vadd.f32 v0, v59;
	v59 =	vld [tilespmem:$0x1FED0]  }
0x313: {  	v49 =	vmul.f32 v49, v31;
	v31 =	vld [tilespmem:$0x1FEE0]  }
0x314: {  	v4 =	vld [tilespmem:$0x1FEA0]  }
0x315: {  	v13 =	vld [tilespmem:s24+$0xF410]  }
0x316: {  	v36 =	vld [tilespmem:s31+$0xB410]  }
0x317: {  	v55 =	vld [tilespmem:s26+$0x7830]  }
0x318: {  	v53 =	vld [tilespmem:s25+$0x3820];
	v59 =	vmul.f32 v31, v59  }
0x319: {  	v51 =	vmul.f32 v51, v4;
	v31 =	vld [tilespmem:$0x1FF10]  }
0x31a: {  	v0 =	vadd.f32 v59, v0;
	v59 =	vld [tilespmem:$0x1FF00]  }
0x31b: {  	v49 =	vadd.f32 v49, v51;
	v51 =	vld [tilespmem:$0x1FEF0]  }
0x31c: {  	v48 =	vmul.f32 v50, v48;
	v50 =	vmul.f32 v34, v25;
	v25 =	vld [tilespmem:s28+$0xBC10]  }
0x31d: {  	v52 =	vld [tilespmem:s25+$0x3810]  }
0x31e: {  	v46 =	vld [tilespmem:s26+$0x7810]  }
0x31f: {  	v2 =	vadd.f32 v2, v44;
	v44 =	vmul.f32 v31, v59;
	v59 =	vld [tilespmem:$0x1FF20]  }
0x320: {  	v56 =	vld [tilespmem:s26+$0x7820];
	v32 =	vmul.f32 v32, v51  }
0x321: {  	v47 =	vld [tilespmem:s25+$0x3830]  }
0x322: {  	v32 =	vadd.f32 v32, v49;
	v49 =	vld [tilespmem:$0x1FF40]  }
0x323: {  	v31 =	vld [tilespmem:$0x1FF30]  }
0x324: {  	v38 =	vmul.f32 v38, v59;
	v59 =	vld [tilespmem:$0x1FF50]  }
0x325: {  	v58 =	vld [tilespmem:$0x10A80]  }
0x326: {  	v60 =	vld [tilespmem:s26+$0xF800]  }
0x327: {  	v63 =	vld [tilespmem:$0x11280]  }
0x328: {  	v33 =	vmul.f32 v49, v31;
	v31 =	vld [tilespmem:$0x1FF70]  }
0x329: {  	v32 =	vadd.f32 v38, v32;
	v38 =	vmul.f32 v61, v59;
	v61 =	vld [tilespmem:$0x1FF60]  }
0x32a: {  	v54 =	vld [tilespmem:s25+$0xB800]  }
0x32b: {  	v62 =	vld [tilespmem:$0x10A90]  }
0x32c: {  	v59 =	vld [tilespmem:$0x1FF90]  }
0x32d: {  	v29 =	vadd.f32 v38, v32;
	v38 =	vld [tilespmem:$0x1FF80]  }
0x32e: {  	v49 =	vmul.f32 v31, v61;
	v61 =	vld [tilespmem:$0x1FFA0]  }
0x32f: {  	v34 =	vmul.f32 v42, v39;
	v31 =	vld [tilespmem:$0x1FFB0]  }
0x330: {  	v42 =	vmul.f32 v60, v58;
	v60 =	vmul.f32 v3, v62;
	v62 =	vld [tilespmem:$0x11380]  }
0x331: {  	v1 =	vadd.f32 v1, v43;
	v43 =	vld [tilespmem:s29+$0x7C10]  }
0x332: {  	v45 =	vld [tilespmem:$0x11290]  }
0x333: {  	v14 =	vmul.f32 v14, v20;
	v1 =	vadd.f32 v49, v1;
	v49 =	vld [tilespmem:$0x1FFD0]  }
0x334: {  	v32 =	vmul.f32 v59, v38;
	v38 =	vmul.f32 v31, v61;
	v61 =	vld [tilespmem:$0x1FFC0]  }
0x335: {  	v4 =	vld [tilespmem:s25+$0xB810]  }
0x336: {  	v12 =	vadd.f32 v14, v12;
	v51 =	vld [tilespmem:s28+$0x3C10];
	v0 =	vadd.f32 v44, v0  }
0x337: {  	v44 =	vld [tilespmem:s29+$0x7C20]  }
0x338: {  	v9 =	vadd.f32 v9, v12;
	v8 =	vmul.f32 v11, v8;
	v0 =	vadd.f32 v33, v0;
	v33 =	vld [tilespmem:s29+$0x7C30]  }
0x339: {  	v59 =	vadd.f32 v32, v29;
	v31 =	vld [tilespmem:s29+$0xFC00];
	v29 =	vmul.f32 v49, v61  }
0x33a: {  	v8 =	vadd.f32 v8, v9;
	v61 =	vld [tilespmem:$0x1FFE0]  }
0x33b: {  	s30 =	spop (v2sf);
	v6 =	vmul.f32 v6, v27;
	v20 =	vadd.f32 v29, v59;
	v59 =	vmul.f32 v41, v37;
	v37 =	vld [tilespmem:$0x1FFF0]  }
0x33c: {  	s31 =	spop (v2sf);
	v56 =	vmul.f32 v56, v53;
	v39 =	vmul.f32 v43, v51;
	v43 =	vld [tilespmem:s30+$0x4020]  }
0x33d: {  	v6 =	vadd.f32 v6, v8;
	(xrf2) =	vadd.scan.msk.f32 $0xffff, v57;
	v4 =	vmul.f32 v4, v45;
	v32 =	vld [tilespmem:s31+$0x8000];
	v49 =	vmul.f32 v46, v52  }
0x33e: {  	v0 =	vadd.f32 v38, v0;
	v41 =	vmul.f32 v40, v30;
	v40 =	vld [tilespmem:s31+$0x8010];
	v38 =	vadd.f32 v59, v21  }
0x33f: {  	v44 =	vmul.f32 v44, v24;
	v51 =	vmul.f32 v33, v22;
	v52 =	vadd.f32 v49, v48;
	v59 =	vld [tilespmem:s30+$0x4000]  }
0x340: {  	v58 =	vmul.f32 v31, v16;
	v11 =	vadd.f32 v41, v38;
	v29 =	vmul.f32 v37, v61;
	v37 =	vld [tilespmem:s30+$0x4010]  }
0x341: {  	v46 =	vld [tilespmem:s31+$0x8020];
	v48 =	vmul.f32 v36, v17;
	v9 =	vadd.f32 v56, v52;
	v38 =	vmul.f32 v19, v18  }
0x342: {  	v49 =	vld [tilespmem:s30+$0x4030];
	v61 =	vmul.f32 v35, v26;
	v35 =	vmul.f32 v55, v47;
	v11 =	vadd.f32 v50, v11  }
0x343: {  	(xrf2) =	vadd.scan.msk.f32 $0xffff, v2;
	v17 =	vmul.f32 v28, v15;
	v21 =	vld [tilespmem:s29+$0xFC10];
	v14 =	vadd.f32 v39, v38;
	v20 =	vadd.f32 v29, v20  }
0x344: {  	v52 =	vld [tilespmem:s31+$0x8030];
	v50 =	vmul.f32 v54, v63;
	v41 =	vadd.f32 v35, v9;
	v11 =	vadd.f32 v61, v11  }
0x345: {  	(xrf2) =	vadd.scan.msk.f32 $0xffff, v1;
	v56 =	vld [tilespmem:$0x10B80];
	v54 =	vmul.f32 v32, v59;
	v14 =	vadd.f32 v44, v14;
	v55 =	vmul.f32 v40, v37  }
0x346: {  	v47 =	vmul.f32 v13, v7;
	v59 =	vld [tilespmem:s31+$0x10000];
	v8 =	vadd.f32 v42, v41;
	v11 =	vadd.f32 v34, v11  }
0x347: {  	(xrf2) =	vadd.scan.msk.f32 $0xffff, v0;
	v30 =	vld [tilespmem:$0x11310];
	v26, _, _ =	vpop (xrf2);
	v61 =	vmul.f32 v46, v43;
	v57 =	vadd.f32 v51, v14;
	v2 =	vadd.f32 v55, v54  }
0x348: {  	v22 =	vld [tilespmem:s30+$0xC000];
	v28 =	vbroadcast v26, $0xF;
	v8 =	vadd.f32 v50, v8;
	v53 =	vadd.f32 v47, v11  }
0x349: {  	v27 =	vld [tilespmem:s31+$0x10010];
	v23 =	vmul.f32 v52, v49;
	(xrf2) =	vadd.scan.msk.f32 $0xffff, v20;
	v63 =	vadd.f32 v58, v57;
	v2 =	vadd.f32 v61, v2  }
0x34a: {  	v24 =	vld [tilespmem:$0x10B90];
	v10 =	vmul.f32 v21, v10;
	v0 =	vadd.f32 v60, v8;
	v1 =	vadd.f32 v48, v53  }
0x34b: {  	v31 =	vld [tilespmem:$0x11390];
	(xrf2) =	vadd.scan.msk.f32 $0xffff, v6;
	v29 =	vmul.f32 v59, v56;
	v7 =	vadd.f32 v17, v63;
	v2 =	vadd.f32 v23, v2  }
0x34c: {  	v33 =	vmul.f32 v25, v30;
	v3 =	vnsel vm6, $0x0, v28;
	v34 =	vld [tilespmem:s30+$0xC010];
	v0 =	vadd.f32 v4, v0  }
0x34d: {  	v35, _, _ =	vpop (xrf2);
	v37 =	vmul.f32 v22, v62;
	v32 =	vadd.f32 v10, v7;
	(xrf2) =	vadd.scan.msk.f32 $0xffff, v1;
	v36 =	vadd.f32 v29, v2  }
0x34e: {  	v3 =	vadd.f32 v3, v5;
	v38 =	vbroadcast v35, $0xF  }
0x34f: {  	v41 =	vmul.f32 v27, v24;
	v39, _, _ =	vpop (xrf2);
	(xrf2) =	vadd.scan.msk.f32 $0xffff, v0;
	v40 =	vadd.f32 v33, v32;
	v1 =	vadd.f32 v37, v36  }
0x350: {  	v43 =	vbroadcast v39, $0xF;
	v42 =	vnsel vm7, $0x0, v38  }
0x351: {  	v44, _, _ =	vpop (xrf2);
	v3 =	vadd.f32 v42, v3;
	v46 =	vmul.f32 v34, v31;
	(xrf2) =	vadd.scan.msk.f32 $0xffff, v40;
	v45 =	vadd.f32 v41, v1  }
0x352: {  	v47 =	vnsel vm8, $0x0, v43;
	v4 =	vbroadcast v44, $0xF  }
0x353: {  	v2 =	vadd.f32 v47, v3;
	v48, _, _ =	vpop (xrf2);
	v0 =	vadd.f32 v46, v45  }
0x354: {  	v49 =	vnsel vm9, $0x0, v4;
	v50 =	vbroadcast v48, $0xF  }
0x355: {  	v51, _, _ =	vpop (xrf2);
	v1 =	vadd.f32 v49, v2;
	(xrf2) =	vadd.scan.msk.f32 $0xffff, v0  }
0x356: {  	v52 =	vnsel vm10, $0x0, v50;
	v2 =	vbroadcast v51, $0xF  }
0x357: {  	v53, _, _ =	vpop (xrf2);
	v0 =	vadd.f32 v52, v1  }
0x358: {  	v54 =	vnsel vm11, $0x0, v2;
	v55 =	vbroadcast v53, $0xF  }
0x359: {  	v56, _, _ =	vpop (xrf2);
	v0 =	vadd.f32 v54, v0  }
0x35a: {  	v58 =	vbroadcast v56, $0xF;
	v57 =	vnsel vm12, $0x0, v55  }
0x35b: {  	v59, _, _ =	vpop (xrf2);
	v0 =	vadd.f32 v57, v0  }
0x35c: {  	v60 =	vnsel vm13, $0x0, v58;
	v61 =	vbroadcast v59, $0xF  }
0x35d: {  	v0 =	vadd.f32 v60, v0  }
0x35e: {  	p0 =	sne.s32 s20, $0x7C0;
	v62 =	vnsel vm14, $0x0, v61  }
.Ltmp0:
0x35f: {  	v0 =	vadd.f32 v62, v0;
	v63, _, _ =	vpop (xrf2);
	(pc) =	sbr.rel @p0 .LBB2_2-.Ltmp0, $3  }
0x360: {  	v1 =	vsel vm15, $0x0, v63  }
0x361: {  	v0 =	vadd.f32 v1, v0;
	_ =	sdelay $0x1  }
0x362: {  	s20 =	sadd.s32 $0x40, s20;
	s19 =	sadd.s32 $0x100, s19;
	s18 =	sadd.s32 $0x100, s18;
	[tilespmem:s21+$0x11400] =	vst v0  }
0x363: {  	s17 =	sadd.s32 $0x1, s17  }
0x364: {  	p0 =	sne.s32 s17, s10  }
.Ltmp1:
0x365: {  	_ = 	snop;
	(pc) =	sbr.rel @p0 .LBB2_1-.Ltmp1, $4  }
0x366: {  	[hbm4b:s9+s1] =	stream.linear.scatter [tilespmem:s16], [sflag:$0x2], $0x200, $0x38;
	[tilespmem:$0x11600] =	vst v63  }
0x367: {  	_ =	swait.ge [sflag:s13], $0x200  }
0x368: {  	[sflag:s13] =	ssyncset.done $0x0  }
0x369: {  	[sflag:s13] =	ssyncadd.s32 $0xFFFFFE00  }
0x36a: {  	_ =	sfence.sel $0x180000  }
0x36b: {  	[bflag:$0x0] =	sbarrier.arrive $0xFFFF  }
0x36c: {  	p0 =	sne.s32 s2, $0x0;
	_ =	strace $0x90000047  }
0x36d: {  	s0 =	sadd.s32 @!p0 $0x100000, s0;
	[bflag:$0x2] =	sbarrier.arrive $0xFFFF  }
0x36e: {  	[sflag:s0] =	ssyncadd.tile.s32 @!p0 $0x1;
	_ =	shalt  }
.Lfunc_end2:
_tile_overlayer_lowered:
.L_overlay_start_2:
0x36f: {  	(tag) =	ssettag $0x2  }
0x370: {  	s0 =	rddreg [dreg:$0x0];
	s2 =	stileid.u32  }
0x371: {  	s1 =	rddreg [dreg:$0x1];
	p0 =	sne.s32 s2, $0x0  }
0x372: {  	s3 =	rddreg [dreg:$0x2];
	[bflag:$0x3] =	sbarrier.arrive $0xFFFF;
	s2 =	simm.s32 @!p0 $0x1C02  }
0x373: {  	[timem:s3], [sflag:s2] =	dma.local @!p0 [hbm:s0], s1  }
0x374: {  	s0 =	simm.s32 @!p0 $0x2  }
0x375: {  	_ =	swait.ge @!p0 [sflag:s0], s1  }
0x376: {  	s1 =	ssub.s32 @!p0 $0x0, s1;
	[sflag:s0] =	ssyncset.done @!p0 $0x0  }
0x377: {  	[sflag:s0] =	ssyncadd.s32 @!p0 s1  }
0x378: {  	[bflag:$0x3] =	sbarrier.arrive $0xFFFF  }
0x379: {  	_ =	shalt  }

// kernel: kernel.7.cloned.1.call-start
scs
__scs_entry_jumppad:
0x0: {  	(pc) =	sbr.rel $0x88, $3  }
0x1: {  	(tag) =	ssettag $0x0;
	lr =	simm.s32 $0x1  }
0x2: {  	[smem:$0x3F96] =	sst lr;
	_ =	strace $0xD0000000  }
0x3: {  	_ = 	snop  }
0x4: {  	_ = 	snop  }
0x5: {  	_ = 	snop  }
0x6: {  	_ = 	snop  }
0x7: {  	_ = 	snop  }
__scs_overlays_trampoline_lowered:
0x8: {  	[smem:$0x3FA5] =	sst s0  }
0x9: {  	[smem:$0x3FA6] =	sst s1  }
0xa: {  	[smem:$0x3FA7] =	sst s2  }
0xb: {  	[smem:$0x3FA8] =	sst s3  }
0xc: {  	[smem:$0x3FA9] =	sst s4  }
0xd: {  	[smem:$0x3FAA] =	sst s5  }
0xe: {  	[smem:$0x3FAB] =	sst s6  }
0xf: {  	[smem:$0x3FAC] =	sst s7  }
0x10: {  	[smem:$0x3FAD] =	sst s8  }
0x11: {  	[smem:$0x3FAE] =	sst s9;
	s0 =	simm.s32 @!p0 $0x0  }
0x12: {  	s1 =	sld [smem:$0x3F94];
	s0 =	simm.s32 @p0 $0x1  }
0x13: {  	[smem:$0x3FAF] =	sst s0;
	s0 =	simm.s32 @!p1 $0x0  }
0x14: {  	s2 =	sld [smem:$0x3F93];
	s0 =	simm.s32 @p1 $0x1  }
0x15: {  	[smem:$0x3FB0] =	sst s0;
	s0 =	simm.s32 @!p2 $0x0  }
0x16: {  	s3 =	sld [smem:$0x3FDB];
	s0 =	simm.s32 @p2 $0x1  }
0x17: {  	s4 =	simm.s32 $0x1BF5;
	[smem:$0x3FB2] =	sst s0  }
0x18: {  	s0 =	sld [smem:$0x3F95];
	_ =	swait.ge [sflag:s4], $0x0  }
0x19: {  	s7 =	sld [smem:$0x3F96]  }
0x1a: {  	s8 =	sadd.s32 $0xFFFFE003, lr  }
0x1b: {  	s9 =	sadd.s32 $0xFFFFFEF7, lr;
	s5 =	simm.s32 $0xFFFFFFFF;
	p2 =	slt.u32 s8, $0xFFFFF086  }
0x1c: {  	p1 =	slt.u32 s9, $0xF7A;
	s5 =	simm.s32 @!p2 $0x0  }
0x1d: {  	s5 =	simm.s32 @p1 $0x1;
	p0 =	seq.s32 s7, s2  }
0x1e: {  	s7 =	smul.u32 @!p0 $0xF7A, s2;
	p2 =	seq.s32 @!p0 s5, $0x0  }
0x1f: {  	s9 =	smul.u32 $0xF7A, s1;
	s8 =	simm.s32 @!p0 $0x1BF5;
	p2 =	por !p2, p0  }
0x20: {  	[sflag:s8] =	ssyncset.s32 @!p0 $0xFFFFF086;
	s6 =	sadd.s32 @!p0 s3, s7;
	s7 =	simm.s32 @!p0 $0x108  }
0x21: {  	s3 =	sadd.s32 s3, s9;
	s6 =	sadd.s32 @!p0 $0x88, s6;
	s7 =	simm.s32 @p2 $0x1082  }
0x22: {  	[simem:s7], [sflag:s8] =	dma.local @!p0 [hbm:s6], $0xF7A  }
0x23: {  	s9 =	sor.u32 $0xD0000000, s2;
	s6 =	simm.s32 $0x108;
	_ =	swait.ge @!p0 [sflag:s8], $0x0  }
0x24: {  	s3 =	sadd.s32 $0x88, s3;
	s6 =	simm.s32 @!p1 $0x1082;
	[sflag:s4] =	ssyncset.s32 $0xFFFFF086  }
0x25: {  	[simem:s6], [sflag:s4] =	dma.local [hbm:s3], $0xF7A  }
0x26: {  	[smem:$0x3F96] =	sst s1;
	(tag) =	ssettag s2;
	_ =	strace s9  }
0x27: {  	s1 =	sld [smem:$0x3FA6]  }
0x28: {  	s2 =	sld [smem:$0x3FA7]  }
0x29: {  	s4 =	sld [smem:$0x3FA9]  }
0x2a: {  	p0 =	seq.s32 s5, $0x0;
	s5 =	sld [smem:$0x3FAA]  }
0x2b: {  	s6 =	sld [smem:$0x3FAB]  }
0x2c: {  	s7 =	sld [smem:$0x3FAC]  }
0x2d: {  	s3 =	simm.s32 $0x108;
	s8 =	sld [smem:$0x3FAD]  }
0x2e: {  	s3 =	simm.s32 @!p0 $0x1082;
	s9 =	sld [smem:$0x3FAE]  }
0x2f: {  	lr =	sadd.s32 s0, s3;
	s0 =	sld [smem:$0x3FA5]  }
0x30: {  	s3 =	sld [smem:$0x3FA8]  }
0x31: {  	[smem:$0x3FB1] =	sst s10  }
0x32: {  	s10 =	sld [smem:$0x3FAF];
	_ =	sdelay $0x3  }
0x33: {  	p0 =	seq.s32 s10, $0x1;
	s10 =	sld [smem:$0x3FB1];
	_ =	sdelay $0x3  }
0x34: {  	[smem:$0x3FB1] =	sst s10  }
0x35: {  	s10 =	sld [smem:$0x3FB0];
	_ =	sdelay $0x3  }
0x36: {  	p1 =	seq.s32 s10, $0x1;
	s10 =	sld [smem:$0x3FB1];
	_ =	sdelay $0x3  }
0x37: {  	[smem:$0x3FB1] =	sst s10  }
0x38: {  	s10 =	sld [smem:$0x3FB2]  }
0x39: {  	_ = 	snop;
	(pc) =	sbr.ind lr, $3  }
0x3a: {  	_ = 	snop  }
0x3b: {  	_ = 	snop  }
0x3c: {  	p2 =	seq.s32 s10, $0x1;
	s10 =	sld [smem:$0x3FB1]  }
0x3d: {  	_ =	shalt  }
0x3e: {  	_ =	shalt  }
0x3f: {  	_ =	shalt  }
0x40: {  	_ =	shalt  }
0x41: {  	_ =	shalt  }
0x42: {  	_ =	shalt  }
0x43: {  	_ =	shalt  }
0x44: {  	_ =	shalt  }
0x45: {  	_ =	shalt  }
0x46: {  	_ =	shalt  }
0x47: {  	_ =	shalt  }
0x48: {  	_ =	shalt  }
0x49: {  	_ =	shalt  }
0x4a: {  	_ =	shalt  }
0x4b: {  	_ =	shalt  }
0x4c: {  	_ =	shalt  }
0x4d: {  	_ =	shalt  }
0x4e: {  	_ =	shalt  }
0x4f: {  	_ =	shalt  }
0x50: {  	_ =	shalt  }
0x51: {  	_ =	shalt  }
0x52: {  	_ =	shalt  }
0x53: {  	_ =	shalt  }
0x54: {  	_ =	shalt  }
0x55: {  	_ =	shalt  }
0x56: {  	_ =	shalt  }
0x57: {  	_ =	shalt  }
0x58: {  	_ =	shalt  }
0x59: {  	_ =	shalt  }
0x5a: {  	_ =	shalt  }
0x5b: {  	_ =	shalt  }
0x5c: {  	_ =	shalt  }
0x5d: {  	_ =	shalt  }
0x5e: {  	_ =	shalt  }
0x5f: {  	_ =	shalt  }
0x60: {  	_ =	shalt  }
0x61: {  	_ =	shalt  }
0x62: {  	_ =	shalt  }
0x63: {  	_ =	shalt  }
0x64: {  	_ =	shalt  }
0x65: {  	_ =	shalt  }
0x66: {  	_ =	shalt  }
0x67: {  	_ =	shalt  }
0x68: {  	_ =	shalt  }
0x69: {  	_ =	shalt  }
0x6a: {  	_ =	shalt  }
0x6b: {  	_ =	shalt  }
0x6c: {  	_ =	shalt  }
0x6d: {  	_ =	shalt  }
0x6e: {  	_ =	shalt  }
0x6f: {  	_ =	shalt  }
0x70: {  	_ =	shalt  }
0x71: {  	_ =	shalt  }
0x72: {  	_ =	shalt  }
0x73: {  	_ =	shalt  }
0x74: {  	_ =	shalt  }
0x75: {  	_ =	shalt  }
0x76: {  	_ =	shalt  }
0x77: {  	_ =	shalt  }
0x78: {  	_ =	shalt  }
0x79: {  	_ =	shalt  }
0x7a: {  	_ =	shalt  }
0x7b: {  	_ =	shalt  }
0x7c: {  	_ =	shalt  }
0x7d: {  	_ =	shalt  }
0x7e: {  	_ =	shalt  }
0x7f: {  	_ =	shalt  }
0x80: {  	_ =	shalt  }
0x81: {  	_ =	shalt  }
0x82: {  	_ =	shalt  }
0x83: {  	_ =	shalt  }
0x84: {  	_ =	shalt  }
0x85: {  	_ =	shalt  }
0x86: {  	_ =	shalt  }
0x87: {  	_ =	shalt  }
.Lfunc_end0:
.L_simem_size_0:
called_computation.1_lowered:
.L_overlay_start_0:
0x88: {  	s2 =	sld [smem:$0x3FD9]  }
0x89: {  	s3 =	sld [smem:$0x3FFE];
	_ =	sdelay $0x1  }
0x8a: {  	s1 =	srdreg.scid  }
0x8b: {  	s0 =	sand.u32 $0x1, s1  }
0x8c: {  	s17 =	sshll.u32 s0, $0xA;
	s2 =	sadd.s32 s3, s2  }
0x8d: {  	s2 =	sadd.s32 s2, s17  }
0x8e: {  	[smem:$0x3FBD] =	sst s2  }
0x8f: {  	_ = 	snop  }
0x90: {  	s2 =	sld [smem:$0x3FC9]  }
0x91: {  	s18 =	sld [smem:$0x3FC8]  }
0x92: {  	s4 =	sld [smem:$0x3FD0];
	(tm) =	ssettm $0x1  }
0x93: {  	s5 =	sld [smem:$0x3FFB];
	_ =	sdelay $0x3  }
0x94: {  	_ =	strace s5  }
0x95: {  	s5 =	sld [smem:$0x3FFC];
	_ =	sdelay $0x3  }
0x96: {  	_ =	strace s5  }
0x97: {  	s5 =	sld [smem:$0x3FFD];
	_ =	sdelay $0x3  }
0x98: {  	_ =	strace s5  }
0x99: {  	_ =	strace $0x8FFFFFFF  }
0x9a: {  	s19 =	sld [smem:$0x3FDB];
	_ =	sdelay $0x1  }
0x9b: {  	s6 =	simm.s32 $_scs_section_size  }
0x9c: {  	s7 =	simm.s32 $_size__tile_overlayer_lowered;
	s8 =	simm.s32 $_tile_overlayer_lowered  }
0x9d: {  	s22 =	simm.s32 $0x1BFF;
	s21 =	sshll.u32 s8, $0x1;
	s5 =	sadd.s32 s6, s19  }
0x9e: {  	s9 =	simm.s32 $0x0;
	s20 =	sshll.u32 s7, $0x1;
	s7 =	sadd.s32 s21, s5  }
0x9f: {  	[timem:s9], [sflag:s22] =	dma.local [hbm:s7], s20  }
0xa0: {  	_ =	swait.ge [sflag:s22], s20  }
0xa1: {  	s6 =	ssub.s32 $0x0, s20;
	[sflag:s22] =	ssyncset.done $0x0  }
0xa2: {  	[sflag:s22] =	ssyncadd.s32 s6;
	_ =	sdelay $0x1  }
0xa3: {  	s23 =	simm.s32 $0x1B8B  }
0xa4: {  	_ =	swait.ge [sflag:s23], $0x1  }
0xa5: {  	[sflag:s23] =	ssyncset.done $0x0  }
0xa6: {  	s25 =	simm.s32 $0x1B8E;
	s24 =	sld [smem:$0x3FFE];
	[sflag:s23] =	ssyncadd.s32 $0xFFFFFFFF  }
0xa7: {  	s26 =	simm.s32 $execute0_lowered;
	[smem:$0x3FD2] =	sst s25  }
0xa8: {  	s7 =	sshll.u32 s26, $0x1;
	_ =	strace $0x80000049;
	[dreg:$0x1] =	wrdreg $0xFFFFFFFF  }
0xa9: {  	s28 =	simm.s32 $_size_execute0_lowered;
	s5 =	sadd.s32 s5, s7;
	[dreg:$0x0] =	wrdreg $0x0  }
0xaa: {  	s7 =	sshll.u32 s28, $0x1;
	[dreg:$0x2] =	wrdreg s5  }
0xab: {  	[dreg:$0x3] =	wrdreg s7  }
0xac: {  	[dreg:$0x4] =	wrdreg $0xC0  }
0xad: {  	_ =	task [dreg:s9], $0x5FFFF  }
0xae: {  	[dreg:$0x1] =	wrdreg $0xFFFFFFFF  }
0xaf: {  	[dreg:$0x0] =	wrdreg $0x60  }
0xb0: {  	[dreg:$0x2] =	wrdreg s2  }
0xb1: {  	[dreg:$0x3] =	wrdreg s18  }
0xb2: {  	[dreg:$0x4] =	wrdreg s24  }
0xb3: {  	[dreg:$0x5] =	wrdreg s4  }
0xb4: {  	[dreg:$0x6] =	wrdreg $0x9  }
0xb5: {  	_ =	task.clear_ibuf [dreg:s9], $0x7FFFF;
	_ =	strace $0x90000049  }
0xb6: {  	s29 =	simm.s32 $0x9;
	_ =	strace $0x8000004B  }
0xb7: {  	_ =	swait.ge [sflag:s29], $0x1  }
0xb8: {  	[sflag:s29] =	ssyncadd.s32 $0xFFFFFFFF  }
0xb9: {  	_ =	strace $0x9000004B  }
0xba: {  	_ =	sfence  }
0xbb: {  	s30 =	sld [smem:$0x0];
	_ =	sdelay $0x2  }
0xbc: {  	s31 =	sshll.u32 s1, $0xD;
	s1 =	sshrl.u32 s1, $0x2  }
0xbd: {  	s3 =	sand.u32 $0x4000, s31;
	s1 =	sadd.s32 s1, s30  }
0xbe: {  	s0 =	sor.u32 s3, s0;
	s1 =	sshll.u32 s1, $0x11  }
0xbf: {  	s0 =	sor.u32 s1, s0  }
0xc0: {  	s0 =	sadd.s32 $0x8F2B, s0  }
0xc1: {  	[sflag:s0] =	ssyncadd.remote.s32 $0x1  }
0xc2: {  	_ =	sfence.sel $0xFFFF  }
0xc3: {  	[dreg:$0x0] =	wrdreg $0xFFFFFFFF;
	(pc) =	sbr.abs _section_cstart, $3  }
0xc4: {  	[dreg:$0x1] =	wrdreg $0xFFFFFFFF  }
0xc5: {  	_ =	task.clear_ibuf [dreg:s9], $0x2FFFF;
	_ =	strace $0x9FFFFFFF  }
0xc6: {  	(tm) =	ssettm $0x7FFFFFFF  }
0xc7: {  	_ =	shalt  }
tec
execute0_lowered:
.L_overlay_start_1:
0x0: {  	(tag) =	ssettag $0x1  }
0x1: {  	s6 =	rddreg [dreg:$0x0]  }
0x2: {  	s7 =	rddreg [dreg:$0x1]  }
0x3: {  	s5 =	rddreg [dreg:$0x2]  }
0x4: {  	s9 =	rddreg [dreg:$0x3]  }
0x5: {  	s0 =	rddreg [dreg:$0x4];
	s3 =	srdreg.scid  }
0x6: {  	s2 =	simm.s32 $0x0;
	s1 =	stileid.u32;
	s13 =	simm.s32 $0x500  }
0x7: {  	s14 =	simm.s32 $0x700;
	s15 =	simm.s32 $0x80;
	s16 =	simm.s32 $0x400  }
0x8: {  	s17 =	simm.s32 $0x480;
	s18 =	simm.s32 $0x1;
	s19 =	simm.s32 $0x280  }
0x9: {  	s20 =	simm.s32 $0x100;
	s21 =	simm.s32 $0x300;
	s22 =	simm.s32 $0x180  }
0xa: {  	s23 =	simm.s32 $0x380;
	s3 =	sand.u32 $0x1, s3;
	[smem:$0x7FF] =	sst s2  }
0xb: {  	s4 =	sshll.u32 s1, $0x7;
	s8 =	sshll.u32 s3, $0x6;
	_ =	strace $0x8000004A  }
0xc: {  	s31 =	ssub.s32 $0x2, s3;
	s3 =	sadd.s32 $0x2212C00, s5;
	s10 =	sor.u32 s8, s4  }
0xd: {  	s12 =	sshrl.u32 s31, $0x1;
	s4 =	sadd.s32 $0x2231600, s5;
	s11 =	sadd.s32 s10, s5  }
0xe: {  	s5 =	sadd.s32 $0x800, s5;
	s12 =	ssub.s32 s31, s12;
	s6 =	sadd.s32 s6, s10  }
0xf: {  	s7 =	sadd.s32 s7, s10;
	s9 =	sadd.s32 s9, s10;
	s8 =	sadd.s32 $0x2212400, s11  }
0x10: {  	s10 =	smax.u32 s12, $0x1;
	s11 =	simm.s32 $0x2;
	s12 =	simm.s32 $0x200  }
.LBB2_1:
0x11: {  	[tilespmem:s2], [sflag:$0x2] =	stream.linear.gather [hbm4b:s6+s2], $0x200, $0x38;
	[tilespmem:$0x710] =	vst v63  }
0x12: {  	_ =	swait.ge [sflag:s11], $0x200  }
0x13: {  	[sflag:s11] =	ssyncset.done $0x0  }
0x14: {  	[sflag:s11] =	ssyncadd.s32 $0xFFFFFE00  }
0x15: {  	[tilespmem:s12], [sflag:$0x2] =	stream.linear.gather [hbm4b:s7+s2], $0x200, $0x38;
	[tilespmem:$0x710] =	vst v63  }
0x16: {  	_ =	swait.ge [sflag:s11], $0x200  }
0x17: {  	[sflag:s11] =	ssyncset.done $0x0  }
0x18: {  	[sflag:s11] =	ssyncadd.s32 $0xFFFFFE00  }
0x19: {  	[tilespmem:s13], [sflag:$0x2] =	stream.linear.gather [hbm4b:s8+s2], $0x200, $0x38;
	[tilespmem:$0x710] =	vst v63  }
0x1a: {  	_ =	swait.ge [sflag:s11], $0x200  }
0x1b: {  	[sflag:s11] =	ssyncset.done $0x0  }
0x1c: {  	[sflag:s11] =	ssyncadd.s32 $0xFFFFFE00  }
0x1d: {  	[tilespmem:s14], [sflag:$0x2] =	stream.linear.gather [hbm4b:s5+s2], $0x10, $0x38;
	[tilespmem:$0x710] =	vst v63  }
0x1e: {  	_ =	swait.ge [sflag:s11], $0x10  }
0x1f: {  	[sflag:s11] =	ssyncset.done $0x0  }
0x20: {  	[sflag:s11] =	ssyncadd.s32 $0xFFFFFFF0  }
0x21: {  	v0 =	vld [tilespmem:$0x700];
	[tilespmem:s16], [sflag:$0x1] =	stream.indirect.gather [hbm4b:s3+s15], $0x1, s2, s15, $0xb8  }
0x22: {  	_ = 	snop  }
0x23: {  	[tilespmem:s17], [sflag:$0x1] =	stream.indirect.gather [hbm4b:s4+s15], $0x1, s12, s15, $0xb8;
	[tilespmem:$0x710] =	vst v63  }
0x24: {  	_ =	swait.ge [sflag:s18], $0x80  }
0x25: {  	[sflag:s18] =	ssyncset.done $0x0  }
0x26: {  	[sflag:s18] =	ssyncadd.s32 $0xFFFFFF80  }
0x27: {  	_ =	swait.ge [sflag:s18], $0x80  }
0x28: {  	[sflag:s18] =	ssyncset.done $0x0  }
0x29: {  	[sflag:s18] =	ssyncadd.s32 $0xFFFFFF80  }
0x2a: {  	v1 =	vld [tilespmem:$0x500]  }
0x2b: {  	v2 =	vld [tilespmem:$0x400]  }
0x2c: {  	v3 =	vld [tilespmem:$0x480]  }
0x2d: {  	v4 =	vld [tilespmem:$0x510]  }
0x2e: {  	v5 =	vld [tilespmem:$0x410]  }
0x2f: {  	v6 =	vld [tilespmem:$0x490]  }
0x30: {  	v7 =	vld [tilespmem:$0x520]  }
0x31: {  	v8 =	vld [tilespmem:$0x420]  }
0x32: {  	v10 =	vld [tilespmem:$0x530]  }
0x33: {  	v11 =	vld [tilespmem:$0x430]  }
0x34: {  	v13 =	vld [tilespmem:$0x540]  }
0x35: {  	v14 =	vld [tilespmem:$0x440]  }
0x36: {  	v16 =	vld [tilespmem:$0x550]  }
0x37: {  	v17 =	vld [tilespmem:$0x450]  }
0x38: {  	v41 =	vld [tilespmem:$0x560]  }
0x39: {  	v43 =	vld [tilespmem:$0x460]  }
0x3a: {  	v45 =	vld [tilespmem:$0x570]  }
0x3b: {  	v46 =	vld [tilespmem:$0x470]  }
0x3c: {  	v9 =	vld [tilespmem:$0x4A0];
	v1 =	vadd.f32 v2, v1;
	v4 =	vadd.f32 v5, v4  }
0x3d: {  	v12 =	vld [tilespmem:$0x4B0];
	v42 =	vadd.f32 v8, v7;
	v44 =	vadd.f32 v11, v10  }
0x3e: {  	v40 =	vld [tilespmem:$0x4D0];
	v48 =	vadd.f32 v14, v13;
	v50 =	vadd.f32 v17, v16  }
0x3f: {  	v47 =	vld [tilespmem:$0x4E0];
	v5 =	vadd.f32 v43, v41;
	v1 =	vadd.f32 v3, v1  }
0x40: {  	v15 =	vld [tilespmem:$0x4C0];
	v52 =	vadd.f32 v46, v45;
	v4 =	vadd.f32 v6, v4  }
0x41: {  	v49 =	vld [tilespmem:$0x4F0];
	v3 =	vadd.f32 v9, v42;
	v1 =	vadd.f32 v1, v0  }
0x42: {  	v6 =	vadd.f32 v12, v44;
	v4 =	vadd.f32 v4, v0  }
0x43: {  	v2 =	vadd.f32 v40, v50;
	v3 =	vadd.f32 v3, v0;
	[tilespmem:$0x500] =	vst v1  }
0x44: {  	v53 =	vadd.f32 v47, v5;
	v6 =	vadd.f32 v6, v0;
	[tilespmem:$0x510] =	vst v4  }
0x45: {  	v51 =	vadd.f32 v15, v48;
	v2 =	vadd.f32 v2, v0;
	[tilespmem:$0x520] =	vst v3  }
0x46: {  	v54 =	vadd.f32 v53, v0;
	[tilespmem:$0x530] =	vst v6;
	v4 =	vadd.f32 v49, v52  }
0x47: {  	v1 =	vadd.f32 v51, v0;
	[tilespmem:$0x550] =	vst v2  }
0x48: {  	[tilespmem:$0x560] =	vst v54;
	v55 =	vadd.f32 v4, v0  }
0x49: {  	[tilespmem:$0x540] =	vst v1  }
0x4a: {  	[tilespmem:$0x570] =	vst v55  }
0x4b: {  	[tilespmem:s16], [sflag:$0x1] =	stream.indirect.gather [hbm4b:s3+s15], $0x1, s15, s15, $0xb8;
	[tilespmem:$0x710] =	vst v63  }
0x4c: {  	_ = 	snop  }
0x4d: {  	[tilespmem:s17], [sflag:$0x1] =	stream.indirect.gather [hbm4b:s4+s15], $0x1, s19, s15, $0xb8;
	[tilespmem:$0x710] =	vst v63  }
0x4e: {  	_ =	swait.ge [sflag:s18], $0x80  }
0x4f: {  	[sflag:s18] =	ssyncset.done $0x0  }
0x50: {  	[sflag:s18] =	ssyncadd.s32 $0xFFFFFF80  }
0x51: {  	_ =	swait.ge [sflag:s18], $0x80  }
0x52: {  	[sflag:s18] =	ssyncset.done $0x0  }
0x53: {  	[sflag:s18] =	ssyncadd.s32 $0xFFFFFF80  }
0x54: {  	v56 =	vld [tilespmem:$0x580]  }
0x55: {  	v57 =	vld [tilespmem:$0x400]  }
0x56: {  	v58 =	vld [tilespmem:$0x480]  }
0x57: {  	v59 =	vld [tilespmem:$0x590]  }
0x58: {  	v60 =	vld [tilespmem:$0x410]  }
0x59: {  	v61 =	vld [tilespmem:$0x490]  }
0x5a: {  	v62 =	vld [tilespmem:$0x5A0]  }
0x5b: {  	v63 =	vld [tilespmem:$0x420]  }
0x5c: {  	v21 =	vld [tilespmem:$0x5B0]  }
0x5d: {  	v22 =	vld [tilespmem:$0x430]  }
0x5e: {  	v24 =	vld [tilespmem:$0x5C0]  }
0x5f: {  	v25 =	vld [tilespmem:$0x440]  }
0x60: {  	v27 =	vld [tilespmem:$0x5D0]  }
0x61: {  	v28 =	vld [tilespmem:$0x450]  }
0x62: {  	v30 =	vld [tilespmem:$0x5E0]  }
0x63: {  	v32 =	vld [tilespmem:$0x460]  }
0x64: {  	v34 =	vld [tilespmem:$0x5F0]  }
0x65: {  	v35 =	vld [tilespmem:$0x470]  }
0x66: {  	v20 =	vld [tilespmem:$0x4A0];
	v1 =	vadd.f32 v57, v56;
	v4 =	vadd.f32 v60, v59  }
0x67: {  	v23 =	vld [tilespmem:$0x4B0];
	v31 =	vadd.f32 v63, v62;
	v33 =	vadd.f32 v22, v21  }
0x68: {  	v29 =	vld [tilespmem:$0x4D0];
	v37 =	vadd.f32 v25, v24;
	v39 =	vadd.f32 v28, v27  }
0x69: {  	v36 =	vld [tilespmem:$0x4E0];
	v5 =	vadd.f32 v32, v30;
	v1 =	vadd.f32 v58, v1  }
0x6a: {  	v26 =	vld [tilespmem:$0x4C0];
	v41 =	vadd.f32 v35, v34;
	v4 =	vadd.f32 v61, v4  }
0x6b: {  	v38 =	vld [tilespmem:$0x4F0];
	v3 =	vadd.f32 v20, v31;
	v1 =	vadd.f32 v1, v0  }
0x6c: {  	v6 =	vadd.f32 v23, v33;
	v4 =	vadd.f32 v4, v0  }
0x6d: {  	v2 =	vadd.f32 v29, v39;
	v3 =	vadd.f32 v3, v0;
	[tilespmem:$0x580] =	vst v1  }
0x6e: {  	v42 =	vadd.f32 v36, v5;
	v6 =	vadd.f32 v6, v0;
	[tilespmem:$0x590] =	vst v4  }
0x6f: {  	v40 =	vadd.f32 v26, v37;
	v2 =	vadd.f32 v2, v0;
	[tilespmem:$0x5A0] =	vst v3  }
0x70: {  	v43 =	vadd.f32 v42, v0;
	[tilespmem:$0x5B0] =	vst v6;
	v4 =	vadd.f32 v38, v41  }
0x71: {  	v1 =	vadd.f32 v40, v0;
	[tilespmem:$0x5D0] =	vst v2  }
0x72: {  	[tilespmem:$0x5E0] =	vst v43;
	v44 =	vadd.f32 v4, v0  }
0x73: {  	[tilespmem:$0x5C0] =	vst v1  }
0x74: {  	[tilespmem:$0x5F0] =	vst v44  }
0x75: {  	[tilespmem:s16], [sflag:$0x1] =	stream.indirect.gather [hbm4b:s3+s15], $0x1, s20, s15, $0xb8;
	[tilespmem:$0x710] =	vst v63  }
0x76: {  	_ = 	snop  }
0x77: {  	[tilespmem:s17], [sflag:$0x1] =	stream.indirect.gather [hbm4b:s4+s15], $0x1, s21, s15, $0xb8;
	[tilespmem:$0x710] =	vst v63  }
0x78: {  	_ =	swait.ge [sflag:s18], $0x80  }
0x79: {  	[sflag:s18] =	ssyncset.done $0x0  }
0x7a: {  	[sflag:s18] =	ssyncadd.s32 $0xFFFFFF80  }
0x7b: {  	_ =	swait.ge [sflag:s18], $0x80  }
0x7c: {  	[sflag:s18] =	ssyncset.done $0x0  }
0x7d: {  	[sflag:s18] =	ssyncadd.s32 $0xFFFFFF80  }
0x7e: {  	v45 =	vld [tilespmem:$0x600]  }
0x7f: {  	v46 =	vld [tilespmem:$0x400]  }
0x80: {  	v47 =	vld [tilespmem:$0x480]  }
0x81: {  	v48 =	vld [tilespmem:$0x610]  }
0x82: {  	v49 =	vld [tilespmem:$0x410]  }
0x83: {  	v50 =	vld [tilespmem:$0x490]  }
0x84: {  	v51 =	vld [tilespmem:$0x620]  }
0x85: {  	v52 =	vld [tilespmem:$0x420]  }
0x86: {  	v54 =	vld [tilespmem:$0x630]  }
0x87: {  	v55 =	vld [tilespmem:$0x430]  }
0x88: {  	v57 =	vld [tilespmem:$0x640]  }
0x89: {  	v58 =	vld [tilespmem:$0x440]  }
0x8a: {  	v60 =	vld [tilespmem:$0x650]  }
0x8b: {  	v61 =	vld [tilespmem:$0x450]  }
0x8c: {  	v63 =	vld [tilespmem:$0x660]  }
0x8d: {  	v19 =	vld [tilespmem:$0x460]  }
0x8e: {  	v21 =	vld [tilespmem:$0x670]  }
0x8f: {  	v22 =	vld [tilespmem:$0x470]  }
0x90: {  	v53 =	vld [tilespmem:$0x4A0];
	v1 =	vadd.f32 v46, v45;
	v4 =	vadd.f32 v49, v48  }
0x91: {  	v56 =	vld [tilespmem:$0x4B0];
	v18 =	vadd.f32 v52, v51;
	v20 =	vadd.f32 v55, v54  }
0x92: {  	v62 =	vld [tilespmem:$0x4D0];
	v24 =	vadd.f32 v58, v57;
	v26 =	vadd.f32 v61, v60  }
0x93: {  	v23 =	vld [tilespmem:$0x4E0];
	v5 =	vadd.f32 v19, v63;
	v1 =	vadd.f32 v47, v1  }
0x94: {  	v59 =	vld [tilespmem:$0x4C0];
	v28 =	vadd.f32 v22, v21;
	v4 =	vadd.f32 v50, v4  }
0x95: {  	v25 =	vld [tilespmem:$0x4F0];
	v3 =	vadd.f32 v53, v18;
	v1 =	vadd.f32 v1, v0  }
0x96: {  	v6 =	vadd.f32 v56, v20;
	v4 =	vadd.f32 v4, v0  }
0x97: {  	v2 =	vadd.f32 v62, v26;
	v3 =	vadd.f32 v3, v0;
	[tilespmem:$0x600] =	vst v1  }
0x98: {  	v29 =	vadd.f32 v23, v5;
	v6 =	vadd.f32 v6, v0;
	[tilespmem:$0x610] =	vst v4  }
0x99: {  	v27 =	vadd.f32 v59, v24;
	v2 =	vadd.f32 v2, v0;
	[tilespmem:$0x620] =	vst v3  }
0x9a: {  	v30 =	vadd.f32 v29, v0;
	[tilespmem:$0x630] =	vst v6;
	v4 =	vadd.f32 v25, v28  }
0x9b: {  	v1 =	vadd.f32 v27, v0;
	[tilespmem:$0x650] =	vst v2  }
0x9c: {  	[tilespmem:$0x660] =	vst v30;
	v31 =	vadd.f32 v4, v0  }
0x9d: {  	[tilespmem:$0x640] =	vst v1  }
0x9e: {  	[tilespmem:$0x670] =	vst v31  }
0x9f: {  	[tilespmem:s16], [sflag:$0x1] =	stream.indirect.gather [hbm4b:s3+s15], $0x1, s22, s15, $0xb8;
	[tilespmem:$0x710] =	vst v63  }
0xa0: {  	_ = 	snop  }
0xa1: {  	[tilespmem:s17], [sflag:$0x1] =	stream.indirect.gather [hbm4b:s4+s15], $0x1, s23, s15, $0xb8;
	[tilespmem:$0x710] =	vst v63  }
0xa2: {  	_ =	swait.ge [sflag:s18], $0x80  }
0xa3: {  	[sflag:s18] =	ssyncset.done $0x0  }
0xa4: {  	[sflag:s18] =	ssyncadd.s32 $0xFFFFFF80  }
0xa5: {  	_ =	swait.ge [sflag:s18], $0x80  }
0xa6: {  	[sflag:s18] =	ssyncset.done $0x0  }
0xa7: {  	[sflag:s18] =	ssyncadd.s32 $0xFFFFFF80  }
0xa8: {  	v32 =	vld [tilespmem:$0x680]  }
0xa9: {  	v33 =	vld [tilespmem:$0x400]  }
0xaa: {  	v34 =	vld [tilespmem:$0x480]  }
0xab: {  	v35 =	vld [tilespmem:$0x690]  }
0xac: {  	v36 =	vld [tilespmem:$0x410]  }
0xad: {  	v37 =	vld [tilespmem:$0x490]  }
0xae: {  	v38 =	vld [tilespmem:$0x6A0]  }
0xaf: {  	v39 =	vld [tilespmem:$0x420]  }
0xb0: {  	v41 =	vld [tilespmem:$0x6B0]  }
0xb1: {  	v42 =	vld [tilespmem:$0x430]  }
0xb2: {  	v44 =	vld [tilespmem:$0x6C0]  }
0xb3: {  	v45 =	vld [tilespmem:$0x440]  }
0xb4: {  	v47 =	vld [tilespmem:$0x6D0]  }
0xb5: {  	v48 =	vld [tilespmem:$0x450]  }
0xb6: {  	v50 =	vld [tilespmem:$0x6E0]  }
0xb7: {  	v52 =	vld [tilespmem:$0x460]  }
0xb8: {  	v54 =	vld [tilespmem:$0x6F0]  }
0xb9: {  	v56 =	vld [tilespmem:$0x470]  }
0xba: {  	v40 =	vld [tilespmem:$0x4A0];
	v1 =	vadd.f32 v33, v32;
	v4 =	vadd.f32 v36, v35  }
0xbb: {  	v43 =	vld [tilespmem:$0x4B0];
	v51 =	vadd.f32 v39, v38;
	v53 =	vadd.f32 v42, v41  }
0xbc: {  	v46 =	vld [tilespmem:$0x4C0];
	v55 =	vadd.f32 v45, v44;
	v57 =	vadd.f32 v48, v47  }
0xbd: {  	v49 =	vld [tilespmem:$0x4D0];
	v60 =	vadd.f32 v52, v50;
	v1 =	vadd.f32 v34, v1  }
0xbe: {  	v58 =	vld [tilespmem:$0x4E0];
	v61 =	vadd.f32 v56, v54;
	v4 =	vadd.f32 v37, v4  }
0xbf: {  	v59 =	vld [tilespmem:$0x4F0];
	v3 =	vadd.f32 v40, v51;
	v1 =	vadd.f32 v1, v0  }
0xc0: {  	v6 =	vadd.f32 v43, v53;
	v4 =	vadd.f32 v4, v0  }
0xc1: {  	v9 =	vadd.f32 v46, v55;
	v3 =	vadd.f32 v3, v0;
	[tilespmem:$0x680] =	vst v1  }
0xc2: {  	v2 =	vadd.f32 v49, v57;
	v62 =	vadd.f32 v6, v0;
	[tilespmem:$0x690] =	vst v4  }
0xc3: {  	v63 =	vadd.f32 v9, v0;
	[tilespmem:$0x6A0] =	vst v3;
	v1 =	vadd.f32 v58, v60  }
0xc4: {  	v2 =	vadd.f32 v2, v0;
	[tilespmem:$0x6B0] =	vst v62;
	v4 =	vadd.f32 v59, v61  }
0xc5: {  	[tilespmem:$0x6C0] =	vst v63;
	v1 =	vadd.f32 v1, v0  }
0xc6: {  	[tilespmem:$0x6D0] =	vst v2;
	v0 =	vadd.f32 v4, v0  }
0xc7: {  	p0 =	sne.s32 s10, $0x1;
	[tilespmem:$0x6E0] =	vst v1  }
.Ltmp0:
0xc8: {  	[tilespmem:$0x6F0] =	vst v0;
	(pc) =	sbr.rel @p0 .LBB2_1-.Ltmp0, $4  }
0xc9: {  	[hbm4b:s9+s2] =	stream.linear.scatter [tilespmem:s13], [sflag:$0x2], $0x200, $0x38;
	[tilespmem:$0x710] =	vst v63  }
0xca: {  	_ =	swait.ge [sflag:s11], $0x200  }
0xcb: {  	[sflag:s11] =	ssyncset.done $0x0  }
0xcc: {  	s10 =	sadd.s32 $0xFFFFFFFF, s10;
	[sflag:s11] =	ssyncadd.s32 $0xFFFFFE00  }
0xcd: {  	_ =	sfence.sel $0x180000  }
0xce: {  	[bflag:$0x0] =	sbarrier.arrive $0xFFFF  }
0xcf: {  	p0 =	sne.s32 s1, $0x0;
	_ =	strace $0x9000004A  }
0xd0: {  	s0 =	sadd.s32 @!p0 $0x100000, s0;
	[bflag:$0x2] =	sbarrier.arrive $0xFFFF  }
0xd1: {  	[sflag:s0] =	ssyncadd.tile.s32 @!p0 $0x1;
	_ =	shalt  }
.Lfunc_end2:
_tile_overlayer_lowered:
.L_overlay_start_2:
0xd2: {  	(tag) =	ssettag $0x2  }
0xd3: {  	s0 =	rddreg [dreg:$0x0];
	s2 =	stileid.u32  }
0xd4: {  	s1 =	rddreg [dreg:$0x1];
	p0 =	sne.s32 s2, $0x0  }
0xd5: {  	s3 =	rddreg [dreg:$0x2];
	[bflag:$0x3] =	sbarrier.arrive $0xFFFF;
	s2 =	simm.s32 @!p0 $0x1C02  }
0xd6: {  	[timem:s3], [sflag:s2] =	dma.local @!p0 [hbm:s0], s1  }
0xd7: {  	s0 =	simm.s32 @!p0 $0x2  }
0xd8: {  	_ =	swait.ge @!p0 [sflag:s0], s1  }
0xd9: {  	s1 =	ssub.s32 @!p0 $0x0, s1;
	[sflag:s0] =	ssyncset.done @!p0 $0x0  }
0xda: {  	[sflag:s0] =	ssyncadd.s32 @!p0 s1  }
0xdb: {  	[bflag:$0x3] =	sbarrier.arrive $0xFFFF  }
0xdc: {  	_ =	shalt  }

</sc_bundles>
